<compile_context>
chip_gen: v7x
topology: tpu7x:2x2x1
jax: 0.10.2.dev20260603
libtpu: 0.0.44.dev20260713+nightly
codegen_flags: <defaults>
</compile_context>

<pallas_src>
import functools

import jax
import jax.numpy as jnp
from jax import lax
from jax.experimental import pallas as pl
from jax.experimental.pallas import tpu as pltpu
from jax.experimental.pallas import tpu_sc as plsc

D_MODEL = 128
BATCH = 16384
SCALE = 0.2

_INFO = plsc.get_sparse_core_info()
_NC = _INFO.num_cores
_NS = _INFO.num_subcores
_LANES = _INFO.num_lanes
_NW = _NC * _NS
_B_PER_W = BATCH // _NW
_CHUNK = 64
_N_CHUNK = _B_PER_W // _CHUNK
_VPR = D_MODEL // _LANES


def _make_sc_gather():
    mesh = plsc.VectorSubcoreMesh(core_axis_name="c", subcore_axis_name="s")

    @functools.partial(
        pl.kernel,
        mesh=mesh,
        out_type=jax.ShapeDtypeStruct((BATCH, D_MODEL), jnp.float32),
        scratch_types=[
            pltpu.VMEM((_B_PER_W,), jnp.int32),
            pltpu.VMEM((_N_CHUNK, _CHUNK, D_MODEL), jnp.float32),
        ]
        + [pltpu.SemaphoreType.DMA] * (_N_CHUNK + 1),
    )
    def sc_gather(table_hbm, idx_hbm, out_hbm, idx_v, rows_v, *sems):
        gsems, ssem = sems[:_N_CHUNK], sems[_N_CHUNK]
        wid = lax.axis_index("s") * _NC + lax.axis_index("c")
        base = wid * _B_PER_W
        pltpu.sync_copy(idx_hbm.at[pl.ds(wid * _B_PER_W, _B_PER_W)], idx_v)
        gathers = [
            pltpu.async_copy(
                table_hbm.at[idx_v.at[pl.ds(j * _CHUNK, _CHUNK)]],
                rows_v.at[j],
                gsems[j],
            )
            for j in range(_N_CHUNK)
        ]
        stores = []
        for j in range(_N_CHUNK):
            gathers[j].wait()

            def scale_rows(r, _, j=j):
                for rr in range(2):
                    for c in range(_VPR):
                        sl = pl.ds(c * _LANES, _LANES)
                        rows_v[j, r * 2 + rr, sl] = rows_v[j, r * 2 + rr, sl] * SCALE
                return _

            lax.fori_loop(0, _CHUNK // 2, scale_rows, None)
            stores.append(
                pltpu.async_copy(
                    rows_v.at[j], out_hbm.at[pl.ds(base + j * _CHUNK, _CHUNK)], ssem
                )
            )
        for s in stores:
            s.wait()

    return sc_gather


_SC_GATHER = _make_sc_gather()


def kernel(pe, t):
    return _SC_GATHER(pe, t)

# --- scband reference (transcript-rebuilt; emitter-appended) ---
"""Pipeline reference for scband-positional-encoder-28879360098546 (READ-ONLY COPY).

The authoritative reference and input builder live on the scoring server;
editing this copy changes nothing except your own understanding.
"""

import math
import jax, jax.numpy as jnp
import numpy as np

D_MODEL = 128
MAX_T = 100000
N_BASE = 10000.0
BATCH = 16384


def _build_pe():
    position = jnp.arange(MAX_T, dtype=jnp.float32)[:, None]
    div_term = jnp.exp(jnp.arange(0, D_MODEL, 2, dtype=jnp.float32) * (-math.log(N_BASE) / D_MODEL))
    pe = jnp.zeros((MAX_T, D_MODEL), dtype=jnp.float32)
    pe = pe.at[:, 0::2].set(jnp.sin(position * div_term))
    pe = pe.at[:, 1::2].set(jnp.cos(position * div_term[: D_MODEL // 2]))
    return pe


def setup_inputs(seed: int = 0) -> dict:
    key = jax.random.key(seed)
    t = jax.random.randint(key, (BATCH,), 0, MAX_T, dtype=jnp.int32)
    pe = _build_pe()
    return {"pe": pe, "t": t}


def reference(pe, t):
    # PositionalEncoder.forward: pe[t, :] * 0.2 (dropout=0.0 -> identity)
    t_emb = jnp.take(pe, t, axis=0) * 0.2
    return t_emb

if __name__ == "__main__":
    import jax
    _d = setup_inputs()
    print(jax.jit(kernel)(*tuple(_d.values())))

</pallas_src>

<mosaic_0001>
#map = affine_map<(d0, d1) -> (0, 0)>
#map1 = affine_map<(d0, d1) -> (0)>
module attributes {stable_mosaic.version = 14 : i64} {
  func.func @sc_gather(%arg0: i32, %arg1: i32, %arg2: memref<100000x128xf32, #tpu.memory_space<hbm>>, %arg3: memref<16384xi32, #tpu.memory_space<hbm>>, %arg4: memref<16384x128xf32, #tpu.memory_space<hbm>>, %arg5: memref<512xi32, #tpu.memory_space<vmem>>, %arg6: memref<8x64x128xf32, #tpu.memory_space<vmem>>, %arg7: memref<!tpu.dma_semaphore, #tpu.memory_space<semaphore_mem>>, %arg8: memref<!tpu.dma_semaphore, #tpu.memory_space<semaphore_mem>>, %arg9: memref<!tpu.dma_semaphore, #tpu.memory_space<semaphore_mem>>, %arg10: memref<!tpu.dma_semaphore, #tpu.memory_space<semaphore_mem>>, %arg11: memref<!tpu.dma_semaphore, #tpu.memory_space<semaphore_mem>>, %arg12: memref<!tpu.dma_semaphore, #tpu.memory_space<semaphore_mem>>, %arg13: memref<!tpu.dma_semaphore, #tpu.memory_space<semaphore_mem>>, %arg14: memref<!tpu.dma_semaphore, #tpu.memory_space<semaphore_mem>>, %arg15: memref<!tpu.dma_semaphore, #tpu.memory_space<semaphore_mem>>) attributes {dimension_semantics = [#tpu.dimension_semantics<core_parallel>, #tpu.dimension_semantics<subcore_parallel>], iteration_bounds = array<i64: 2, 16>, scalar_prefetch = 0 : i64, scratch_operands = 11 : i64, tpu.core_type = #tpu.core_type<sc_vector_subcore>, window_params = [{transform_indices = #map}, {transform_indices = #map1}, {transform_indices = #map}]} {
    %mul3A = arith.constant 2 : i32
    %mul3A_0 = arith.muli %arg1, %mul3A : i32
    %add3A = arith.addi %mul3A_0, %arg0 : i32
    %mul3A_1 = arith.constant 512 : i32
    %mul3A_2 = arith.muli %add3A, %mul3A_1 : i32
    %mul3A_3 = arith.constant 512 : i32
    %mul3A_4 = arith.muli %add3A, %mul3A_3 : i32
    "tpu.region"() ({
      %run_scoped3A = tpu.sem_alloc : memref<!tpu.dma_semaphore, #tpu.memory_space<semaphore_mem>>
      %dma_start3A_426 = tpu.memref_slice %arg3[%mul3A_4] : memref<16384xi32, #tpu.memory_space<hbm>> -> memref<512xi32, #tpu.memory_space<hbm>>
      %dma_start3A_427 = tpu.memref_slice %arg3[%mul3A_4] : memref<16384xi32, #tpu.memory_space<hbm>> -> memref<512xi32, #tpu.memory_space<hbm>>
      tpu.enqueue_dma source(%dma_start3A_427 : memref<512xi32, #tpu.memory_space<hbm>>) target(%arg5 : memref<512xi32, #tpu.memory_space<vmem>>) target_semaphore(%run_scoped3A : memref<!tpu.dma_semaphore, #tpu.memory_space<semaphore_mem>>)
      %dma_wait3A_428 = tpu.memref_slice %arg3[%mul3A_4] : memref<16384xi32, #tpu.memory_space<hbm>> -> memref<512xi32, #tpu.memory_space<hbm>>
      %dma_wait3A_429 = tpu.memref_slice %arg3[%mul3A_4] : memref<16384xi32, #tpu.memory_space<hbm>> -> memref<512xi32, #tpu.memory_space<hbm>>
      tpu.wait_dma2 semaphore(%run_scoped3A : memref<!tpu.dma_semaphore, #tpu.memory_space<semaphore_mem>>) src(%dma_wait3A_429 : memref<512xi32, #tpu.memory_space<hbm>>) dst(%arg5 : memref<512xi32, #tpu.memory_space<vmem>>)
      tpu.yield
    }) : () -> ()
    %dma_start3A = arith.constant 0 : i32
    %dma_start3A_5 = arith.constant 0 : i32
    %dma_start3A_6 = arith.constant 0 : i32
    %dma_start3A_7 = tpu.memref_slice %arg6[%dma_start3A, %dma_start3A_5, %dma_start3A_6] : memref<8x64x128xf32, #tpu.memory_space<vmem>> -> memref<1x64x128xf32, #tpu.memory_space<vmem>>
    %dma_start3A_8 = tpu.memref_squeeze %dma_start3A_7 : memref<1x64x128xf32, #tpu.memory_space<vmem>> -> memref<64x128xf32, #tpu.memory_space<vmem>>
    %dma_start3A_9 = arith.constant 0 : i32
    %dma_start3A_10 = tpu.memref_slice %arg5[%dma_start3A_9] : memref<512xi32, #tpu.memory_space<vmem>> -> memref<64xi32, #tpu.memory_space<vmem>>
    %dma_start3A_11 = arith.constant 0 : i32
    %dma_start3A_12 = arith.constant 0 : i32
    %dma_start3A_13 = tpu.memref_slice %arg2[%dma_start3A_11, %dma_start3A_12] : memref<100000x128xf32, #tpu.memory_space<hbm>> -> memref<100000x128xf32, #tpu.memory_space<hbm>>
    tpu.enqueue_indirect_dma source(%dma_start3A_13 : memref<100000x128xf32, #tpu.memory_space<hbm>>) target(%dma_start3A_8 : memref<64x128xf32, #tpu.memory_space<vmem>>) offsets(%dma_start3A_10 : memref<64xi32, #tpu.memory_space<vmem>>) semaphore(%arg7 : memref<!tpu.dma_semaphore, #tpu.memory_space<semaphore_mem>>)
    %dma_start3A_14 = arith.constant 1 : i32
    %dma_start3A_15 = arith.constant 0 : i32
    %dma_start3A_16 = arith.constant 0 : i32
    %dma_start3A_17 = tpu.memref_slice %arg6[%dma_start3A_14, %dma_start3A_15, %dma_start3A_16] : memref<8x64x128xf32, #tpu.memory_space<vmem>> -> memref<1x64x128xf32, #tpu.memory_space<vmem>>
    %dma_start3A_18 = tpu.memref_squeeze %dma_start3A_17 : memref<1x64x128xf32, #tpu.memory_space<vmem>> -> memref<64x128xf32, #tpu.memory_space<vmem>>
    %dma_start3A_19 = arith.constant 64 : i32
    %dma_start3A_20 = tpu.memref_slice %arg5[%dma_start3A_19] : memref<512xi32, #tpu.memory_space<vmem>> -> memref<64xi32, #tpu.memory_space<vmem>>
    %dma_start3A_21 = arith.constant 0 : i32
    %dma_start3A_22 = arith.constant 0 : i32
    %dma_start3A_23 = tpu.memref_slice %arg2[%dma_start3A_21, %dma_start3A_22] : memref<100000x128xf32, #tpu.memory_space<hbm>> -> memref<100000x128xf32, #tpu.memory_space<hbm>>
    tpu.enqueue_indirect_dma source(%dma_start3A_23 : memref<100000x128xf32, #tpu.memory_space<hbm>>) target(%dma_start3A_18 : memref<64x128xf32, #tpu.memory_space<vmem>>) offsets(%dma_start3A_20 : memref<64xi32, #tpu.memory_space<vmem>>) semaphore(%arg8 : memref<!tpu.dma_semaphore, #tpu.memory_space<semaphore_mem>>)
    %dma_start3A_24 = arith.constant 2 : i32
    %dma_start3A_25 = arith.constant 0 : i32
    %dma_start3A_26 = arith.constant 0 : i32
    %dma_start3A_27 = tpu.memref_slice %arg6[%dma_start3A_24, %dma_start3A_25, %dma_start3A_26] : memref<8x64x128xf32, #tpu.memory_space<vmem>> -> memref<1x64x128xf32, #tpu.memory_space<vmem>>
    %dma_start3A_28 = tpu.memref_squeeze %dma_start3A_27 : memref<1x64x128xf32, #tpu.memory_space<vmem>> -> memref<64x128xf32, #tpu.memory_space<vmem>>
    %dma_start3A_29 = arith.constant 128 : i32
    %dma_start3A_30 = tpu.memref_slice %arg5[%dma_start3A_29] : memref<512xi32, #tpu.memory_space<vmem>> -> memref<64xi32, #tpu.memory_space<vmem>>
    %dma_start3A_31 = arith.constant 0 : i32
    %dma_start3A_32 = arith.constant 0 : i32
    %dma_start3A_33 = tpu.memref_slice %arg2[%dma_start3A_31, %dma_start3A_32] : memref<100000x128xf32, #tpu.memory_space<hbm>> -> memref<100000x128xf32, #tpu.memory_space<hbm>>
    tpu.enqueue_indirect_dma source(%dma_start3A_33 : memref<100000x128xf32, #tpu.memory_space<hbm>>) target(%dma_start3A_28 : memref<64x128xf32, #tpu.memory_space<vmem>>) offsets(%dma_start3A_30 : memref<64xi32, #tpu.memory_space<vmem>>) semaphore(%arg9 : memref<!tpu.dma_semaphore, #tpu.memory_space<semaphore_mem>>)
    %dma_start3A_34 = arith.constant 3 : i32
    %dma_start3A_35 = arith.constant 0 : i32
    %dma_start3A_36 = arith.constant 0 : i32
    %dma_start3A_37 = tpu.memref_slice %arg6[%dma_start3A_34, %dma_start3A_35, %dma_start3A_36] : memref<8x64x128xf32, #tpu.memory_space<vmem>> -> memref<1x64x128xf32, #tpu.memory_space<vmem>>
    %dma_start3A_38 = tpu.memref_squeeze %dma_start3A_37 : memref<1x64x128xf32, #tpu.memory_space<vmem>> -> memref<64x128xf32, #tpu.memory_space<vmem>>
    %dma_start3A_39 = arith.constant 192 : i32
    %dma_start3A_40 = tpu.memref_slice %arg5[%dma_start3A_39] : memref<512xi32, #tpu.memory_space<vmem>> -> memref<64xi32, #tpu.memory_space<vmem>>
    %dma_start3A_41 = arith.constant 0 : i32
    %dma_start3A_42 = arith.constant 0 : i32
    %dma_start3A_43 = tpu.memref_slice %arg2[%dma_start3A_41, %dma_start3A_42] : memref<100000x128xf32, #tpu.memory_space<hbm>> -> memref<100000x128xf32, #tpu.memory_space<hbm>>
    tpu.enqueue_indirect_dma source(%dma_start3A_43 : memref<100000x128xf32, #tpu.memory_space<hbm>>) target(%dma_start3A_38 : memref<64x128xf32, #tpu.memory_space<vmem>>) offsets(%dma_start3A_40 : memref<64xi32, #tpu.memory_space<vmem>>) semaphore(%arg10 : memref<!tpu.dma_semaphore, #tpu.memory_space<semaphore_mem>>)
    %dma_start3A_44 = arith.constant 4 : i32
    %dma_start3A_45 = arith.constant 0 : i32
    %dma_start3A_46 = arith.constant 0 : i32
    %dma_start3A_47 = tpu.memref_slice %arg6[%dma_start3A_44, %dma_start3A_45, %dma_start3A_46] : memref<8x64x128xf32, #tpu.memory_space<vmem>> -> memref<1x64x128xf32, #tpu.memory_space<vmem>>
    %dma_start3A_48 = tpu.memref_squeeze %dma_start3A_47 : memref<1x64x128xf32, #tpu.memory_space<vmem>> -> memref<64x128xf32, #tpu.memory_space<vmem>>
    %dma_start3A_49 = arith.constant 256 : i32
    %dma_start3A_50 = tpu.memref_slice %arg5[%dma_start3A_49] : memref<512xi32, #tpu.memory_space<vmem>> -> memref<64xi32, #tpu.memory_space<vmem>>
    %dma_start3A_51 = arith.constant 0 : i32
    %dma_start3A_52 = arith.constant 0 : i32
    %dma_start3A_53 = tpu.memref_slice %arg2[%dma_start3A_51, %dma_start3A_52] : memref<100000x128xf32, #tpu.memory_space<hbm>> -> memref<100000x128xf32, #tpu.memory_space<hbm>>
    tpu.enqueue_indirect_dma source(%dma_start3A_53 : memref<100000x128xf32, #tpu.memory_space<hbm>>) target(%dma_start3A_48 : memref<64x128xf32, #tpu.memory_space<vmem>>) offsets(%dma_start3A_50 : memref<64xi32, #tpu.memory_space<vmem>>) semaphore(%arg11 : memref<!tpu.dma_semaphore, #tpu.memory_space<semaphore_mem>>)
    %dma_start3A_54 = arith.constant 5 : i32
    %dma_start3A_55 = arith.constant 0 : i32
    %dma_start3A_56 = arith.constant 0 : i32
    %dma_start3A_57 = tpu.memref_slice %arg6[%dma_start3A_54, %dma_start3A_55, %dma_start3A_56] : memref<8x64x128xf32, #tpu.memory_space<vmem>> -> memref<1x64x128xf32, #tpu.memory_space<vmem>>
    %dma_start3A_58 = tpu.memref_squeeze %dma_start3A_57 : memref<1x64x128xf32, #tpu.memory_space<vmem>> -> memref<64x128xf32, #tpu.memory_space<vmem>>
    %dma_start3A_59 = arith.constant 320 : i32
    %dma_start3A_60 = tpu.memref_slice %arg5[%dma_start3A_59] : memref<512xi32, #tpu.memory_space<vmem>> -> memref<64xi32, #tpu.memory_space<vmem>>
    %dma_start3A_61 = arith.constant 0 : i32
    %dma_start3A_62 = arith.constant 0 : i32
    %dma_start3A_63 = tpu.memref_slice %arg2[%dma_start3A_61, %dma_start3A_62] : memref<100000x128xf32, #tpu.memory_space<hbm>> -> memref<100000x128xf32, #tpu.memory_space<hbm>>
    tpu.enqueue_indirect_dma source(%dma_start3A_63 : memref<100000x128xf32, #tpu.memory_space<hbm>>) target(%dma_start3A_58 : memref<64x128xf32, #tpu.memory_space<vmem>>) offsets(%dma_start3A_60 : memref<64xi32, #tpu.memory_space<vmem>>) semaphore(%arg12 : memref<!tpu.dma_semaphore, #tpu.memory_space<semaphore_mem>>)
    %dma_start3A_64 = arith.constant 6 : i32
    %dma_start3A_65 = arith.constant 0 : i32
    %dma_start3A_66 = arith.constant 0 : i32
    %dma_start3A_67 = tpu.memref_slice %arg6[%dma_start3A_64, %dma_start3A_65, %dma_start3A_66] : memref<8x64x128xf32, #tpu.memory_space<vmem>> -> memref<1x64x128xf32, #tpu.memory_space<vmem>>
    %dma_start3A_68 = tpu.memref_squeeze %dma_start3A_67 : memref<1x64x128xf32, #tpu.memory_space<vmem>> -> memref<64x128xf32, #tpu.memory_space<vmem>>
    %dma_start3A_69 = arith.constant 384 : i32
    %dma_start3A_70 = tpu.memref_slice %arg5[%dma_start3A_69] : memref<512xi32, #tpu.memory_space<vmem>> -> memref<64xi32, #tpu.memory_space<vmem>>
    %dma_start3A_71 = arith.constant 0 : i32
    %dma_start3A_72 = arith.constant 0 : i32
    %dma_start3A_73 = tpu.memref_slice %arg2[%dma_start3A_71, %dma_start3A_72] : memref<100000x128xf32, #tpu.memory_space<hbm>> -> memref<100000x128xf32, #tpu.memory_space<hbm>>
    tpu.enqueue_indirect_dma source(%dma_start3A_73 : memref<100000x128xf32, #tpu.memory_space<hbm>>) target(%dma_start3A_68 : memref<64x128xf32, #tpu.memory_space<vmem>>) offsets(%dma_start3A_70 : memref<64xi32, #tpu.memory_space<vmem>>) semaphore(%arg13 : memref<!tpu.dma_semaphore, #tpu.memory_space<semaphore_mem>>)
    %dma_start3A_74 = arith.constant 7 : i32
    %dma_start3A_75 = arith.constant 0 : i32
    %dma_start3A_76 = arith.constant 0 : i32
    %dma_start3A_77 = tpu.memref_slice %arg6[%dma_start3A_74, %dma_start3A_75, %dma_start3A_76] : memref<8x64x128xf32, #tpu.memory_space<vmem>> -> memref<1x64x128xf32, #tpu.memory_space<vmem>>
    %dma_start3A_78 = tpu.memref_squeeze %dma_start3A_77 : memref<1x64x128xf32, #tpu.memory_space<vmem>> -> memref<64x128xf32, #tpu.memory_space<vmem>>
    %dma_start3A_79 = arith.constant 448 : i32
    %dma_start3A_80 = tpu.memref_slice %arg5[%dma_start3A_79] : memref<512xi32, #tpu.memory_space<vmem>> -> memref<64xi32, #tpu.memory_space<vmem>>
    %dma_start3A_81 = arith.constant 0 : i32
    %dma_start3A_82 = arith.constant 0 : i32
    %dma_start3A_83 = tpu.memref_slice %arg2[%dma_start3A_81, %dma_start3A_82] : memref<100000x128xf32, #tpu.memory_space<hbm>> -> memref<100000x128xf32, #tpu.memory_space<hbm>>
    tpu.enqueue_indirect_dma source(%dma_start3A_83 : memref<100000x128xf32, #tpu.memory_space<hbm>>) target(%dma_start3A_78 : memref<64x128xf32, #tpu.memory_space<vmem>>) offsets(%dma_start3A_80 : memref<64xi32, #tpu.memory_space<vmem>>) semaphore(%arg14 : memref<!tpu.dma_semaphore, #tpu.memory_space<semaphore_mem>>)
    %dma_wait3A = arith.constant 0 : i32
    %dma_wait3A_84 = arith.constant 0 : i32
    %dma_wait3A_85 = arith.constant 0 : i32
    %dma_wait3A_86 = tpu.memref_slice %arg6[%dma_wait3A, %dma_wait3A_84, %dma_wait3A_85] : memref<8x64x128xf32, #tpu.memory_space<vmem>> -> memref<1x64x128xf32, #tpu.memory_space<vmem>>
    %dma_wait3A_87 = tpu.memref_squeeze %dma_wait3A_86 : memref<1x64x128xf32, #tpu.memory_space<vmem>> -> memref<64x128xf32, #tpu.memory_space<vmem>>
    %dma_wait3A_88 = arith.constant 0 : i32
    %dma_wait3A_89 = tpu.memref_slice %arg5[%dma_wait3A_88] : memref<512xi32, #tpu.memory_space<vmem>> -> memref<64xi32, #tpu.memory_space<vmem>>
    %dma_wait3A_90 = arith.constant 0 : i32
    %dma_wait3A_91 = arith.constant 0 : i32
    %dma_wait3A_92 = tpu.memref_slice %arg2[%dma_wait3A_90, %dma_wait3A_91] : memref<100000x128xf32, #tpu.memory_space<hbm>> -> memref<100000x128xf32, #tpu.memory_space<hbm>>
    tpu.wait_indirect_dma semaphore(%arg7 : memref<!tpu.dma_semaphore, #tpu.memory_space<semaphore_mem>>) src(%dma_wait3A_92 : memref<100000x128xf32, #tpu.memory_space<hbm>>) dst(%dma_wait3A_87 : memref<64x128xf32, #tpu.memory_space<vmem>>)
    %scan3A = arith.constant 0 : i32
    %scan3A_93 = arith.constant 32 : i32
    %scan3A_94 = arith.addi %scan3A, %scan3A_93 : i32
    %scan3A_95 = arith.constant 1 : i32
    scf.for %scan3A_426 = %scan3A to %scan3A_94 step %scan3A_95  : i32 {
      %mul3A_427 = arith.constant 2 : i32
      %mul3A_428 = arith.muli %scan3A_426, %mul3A_427 : i32
      %add3A_429 = arith.constant 0 : i32
      %add3A_430 = arith.addi %mul3A_428, %add3A_429 : i32
      %get3A = arith.constant 0 : i32
      %get3A_431 = arith.index_cast %get3A : i32 to index
      %get3A_432 = arith.index_cast %add3A_430 : i32 to index
      %get3A_433 = arith.constant 0 : index
      %get3A_434 = tpu.vector_load %arg6[%get3A_431, %get3A_432, %get3A_433] {strides = array<i32>} : memref<8x64x128xf32, #tpu.memory_space<vmem>>, vector<1x1x16xf32>,
      %get3A_435 = vector.shape_cast %get3A_434 : vector<1x1x16xf32> to vector<16xf32>
      %mul3A_436 = arith.constant 2.000000e-01 : f32
      %mul3A_437 = vector.broadcast %mul3A_436 : f32 to vector<16xf32>
      %mul3A_438 = arith.mulf %get3A_435, %mul3A_437 : vector<16xf32>
      %mul3A_439 = arith.constant 2 : i32
      %mul3A_440 = arith.muli %scan3A_426, %mul3A_439 : i32
      %add3A_441 = arith.constant 0 : i32
      %add3A_442 = arith.addi %mul3A_440, %add3A_441 : i32
      %swap3A = arith.constant 0 : i32
      %swap3A_443 = arith.index_cast %swap3A : i32 to index
      %swap3A_444 = arith.index_cast %add3A_442 : i32 to index
      %swap3A_445 = arith.constant 0 : index
      %swap3A_446 = tpu.vector_load %arg6[%swap3A_443, %swap3A_444, %swap3A_445] {strides = array<i32>} : memref<8x64x128xf32, #tpu.memory_space<vmem>>, vector<1x1x16xf32>,
      %swap3A_447 = vector.shape_cast %swap3A_446 : vector<1x1x16xf32> to vector<16xf32>
      %swap3A_448 = vector.shape_cast %mul3A_438 : vector<16xf32> to vector<1x1x16xf32>
      tpu.vector_store %arg6[%swap3A_443, %swap3A_444, %swap3A_445], %swap3A_448 {strides = array<i32>} : memref<8x64x128xf32, #tpu.memory_space<vmem>>, vector<1x1x16xf32>,
      %mul3A_449 = arith.constant 2 : i32
      %mul3A_450 = arith.muli %scan3A_426, %mul3A_449 : i32
      %add3A_451 = arith.constant 0 : i32
      %add3A_452 = arith.addi %mul3A_450, %add3A_451 : i32
      %get3A_453 = arith.constant 0 : i32
      %get3A_454 = arith.index_cast %get3A_453 : i32 to index
      %get3A_455 = arith.index_cast %add3A_452 : i32 to index
      %get3A_456 = arith.constant 16 : index
      %get3A_457 = tpu.vector_load %arg6[%get3A_454, %get3A_455, %get3A_456] {strides = array<i32>} : memref<8x64x128xf32, #tpu.memory_space<vmem>>, vector<1x1x16xf32>,
      %get3A_458 = vector.shape_cast %get3A_457 : vector<1x1x16xf32> to vector<16xf32>
      %mul3A_459 = arith.constant 2.000000e-01 : f32
      %mul3A_460 = vector.broadcast %mul3A_459 : f32 to vector<16xf32>
      %mul3A_461 = arith.mulf %get3A_458, %mul3A_460 : vector<16xf32>
      %mul3A_462 = arith.constant 2 : i32
      %mul3A_463 = arith.muli %scan3A_426, %mul3A_462 : i32
      %add3A_464 = arith.constant 0 : i32
      %add3A_465 = arith.addi %mul3A_463, %add3A_464 : i32
      %swap3A_466 = arith.constant 0 : i32
      %swap3A_467 = arith.index_cast %swap3A_466 : i32 to index
      %swap3A_468 = arith.index_cast %add3A_465 : i32 to index
      %swap3A_469 = arith.constant 16 : index
      %swap3A_470 = tpu.vector_load %arg6[%swap3A_467, %swap3A_468, %swap3A_469] {strides = array<i32>} : memref<8x64x128xf32, #tpu.memory_space<vmem>>, vector<1x1x16xf32>,
      %swap3A_471 = vector.shape_cast %swap3A_470 : vector<1x1x16xf32> to vector<16xf32>
      %swap3A_472 = vector.shape_cast %mul3A_461 : vector<16xf32> to vector<1x1x16xf32>
      tpu.vector_store %arg6[%swap3A_467, %swap3A_468, %swap3A_469], %swap3A_472 {strides = array<i32>} : memref<8x64x128xf32, #tpu.memory_space<vmem>>, vector<1x1x16xf32>,
      %mul3A_473 = arith.constant 2 : i32
      %mul3A_474 = arith.muli %scan3A_426, %mul3A_473 : i32
      %add3A_475 = arith.constant 0 : i32
      %add3A_476 = arith.addi %mul3A_474, %add3A_475 : i32
      %get3A_477 = arith.constant 0 : i32
      %get3A_478 = arith.index_cast %get3A_477 : i32 to index
      %get3A_479 = arith.index_cast %add3A_476 : i32 to index
      %get3A_480 = arith.constant 32 : index
      %get3A_481 = tpu.vector_load %arg6[%get3A_478, %get3A_479, %get3A_480] {strides = array<i32>} : memref<8x64x128xf32, #tpu.memory_space<vmem>>, vector<1x1x16xf32>,
      %get3A_482 = vector.shape_cast %get3A_481 : vector<1x1x16xf32> to vector<16xf32>
      %mul3A_483 = arith.constant 2.000000e-01 : f32
      %mul3A_484 = vector.broadcast %mul3A_483 : f32 to vector<16xf32>
      %mul3A_485 = arith.mulf %get3A_482, %mul3A_484 : vector<16xf32>
      %mul3A_486 = arith.constant 2 : i32
      %mul3A_487 = arith.muli %scan3A_426, %mul3A_486 : i32
      %add3A_488 = arith.constant 0 : i32
      %add3A_489 = arith.addi %mul3A_487, %add3A_488 : i32
      %swap3A_490 = arith.constant 0 : i32
      %swap3A_491 = arith.index_cast %swap3A_490 : i32 to index
      %swap3A_492 = arith.index_cast %add3A_489 : i32 to index
      %swap3A_493 = arith.constant 32 : index
      %swap3A_494 = tpu.vector_load %arg6[%swap3A_491, %swap3A_492, %swap3A_493] {strides = array<i32>} : memref<8x64x128xf32, #tpu.memory_space<vmem>>, vector<1x1x16xf32>,
      %swap3A_495 = vector.shape_cast %swap3A_494 : vector<1x1x16xf32> to vector<16xf32>
      %swap3A_496 = vector.shape_cast %mul3A_485 : vector<16xf32> to vector<1x1x16xf32>
      tpu.vector_store %arg6[%swap3A_491, %swap3A_492, %swap3A_493], %swap3A_496 {strides = array<i32>} : memref<8x64x128xf32, #tpu.memory_space<vmem>>, vector<1x1x16xf32>,
      %mul3A_497 = arith.constant 2 : i32
      %mul3A_498 = arith.muli %scan3A_426, %mul3A_497 : i32
      %add3A_499 = arith.constant 0 : i32
      %add3A_500 = arith.addi %mul3A_498, %add3A_499 : i32
      %get3A_501 = arith.constant 0 : i32
      %get3A_502 = arith.index_cast %get3A_501 : i32 to index
      %get3A_503 = arith.index_cast %add3A_500 : i32 to index
      %get3A_504 = arith.constant 48 : index
      %get3A_505 = tpu.vector_load %arg6[%get3A_502, %get3A_503, %get3A_504] {strides = array<i32>} : memref<8x64x128xf32, #tpu.memory_space<vmem>>, vector<1x1x16xf32>,
      %get3A_506 = vector.shape_cast %get3A_505 : vector<1x1x16xf32> to vector<16xf32>
      %mul3A_507 = arith.constant 2.000000e-01 : f32
      %mul3A_508 = vector.broadcast %mul3A_507 : f32 to vector<16xf32>
      %mul3A_509 = arith.mulf %get3A_506, %mul3A_508 : vector<16xf32>
      %mul3A_510 = arith.constant 2 : i32
      %mul3A_511 = arith.muli %scan3A_426, %mul3A_510 : i32
      %add3A_512 = arith.constant 0 : i32
      %add3A_513 = arith.addi %mul3A_511, %add3A_512 : i32
      %swap3A_514 = arith.constant 0 : i32
      %swap3A_515 = arith.index_cast %swap3A_514 : i32 to index
      %swap3A_516 = arith.index_cast %add3A_513 : i32 to index
      %swap3A_517 = arith.constant 48 : index
      %swap3A_518 = tpu.vector_load %arg6[%swap3A_515, %swap3A_516, %swap3A_517] {strides = array<i32>} : memref<8x64x128xf32, #tpu.memory_space<vmem>>, vector<1x1x16xf32>,
      %swap3A_519 = vector.shape_cast %swap3A_518 : vector<1x1x16xf32> to vector<16xf32>
      %swap3A_520 = vector.shape_cast %mul3A_509 : vector<16xf32> to vector<1x1x16xf32>
      tpu.vector_store %arg6[%swap3A_515, %swap3A_516, %swap3A_517], %swap3A_520 {strides = array<i32>} : memref<8x64x128xf32, #tpu.memory_space<vmem>>, vector<1x1x16xf32>,
      %mul3A_521 = arith.constant 2 : i32
      %mul3A_522 = arith.muli %scan3A_426, %mul3A_521 : i32
      %add3A_523 = arith.constant 0 : i32
      %add3A_524 = arith.addi %mul3A_522, %add3A_523 : i32
      %get3A_525 = arith.constant 0 : i32
      %get3A_526 = arith.index_cast %get3A_525 : i32 to index
      %get3A_527 = arith.index_cast %add3A_524 : i32 to index
      %get3A_528 = arith.constant 64 : index
      %get3A_529 = tpu.vector_load %arg6[%get3A_526, %get3A_527, %get3A_528] {strides = array<i32>} : memref<8x64x128xf32, #tpu.memory_space<vmem>>, vector<1x1x16xf32>,
      %get3A_530 = vector.shape_cast %get3A_529 : vector<1x1x16xf32> to vector<16xf32>
      %mul3A_531 = arith.constant 2.000000e-01 : f32
      %mul3A_532 = vector.broadcast %mul3A_531 : f32 to vector<16xf32>
      %mul3A_533 = arith.mulf %get3A_530, %mul3A_532 : vector<16xf32>
      %mul3A_534 = arith.constant 2 : i32
      %mul3A_535 = arith.muli %scan3A_426, %mul3A_534 : i32
      %add3A_536 = arith.constant 0 : i32
      %add3A_537 = arith.addi %mul3A_535, %add3A_536 : i32
      %swap3A_538 = arith.constant 0 : i32
      %swap3A_539 = arith.index_cast %swap3A_538 : i32 to index
      %swap3A_540 = arith.index_cast %add3A_537 : i32 to index
      %swap3A_541 = arith.constant 64 : index
      %swap3A_542 = tpu.vector_load %arg6[%swap3A_539, %swap3A_540, %swap3A_541] {strides = array<i32>} : memref<8x64x128xf32, #tpu.memory_space<vmem>>, vector<1x1x16xf32>,
      %swap3A_543 = vector.shape_cast %swap3A_542 : vector<1x1x16xf32> to vector<16xf32>
      %swap3A_544 = vector.shape_cast %mul3A_533 : vector<16xf32> to vector<1x1x16xf32>
      tpu.vector_store %arg6[%swap3A_539, %swap3A_540, %swap3A_541], %swap3A_544 {strides = array<i32>} : memref<8x64x128xf32, #tpu.memory_space<vmem>>, vector<1x1x16xf32>,
      %mul3A_545 = arith.constant 2 : i32
      %mul3A_546 = arith.muli %scan3A_426, %mul3A_545 : i32
      %add3A_547 = arith.constant 0 : i32
      %add3A_548 = arith.addi %mul3A_546, %add3A_547 : i32
      %get3A_549 = arith.constant 0 : i32
      %get3A_550 = arith.index_cast %get3A_549 : i32 to index
      %get3A_551 = arith.index_cast %add3A_548 : i32 to index
      %get3A_552 = arith.constant 80 : index
      %get3A_553 = tpu.vector_load %arg6[%get3A_550, %get3A_551, %get3A_552] {strides = array<i32>} : memref<8x64x128xf32, #tpu.memory_space<vmem>>, vector<1x1x16xf32>,
      %get3A_554 = vector.shape_cast %get3A_553 : vector<1x1x16xf32> to vector<16xf32>
      %mul3A_555 = arith.constant 2.000000e-01 : f32
      %mul3A_556 = vector.broadcast %mul3A_555 : f32 to vector<16xf32>
      %mul3A_557 = arith.mulf %get3A_554, %mul3A_556 : vector<16xf32>
      %mul3A_558 = arith.constant 2 : i32
      %mul3A_559 = arith.muli %scan3A_426, %mul3A_558 : i32
      %add3A_560 = arith.constant 0 : i32
      %add3A_561 = arith.addi %mul3A_559, %add3A_560 : i32
      %swap3A_562 = arith.constant 0 : i32
      %swap3A_563 = arith.index_cast %swap3A_562 : i32 to index
      %swap3A_564 = arith.index_cast %add3A_561 : i32 to index
      %swap3A_565 = arith.constant 80 : index
      %swap3A_566 = tpu.vector_load %arg6[%swap3A_563, %swap3A_564, %swap3A_565] {strides = array<i32>} : memref<8x64x128xf32, #tpu.memory_space<vmem>>, vector<1x1x16xf32>,
      %swap3A_567 = vector.shape_cast %swap3A_566 : vector<1x1x16xf32> to vector<16xf32>
      %swap3A_568 = vector.shape_cast %mul3A_557 : vector<16xf32> to vector<1x1x16xf32>
      tpu.vector_store %arg6[%swap3A_563, %swap3A_564, %swap3A_565], %swap3A_568 {strides = array<i32>} : memref<8x64x128xf32, #tpu.memory_space<vmem>>, vector<1x1x16xf32>,
      %mul3A_569 = arith.constant 2 : i32
      %mul3A_570 = arith.muli %scan3A_426, %mul3A_569 : i32
      %add3A_571 = arith.constant 0 : i32
      %add3A_572 = arith.addi %mul3A_570, %add3A_571 : i32
      %get3A_573 = arith.constant 0 : i32
      %get3A_574 = arith.index_cast %get3A_573 : i32 to index
      %get3A_575 = arith.index_cast %add3A_572 : i32 to index
      %get3A_576 = arith.constant 96 : index
      %get3A_577 = tpu.vector_load %arg6[%get3A_574, %get3A_575, %get3A_576] {strides = array<i32>} : memref<8x64x128xf32, #tpu.memory_space<vmem>>, vector<1x1x16xf32>,
      %get3A_578 = vector.shape_cast %get3A_577 : vector<1x1x16xf32> to vector<16xf32>
      %mul3A_579 = arith.constant 2.000000e-01 : f32
      %mul3A_580 = vector.broadcast %mul3A_579 : f32 to vector<16xf32>
      %mul3A_581 = arith.mulf %get3A_578, %mul3A_580 : vector<16xf32>
      %mul3A_582 = arith.constant 2 : i32
      %mul3A_583 = arith.muli %scan3A_426, %mul3A_582 : i32
      %add3A_584 = arith.constant 0 : i32
      %add3A_585 = arith.addi %mul3A_583, %add3A_584 : i32
      %swap3A_586 = arith.constant 0 : i32
      %swap3A_587 = arith.index_cast %swap3A_586 : i32 to index
      %swap3A_588 = arith.index_cast %add3A_585 : i32 to index
      %swap3A_589 = arith.constant 96 : index
      %swap3A_590 = tpu.vector_load %arg6[%swap3A_587, %swap3A_588, %swap3A_589] {strides = array<i32>} : memref<8x64x128xf32, #tpu.memory_space<vmem>>, vector<1x1x16xf32>,
      %swap3A_591 = vector.shape_cast %swap3A_590 : vector<1x1x16xf32> to vector<16xf32>
      %swap3A_592 = vector.shape_cast %mul3A_581 : vector<16xf32> to vector<1x1x16xf32>
      tpu.vector_store %arg6[%swap3A_587, %swap3A_588, %swap3A_589], %swap3A_592 {strides = array<i32>} : memref<8x64x128xf32, #tpu.memory_space<vmem>>, vector<1x1x16xf32>,
      %mul3A_593 = arith.constant 2 : i32
      %mul3A_594 = arith.muli %scan3A_426, %mul3A_593 : i32
      %add3A_595 = arith.constant 0 : i32
      %add3A_596 = arith.addi %mul3A_594, %add3A_595 : i32
      %get3A_597 = arith.constant 0 : i32
      %get3A_598 = arith.index_cast %get3A_597 : i32 to index
      %get3A_599 = arith.index_cast %add3A_596 : i32 to index
      %get3A_600 = arith.constant 112 : index
      %get3A_601 = tpu.vector_load %arg6[%get3A_598, %get3A_599, %get3A_600] {strides = array<i32>} : memref<8x64x128xf32, #tpu.memory_space<vmem>>, vector<1x1x16xf32>,
      %get3A_602 = vector.shape_cast %get3A_601 : vector<1x1x16xf32> to vector<16xf32>
      %mul3A_603 = arith.constant 2.000000e-01 : f32
      %mul3A_604 = vector.broadcast %mul3A_603 : f32 to vector<16xf32>
      %mul3A_605 = arith.mulf %get3A_602, %mul3A_604 : vector<16xf32>
      %mul3A_606 = arith.constant 2 : i32
      %mul3A_607 = arith.muli %scan3A_426, %mul3A_606 : i32
      %add3A_608 = arith.constant 0 : i32
      %add3A_609 = arith.addi %mul3A_607, %add3A_608 : i32
      %swap3A_610 = arith.constant 0 : i32
      %swap3A_611 = arith.index_cast %swap3A_610 : i32 to index
      %swap3A_612 = arith.index_cast %add3A_609 : i32 to index
      %swap3A_613 = arith.constant 112 : index
      %swap3A_614 = tpu.vector_load %arg6[%swap3A_611, %swap3A_612, %swap3A_613] {strides = array<i32>} : memref<8x64x128xf32, #tpu.memory_space<vmem>>, vector<1x1x16xf32>,
      %swap3A_615 = vector.shape_cast %swap3A_614 : vector<1x1x16xf32> to vector<16xf32>
      %swap3A_616 = vector.shape_cast %mul3A_605 : vector<16xf32> to vector<1x1x16xf32>
      tpu.vector_store %arg6[%swap3A_611, %swap3A_612, %swap3A_613], %swap3A_616 {strides = array<i32>} : memref<8x64x128xf32, #tpu.memory_space<vmem>>, vector<1x1x16xf32>,
      %mul3A_617 = arith.constant 2 : i32
      %mul3A_618 = arith.muli %scan3A_426, %mul3A_617 : i32
      %add3A_619 = arith.constant 1 : i32
      %add3A_620 = arith.addi %mul3A_618, %add3A_619 : i32
      %get3A_621 = arith.constant 0 : i32
      %get3A_622 = arith.index_cast %get3A_621 : i32 to index
      %get3A_623 = arith.index_cast %add3A_620 : i32 to index
      %get3A_624 = arith.constant 0 : index
      %get3A_625 = tpu.vector_load %arg6[%get3A_622, %get3A_623, %get3A_624] {strides = array<i32>} : memref<8x64x128xf32, #tpu.memory_space<vmem>>, vector<1x1x16xf32>,
      %get3A_626 = vector.shape_cast %get3A_625 : vector<1x1x16xf32> to vector<16xf32>
      %mul3A_627 = arith.constant 2.000000e-01 : f32
      %mul3A_628 = vector.broadcast %mul3A_627 : f32 to vector<16xf32>
      %mul3A_629 = arith.mulf %get3A_626, %mul3A_628 : vector<16xf32>
      %mul3A_630 = arith.constant 2 : i32
      %mul3A_631 = arith.muli %scan3A_426, %mul3A_630 : i32
      %add3A_632 = arith.constant 1 : i32
      %add3A_633 = arith.addi %mul3A_631, %add3A_632 : i32
      %swap3A_634 = arith.constant 0 : i32
      %swap3A_635 = arith.index_cast %swap3A_634 : i32 to index
      %swap3A_636 = arith.index_cast %add3A_633 : i32 to index
      %swap3A_637 = arith.constant 0 : index
      %swap3A_638 = tpu.vector_load %arg6[%swap3A_635, %swap3A_636, %swap3A_637] {strides = array<i32>} : memref<8x64x128xf32, #tpu.memory_space<vmem>>, vector<1x1x16xf32>,
      %swap3A_639 = vector.shape_cast %swap3A_638 : vector<1x1x16xf32> to vector<16xf32>
      %swap3A_640 = vector.shape_cast %mul3A_629 : vector<16xf32> to vector<1x1x16xf32>
      tpu.vector_store %arg6[%swap3A_635, %swap3A_636, %swap3A_637], %swap3A_640 {strides = array<i32>} : memref<8x64x128xf32, #tpu.memory_space<vmem>>, vector<1x1x16xf32>,
      %mul3A_641 = arith.constant 2 : i32
      %mul3A_642 = arith.muli %scan3A_426, %mul3A_641 : i32
      %add3A_643 = arith.constant 1 : i32
      %add3A_644 = arith.addi %mul3A_642, %add3A_643 : i32
      %get3A_645 = arith.constant 0 : i32
      %get3A_646 = arith.index_cast %get3A_645 : i32 to index
      %get3A_647 = arith.index_cast %add3A_644 : i32 to index
      %get3A_648 = arith.constant 16 : index
      %get3A_649 = tpu.vector_load %arg6[%get3A_646, %get3A_647, %get3A_648] {strides = array<i32>} : memref<8x64x128xf32, #tpu.memory_space<vmem>>, vector<1x1x16xf32>,
      %get3A_650 = vector.shape_cast %get3A_649 : vector<1x1x16xf32> to vector<16xf32>
      %mul3A_651 = arith.constant 2.000000e-01 : f32
      %mul3A_652 = vector.broadcast %mul3A_651 : f32 to vector<16xf32>
      %mul3A_653 = arith.mulf %get3A_650, %mul3A_652 : vector<16xf32>
      %mul3A_654 = arith.constant 2 : i32
      %mul3A_655 = arith.muli %scan3A_426, %mul3A_654 : i32
      %add3A_656 = arith.constant 1 : i32
      %add3A_657 = arith.addi %mul3A_655, %add3A_656 : i32
      %swap3A_658 = arith.constant 0 : i32
      %swap3A_659 = arith.index_cast %swap3A_658 : i32 to index
      %swap3A_660 = arith.index_cast %add3A_657 : i32 to index
      %swap3A_661 = arith.constant 16 : index
      %swap3A_662 = tpu.vector_load %arg6[%swap3A_659, %swap3A_660, %swap3A_661] {strides = array<i32>} : memref<8x64x128xf32, #tpu.memory_space<vmem>>, vector<1x1x16xf32>,
      %swap3A_663 = vector.shape_cast %swap3A_662 : vector<1x1x16xf32> to vector<16xf32>
      %swap3A_664 = vector.shape_cast %mul3A_653 : vector<16xf32> to vector<1x1x16xf32>
      tpu.vector_store %arg6[%swap3A_659, %swap3A_660, %swap3A_661], %swap3A_664 {strides = array<i32>} : memref<8x64x128xf32, #tpu.memory_space<vmem>>, vector<1x1x16xf32>,
      %mul3A_665 = arith.constant 2 : i32
      %mul3A_666 = arith.muli %scan3A_426, %mul3A_665 : i32
      %add3A_667 = arith.constant 1 : i32
      %add3A_668 = arith.addi %mul3A_666, %add3A_667 : i32
      %get3A_669 = arith.constant 0 : i32
      %get3A_670 = arith.index_cast %get3A_669 : i32 to index
      %get3A_671 = arith.index_cast %add3A_668 : i32 to index
      %get3A_672 = arith.constant 32 : index
      %get3A_673 = tpu.vector_load %arg6[%get3A_670, %get3A_671, %get3A_672] {strides = array<i32>} : memref<8x64x128xf32, #tpu.memory_space<vmem>>, vector<1x1x16xf32>,
      %get3A_674 = vector.shape_cast %get3A_673 : vector<1x1x16xf32> to vector<16xf32>
      %mul3A_675 = arith.constant 2.000000e-01 : f32
      %mul3A_676 = vector.broadcast %mul3A_675 : f32 to vector<16xf32>
      %mul3A_677 = arith.mulf %get3A_674, %mul3A_676 : vector<16xf32>
      %mul3A_678 = arith.constant 2 : i32
      %mul3A_679 = arith.muli %scan3A_426, %mul3A_678 : i32
      %add3A_680 = arith.constant 1 : i32
      %add3A_681 = arith.addi %mul3A_679, %add3A_680 : i32
      %swap3A_682 = arith.constant 0 : i32
      %swap3A_683 = arith.index_cast %swap3A_682 : i32 to index
      %swap3A_684 = arith.index_cast %add3A_681 : i32 to index
      %swap3A_685 = arith.constant 32 : index
      %swap3A_686 = tpu.vector_load %arg6[%swap3A_683, %swap3A_684, %swap3A_685] {strides = array<i32>} : memref<8x64x128xf32, #tpu.memory_space<vmem>>, vector<1x1x16xf32>,
      %swap3A_687 = vector.shape_cast %swap3A_686 : vector<1x1x16xf32> to vector<16xf32>
      %swap3A_688 = vector.shape_cast %mul3A_677 : vector<16xf32> to vector<1x1x16xf32>
      tpu.vector_store %arg6[%swap3A_683, %swap3A_684, %swap3A_685], %swap3A_688 {strides = array<i32>} : memref<8x64x128xf32, #tpu.memory_space<vmem>>, vector<1x1x16xf32>,
      %mul3A_689 = arith.constant 2 : i32
      %mul3A_690 = arith.muli %scan3A_426, %mul3A_689 : i32
      %add3A_691 = arith.constant 1 : i32
      %add3A_692 = arith.addi %mul3A_690, %add3A_691 : i32
      %get3A_693 = arith.constant 0 : i32
      %get3A_694 = arith.index_cast %get3A_693 : i32 to index
      %get3A_695 = arith.index_cast %add3A_692 : i32 to index
      %get3A_696 = arith.constant 48 : index
      %get3A_697 = tpu.vector_load %arg6[%get3A_694, %get3A_695, %get3A_696] {strides = array<i32>} : memref<8x64x128xf32, #tpu.memory_space<vmem>>, vector<1x1x16xf32>,
      %get3A_698 = vector.shape_cast %get3A_697 : vector<1x1x16xf32> to vector<16xf32>
      %mul3A_699 = arith.constant 2.000000e-01 : f32
      %mul3A_700 = vector.broadcast %mul3A_699 : f32 to vector<16xf32>
      %mul3A_701 = arith.mulf %get3A_698, %mul3A_700 : vector<16xf32>
      %mul3A_702 = arith.constant 2 : i32
      %mul3A_703 = arith.muli %scan3A_426, %mul3A_702 : i32
      %add3A_704 = arith.constant 1 : i32
      %add3A_705 = arith.addi %mul3A_703, %add3A_704 : i32
      %swap3A_706 = arith.constant 0 : i32
      %swap3A_707 = arith.index_cast %swap3A_706 : i32 to index
      %swap3A_708 = arith.index_cast %add3A_705 : i32 to index
      %swap3A_709 = arith.constant 48 : index
      %swap3A_710 = tpu.vector_load %arg6[%swap3A_707, %swap3A_708, %swap3A_709] {strides = array<i32>} : memref<8x64x128xf32, #tpu.memory_space<vmem>>, vector<1x1x16xf32>,
      %swap3A_711 = vector.shape_cast %swap3A_710 : vector<1x1x16xf32> to vector<16xf32>
      %swap3A_712 = vector.shape_cast %mul3A_701 : vector<16xf32> to vector<1x1x16xf32>
      tpu.vector_store %arg6[%swap3A_707, %swap3A_708, %swap3A_709], %swap3A_712 {strides = array<i32>} : memref<8x64x128xf32, #tpu.memory_space<vmem>>, vector<1x1x16xf32>,
      %mul3A_713 = arith.constant 2 : i32
      %mul3A_714 = arith.muli %scan3A_426, %mul3A_713 : i32
      %add3A_715 = arith.constant 1 : i32
      %add3A_716 = arith.addi %mul3A_714, %add3A_715 : i32
      %get3A_717 = arith.constant 0 : i32
      %get3A_718 = arith.index_cast %get3A_717 : i32 to index
      %get3A_719 = arith.index_cast %add3A_716 : i32 to index
      %get3A_720 = arith.constant 64 : index
      %get3A_721 = tpu.vector_load %arg6[%get3A_718, %get3A_719, %get3A_720] {strides = array<i32>} : memref<8x64x128xf32, #tpu.memory_space<vmem>>, vector<1x1x16xf32>,
      %get3A_722 = vector.shape_cast %get3A_721 : vector<1x1x16xf32> to vector<16xf32>
      %mul3A_723 = arith.constant 2.000000e-01 : f32
      %mul3A_724 = vector.broadcast %mul3A_723 : f32 to vector<16xf32>
      %mul3A_725 = arith.mulf %get3A_722, %mul3A_724 : vector<16xf32>
      %mul3A_726 = arith.constant 2 : i32
      %mul3A_727 = arith.muli %scan3A_426, %mul3A_726 : i32
      %add3A_728 = arith.constant 1 : i32
      %add3A_729 = arith.addi %mul3A_727, %add3A_728 : i32
      %swap3A_730 = arith.constant 0 : i32
      %swap3A_731 = arith.index_cast %swap3A_730 : i32 to index
      %swap3A_732 = arith.index_cast %add3A_729 : i32 to index
      %swap3A_733 = arith.constant 64 : index
      %swap3A_734 = tpu.vector_load %arg6[%swap3A_731, %swap3A_732, %swap3A_733] {strides = array<i32>} : memref<8x64x128xf32, #tpu.memory_space<vmem>>, vector<1x1x16xf32>,
      %swap3A_735 = vector.shape_cast %swap3A_734 : vector<1x1x16xf32> to vector<16xf32>
      %swap3A_736 = vector.shape_cast %mul3A_725 : vector<16xf32> to vector<1x1x16xf32>
      tpu.vector_store %arg6[%swap3A_731, %swap3A_732, %swap3A_733], %swap3A_736 {strides = array<i32>} : memref<8x64x128xf32, #tpu.memory_space<vmem>>, vector<1x1x16xf32>,
      %mul3A_737 = arith.constant 2 : i32
      %mul3A_738 = arith.muli %scan3A_426, %mul3A_737 : i32
      %add3A_739 = arith.constant 1 : i32
      %add3A_740 = arith.addi %mul3A_738, %add3A_739 : i32
      %get3A_741 = arith.constant 0 : i32
      %get3A_742 = arith.index_cast %get3A_741 : i32 to index
      %get3A_743 = arith.index_cast %add3A_740 : i32 to index
      %get3A_744 = arith.constant 80 : index
      %get3A_745 = tpu.vector_load %arg6[%get3A_742, %get3A_743, %get3A_744] {strides = array<i32>} : memref<8x64x128xf32, #tpu.memory_space<vmem>>, vector<1x1x16xf32>,
      %get3A_746 = vector.shape_cast %get3A_745 : vector<1x1x16xf32> to vector<16xf32>
      %mul3A_747 = arith.constant 2.000000e-01 : f32
      %mul3A_748 = vector.broadcast %mul3A_747 : f32 to vector<16xf32>
      %mul3A_749 = arith.mulf %get3A_746, %mul3A_748 : vector<16xf32>
      %mul3A_750 = arith.constant 2 : i32
      %mul3A_751 = arith.muli %scan3A_426, %mul3A_750 : i32
      %add3A_752 = arith.constant 1 : i32
      %add3A_753 = arith.addi %mul3A_751, %add3A_752 : i32
      %swap3A_754 = arith.constant 0 : i32
      %swap3A_755 = arith.index_cast %swap3A_754 : i32 to index
      %swap3A_756 = arith.index_cast %add3A_753 : i32 to index
      %swap3A_757 = arith.constant 80 : index
      %swap3A_758 = tpu.vector_load %arg6[%swap3A_755, %swap3A_756, %swap3A_757] {strides = array<i32>} : memref<8x64x128xf32, #tpu.memory_space<vmem>>, vector<1x1x16xf32>,
      %swap3A_759 = vector.shape_cast %swap3A_758 : vector<1x1x16xf32> to vector<16xf32>
      %swap3A_760 = vector.shape_cast %mul3A_749 : vector<16xf32> to vector<1x1x16xf32>
      tpu.vector_store %arg6[%swap3A_755, %swap3A_756, %swap3A_757], %swap3A_760 {strides = array<i32>} : memref<8x64x128xf32, #tpu.memory_space<vmem>>, vector<1x1x16xf32>,
      %mul3A_761 = arith.constant 2 : i32
      %mul3A_762 = arith.muli %scan3A_426, %mul3A_761 : i32
      %add3A_763 = arith.constant 1 : i32
      %add3A_764 = arith.addi %mul3A_762, %add3A_763 : i32
      %get3A_765 = arith.constant 0 : i32
      %get3A_766 = arith.index_cast %get3A_765 : i32 to index
      %get3A_767 = arith.index_cast %add3A_764 : i32 to index
      %get3A_768 = arith.constant 96 : index
      %get3A_769 = tpu.vector_load %arg6[%get3A_766, %get3A_767, %get3A_768] {strides = array<i32>} : memref<8x64x128xf32, #tpu.memory_space<vmem>>, vector<1x1x16xf32>,
      %get3A_770 = vector.shape_cast %get3A_769 : vector<1x1x16xf32> to vector<16xf32>
      %mul3A_771 = arith.constant 2.000000e-01 : f32
      %mul3A_772 = vector.broadcast %mul3A_771 : f32 to vector<16xf32>
      %mul3A_773 = arith.mulf %get3A_770, %mul3A_772 : vector<16xf32>
      %mul3A_774 = arith.constant 2 : i32
      %mul3A_775 = arith.muli %scan3A_426, %mul3A_774 : i32
      %add3A_776 = arith.constant 1 : i32
      %add3A_777 = arith.addi %mul3A_775, %add3A_776 : i32
      %swap3A_778 = arith.constant 0 : i32
      %swap3A_779 = arith.index_cast %swap3A_778 : i32 to index
      %swap3A_780 = arith.index_cast %add3A_777 : i32 to index
      %swap3A_781 = arith.constant 96 : index
      %swap3A_782 = tpu.vector_load %arg6[%swap3A_779, %swap3A_780, %swap3A_781] {strides = array<i32>} : memref<8x64x128xf32, #tpu.memory_space<vmem>>, vector<1x1x16xf32>,
      %swap3A_783 = vector.shape_cast %swap3A_782 : vector<1x1x16xf32> to vector<16xf32>
      %swap3A_784 = vector.shape_cast %mul3A_773 : vector<16xf32> to vector<1x1x16xf32>
      tpu.vector_store %arg6[%swap3A_779, %swap3A_780, %swap3A_781], %swap3A_784 {strides = array<i32>} : memref<8x64x128xf32, #tpu.memory_space<vmem>>, vector<1x1x16xf32>,
      %mul3A_785 = arith.constant 2 : i32
      %mul3A_786 = arith.muli %scan3A_426, %mul3A_785 : i32
      %add3A_787 = arith.constant 1 : i32
      %add3A_788 = arith.addi %mul3A_786, %add3A_787 : i32
      %get3A_789 = arith.constant 0 : i32
      %get3A_790 = arith.index_cast %get3A_789 : i32 to index
      %get3A_791 = arith.index_cast %add3A_788 : i32 to index
      %get3A_792 = arith.constant 112 : index
      %get3A_793 = tpu.vector_load %arg6[%get3A_790, %get3A_791, %get3A_792] {strides = array<i32>} : memref<8x64x128xf32, #tpu.memory_space<vmem>>, vector<1x1x16xf32>,
      %get3A_794 = vector.shape_cast %get3A_793 : vector<1x1x16xf32> to vector<16xf32>
      %mul3A_795 = arith.constant 2.000000e-01 : f32
      %mul3A_796 = vector.broadcast %mul3A_795 : f32 to vector<16xf32>
      %mul3A_797 = arith.mulf %get3A_794, %mul3A_796 : vector<16xf32>
      %mul3A_798 = arith.constant 2 : i32
      %mul3A_799 = arith.muli %scan3A_426, %mul3A_798 : i32
      %add3A_800 = arith.constant 1 : i32
      %add3A_801 = arith.addi %mul3A_799, %add3A_800 : i32
      %swap3A_802 = arith.constant 0 : i32
      %swap3A_803 = arith.index_cast %swap3A_802 : i32 to index
      %swap3A_804 = arith.index_cast %add3A_801 : i32 to index
      %swap3A_805 = arith.constant 112 : index
      %swap3A_806 = tpu.vector_load %arg6[%swap3A_803, %swap3A_804, %swap3A_805] {strides = array<i32>} : memref<8x64x128xf32, #tpu.memory_space<vmem>>, vector<1x1x16xf32>,
      %swap3A_807 = vector.shape_cast %swap3A_806 : vector<1x1x16xf32> to vector<16xf32>
      %swap3A_808 = vector.shape_cast %mul3A_797 : vector<16xf32> to vector<1x1x16xf32>
      tpu.vector_store %arg6[%swap3A_803, %swap3A_804, %swap3A_805], %swap3A_808 {strides = array<i32>} : memref<8x64x128xf32, #tpu.memory_space<vmem>>, vector<1x1x16xf32>,
    }
    %scan3A_96 = arith.constant 32 : i32
    %add3A_97 = arith.constant 0 : i32
    %add3A_98 = arith.addi %mul3A_2, %add3A_97 : i32
    %dma_start3A_99 = arith.constant 0 : i32
    %dma_start3A_100 = arith.constant 0 : i32
    %dma_start3A_101 = arith.constant 0 : i32
    %dma_start3A_102 = tpu.memref_slice %arg6[%dma_start3A_99, %dma_start3A_100, %dma_start3A_101] : memref<8x64x128xf32, #tpu.memory_space<vmem>> -> memref<1x64x128xf32, #tpu.memory_space<vmem>>
    %dma_start3A_103 = tpu.memref_squeeze %dma_start3A_102 : memref<1x64x128xf32, #tpu.memory_space<vmem>> -> memref<64x128xf32, #tpu.memory_space<vmem>>
    %dma_start3A_104 = arith.constant 0 : i32
    %dma_start3A_105 = tpu.memref_slice %arg4[%add3A_98, %dma_start3A_104] : memref<16384x128xf32, #tpu.memory_space<hbm>> -> memref<64x128xf32, #tpu.memory_space<hbm>>
    %dma_start3A_106 = arith.constant 0 : i32
    %dma_start3A_107 = tpu.memref_slice %arg4[%add3A_98, %dma_start3A_106] : memref<16384x128xf32, #tpu.memory_space<hbm>> -> memref<64x128xf32, #tpu.memory_space<hbm>>
    %dma_start3A_108 = arith.constant 0 : i32
    %dma_start3A_109 = arith.constant 0 : i32
    %dma_start3A_110 = tpu.memref_slice %arg6[%dma_start3A_99, %dma_start3A_108, %dma_start3A_109] : memref<8x64x128xf32, #tpu.memory_space<vmem>> -> memref<1x64x128xf32, #tpu.memory_space<vmem>>
    %dma_start3A_111 = tpu.memref_squeeze %dma_start3A_110 : memref<1x64x128xf32, #tpu.memory_space<vmem>> -> memref<64x128xf32, #tpu.memory_space<vmem>>
    tpu.enqueue_dma source(%dma_start3A_111 : memref<64x128xf32, #tpu.memory_space<vmem>>) target(%dma_start3A_107 : memref<64x128xf32, #tpu.memory_space<hbm>>) target_semaphore(%arg15 : memref<!tpu.dma_semaphore, #tpu.memory_space<semaphore_mem>>)
    %dma_wait3A_112 = arith.constant 1 : i32
    %dma_wait3A_113 = arith.constant 0 : i32
    %dma_wait3A_114 = arith.constant 0 : i32
    %dma_wait3A_115 = tpu.memref_slice %arg6[%dma_wait3A_112, %dma_wait3A_113, %dma_wait3A_114] : memref<8x64x128xf32, #tpu.memory_space<vmem>> -> memref<1x64x128xf32, #tpu.memory_space<vmem>>
    %dma_wait3A_116 = tpu.memref_squeeze %dma_wait3A_115 : memref<1x64x128xf32, #tpu.memory_space<vmem>> -> memref<64x128xf32, #tpu.memory_space<vmem>>
    %dma_wait3A_117 = arith.constant 64 : i32
    %dma_wait3A_118 = tpu.memref_slice %arg5[%dma_wait3A_117] : memref<512xi32, #tpu.memory_space<vmem>> -> memref<64xi32, #tpu.memory_space<vmem>>
    %dma_wait3A_119 = arith.constant 0 : i32
    %dma_wait3A_120 = arith.constant 0 : i32
    %dma_wait3A_121 = tpu.memref_slice %arg2[%dma_wait3A_119, %dma_wait3A_120] : memref<100000x128xf32, #tpu.memory_space<hbm>> -> memref<100000x128xf32, #tpu.memory_space<hbm>>
    tpu.wait_indirect_dma semaphore(%arg8 : memref<!tpu.dma_semaphore, #tpu.memory_space<semaphore_mem>>) src(%dma_wait3A_121 : memref<100000x128xf32, #tpu.memory_space<hbm>>) dst(%dma_wait3A_116 : memref<64x128xf32, #tpu.memory_space<vmem>>)
    %scan3A_122 = arith.constant 0 : i32
    %scan3A_123 = arith.constant 32 : i32
    %scan3A_124 = arith.addi %scan3A_122, %scan3A_123 : i32
    %scan3A_125 = arith.constant 1 : i32
    scf.for %scan3A_426 = %scan3A_122 to %scan3A_124 step %scan3A_125  : i32 {
      %mul3A_427 = arith.constant 2 : i32
      %mul3A_428 = arith.muli %scan3A_426, %mul3A_427 : i32
      %add3A_429 = arith.constant 0 : i32
      %add3A_430 = arith.addi %mul3A_428, %add3A_429 : i32
      %get3A = arith.constant 1 : i32
      %get3A_431 = arith.index_cast %get3A : i32 to index
      %get3A_432 = arith.index_cast %add3A_430 : i32 to index
      %get3A_433 = arith.constant 0 : index
      %get3A_434 = tpu.vector_load %arg6[%get3A_431, %get3A_432, %get3A_433] {strides = array<i32>} : memref<8x64x128xf32, #tpu.memory_space<vmem>>, vector<1x1x16xf32>,
      %get3A_435 = vector.shape_cast %get3A_434 : vector<1x1x16xf32> to vector<16xf32>
      %mul3A_436 = arith.constant 2.000000e-01 : f32
      %mul3A_437 = vector.broadcast %mul3A_436 : f32 to vector<16xf32>
      %mul3A_438 = arith.mulf %get3A_435, %mul3A_437 : vector<16xf32>
      %mul3A_439 = arith.constant 2 : i32
      %mul3A_440 = arith.muli %scan3A_426, %mul3A_439 : i32
      %add3A_441 = arith.constant 0 : i32
      %add3A_442 = arith.addi %mul3A_440, %add3A_441 : i32
      %swap3A = arith.constant 1 : i32
      %swap3A_443 = arith.index_cast %swap3A : i32 to index
      %swap3A_444 = arith.index_cast %add3A_442 : i32 to index
      %swap3A_445 = arith.constant 0 : index
      %swap3A_446 = tpu.vector_load %arg6[%swap3A_443, %swap3A_444, %swap3A_445] {strides = array<i32>} : memref<8x64x128xf32, #tpu.memory_space<vmem>>, vector<1x1x16xf32>,
      %swap3A_447 = vector.shape_cast %swap3A_446 : vector<1x1x16xf32> to vector<16xf32>
      %swap3A_448 = vector.shape_cast %mul3A_438 : vector<16xf32> to vector<1x1x16xf32>
      tpu.vector_store %arg6[%swap3A_443, %swap3A_444, %swap3A_445], %swap3A_448 {strides = array<i32>} : memref<8x64x128xf32, #tpu.memory_space<vmem>>, vector<1x1x16xf32>,
      %mul3A_449 = arith.constant 2 : i32
      %mul3A_450 = arith.muli %scan3A_426, %mul3A_449 : i32
      %add3A_451 = arith.constant 0 : i32
      %add3A_452 = arith.addi %mul3A_450, %add3A_451 : i32
      %get3A_453 = arith.constant 1 : i32
      %get3A_454 = arith.index_cast %get3A_453 : i32 to index
      %get3A_455 = arith.index_cast %add3A_452 : i32 to index
      %get3A_456 = arith.constant 16 : index
      %get3A_457 = tpu.vector_load %arg6[%get3A_454, %get3A_455, %get3A_456] {strides = array<i32>} : memref<8x64x128xf32, #tpu.memory_space<vmem>>, vector<1x1x16xf32>,
      %get3A_458 = vector.shape_cast %get3A_457 : vector<1x1x16xf32> to vector<16xf32>
      %mul3A_459 = arith.constant 2.000000e-01 : f32
      %mul3A_460 = vector.broadcast %mul3A_459 : f32 to vector<16xf32>
      %mul3A_461 = arith.mulf %get3A_458, %mul3A_460 : vector<16xf32>
      %mul3A_462 = arith.constant 2 : i32
      %mul3A_463 = arith.muli %scan3A_426, %mul3A_462 : i32
      %add3A_464 = arith.constant 0 : i32
      %add3A_465 = arith.addi %mul3A_463, %add3A_464 : i32
      %swap3A_466 = arith.constant 1 : i32
      %swap3A_467 = arith.index_cast %swap3A_466 : i32 to index
      %swap3A_468 = arith.index_cast %add3A_465 : i32 to index
      %swap3A_469 = arith.constant 16 : index
      %swap3A_470 = tpu.vector_load %arg6[%swap3A_467, %swap3A_468, %swap3A_469] {strides = array<i32>} : memref<8x64x128xf32, #tpu.memory_space<vmem>>, vector<1x1x16xf32>,
      %swap3A_471 = vector.shape_cast %swap3A_470 : vector<1x1x16xf32> to vector<16xf32>
      %swap3A_472 = vector.shape_cast %mul3A_461 : vector<16xf32> to vector<1x1x16xf32>
      tpu.vector_store %arg6[%swap3A_467, %swap3A_468, %swap3A_469], %swap3A_472 {strides = array<i32>} : memref<8x64x128xf32, #tpu.memory_space<vmem>>, vector<1x1x16xf32>,
      %mul3A_473 = arith.constant 2 : i32
      %mul3A_474 = arith.muli %scan3A_426, %mul3A_473 : i32
      %add3A_475 = arith.constant 0 : i32
      %add3A_476 = arith.addi %mul3A_474, %add3A_475 : i32
      %get3A_477 = arith.constant 1 : i32
      %get3A_478 = arith.index_cast %get3A_477 : i32 to index
      %get3A_479 = arith.index_cast %add3A_476 : i32 to index
      %get3A_480 = arith.constant 32 : index
      %get3A_481 = tpu.vector_load %arg6[%get3A_478, %get3A_479, %get3A_480] {strides = array<i32>} : memref<8x64x128xf32, #tpu.memory_space<vmem>>, vector<1x1x16xf32>,
      %get3A_482 = vector.shape_cast %get3A_481 : vector<1x1x16xf32> to vector<16xf32>
      %mul3A_483 = arith.constant 2.000000e-01 : f32
      %mul3A_484 = vector.broadcast %mul3A_483 : f32 to vector<16xf32>
      %mul3A_485 = arith.mulf %get3A_482, %mul3A_484 : vector<16xf32>
      %mul3A_486 = arith.constant 2 : i32
      %mul3A_487 = arith.muli %scan3A_426, %mul3A_486 : i32
      %add3A_488 = arith.constant 0 : i32
      %add3A_489 = arith.addi %mul3A_487, %add3A_488 : i32
      %swap3A_490 = arith.constant 1 : i32
      %swap3A_491 = arith.index_cast %swap3A_490 : i32 to index
      %swap3A_492 = arith.index_cast %add3A_489 : i32 to index
      %swap3A_493 = arith.constant 32 : index
      %swap3A_494 = tpu.vector_load %arg6[%swap3A_491, %swap3A_492, %swap3A_493] {strides = array<i32>} : memref<8x64x128xf32, #tpu.memory_space<vmem>>, vector<1x1x16xf32>,
      %swap3A_495 = vector.shape_cast %swap3A_494 : vector<1x1x16xf32> to vector<16xf32>
      %swap3A_496 = vector.shape_cast %mul3A_485 : vector<16xf32> to vector<1x1x16xf32>
      tpu.vector_store %arg6[%swap3A_491, %swap3A_492, %swap3A_493], %swap3A_496 {strides = array<i32>} : memref<8x64x128xf32, #tpu.memory_space<vmem>>, vector<1x1x16xf32>,
      %mul3A_497 = arith.constant 2 : i32
      %mul3A_498 = arith.muli %scan3A_426, %mul3A_497 : i32
      %add3A_499 = arith.constant 0 : i32
      %add3A_500 = arith.addi %mul3A_498, %add3A_499 : i32
      %get3A_501 = arith.constant 1 : i32
      %get3A_502 = arith.index_cast %get3A_501 : i32 to index
      %get3A_503 = arith.index_cast %add3A_500 : i32 to index
      %get3A_504 = arith.constant 48 : index
      %get3A_505 = tpu.vector_load %arg6[%get3A_502, %get3A_503, %get3A_504] {strides = array<i32>} : memref<8x64x128xf32, #tpu.memory_space<vmem>>, vector<1x1x16xf32>,
      %get3A_506 = vector.shape_cast %get3A_505 : vector<1x1x16xf32> to vector<16xf32>
      %mul3A_507 = arith.constant 2.000000e-01 : f32
      %mul3A_508 = vector.broadcast %mul3A_507 : f32 to vector<16xf32>
      %mul3A_509 = arith.mulf %get3A_506, %mul3A_508 : vector<16xf32>
      %mul3A_510 = arith.constant 2 : i32
      %mul3A_511 = arith.muli %scan3A_426, %mul3A_510 : i32
      %add3A_512 = arith.constant 0 : i32
      %add3A_513 = arith.addi %mul3A_511, %add3A_512 : i32
      %swap3A_514 = arith.constant 1 : i32
      %swap3A_515 = arith.index_cast %swap3A_514 : i32 to index
      %swap3A_516 = arith.index_cast %add3A_513 : i32 to index
      %swap3A_517 = arith.constant 48 : index
      %swap3A_518 = tpu.vector_load %arg6[%swap3A_515, %swap3A_516, %swap3A_517] {strides = array<i32>} : memref<8x64x128xf32, #tpu.memory_space<vmem>>, vector<1x1x16xf32>,
      %swap3A_519 = vector.shape_cast %swap3A_518 : vector<1x1x16xf32> to vector<16xf32>
      %swap3A_520 = vector.shape_cast %mul3A_509 : vector<16xf32> to vector<1x1x16xf32>
      tpu.vector_store %arg6[%swap3A_515, %swap3A_516, %swap3A_517], %swap3A_520 {strides = array<i32>} : memref<8x64x128xf32, #tpu.memory_space<vmem>>, vector<1x1x16xf32>,
      %mul3A_521 = arith.constant 2 : i32
      %mul3A_522 = arith.muli %scan3A_426, %mul3A_521 : i32
      %add3A_523 = arith.constant 0 : i32
      %add3A_524 = arith.addi %mul3A_522, %add3A_523 : i32
      %get3A_525 = arith.constant 1 : i32
      %get3A_526 = arith.index_cast %get3A_525 : i32 to index
      %get3A_527 = arith.index_cast %add3A_524 : i32 to index
      %get3A_528 = arith.constant 64 : index
      %get3A_529 = tpu.vector_load %arg6[%get3A_526, %get3A_527, %get3A_528] {strides = array<i32>} : memref<8x64x128xf32, #tpu.memory_space<vmem>>, vector<1x1x16xf32>,
      %get3A_530 = vector.shape_cast %get3A_529 : vector<1x1x16xf32> to vector<16xf32>
      %mul3A_531 = arith.constant 2.000000e-01 : f32
      %mul3A_532 = vector.broadcast %mul3A_531 : f32 to vector<16xf32>
      %mul3A_533 = arith.mulf %get3A_530, %mul3A_532 : vector<16xf32>
      %mul3A_534 = arith.constant 2 : i32
      %mul3A_535 = arith.muli %scan3A_426, %mul3A_534 : i32
      %add3A_536 = arith.constant 0 : i32
      %add3A_537 = arith.addi %mul3A_535, %add3A_536 : i32
      %swap3A_538 = arith.constant 1 : i32
      %swap3A_539 = arith.index_cast %swap3A_538 : i32 to index
      %swap3A_540 = arith.index_cast %add3A_537 : i32 to index
      %swap3A_541 = arith.constant 64 : index
      %swap3A_542 = tpu.vector_load %arg6[%swap3A_539, %swap3A_540, %swap3A_541] {strides = array<i32>} : memref<8x64x128xf32, #tpu.memory_space<vmem>>, vector<1x1x16xf32>,
      %swap3A_543 = vector.shape_cast %swap3A_542 : vector<1x1x16xf32> to vector<16xf32>
      %swap3A_544 = vector.shape_cast %mul3A_533 : vector<16xf32> to vector<1x1x16xf32>
      tpu.vector_store %arg6[%swap3A_539, %swap3A_540, %swap3A_541], %swap3A_544 {strides = array<i32>} : memref<8x64x128xf32, #tpu.memory_space<vmem>>, vector<1x1x16xf32>,
      %mul3A_545 = arith.constant 2 : i32
      %mul3A_546 = arith.muli %scan3A_426, %mul3A_545 : i32
      %add3A_547 = arith.constant 0 : i32
      %add3A_548 = arith.addi %mul3A_546, %add3A_547 : i32
      %get3A_549 = arith.constant 1 : i32
      %get3A_550 = arith.index_cast %get3A_549 : i32 to index
      %get3A_551 = arith.index_cast %add3A_548 : i32 to index
      %get3A_552 = arith.constant 80 : index
      %get3A_553 = tpu.vector_load %arg6[%get3A_550, %get3A_551, %get3A_552] {strides = array<i32>} : memref<8x64x128xf32, #tpu.memory_space<vmem>>, vector<1x1x16xf32>,
      %get3A_554 = vector.shape_cast %get3A_553 : vector<1x1x16xf32> to vector<16xf32>
      %mul3A_555 = arith.constant 2.000000e-01 : f32
      %mul3A_556 = vector.broadcast %mul3A_555 : f32 to vector<16xf32>
      %mul3A_557 = arith.mulf %get3A_554, %mul3A_556 : vector<16xf32>
      %mul3A_558 = arith.constant 2 : i32
      %mul3A_559 = arith.muli %scan3A_426, %mul3A_558 : i32
      %add3A_560 = arith.constant 0 : i32
      %add3A_561 = arith.addi %mul3A_559, %add3A_560 : i32
      %swap3A_562 = arith.constant 1 : i32
      %swap3A_563 = arith.index_cast %swap3A_562 : i32 to index
      %swap3A_564 = arith.index_cast %add3A_561 : i32 to index
      %swap3A_565 = arith.constant 80 : index
      %swap3A_566 = tpu.vector_load %arg6[%swap3A_563, %swap3A_564, %swap3A_565] {strides = array<i32>} : memref<8x64x128xf32, #tpu.memory_space<vmem>>, vector<1x1x16xf32>,
      %swap3A_567 = vector.shape_cast %swap3A_566 : vector<1x1x16xf32> to vector<16xf32>
      %swap3A_568 = vector.shape_cast %mul3A_557 : vector<16xf32> to vector<1x1x16xf32>
      tpu.vector_store %arg6[%swap3A_563, %swap3A_564, %swap3A_565], %swap3A_568 {strides = array<i32>} : memref<8x64x128xf32, #tpu.memory_space<vmem>>, vector<1x1x16xf32>,
      %mul3A_569 = arith.constant 2 : i32
      %mul3A_570 = arith.muli %scan3A_426, %mul3A_569 : i32
      %add3A_571 = arith.constant 0 : i32
      %add3A_572 = arith.addi %mul3A_570, %add3A_571 : i32
      %get3A_573 = arith.constant 1 : i32
      %get3A_574 = arith.index_cast %get3A_573 : i32 to index
      %get3A_575 = arith.index_cast %add3A_572 : i32 to index
      %get3A_576 = arith.constant 96 : index
      %get3A_577 = tpu.vector_load %arg6[%get3A_574, %get3A_575, %get3A_576] {strides = array<i32>} : memref<8x64x128xf32, #tpu.memory_space<vmem>>, vector<1x1x16xf32>,
      %get3A_578 = vector.shape_cast %get3A_577 : vector<1x1x16xf32> to vector<16xf32>
      %mul3A_579 = arith.constant 2.000000e-01 : f32
      %mul3A_580 = vector.broadcast %mul3A_579 : f32 to vector<16xf32>
      %mul3A_581 = arith.mulf %get3A_578, %mul3A_580 : vector<16xf32>
      %mul3A_582 = arith.constant 2 : i32
      %mul3A_583 = arith.muli %scan3A_426, %mul3A_582 : i32
      %add3A_584 = arith.constant 0 : i32
      %add3A_585 = arith.addi %mul3A_583, %add3A_584 : i32
      %swap3A_586 = arith.constant 1 : i32
      %swap3A_587 = arith.index_cast %swap3A_586 : i32 to index
      %swap3A_588 = arith.index_cast %add3A_585 : i32 to index
      %swap3A_589 = arith.constant 96 : index
      %swap3A_590 = tpu.vector_load %arg6[%swap3A_587, %swap3A_588, %swap3A_589] {strides = array<i32>} : memref<8x64x128xf32, #tpu.memory_space<vmem>>, vector<1x1x16xf32>,
      %swap3A_591 = vector.shape_cast %swap3A_590 : vector<1x1x16xf32> to vector<16xf32>
      %swap3A_592 = vector.shape_cast %mul3A_581 : vector<16xf32> to vector<1x1x16xf32>
      tpu.vector_store %arg6[%swap3A_587, %swap3A_588, %swap3A_589], %swap3A_592 {strides = array<i32>} : memref<8x64x128xf32, #tpu.memory_space<vmem>>, vector<1x1x16xf32>,
      %mul3A_593 = arith.constant 2 : i32
      %mul3A_594 = arith.muli %scan3A_426, %mul3A_593 : i32
      %add3A_595 = arith.constant 0 : i32
      %add3A_596 = arith.addi %mul3A_594, %add3A_595 : i32
      %get3A_597 = arith.constant 1 : i32
      %get3A_598 = arith.index_cast %get3A_597 : i32 to index
      %get3A_599 = arith.index_cast %add3A_596 : i32 to index
      %get3A_600 = arith.constant 112 : index
      %get3A_601 = tpu.vector_load %arg6[%get3A_598, %get3A_599, %get3A_600] {strides = array<i32>} : memref<8x64x128xf32, #tpu.memory_space<vmem>>, vector<1x1x16xf32>,
      %get3A_602 = vector.shape_cast %get3A_601 : vector<1x1x16xf32> to vector<16xf32>
      %mul3A_603 = arith.constant 2.000000e-01 : f32
      %mul3A_604 = vector.broadcast %mul3A_603 : f32 to vector<16xf32>
      %mul3A_605 = arith.mulf %get3A_602, %mul3A_604 : vector<16xf32>
      %mul3A_606 = arith.constant 2 : i32
      %mul3A_607 = arith.muli %scan3A_426, %mul3A_606 : i32
      %add3A_608 = arith.constant 0 : i32
      %add3A_609 = arith.addi %mul3A_607, %add3A_608 : i32
      %swap3A_610 = arith.constant 1 : i32
      %swap3A_611 = arith.index_cast %swap3A_610 : i32 to index
      %swap3A_612 = arith.index_cast %add3A_609 : i32 to index
      %swap3A_613 = arith.constant 112 : index
      %swap3A_614 = tpu.vector_load %arg6[%swap3A_611, %swap3A_612, %swap3A_613] {strides = array<i32>} : memref<8x64x128xf32, #tpu.memory_space<vmem>>, vector<1x1x16xf32>,
      %swap3A_615 = vector.shape_cast %swap3A_614 : vector<1x1x16xf32> to vector<16xf32>
      %swap3A_616 = vector.shape_cast %mul3A_605 : vector<16xf32> to vector<1x1x16xf32>
      tpu.vector_store %arg6[%swap3A_611, %swap3A_612, %swap3A_613], %swap3A_616 {strides = array<i32>} : memref<8x64x128xf32, #tpu.memory_space<vmem>>, vector<1x1x16xf32>,
      %mul3A_617 = arith.constant 2 : i32
      %mul3A_618 = arith.muli %scan3A_426, %mul3A_617 : i32
      %add3A_619 = arith.constant 1 : i32
      %add3A_620 = arith.addi %mul3A_618, %add3A_619 : i32
      %get3A_621 = arith.constant 1 : i32
      %get3A_622 = arith.index_cast %get3A_621 : i32 to index
      %get3A_623 = arith.index_cast %add3A_620 : i32 to index
      %get3A_624 = arith.constant 0 : index
      %get3A_625 = tpu.vector_load %arg6[%get3A_622, %get3A_623, %get3A_624] {strides = array<i32>} : memref<8x64x128xf32, #tpu.memory_space<vmem>>, vector<1x1x16xf32>,
      %get3A_626 = vector.shape_cast %get3A_625 : vector<1x1x16xf32> to vector<16xf32>
      %mul3A_627 = arith.constant 2.000000e-01 : f32
      %mul3A_628 = vector.broadcast %mul3A_627 : f32 to vector<16xf32>
      %mul3A_629 = arith.mulf %get3A_626, %mul3A_628 : vector<16xf32>
      %mul3A_630 = arith.constant 2 : i32
      %mul3A_631 = arith.muli %scan3A_426, %mul3A_630 : i32
      %add3A_632 = arith.constant 1 : i32
      %add3A_633 = arith.addi %mul3A_631, %add3A_632 : i32
      %swap3A_634 = arith.constant 1 : i32
      %swap3A_635 = arith.index_cast %swap3A_634 : i32 to index
      %swap3A_636 = arith.index_cast %add3A_633 : i32 to index
      %swap3A_637 = arith.constant 0 : index
      %swap3A_638 = tpu.vector_load %arg6[%swap3A_635, %swap3A_636, %swap3A_637] {strides = array<i32>} : memref<8x64x128xf32, #tpu.memory_space<vmem>>, vector<1x1x16xf32>,
      %swap3A_639 = vector.shape_cast %swap3A_638 : vector<1x1x16xf32> to vector<16xf32>
      %swap3A_640 = vector.shape_cast %mul3A_629 : vector<16xf32> to vector<1x1x16xf32>
      tpu.vector_store %arg6[%swap3A_635, %swap3A_636, %swap3A_637], %swap3A_640 {strides = array<i32>} : memref<8x64x128xf32, #tpu.memory_space<vmem>>, vector<1x1x16xf32>,
      %mul3A_641 = arith.constant 2 : i32
      %mul3A_642 = arith.muli %scan3A_426, %mul3A_641 : i32
      %add3A_643 = arith.constant 1 : i32
      %add3A_644 = arith.addi %mul3A_642, %add3A_643 : i32
      %get3A_645 = arith.constant 1 : i32
      %get3A_646 = arith.index_cast %get3A_645 : i32 to index
      %get3A_647 = arith.index_cast %add3A_644 : i32 to index
      %get3A_648 = arith.constant 16 : index
      %get3A_649 = tpu.vector_load %arg6[%get3A_646, %get3A_647, %get3A_648] {strides = array<i32>} : memref<8x64x128xf32, #tpu.memory_space<vmem>>, vector<1x1x16xf32>,
      %get3A_650 = vector.shape_cast %get3A_649 : vector<1x1x16xf32> to vector<16xf32>
      %mul3A_651 = arith.constant 2.000000e-01 : f32
      %mul3A_652 = vector.broadcast %mul3A_651 : f32 to vector<16xf32>
      %mul3A_653 = arith.mulf %get3A_650, %mul3A_652 : vector<16xf32>
      %mul3A_654 = arith.constant 2 : i32
      %mul3A_655 = arith.muli %scan3A_426, %mul3A_654 : i32
      %add3A_656 = arith.constant 1 : i32
      %add3A_657 = arith.addi %mul3A_655, %add3A_656 : i32
      %swap3A_658 = arith.constant 1 : i32
      %swap3A_659 = arith.index_cast %swap3A_658 : i32 to index
      %swap3A_660 = arith.index_cast %add3A_657 : i32 to index
      %swap3A_661 = arith.constant 16 : index
      %swap3A_662 = tpu.vector_load %arg6[%swap3A_659, %swap3A_660, %swap3A_661] {strides = array<i32>} : memref<8x64x128xf32, #tpu.memory_space<vmem>>, vector<1x1x16xf32>,
      %swap3A_663 = vector.shape_cast %swap3A_662 : vector<1x1x16xf32> to vector<16xf32>
      %swap3A_664 = vector.shape_cast %mul3A_653 : vector<16xf32> to vector<1x1x16xf32>
      tpu.vector_store %arg6[%swap3A_659, %swap3A_660, %swap3A_661], %swap3A_664 {strides = array<i32>} : memref<8x64x128xf32, #tpu.memory_space<vmem>>, vector<1x1x16xf32>,
      %mul3A_665 = arith.constant 2 : i32
      %mul3A_666 = arith.muli %scan3A_426, %mul3A_665 : i32
      %add3A_667 = arith.constant 1 : i32
      %add3A_668 = arith.addi %mul3A_666, %add3A_667 : i32
      %get3A_669 = arith.constant 1 : i32
      %get3A_670 = arith.index_cast %get3A_669 : i32 to index
      %get3A_671 = arith.index_cast %add3A_668 : i32 to index
      %get3A_672 = arith.constant 32 : index
      %get3A_673 = tpu.vector_load %arg6[%get3A_670, %get3A_671, %get3A_672] {strides = array<i32>} : memref<8x64x128xf32, #tpu.memory_space<vmem>>, vector<1x1x16xf32>,
      %get3A_674 = vector.shape_cast %get3A_673 : vector<1x1x16xf32> to vector<16xf32>
      %mul3A_675 = arith.constant 2.000000e-01 : f32
      %mul3A_676 = vector.broadcast %mul3A_675 : f32 to vector<16xf32>
      %mul3A_677 = arith.mulf %get3A_674, %mul3A_676 : vector<16xf32>
      %mul3A_678 = arith.constant 2 : i32
      %mul3A_679 = arith.muli %scan3A_426, %mul3A_678 : i32
      %add3A_680 = arith.constant 1 : i32
      %add3A_681 = arith.addi %mul3A_679, %add3A_680 : i32
      %swap3A_682 = arith.constant 1 : i32
      %swap3A_683 = arith.index_cast %swap3A_682 : i32 to index
      %swap3A_684 = arith.index_cast %add3A_681 : i32 to index
      %swap3A_685 = arith.constant 32 : index
      %swap3A_686 = tpu.vector_load %arg6[%swap3A_683, %swap3A_684, %swap3A_685] {strides = array<i32>} : memref<8x64x128xf32, #tpu.memory_space<vmem>>, vector<1x1x16xf32>,
      %swap3A_687 = vector.shape_cast %swap3A_686 : vector<1x1x16xf32> to vector<16xf32>
      %swap3A_688 = vector.shape_cast %mul3A_677 : vector<16xf32> to vector<1x1x16xf32>
      tpu.vector_store %arg6[%swap3A_683, %swap3A_684, %swap3A_685], %swap3A_688 {strides = array<i32>} : memref<8x64x128xf32, #tpu.memory_space<vmem>>, vector<1x1x16xf32>,
      %mul3A_689 = arith.constant 2 : i32
      %mul3A_690 = arith.muli %scan3A_426, %mul3A_689 : i32
      %add3A_691 = arith.constant 1 : i32
      %add3A_692 = arith.addi %mul3A_690, %add3A_691 : i32
      %get3A_693 = arith.constant 1 : i32
      %get3A_694 = arith.index_cast %get3A_693 : i32 to index
      %get3A_695 = arith.index_cast %add3A_692 : i32 to index
      %get3A_696 = arith.constant 48 : index
      %get3A_697 = tpu.vector_load %arg6[%get3A_694, %get3A_695, %get3A_696] {strides = array<i32>} : memref<8x64x128xf32, #tpu.memory_space<vmem>>, vector<1x1x16xf32>,
      %get3A_698 = vector.shape_cast %get3A_697 : vector<1x1x16xf32> to vector<16xf32>
      %mul3A_699 = arith.constant 2.000000e-01 : f32
      %mul3A_700 = vector.broadcast %mul3A_699 : f32 to vector<16xf32>
      %mul3A_701 = arith.mulf %get3A_698, %mul3A_700 : vector<16xf32>
      %mul3A_702 = arith.constant 2 : i32
      %mul3A_703 = arith.muli %scan3A_426, %mul3A_702 : i32
      %add3A_704 = arith.constant 1 : i32
      %add3A_705 = arith.addi %mul3A_703, %add3A_704 : i32
      %swap3A_706 = arith.constant 1 : i32
      %swap3A_707 = arith.index_cast %swap3A_706 : i32 to index
      %swap3A_708 = arith.index_cast %add3A_705 : i32 to index
      %swap3A_709 = arith.constant 48 : index
      %swap3A_710 = tpu.vector_load %arg6[%swap3A_707, %swap3A_708, %swap3A_709] {strides = array<i32>} : memref<8x64x128xf32, #tpu.memory_space<vmem>>, vector<1x1x16xf32>,
      %swap3A_711 = vector.shape_cast %swap3A_710 : vector<1x1x16xf32> to vector<16xf32>
      %swap3A_712 = vector.shape_cast %mul3A_701 : vector<16xf32> to vector<1x1x16xf32>
      tpu.vector_store %arg6[%swap3A_707, %swap3A_708, %swap3A_709], %swap3A_712 {strides = array<i32>} : memref<8x64x128xf32, #tpu.memory_space<vmem>>, vector<1x1x16xf32>,
      %mul3A_713 = arith.constant 2 : i32
      %mul3A_714 = arith.muli %scan3A_426, %mul3A_713 : i32
      %add3A_715 = arith.constant 1 : i32
      %add3A_716 = arith.addi %mul3A_714, %add3A_715 : i32
      %get3A_717 = arith.constant 1 : i32
      %get3A_718 = arith.index_cast %get3A_717 : i32 to index
      %get3A_719 = arith.index_cast %add3A_716 : i32 to index
      %get3A_720 = arith.constant 64 : index
      %get3A_721 = tpu.vector_load %arg6[%get3A_718, %get3A_719, %get3A_720] {strides = array<i32>} : memref<8x64x128xf32, #tpu.memory_space<vmem>>, vector<1x1x16xf32>,
      %get3A_722 = vector.shape_cast %get3A_721 : vector<1x1x16xf32> to vector<16xf32>
      %mul3A_723 = arith.constant 2.000000e-01 : f32
      %mul3A_724 = vector.broadcast %mul3A_723 : f32 to vector<16xf32>
      %mul3A_725 = arith.mulf %get3A_722, %mul3A_724 : vector<16xf32>
      %mul3A_726 = arith.constant 2 : i32
      %mul3A_727 = arith.muli %scan3A_426, %mul3A_726 : i32
      %add3A_728 = arith.constant 1 : i32
      %add3A_729 = arith.addi %mul3A_727, %add3A_728 : i32
      %swap3A_730 = arith.constant 1 : i32
      %swap3A_731 = arith.index_cast %swap3A_730 : i32 to index
      %swap3A_732 = arith.index_cast %add3A_729 : i32 to index
      %swap3A_733 = arith.constant 64 : index
      %swap3A_734 = tpu.vector_load %arg6[%swap3A_731, %swap3A_732, %swap3A_733] {strides = array<i32>} : memref<8x64x128xf32, #tpu.memory_space<vmem>>, vector<1x1x16xf32>,
      %swap3A_735 = vector.shape_cast %swap3A_734 : vector<1x1x16xf32> to vector<16xf32>
      %swap3A_736 = vector.shape_cast %mul3A_725 : vector<16xf32> to vector<1x1x16xf32>
      tpu.vector_store %arg6[%swap3A_731, %swap3A_732, %swap3A_733], %swap3A_736 {strides = array<i32>} : memref<8x64x128xf32, #tpu.memory_space<vmem>>, vector<1x1x16xf32>,
      %mul3A_737 = arith.constant 2 : i32
      %mul3A_738 = arith.muli %scan3A_426, %mul3A_737 : i32
      %add3A_739 = arith.constant 1 : i32
      %add3A_740 = arith.addi %mul3A_738, %add3A_739 : i32
      %get3A_741 = arith.constant 1 : i32
      %get3A_742 = arith.index_cast %get3A_741 : i32 to index
      %get3A_743 = arith.index_cast %add3A_740 : i32 to index
      %get3A_744 = arith.constant 80 : index
      %get3A_745 = tpu.vector_load %arg6[%get3A_742, %get3A_743, %get3A_744] {strides = array<i32>} : memref<8x64x128xf32, #tpu.memory_space<vmem>>, vector<1x1x16xf32>,
      %get3A_746 = vector.shape_cast %get3A_745 : vector<1x1x16xf32> to vector<16xf32>
      %mul3A_747 = arith.constant 2.000000e-01 : f32
      %mul3A_748 = vector.broadcast %mul3A_747 : f32 to vector<16xf32>
      %mul3A_749 = arith.mulf %get3A_746, %mul3A_748 : vector<16xf32>
      %mul3A_750 = arith.constant 2 : i32
      %mul3A_751 = arith.muli %scan3A_426, %mul3A_750 : i32
      %add3A_752 = arith.constant 1 : i32
      %add3A_753 = arith.addi %mul3A_751, %add3A_752 : i32
      %swap3A_754 = arith.constant 1 : i32
      %swap3A_755 = arith.index_cast %swap3A_754 : i32 to index
      %swap3A_756 = arith.index_cast %add3A_753 : i32 to index
      %swap3A_757 = arith.constant 80 : index
      %swap3A_758 = tpu.vector_load %arg6[%swap3A_755, %swap3A_756, %swap3A_757] {strides = array<i32>} : memref<8x64x128xf32, #tpu.memory_space<vmem>>, vector<1x1x16xf32>,
      %swap3A_759 = vector.shape_cast %swap3A_758 : vector<1x1x16xf32> to vector<16xf32>
      %swap3A_760 = vector.shape_cast %mul3A_749 : vector<16xf32> to vector<1x1x16xf32>
      tpu.vector_store %arg6[%swap3A_755, %swap3A_756, %swap3A_757], %swap3A_760 {strides = array<i32>} : memref<8x64x128xf32, #tpu.memory_space<vmem>>, vector<1x1x16xf32>,
      %mul3A_761 = arith.constant 2 : i32
      %mul3A_762 = arith.muli %scan3A_426, %mul3A_761 : i32
      %add3A_763 = arith.constant 1 : i32
      %add3A_764 = arith.addi %mul3A_762, %add3A_763 : i32
      %get3A_765 = arith.constant 1 : i32
      %get3A_766 = arith.index_cast %get3A_765 : i32 to index
      %get3A_767 = arith.index_cast %add3A_764 : i32 to index
      %get3A_768 = arith.constant 96 : index
      %get3A_769 = tpu.vector_load %arg6[%get3A_766, %get3A_767, %get3A_768] {strides = array<i32>} : memref<8x64x128xf32, #tpu.memory_space<vmem>>, vector<1x1x16xf32>,
      %get3A_770 = vector.shape_cast %get3A_769 : vector<1x1x16xf32> to vector<16xf32>
      %mul3A_771 = arith.constant 2.000000e-01 : f32
      %mul3A_772 = vector.broadcast %mul3A_771 : f32 to vector<16xf32>
      %mul3A_773 = arith.mulf %get3A_770, %mul3A_772 : vector<16xf32>
      %mul3A_774 = arith.constant 2 : i32
      %mul3A_775 = arith.muli %scan3A_426, %mul3A_774 : i32
      %add3A_776 = arith.constant 1 : i32
      %add3A_777 = arith.addi %mul3A_775, %add3A_776 : i32
      %swap3A_778 = arith.constant 1 : i32
      %swap3A_779 = arith.index_cast %swap3A_778 : i32 to index
      %swap3A_780 = arith.index_cast %add3A_777 : i32 to index
      %swap3A_781 = arith.constant 96 : index
      %swap3A_782 = tpu.vector_load %arg6[%swap3A_779, %swap3A_780, %swap3A_781] {strides = array<i32>} : memref<8x64x128xf32, #tpu.memory_space<vmem>>, vector<1x1x16xf32>,
      %swap3A_783 = vector.shape_cast %swap3A_782 : vector<1x1x16xf32> to vector<16xf32>
      %swap3A_784 = vector.shape_cast %mul3A_773 : vector<16xf32> to vector<1x1x16xf32>
      tpu.vector_store %arg6[%swap3A_779, %swap3A_780, %swap3A_781], %swap3A_784 {strides = array<i32>} : memref<8x64x128xf32, #tpu.memory_space<vmem>>, vector<1x1x16xf32>,
      %mul3A_785 = arith.constant 2 : i32
      %mul3A_786 = arith.muli %scan3A_426, %mul3A_785 : i32
      %add3A_787 = arith.constant 1 : i32
      %add3A_788 = arith.addi %mul3A_786, %add3A_787 : i32
      %get3A_789 = arith.constant 1 : i32
      %get3A_790 = arith.index_cast %get3A_789 : i32 to index
      %get3A_791 = arith.index_cast %add3A_788 : i32 to index
      %get3A_792 = arith.constant 112 : index
      %get3A_793 = tpu.vector_load %arg6[%get3A_790, %get3A_791, %get3A_792] {strides = array<i32>} : memref<8x64x128xf32, #tpu.memory_space<vmem>>, vector<1x1x16xf32>,
      %get3A_794 = vector.shape_cast %get3A_793 : vector<1x1x16xf32> to vector<16xf32>
      %mul3A_795 = arith.constant 2.000000e-01 : f32
      %mul3A_796 = vector.broadcast %mul3A_795 : f32 to vector<16xf32>
      %mul3A_797 = arith.mulf %get3A_794, %mul3A_796 : vector<16xf32>
      %mul3A_798 = arith.constant 2 : i32
      %mul3A_799 = arith.muli %scan3A_426, %mul3A_798 : i32
      %add3A_800 = arith.constant 1 : i32
      %add3A_801 = arith.addi %mul3A_799, %add3A_800 : i32
      %swap3A_802 = arith.constant 1 : i32
      %swap3A_803 = arith.index_cast %swap3A_802 : i32 to index
      %swap3A_804 = arith.index_cast %add3A_801 : i32 to index
      %swap3A_805 = arith.constant 112 : index
      %swap3A_806 = tpu.vector_load %arg6[%swap3A_803, %swap3A_804, %swap3A_805] {strides = array<i32>} : memref<8x64x128xf32, #tpu.memory_space<vmem>>, vector<1x1x16xf32>,
      %swap3A_807 = vector.shape_cast %swap3A_806 : vector<1x1x16xf32> to vector<16xf32>
      %swap3A_808 = vector.shape_cast %mul3A_797 : vector<16xf32> to vector<1x1x16xf32>
      tpu.vector_store %arg6[%swap3A_803, %swap3A_804, %swap3A_805], %swap3A_808 {strides = array<i32>} : memref<8x64x128xf32, #tpu.memory_space<vmem>>, vector<1x1x16xf32>,
    }
    %scan3A_126 = arith.constant 32 : i32
    %add3A_127 = arith.constant 64 : i32
    %add3A_128 = arith.addi %mul3A_2, %add3A_127 : i32
    %dma_start3A_129 = arith.constant 1 : i32
    %dma_start3A_130 = arith.constant 0 : i32
    %dma_start3A_131 = arith.constant 0 : i32
    %dma_start3A_132 = tpu.memref_slice %arg6[%dma_start3A_129, %dma_start3A_130, %dma_start3A_131] : memref<8x64x128xf32, #tpu.memory_space<vmem>> -> memref<1x64x128xf32, #tpu.memory_space<vmem>>
    %dma_start3A_133 = tpu.memref_squeeze %dma_start3A_132 : memref<1x64x128xf32, #tpu.memory_space<vmem>> -> memref<64x128xf32, #tpu.memory_space<vmem>>
    %dma_start3A_134 = arith.constant 0 : i32
    %dma_start3A_135 = tpu.memref_slice %arg4[%add3A_128, %dma_start3A_134] : memref<16384x128xf32, #tpu.memory_space<hbm>> -> memref<64x128xf32, #tpu.memory_space<hbm>>
    %dma_start3A_136 = arith.constant 0 : i32
    %dma_start3A_137 = tpu.memref_slice %arg4[%add3A_128, %dma_start3A_136] : memref<16384x128xf32, #tpu.memory_space<hbm>> -> memref<64x128xf32, #tpu.memory_space<hbm>>
    %dma_start3A_138 = arith.constant 0 : i32
    %dma_start3A_139 = arith.constant 0 : i32
    %dma_start3A_140 = tpu.memref_slice %arg6[%dma_start3A_129, %dma_start3A_138, %dma_start3A_139] : memref<8x64x128xf32, #tpu.memory_space<vmem>> -> memref<1x64x128xf32, #tpu.memory_space<vmem>>
    %dma_start3A_141 = tpu.memref_squeeze %dma_start3A_140 : memref<1x64x128xf32, #tpu.memory_space<vmem>> -> memref<64x128xf32, #tpu.memory_space<vmem>>
    tpu.enqueue_dma source(%dma_start3A_141 : memref<64x128xf32, #tpu.memory_space<vmem>>) target(%dma_start3A_137 : memref<64x128xf32, #tpu.memory_space<hbm>>) target_semaphore(%arg15 : memref<!tpu.dma_semaphore, #tpu.memory_space<semaphore_mem>>)
    %dma_wait3A_142 = arith.constant 2 : i32
    %dma_wait3A_143 = arith.constant 0 : i32
    %dma_wait3A_144 = arith.constant 0 : i32
    %dma_wait3A_145 = tpu.memref_slice %arg6[%dma_wait3A_142, %dma_wait3A_143, %dma_wait3A_144] : memref<8x64x128xf32, #tpu.memory_space<vmem>> -> memref<1x64x128xf32, #tpu.memory_space<vmem>>
    %dma_wait3A_146 = tpu.memref_squeeze %dma_wait3A_145 : memref<1x64x128xf32, #tpu.memory_space<vmem>> -> memref<64x128xf32, #tpu.memory_space<vmem>>
    %dma_wait3A_147 = arith.constant 128 : i32
    %dma_wait3A_148 = tpu.memref_slice %arg5[%dma_wait3A_147] : memref<512xi32, #tpu.memory_space<vmem>> -> memref<64xi32, #tpu.memory_space<vmem>>
    %dma_wait3A_149 = arith.constant 0 : i32
    %dma_wait3A_150 = arith.constant 0 : i32
    %dma_wait3A_151 = tpu.memref_slice %arg2[%dma_wait3A_149, %dma_wait3A_150] : memref<100000x128xf32, #tpu.memory_space<hbm>> -> memref<100000x128xf32, #tpu.memory_space<hbm>>
    tpu.wait_indirect_dma semaphore(%arg9 : memref<!tpu.dma_semaphore, #tpu.memory_space<semaphore_mem>>) src(%dma_wait3A_151 : memref<100000x128xf32, #tpu.memory_space<hbm>>) dst(%dma_wait3A_146 : memref<64x128xf32, #tpu.memory_space<vmem>>)
    %scan3A_152 = arith.constant 0 : i32
    %scan3A_153 = arith.constant 32 : i32
    %scan3A_154 = arith.addi %scan3A_152, %scan3A_153 : i32
    %scan3A_155 = arith.constant 1 : i32
    scf.for %scan3A_426 = %scan3A_152 to %scan3A_154 step %scan3A_155  : i32 {
      %mul3A_427 = arith.constant 2 : i32
      %mul3A_428 = arith.muli %scan3A_426, %mul3A_427 : i32
      %add3A_429 = arith.constant 0 : i32
      %add3A_430 = arith.addi %mul3A_428, %add3A_429 : i32
      %get3A = arith.constant 2 : i32
      %get3A_431 = arith.index_cast %get3A : i32 to index
      %get3A_432 = arith.index_cast %add3A_430 : i32 to index
      %get3A_433 = arith.constant 0 : index
      %get3A_434 = tpu.vector_load %arg6[%get3A_431, %get3A_432, %get3A_433] {strides = array<i32>} : memref<8x64x128xf32, #tpu.memory_space<vmem>>, vector<1x1x16xf32>,
      %get3A_435 = vector.shape_cast %get3A_434 : vector<1x1x16xf32> to vector<16xf32>
      %mul3A_436 = arith.constant 2.000000e-01 : f32
      %mul3A_437 = vector.broadcast %mul3A_436 : f32 to vector<16xf32>
      %mul3A_438 = arith.mulf %get3A_435, %mul3A_437 : vector<16xf32>
      %mul3A_439 = arith.constant 2 : i32
      %mul3A_440 = arith.muli %scan3A_426, %mul3A_439 : i32
      %add3A_441 = arith.constant 0 : i32
      %add3A_442 = arith.addi %mul3A_440, %add3A_441 : i32
      %swap3A = arith.constant 2 : i32
      %swap3A_443 = arith.index_cast %swap3A : i32 to index
      %swap3A_444 = arith.index_cast %add3A_442 : i32 to index
      %swap3A_445 = arith.constant 0 : index
      %swap3A_446 = tpu.vector_load %arg6[%swap3A_443, %swap3A_444, %swap3A_445] {strides = array<i32>} : memref<8x64x128xf32, #tpu.memory_space<vmem>>, vector<1x1x16xf32>,
      %swap3A_447 = vector.shape_cast %swap3A_446 : vector<1x1x16xf32> to vector<16xf32>
      %swap3A_448 = vector.shape_cast %mul3A_438 : vector<16xf32> to vector<1x1x16xf32>
      tpu.vector_store %arg6[%swap3A_443, %swap3A_444, %swap3A_445], %swap3A_448 {strides = array<i32>} : memref<8x64x128xf32, #tpu.memory_space<vmem>>, vector<1x1x16xf32>,
      %mul3A_449 = arith.constant 2 : i32
      %mul3A_450 = arith.muli %scan3A_426, %mul3A_449 : i32
      %add3A_451 = arith.constant 0 : i32
      %add3A_452 = arith.addi %mul3A_450, %add3A_451 : i32
      %get3A_453 = arith.constant 2 : i32
      %get3A_454 = arith.index_cast %get3A_453 : i32 to index
      %get3A_455 = arith.index_cast %add3A_452 : i32 to index
      %get3A_456 = arith.constant 16 : index
      %get3A_457 = tpu.vector_load %arg6[%get3A_454, %get3A_455, %get3A_456] {strides = array<i32>} : memref<8x64x128xf32, #tpu.memory_space<vmem>>, vector<1x1x16xf32>,
      %get3A_458 = vector.shape_cast %get3A_457 : vector<1x1x16xf32> to vector<16xf32>
      %mul3A_459 = arith.constant 2.000000e-01 : f32
      %mul3A_460 = vector.broadcast %mul3A_459 : f32 to vector<16xf32>
      %mul3A_461 = arith.mulf %get3A_458, %mul3A_460 : vector<16xf32>
      %mul3A_462 = arith.constant 2 : i32
      %mul3A_463 = arith.muli %scan3A_426, %mul3A_462 : i32
      %add3A_464 = arith.constant 0 : i32
      %add3A_465 = arith.addi %mul3A_463, %add3A_464 : i32
      %swap3A_466 = arith.constant 2 : i32
      %swap3A_467 = arith.index_cast %swap3A_466 : i32 to index
      %swap3A_468 = arith.index_cast %add3A_465 : i32 to index
      %swap3A_469 = arith.constant 16 : index
      %swap3A_470 = tpu.vector_load %arg6[%swap3A_467, %swap3A_468, %swap3A_469] {strides = array<i32>} : memref<8x64x128xf32, #tpu.memory_space<vmem>>, vector<1x1x16xf32>,
      %swap3A_471 = vector.shape_cast %swap3A_470 : vector<1x1x16xf32> to vector<16xf32>
      %swap3A_472 = vector.shape_cast %mul3A_461 : vector<16xf32> to vector<1x1x16xf32>
      tpu.vector_store %arg6[%swap3A_467, %swap3A_468, %swap3A_469], %swap3A_472 {strides = array<i32>} : memref<8x64x128xf32, #tpu.memory_space<vmem>>, vector<1x1x16xf32>,
      %mul3A_473 = arith.constant 2 : i32
      %mul3A_474 = arith.muli %scan3A_426, %mul3A_473 : i32
      %add3A_475 = arith.constant 0 : i32
      %add3A_476 = arith.addi %mul3A_474, %add3A_475 : i32
      %get3A_477 = arith.constant 2 : i32
      %get3A_478 = arith.index_cast %get3A_477 : i32 to index
      %get3A_479 = arith.index_cast %add3A_476 : i32 to index
      %get3A_480 = arith.constant 32 : index
      %get3A_481 = tpu.vector_load %arg6[%get3A_478, %get3A_479, %get3A_480] {strides = array<i32>} : memref<8x64x128xf32, #tpu.memory_space<vmem>>, vector<1x1x16xf32>,
      %get3A_482 = vector.shape_cast %get3A_481 : vector<1x1x16xf32> to vector<16xf32>
      %mul3A_483 = arith.constant 2.000000e-01 : f32
      %mul3A_484 = vector.broadcast %mul3A_483 : f32 to vector<16xf32>
      %mul3A_485 = arith.mulf %get3A_482, %mul3A_484 : vector<16xf32>
      %mul3A_486 = arith.constant 2 : i32
      %mul3A_487 = arith.muli %scan3A_426, %mul3A_486 : i32
      %add3A_488 = arith.constant 0 : i32
      %add3A_489 = arith.addi %mul3A_487, %add3A_488 : i32
      %swap3A_490 = arith.constant 2 : i32
      %swap3A_491 = arith.index_cast %swap3A_490 : i32 to index
      %swap3A_492 = arith.index_cast %add3A_489 : i32 to index
      %swap3A_493 = arith.constant 32 : index
      %swap3A_494 = tpu.vector_load %arg6[%swap3A_491, %swap3A_492, %swap3A_493] {strides = array<i32>} : memref<8x64x128xf32, #tpu.memory_space<vmem>>, vector<1x1x16xf32>,
      %swap3A_495 = vector.shape_cast %swap3A_494 : vector<1x1x16xf32> to vector<16xf32>
      %swap3A_496 = vector.shape_cast %mul3A_485 : vector<16xf32> to vector<1x1x16xf32>
      tpu.vector_store %arg6[%swap3A_491, %swap3A_492, %swap3A_493], %swap3A_496 {strides = array<i32>} : memref<8x64x128xf32, #tpu.memory_space<vmem>>, vector<1x1x16xf32>,
      %mul3A_497 = arith.constant 2 : i32
      %mul3A_498 = arith.muli %scan3A_426, %mul3A_497 : i32
      %add3A_499 = arith.constant 0 : i32
      %add3A_500 = arith.addi %mul3A_498, %add3A_499 : i32
      %get3A_501 = arith.constant 2 : i32
      %get3A_502 = arith.index_cast %get3A_501 : i32 to index
      %get3A_503 = arith.index_cast %add3A_500 : i32 to index
      %get3A_504 = arith.constant 48 : index
      %get3A_505 = tpu.vector_load %arg6[%get3A_502, %get3A_503, %get3A_504] {strides = array<i32>} : memref<8x64x128xf32, #tpu.memory_space<vmem>>, vector<1x1x16xf32>,
      %get3A_506 = vector.shape_cast %get3A_505 : vector<1x1x16xf32> to vector<16xf32>
      %mul3A_507 = arith.constant 2.000000e-01 : f32
      %mul3A_508 = vector.broadcast %mul3A_507 : f32 to vector<16xf32>
      %mul3A_509 = arith.mulf %get3A_506, %mul3A_508 : vector<16xf32>
      %mul3A_510 = arith.constant 2 : i32
      %mul3A_511 = arith.muli %scan3A_426, %mul3A_510 : i32
      %add3A_512 = arith.constant 0 : i32
      %add3A_513 = arith.addi %mul3A_511, %add3A_512 : i32
      %swap3A_514 = arith.constant 2 : i32
      %swap3A_515 = arith.index_cast %swap3A_514 : i32 to index
      %swap3A_516 = arith.index_cast %add3A_513 : i32 to index
      %swap3A_517 = arith.constant 48 : index
      %swap3A_518 = tpu.vector_load %arg6[%swap3A_515, %swap3A_516, %swap3A_517] {strides = array<i32>} : memref<8x64x128xf32, #tpu.memory_space<vmem>>, vector<1x1x16xf32>,
      %swap3A_519 = vector.shape_cast %swap3A_518 : vector<1x1x16xf32> to vector<16xf32>
      %swap3A_520 = vector.shape_cast %mul3A_509 : vector<16xf32> to vector<1x1x16xf32>
      tpu.vector_store %arg6[%swap3A_515, %swap3A_516, %swap3A_517], %swap3A_520 {strides = array<i32>} : memref<8x64x128xf32, #tpu.memory_space<vmem>>, vector<1x1x16xf32>,
      %mul3A_521 = arith.constant 2 : i32
      %mul3A_522 = arith.muli %scan3A_426, %mul3A_521 : i32
      %add3A_523 = arith.constant 0 : i32
      %add3A_524 = arith.addi %mul3A_522, %add3A_523 : i32
      %get3A_525 = arith.constant 2 : i32
      %get3A_526 = arith.index_cast %get3A_525 : i32 to index
      %get3A_527 = arith.index_cast %add3A_524 : i32 to index
      %get3A_528 = arith.constant 64 : index
      %get3A_529 = tpu.vector_load %arg6[%get3A_526, %get3A_527, %get3A_528] {strides = array<i32>} : memref<8x64x128xf32, #tpu.memory_space<vmem>>, vector<1x1x16xf32>,
      %get3A_530 = vector.shape_cast %get3A_529 : vector<1x1x16xf32> to vector<16xf32>
      %mul3A_531 = arith.constant 2.000000e-01 : f32
      %mul3A_532 = vector.broadcast %mul3A_531 : f32 to vector<16xf32>
      %mul3A_533 = arith.mulf %get3A_530, %mul3A_532 : vector<16xf32>
      %mul3A_534 = arith.constant 2 : i32
      %mul3A_535 = arith.muli %scan3A_426, %mul3A_534 : i32
      %add3A_536 = arith.constant 0 : i32
      %add3A_537 = arith.addi %mul3A_535, %add3A_536 : i32
      %swap3A_538 = arith.constant 2 : i32
      %swap3A_539 = arith.index_cast %swap3A_538 : i32 to index
      %swap3A_540 = arith.index_cast %add3A_537 : i32 to index
      %swap3A_541 = arith.constant 64 : index
      %swap3A_542 = tpu.vector_load %arg6[%swap3A_539, %swap3A_540, %swap3A_541] {strides = array<i32>} : memref<8x64x128xf32, #tpu.memory_space<vmem>>, vector<1x1x16xf32>,
      %swap3A_543 = vector.shape_cast %swap3A_542 : vector<1x1x16xf32> to vector<16xf32>
      %swap3A_544 = vector.shape_cast %mul3A_533 : vector<16xf32> to vector<1x1x16xf32>
      tpu.vector_store %arg6[%swap3A_539, %swap3A_540, %swap3A_541], %swap3A_544 {strides = array<i32>} : memref<8x64x128xf32, #tpu.memory_space<vmem>>, vector<1x1x16xf32>,
      %mul3A_545 = arith.constant 2 : i32
      %mul3A_546 = arith.muli %scan3A_426, %mul3A_545 : i32
      %add3A_547 = arith.constant 0 : i32
      %add3A_548 = arith.addi %mul3A_546, %add3A_547 : i32
      %get3A_549 = arith.constant 2 : i32
      %get3A_550 = arith.index_cast %get3A_549 : i32 to index
      %get3A_551 = arith.index_cast %add3A_548 : i32 to index
      %get3A_552 = arith.constant 80 : index
      %get3A_553 = tpu.vector_load %arg6[%get3A_550, %get3A_551, %get3A_552] {strides = array<i32>} : memref<8x64x128xf32, #tpu.memory_space<vmem>>, vector<1x1x16xf32>,
      %get3A_554 = vector.shape_cast %get3A_553 : vector<1x1x16xf32> to vector<16xf32>
      %mul3A_555 = arith.constant 2.000000e-01 : f32
      %mul3A_556 = vector.broadcast %mul3A_555 : f32 to vector<16xf32>
      %mul3A_557 = arith.mulf %get3A_554, %mul3A_556 : vector<16xf32>
      %mul3A_558 = arith.constant 2 : i32
      %mul3A_559 = arith.muli %scan3A_426, %mul3A_558 : i32
      %add3A_560 = arith.constant 0 : i32
      %add3A_561 = arith.addi %mul3A_559, %add3A_560 : i32
      %swap3A_562 = arith.constant 2 : i32
      %swap3A_563 = arith.index_cast %swap3A_562 : i32 to index
      %swap3A_564 = arith.index_cast %add3A_561 : i32 to index
      %swap3A_565 = arith.constant 80 : index
      %swap3A_566 = tpu.vector_load %arg6[%swap3A_563, %swap3A_564, %swap3A_565] {strides = array<i32>} : memref<8x64x128xf32, #tpu.memory_space<vmem>>, vector<1x1x16xf32>,
      %swap3A_567 = vector.shape_cast %swap3A_566 : vector<1x1x16xf32> to vector<16xf32>
      %swap3A_568 = vector.shape_cast %mul3A_557 : vector<16xf32> to vector<1x1x16xf32>
      tpu.vector_store %arg6[%swap3A_563, %swap3A_564, %swap3A_565], %swap3A_568 {strides = array<i32>} : memref<8x64x128xf32, #tpu.memory_space<vmem>>, vector<1x1x16xf32>,
      %mul3A_569 = arith.constant 2 : i32
      %mul3A_570 = arith.muli %scan3A_426, %mul3A_569 : i32
      %add3A_571 = arith.constant 0 : i32
      %add3A_572 = arith.addi %mul3A_570, %add3A_571 : i32
      %get3A_573 = arith.constant 2 : i32
      %get3A_574 = arith.index_cast %get3A_573 : i32 to index
      %get3A_575 = arith.index_cast %add3A_572 : i32 to index
      %get3A_576 = arith.constant 96 : index
      %get3A_577 = tpu.vector_load %arg6[%get3A_574, %get3A_575, %get3A_576] {strides = array<i32>} : memref<8x64x128xf32, #tpu.memory_space<vmem>>, vector<1x1x16xf32>,
      %get3A_578 = vector.shape_cast %get3A_577 : vector<1x1x16xf32> to vector<16xf32>
      %mul3A_579 = arith.constant 2.000000e-01 : f32
      %mul3A_580 = vector.broadcast %mul3A_579 : f32 to vector<16xf32>
      %mul3A_581 = arith.mulf %get3A_578, %mul3A_580 : vector<16xf32>
      %mul3A_582 = arith.constant 2 : i32
      %mul3A_583 = arith.muli %scan3A_426, %mul3A_582 : i32
      %add3A_584 = arith.constant 0 : i32
      %add3A_585 = arith.addi %mul3A_583, %add3A_584 : i32
      %swap3A_586 = arith.constant 2 : i32
      %swap3A_587 = arith.index_cast %swap3A_586 : i32 to index
      %swap3A_588 = arith.index_cast %add3A_585 : i32 to index
      %swap3A_589 = arith.constant 96 : index
      %swap3A_590 = tpu.vector_load %arg6[%swap3A_587, %swap3A_588, %swap3A_589] {strides = array<i32>} : memref<8x64x128xf32, #tpu.memory_space<vmem>>, vector<1x1x16xf32>,
      %swap3A_591 = vector.shape_cast %swap3A_590 : vector<1x1x16xf32> to vector<16xf32>
      %swap3A_592 = vector.shape_cast %mul3A_581 : vector<16xf32> to vector<1x1x16xf32>
      tpu.vector_store %arg6[%swap3A_587, %swap3A_588, %swap3A_589], %swap3A_592 {strides = array<i32>} : memref<8x64x128xf32, #tpu.memory_space<vmem>>, vector<1x1x16xf32>,
      %mul3A_593 = arith.constant 2 : i32
      %mul3A_594 = arith.muli %scan3A_426, %mul3A_593 : i32
      %add3A_595 = arith.constant 0 : i32
      %add3A_596 = arith.addi %mul3A_594, %add3A_595 : i32
      %get3A_597 = arith.constant 2 : i32
      %get3A_598 = arith.index_cast %get3A_597 : i32 to index
      %get3A_599 = arith.index_cast %add3A_596 : i32 to index
      %get3A_600 = arith.constant 112 : index
      %get3A_601 = tpu.vector_load %arg6[%get3A_598, %get3A_599, %get3A_600] {strides = array<i32>} : memref<8x64x128xf32, #tpu.memory_space<vmem>>, vector<1x1x16xf32>,
      %get3A_602 = vector.shape_cast %get3A_601 : vector<1x1x16xf32> to vector<16xf32>
      %mul3A_603 = arith.constant 2.000000e-01 : f32
      %mul3A_604 = vector.broadcast %mul3A_603 : f32 to vector<16xf32>
      %mul3A_605 = arith.mulf %get3A_602, %mul3A_604 : vector<16xf32>
      %mul3A_606 = arith.constant 2 : i32
      %mul3A_607 = arith.muli %scan3A_426, %mul3A_606 : i32
      %add3A_608 = arith.constant 0 : i32
      %add3A_609 = arith.addi %mul3A_607, %add3A_608 : i32
      %swap3A_610 = arith.constant 2 : i32
      %swap3A_611 = arith.index_cast %swap3A_610 : i32 to index
      %swap3A_612 = arith.index_cast %add3A_609 : i32 to index
      %swap3A_613 = arith.constant 112 : index
      %swap3A_614 = tpu.vector_load %arg6[%swap3A_611, %swap3A_612, %swap3A_613] {strides = array<i32>} : memref<8x64x128xf32, #tpu.memory_space<vmem>>, vector<1x1x16xf32>,
      %swap3A_615 = vector.shape_cast %swap3A_614 : vector<1x1x16xf32> to vector<16xf32>
      %swap3A_616 = vector.shape_cast %mul3A_605 : vector<16xf32> to vector<1x1x16xf32>
      tpu.vector_store %arg6[%swap3A_611, %swap3A_612, %swap3A_613], %swap3A_616 {strides = array<i32>} : memref<8x64x128xf32, #tpu.memory_space<vmem>>, vector<1x1x16xf32>,
      %mul3A_617 = arith.constant 2 : i32
      %mul3A_618 = arith.muli %scan3A_426, %mul3A_617 : i32
      %add3A_619 = arith.constant 1 : i32
      %add3A_620 = arith.addi %mul3A_618, %add3A_619 : i32
      %get3A_621 = arith.constant 2 : i32
      %get3A_622 = arith.index_cast %get3A_621 : i32 to index
      %get3A_623 = arith.index_cast %add3A_620 : i32 to index
      %get3A_624 = arith.constant 0 : index
      %get3A_625 = tpu.vector_load %arg6[%get3A_622, %get3A_623, %get3A_624] {strides = array<i32>} : memref<8x64x128xf32, #tpu.memory_space<vmem>>, vector<1x1x16xf32>,
      %get3A_626 = vector.shape_cast %get3A_625 : vector<1x1x16xf32> to vector<16xf32>
      %mul3A_627 = arith.constant 2.000000e-01 : f32
      %mul3A_628 = vector.broadcast %mul3A_627 : f32 to vector<16xf32>
      %mul3A_629 = arith.mulf %get3A_626, %mul3A_628 : vector<16xf32>
      %mul3A_630 = arith.constant 2 : i32
      %mul3A_631 = arith.muli %scan3A_426, %mul3A_630 : i32
      %add3A_632 = arith.constant 1 : i32
      %add3A_633 = arith.addi %mul3A_631, %add3A_632 : i32
      %swap3A_634 = arith.constant 2 : i32
      %swap3A_635 = arith.index_cast %swap3A_634 : i32 to index
      %swap3A_636 = arith.index_cast %add3A_633 : i32 to index
      %swap3A_637 = arith.constant 0 : index
      %swap3A_638 = tpu.vector_load %arg6[%swap3A_635, %swap3A_636, %swap3A_637] {strides = array<i32>} : memref<8x64x128xf32, #tpu.memory_space<vmem>>, vector<1x1x16xf32>,
      %swap3A_639 = vector.shape_cast %swap3A_638 : vector<1x1x16xf32> to vector<16xf32>
      %swap3A_640 = vector.shape_cast %mul3A_629 : vector<16xf32> to vector<1x1x16xf32>
      tpu.vector_store %arg6[%swap3A_635, %swap3A_636, %swap3A_637], %swap3A_640 {strides = array<i32>} : memref<8x64x128xf32, #tpu.memory_space<vmem>>, vector<1x1x16xf32>,
      %mul3A_641 = arith.constant 2 : i32
      %mul3A_642 = arith.muli %scan3A_426, %mul3A_641 : i32
      %add3A_643 = arith.constant 1 : i32
      %add3A_644 = arith.addi %mul3A_642, %add3A_643 : i32
      %get3A_645 = arith.constant 2 : i32
      %get3A_646 = arith.index_cast %get3A_645 : i32 to index
      %get3A_647 = arith.index_cast %add3A_644 : i32 to index
      %get3A_648 = arith.constant 16 : index
      %get3A_649 = tpu.vector_load %arg6[%get3A_646, %get3A_647, %get3A_648] {strides = array<i32>} : memref<8x64x128xf32, #tpu.memory_space<vmem>>, vector<1x1x16xf32>,
      %get3A_650 = vector.shape_cast %get3A_649 : vector<1x1x16xf32> to vector<16xf32>
      %mul3A_651 = arith.constant 2.000000e-01 : f32
      %mul3A_652 = vector.broadcast %mul3A_651 : f32 to vector<16xf32>
      %mul3A_653 = arith.mulf %get3A_650, %mul3A_652 : vector<16xf32>
      %mul3A_654 = arith.constant 2 : i32
      %mul3A_655 = arith.muli %scan3A_426, %mul3A_654 : i32
      %add3A_656 = arith.constant 1 : i32
      %add3A_657 = arith.addi %mul3A_655, %add3A_656 : i32
      %swap3A_658 = arith.constant 2 : i32
      %swap3A_659 = arith.index_cast %swap3A_658 : i32 to index
      %swap3A_660 = arith.index_cast %add3A_657 : i32 to index
      %swap3A_661 = arith.constant 16 : index
      %swap3A_662 = tpu.vector_load %arg6[%swap3A_659, %swap3A_660, %swap3A_661] {strides = array<i32>} : memref<8x64x128xf32, #tpu.memory_space<vmem>>, vector<1x1x16xf32>,
      %swap3A_663 = vector.shape_cast %swap3A_662 : vector<1x1x16xf32> to vector<16xf32>
      %swap3A_664 = vector.shape_cast %mul3A_653 : vector<16xf32> to vector<1x1x16xf32>
      tpu.vector_store %arg6[%swap3A_659, %swap3A_660, %swap3A_661], %swap3A_664 {strides = array<i32>} : memref<8x64x128xf32, #tpu.memory_space<vmem>>, vector<1x1x16xf32>,
      %mul3A_665 = arith.constant 2 : i32
      %mul3A_666 = arith.muli %scan3A_426, %mul3A_665 : i32
      %add3A_667 = arith.constant 1 : i32
      %add3A_668 = arith.addi %mul3A_666, %add3A_667 : i32
      %get3A_669 = arith.constant 2 : i32
      %get3A_670 = arith.index_cast %get3A_669 : i32 to index
      %get3A_671 = arith.index_cast %add3A_668 : i32 to index
      %get3A_672 = arith.constant 32 : index
      %get3A_673 = tpu.vector_load %arg6[%get3A_670, %get3A_671, %get3A_672] {strides = array<i32>} : memref<8x64x128xf32, #tpu.memory_space<vmem>>, vector<1x1x16xf32>,
      %get3A_674 = vector.shape_cast %get3A_673 : vector<1x1x16xf32> to vector<16xf32>
      %mul3A_675 = arith.constant 2.000000e-01 : f32
      %mul3A_676 = vector.broadcast %mul3A_675 : f32 to vector<16xf32>
      %mul3A_677 = arith.mulf %get3A_674, %mul3A_676 : vector<16xf32>
      %mul3A_678 = arith.constant 2 : i32
      %mul3A_679 = arith.muli %scan3A_426, %mul3A_678 : i32
      %add3A_680 = arith.constant 1 : i32
      %add3A_681 = arith.addi %mul3A_679, %add3A_680 : i32
      %swap3A_682 = arith.constant 2 : i32
      %swap3A_683 = arith.index_cast %swap3A_682 : i32 to index
      %swap3A_684 = arith.index_cast %add3A_681 : i32 to index
      %swap3A_685 = arith.constant 32 : index
      %swap3A_686 = tpu.vector_load %arg6[%swap3A_683, %swap3A_684, %swap3A_685] {strides = array<i32>} : memref<8x64x128xf32, #tpu.memory_space<vmem>>, vector<1x1x16xf32>,
      %swap3A_687 = vector.shape_cast %swap3A_686 : vector<1x1x16xf32> to vector<16xf32>
      %swap3A_688 = vector.shape_cast %mul3A_677 : vector<16xf32> to vector<1x1x16xf32>
      tpu.vector_store %arg6[%swap3A_683, %swap3A_684, %swap3A_685], %swap3A_688 {strides = array<i32>} : memref<8x64x128xf32, #tpu.memory_space<vmem>>, vector<1x1x16xf32>,
      %mul3A_689 = arith.constant 2 : i32
      %mul3A_690 = arith.muli %scan3A_426, %mul3A_689 : i32
      %add3A_691 = arith.constant 1 : i32
      %add3A_692 = arith.addi %mul3A_690, %add3A_691 : i32
      %get3A_693 = arith.constant 2 : i32
      %get3A_694 = arith.index_cast %get3A_693 : i32 to index
      %get3A_695 = arith.index_cast %add3A_692 : i32 to index
      %get3A_696 = arith.constant 48 : index
      %get3A_697 = tpu.vector_load %arg6[%get3A_694, %get3A_695, %get3A_696] {strides = array<i32>} : memref<8x64x128xf32, #tpu.memory_space<vmem>>, vector<1x1x16xf32>,
      %get3A_698 = vector.shape_cast %get3A_697 : vector<1x1x16xf32> to vector<16xf32>
      %mul3A_699 = arith.constant 2.000000e-01 : f32
      %mul3A_700 = vector.broadcast %mul3A_699 : f32 to vector<16xf32>
      %mul3A_701 = arith.mulf %get3A_698, %mul3A_700 : vector<16xf32>
      %mul3A_702 = arith.constant 2 : i32
      %mul3A_703 = arith.muli %scan3A_426, %mul3A_702 : i32
      %add3A_704 = arith.constant 1 : i32
      %add3A_705 = arith.addi %mul3A_703, %add3A_704 : i32
      %swap3A_706 = arith.constant 2 : i32
      %swap3A_707 = arith.index_cast %swap3A_706 : i32 to index
      %swap3A_708 = arith.index_cast %add3A_705 : i32 to index
      %swap3A_709 = arith.constant 48 : index
      %swap3A_710 = tpu.vector_load %arg6[%swap3A_707, %swap3A_708, %swap3A_709] {strides = array<i32>} : memref<8x64x128xf32, #tpu.memory_space<vmem>>, vector<1x1x16xf32>,
      %swap3A_711 = vector.shape_cast %swap3A_710 : vector<1x1x16xf32> to vector<16xf32>
      %swap3A_712 = vector.shape_cast %mul3A_701 : vector<16xf32> to vector<1x1x16xf32>
      tpu.vector_store %arg6[%swap3A_707, %swap3A_708, %swap3A_709], %swap3A_712 {strides = array<i32>} : memref<8x64x128xf32, #tpu.memory_space<vmem>>, vector<1x1x16xf32>,
      %mul3A_713 = arith.constant 2 : i32
      %mul3A_714 = arith.muli %scan3A_426, %mul3A_713 : i32
      %add3A_715 = arith.constant 1 : i32
      %add3A_716 = arith.addi %mul3A_714, %add3A_715 : i32
      %get3A_717 = arith.constant 2 : i32
      %get3A_718 = arith.index_cast %get3A_717 : i32 to index
      %get3A_719 = arith.index_cast %add3A_716 : i32 to index
      %get3A_720 = arith.constant 64 : index
      %get3A_721 = tpu.vector_load %arg6[%get3A_718, %get3A_719, %get3A_720] {strides = array<i32>} : memref<8x64x128xf32, #tpu.memory_space<vmem>>, vector<1x1x16xf32>,
      %get3A_722 = vector.shape_cast %get3A_721 : vector<1x1x16xf32> to vector<16xf32>
      %mul3A_723 = arith.constant 2.000000e-01 : f32
      %mul3A_724 = vector.broadcast %mul3A_723 : f32 to vector<16xf32>
      %mul3A_725 = arith.mulf %get3A_722, %mul3A_724 : vector<16xf32>
      %mul3A_726 = arith.constant 2 : i32
      %mul3A_727 = arith.muli %scan3A_426, %mul3A_726 : i32
      %add3A_728 = arith.constant 1 : i32
      %add3A_729 = arith.addi %mul3A_727, %add3A_728 : i32
      %swap3A_730 = arith.constant 2 : i32
      %swap3A_731 = arith.index_cast %swap3A_730 : i32 to index
      %swap3A_732 = arith.index_cast %add3A_729 : i32 to index
      %swap3A_733 = arith.constant 64 : index
      %swap3A_734 = tpu.vector_load %arg6[%swap3A_731, %swap3A_732, %swap3A_733] {strides = array<i32>} : memref<8x64x128xf32, #tpu.memory_space<vmem>>, vector<1x1x16xf32>,
      %swap3A_735 = vector.shape_cast %swap3A_734 : vector<1x1x16xf32> to vector<16xf32>
      %swap3A_736 = vector.shape_cast %mul3A_725 : vector<16xf32> to vector<1x1x16xf32>
      tpu.vector_store %arg6[%swap3A_731, %swap3A_732, %swap3A_733], %swap3A_736 {strides = array<i32>} : memref<8x64x128xf32, #tpu.memory_space<vmem>>, vector<1x1x16xf32>,
      %mul3A_737 = arith.constant 2 : i32
      %mul3A_738 = arith.muli %scan3A_426, %mul3A_737 : i32
      %add3A_739 = arith.constant 1 : i32
      %add3A_740 = arith.addi %mul3A_738, %add3A_739 : i32
      %get3A_741 = arith.constant 2 : i32
      %get3A_742 = arith.index_cast %get3A_741 : i32 to index
      %get3A_743 = arith.index_cast %add3A_740 : i32 to index
      %get3A_744 = arith.constant 80 : index
      %get3A_745 = tpu.vector_load %arg6[%get3A_742, %get3A_743, %get3A_744] {strides = array<i32>} : memref<8x64x128xf32, #tpu.memory_space<vmem>>, vector<1x1x16xf32>,
      %get3A_746 = vector.shape_cast %get3A_745 : vector<1x1x16xf32> to vector<16xf32>
      %mul3A_747 = arith.constant 2.000000e-01 : f32
      %mul3A_748 = vector.broadcast %mul3A_747 : f32 to vector<16xf32>
      %mul3A_749 = arith.mulf %get3A_746, %mul3A_748 : vector<16xf32>
      %mul3A_750 = arith.constant 2 : i32
      %mul3A_751 = arith.muli %scan3A_426, %mul3A_750 : i32
      %add3A_752 = arith.constant 1 : i32
      %add3A_753 = arith.addi %mul3A_751, %add3A_752 : i32
      %swap3A_754 = arith.constant 2 : i32
      %swap3A_755 = arith.index_cast %swap3A_754 : i32 to index
      %swap3A_756 = arith.index_cast %add3A_753 : i32 to index
      %swap3A_757 = arith.constant 80 : index
      %swap3A_758 = tpu.vector_load %arg6[%swap3A_755, %swap3A_756, %swap3A_757] {strides = array<i32>} : memref<8x64x128xf32, #tpu.memory_space<vmem>>, vector<1x1x16xf32>,
      %swap3A_759 = vector.shape_cast %swap3A_758 : vector<1x1x16xf32> to vector<16xf32>
      %swap3A_760 = vector.shape_cast %mul3A_749 : vector<16xf32> to vector<1x1x16xf32>
      tpu.vector_store %arg6[%swap3A_755, %swap3A_756, %swap3A_757], %swap3A_760 {strides = array<i32>} : memref<8x64x128xf32, #tpu.memory_space<vmem>>, vector<1x1x16xf32>,
      %mul3A_761 = arith.constant 2 : i32
      %mul3A_762 = arith.muli %scan3A_426, %mul3A_761 : i32
      %add3A_763 = arith.constant 1 : i32
      %add3A_764 = arith.addi %mul3A_762, %add3A_763 : i32
      %get3A_765 = arith.constant 2 : i32
      %get3A_766 = arith.index_cast %get3A_765 : i32 to index
      %get3A_767 = arith.index_cast %add3A_764 : i32 to index
      %get3A_768 = arith.constant 96 : index
      %get3A_769 = tpu.vector_load %arg6[%get3A_766, %get3A_767, %get3A_768] {strides = array<i32>} : memref<8x64x128xf32, #tpu.memory_space<vmem>>, vector<1x1x16xf32>,
      %get3A_770 = vector.shape_cast %get3A_769 : vector<1x1x16xf32> to vector<16xf32>
      %mul3A_771 = arith.constant 2.000000e-01 : f32
      %mul3A_772 = vector.broadcast %mul3A_771 : f32 to vector<16xf32>
      %mul3A_773 = arith.mulf %get3A_770, %mul3A_772 : vector<16xf32>
      %mul3A_774 = arith.constant 2 : i32
      %mul3A_775 = arith.muli %scan3A_426, %mul3A_774 : i32
      %add3A_776 = arith.constant 1 : i32
      %add3A_777 = arith.addi %mul3A_775, %add3A_776 : i32
      %swap3A_778 = arith.constant 2 : i32
      %swap3A_779 = arith.index_cast %swap3A_778 : i32 to index
      %swap3A_780 = arith.index_cast %add3A_777 : i32 to index
      %swap3A_781 = arith.constant 96 : index
      %swap3A_782 = tpu.vector_load %arg6[%swap3A_779, %swap3A_780, %swap3A_781] {strides = array<i32>} : memref<8x64x128xf32, #tpu.memory_space<vmem>>, vector<1x1x16xf32>,
      %swap3A_783 = vector.shape_cast %swap3A_782 : vector<1x1x16xf32> to vector<16xf32>
      %swap3A_784 = vector.shape_cast %mul3A_773 : vector<16xf32> to vector<1x1x16xf32>
      tpu.vector_store %arg6[%swap3A_779, %swap3A_780, %swap3A_781], %swap3A_784 {strides = array<i32>} : memref<8x64x128xf32, #tpu.memory_space<vmem>>, vector<1x1x16xf32>,
      %mul3A_785 = arith.constant 2 : i32
      %mul3A_786 = arith.muli %scan3A_426, %mul3A_785 : i32
      %add3A_787 = arith.constant 1 : i32
      %add3A_788 = arith.addi %mul3A_786, %add3A_787 : i32
      %get3A_789 = arith.constant 2 : i32
      %get3A_790 = arith.index_cast %get3A_789 : i32 to index
      %get3A_791 = arith.index_cast %add3A_788 : i32 to index
      %get3A_792 = arith.constant 112 : index
      %get3A_793 = tpu.vector_load %arg6[%get3A_790, %get3A_791, %get3A_792] {strides = array<i32>} : memref<8x64x128xf32, #tpu.memory_space<vmem>>, vector<1x1x16xf32>,
      %get3A_794 = vector.shape_cast %get3A_793 : vector<1x1x16xf32> to vector<16xf32>
      %mul3A_795 = arith.constant 2.000000e-01 : f32
      %mul3A_796 = vector.broadcast %mul3A_795 : f32 to vector<16xf32>
      %mul3A_797 = arith.mulf %get3A_794, %mul3A_796 : vector<16xf32>
      %mul3A_798 = arith.constant 2 : i32
      %mul3A_799 = arith.muli %scan3A_426, %mul3A_798 : i32
      %add3A_800 = arith.constant 1 : i32
      %add3A_801 = arith.addi %mul3A_799, %add3A_800 : i32
      %swap3A_802 = arith.constant 2 : i32
      %swap3A_803 = arith.index_cast %swap3A_802 : i32 to index
      %swap3A_804 = arith.index_cast %add3A_801 : i32 to index
      %swap3A_805 = arith.constant 112 : index
      %swap3A_806 = tpu.vector_load %arg6[%swap3A_803, %swap3A_804, %swap3A_805] {strides = array<i32>} : memref<8x64x128xf32, #tpu.memory_space<vmem>>, vector<1x1x16xf32>,
      %swap3A_807 = vector.shape_cast %swap3A_806 : vector<1x1x16xf32> to vector<16xf32>
      %swap3A_808 = vector.shape_cast %mul3A_797 : vector<16xf32> to vector<1x1x16xf32>
      tpu.vector_store %arg6[%swap3A_803, %swap3A_804, %swap3A_805], %swap3A_808 {strides = array<i32>} : memref<8x64x128xf32, #tpu.memory_space<vmem>>, vector<1x1x16xf32>,
    }
    %scan3A_156 = arith.constant 32 : i32
    %add3A_157 = arith.constant 128 : i32
    %add3A_158 = arith.addi %mul3A_2, %add3A_157 : i32
    %dma_start3A_159 = arith.constant 2 : i32
    %dma_start3A_160 = arith.constant 0 : i32
    %dma_start3A_161 = arith.constant 0 : i32
    %dma_start3A_162 = tpu.memref_slice %arg6[%dma_start3A_159, %dma_start3A_160, %dma_start3A_161] : memref<8x64x128xf32, #tpu.memory_space<vmem>> -> memref<1x64x128xf32, #tpu.memory_space<vmem>>
    %dma_start3A_163 = tpu.memref_squeeze %dma_start3A_162 : memref<1x64x128xf32, #tpu.memory_space<vmem>> -> memref<64x128xf32, #tpu.memory_space<vmem>>
    %dma_start3A_164 = arith.constant 0 : i32
    %dma_start3A_165 = tpu.memref_slice %arg4[%add3A_158, %dma_start3A_164] : memref<16384x128xf32, #tpu.memory_space<hbm>> -> memref<64x128xf32, #tpu.memory_space<hbm>>
    %dma_start3A_166 = arith.constant 0 : i32
    %dma_start3A_167 = tpu.memref_slice %arg4[%add3A_158, %dma_start3A_166] : memref<16384x128xf32, #tpu.memory_space<hbm>> -> memref<64x128xf32, #tpu.memory_space<hbm>>
    %dma_start3A_168 = arith.constant 0 : i32
    %dma_start3A_169 = arith.constant 0 : i32
    %dma_start3A_170 = tpu.memref_slice %arg6[%dma_start3A_159, %dma_start3A_168, %dma_start3A_169] : memref<8x64x128xf32, #tpu.memory_space<vmem>> -> memref<1x64x128xf32, #tpu.memory_space<vmem>>
    %dma_start3A_171 = tpu.memref_squeeze %dma_start3A_170 : memref<1x64x128xf32, #tpu.memory_space<vmem>> -> memref<64x128xf32, #tpu.memory_space<vmem>>
    tpu.enqueue_dma source(%dma_start3A_171 : memref<64x128xf32, #tpu.memory_space<vmem>>) target(%dma_start3A_167 : memref<64x128xf32, #tpu.memory_space<hbm>>) target_semaphore(%arg15 : memref<!tpu.dma_semaphore, #tpu.memory_space<semaphore_mem>>)
    %dma_wait3A_172 = arith.constant 3 : i32
    %dma_wait3A_173 = arith.constant 0 : i32
    %dma_wait3A_174 = arith.constant 0 : i32
    %dma_wait3A_175 = tpu.memref_slice %arg6[%dma_wait3A_172, %dma_wait3A_173, %dma_wait3A_174] : memref<8x64x128xf32, #tpu.memory_space<vmem>> -> memref<1x64x128xf32, #tpu.memory_space<vmem>>
    %dma_wait3A_176 = tpu.memref_squeeze %dma_wait3A_175 : memref<1x64x128xf32, #tpu.memory_space<vmem>> -> memref<64x128xf32, #tpu.memory_space<vmem>>
    %dma_wait3A_177 = arith.constant 192 : i32
    %dma_wait3A_178 = tpu.memref_slice %arg5[%dma_wait3A_177] : memref<512xi32, #tpu.memory_space<vmem>> -> memref<64xi32, #tpu.memory_space<vmem>>
    %dma_wait3A_179 = arith.constant 0 : i32
    %dma_wait3A_180 = arith.constant 0 : i32
    %dma_wait3A_181 = tpu.memref_slice %arg2[%dma_wait3A_179, %dma_wait3A_180] : memref<100000x128xf32, #tpu.memory_space<hbm>> -> memref<100000x128xf32, #tpu.memory_space<hbm>>
    tpu.wait_indirect_dma semaphore(%arg10 : memref<!tpu.dma_semaphore, #tpu.memory_space<semaphore_mem>>) src(%dma_wait3A_181 : memref<100000x128xf32, #tpu.memory_space<hbm>>) dst(%dma_wait3A_176 : memref<64x128xf32, #tpu.memory_space<vmem>>)
    %scan3A_182 = arith.constant 0 : i32
    %scan3A_183 = arith.constant 32 : i32
    %scan3A_184 = arith.addi %scan3A_182, %scan3A_183 : i32
    %scan3A_185 = arith.constant 1 : i32
    scf.for %scan3A_426 = %scan3A_182 to %scan3A_184 step %scan3A_185  : i32 {
      %mul3A_427 = arith.constant 2 : i32
      %mul3A_428 = arith.muli %scan3A_426, %mul3A_427 : i32
      %add3A_429 = arith.constant 0 : i32
      %add3A_430 = arith.addi %mul3A_428, %add3A_429 : i32
      %get3A = arith.constant 3 : i32
      %get3A_431 = arith.index_cast %get3A : i32 to index
      %get3A_432 = arith.index_cast %add3A_430 : i32 to index
      %get3A_433 = arith.constant 0 : index
      %get3A_434 = tpu.vector_load %arg6[%get3A_431, %get3A_432, %get3A_433] {strides = array<i32>} : memref<8x64x128xf32, #tpu.memory_space<vmem>>, vector<1x1x16xf32>,
      %get3A_435 = vector.shape_cast %get3A_434 : vector<1x1x16xf32> to vector<16xf32>
      %mul3A_436 = arith.constant 2.000000e-01 : f32
      %mul3A_437 = vector.broadcast %mul3A_436 : f32 to vector<16xf32>
      %mul3A_438 = arith.mulf %get3A_435, %mul3A_437 : vector<16xf32>
      %mul3A_439 = arith.constant 2 : i32
      %mul3A_440 = arith.muli %scan3A_426, %mul3A_439 : i32
      %add3A_441 = arith.constant 0 : i32
      %add3A_442 = arith.addi %mul3A_440, %add3A_441 : i32
      %swap3A = arith.constant 3 : i32
      %swap3A_443 = arith.index_cast %swap3A : i32 to index
      %swap3A_444 = arith.index_cast %add3A_442 : i32 to index
      %swap3A_445 = arith.constant 0 : index
      %swap3A_446 = tpu.vector_load %arg6[%swap3A_443, %swap3A_444, %swap3A_445] {strides = array<i32>} : memref<8x64x128xf32, #tpu.memory_space<vmem>>, vector<1x1x16xf32>,
      %swap3A_447 = vector.shape_cast %swap3A_446 : vector<1x1x16xf32> to vector<16xf32>
      %swap3A_448 = vector.shape_cast %mul3A_438 : vector<16xf32> to vector<1x1x16xf32>
      tpu.vector_store %arg6[%swap3A_443, %swap3A_444, %swap3A_445], %swap3A_448 {strides = array<i32>} : memref<8x64x128xf32, #tpu.memory_space<vmem>>, vector<1x1x16xf32>,
      %mul3A_449 = arith.constant 2 : i32
      %mul3A_450 = arith.muli %scan3A_426, %mul3A_449 : i32
      %add3A_451 = arith.constant 0 : i32
      %add3A_452 = arith.addi %mul3A_450, %add3A_451 : i32
      %get3A_453 = arith.constant 3 : i32
      %get3A_454 = arith.index_cast %get3A_453 : i32 to index
      %get3A_455 = arith.index_cast %add3A_452 : i32 to index
      %get3A_456 = arith.constant 16 : index
      %get3A_457 = tpu.vector_load %arg6[%get3A_454, %get3A_455, %get3A_456] {strides = array<i32>} : memref<8x64x128xf32, #tpu.memory_space<vmem>>, vector<1x1x16xf32>,
      %get3A_458 = vector.shape_cast %get3A_457 : vector<1x1x16xf32> to vector<16xf32>
      %mul3A_459 = arith.constant 2.000000e-01 : f32
      %mul3A_460 = vector.broadcast %mul3A_459 : f32 to vector<16xf32>
      %mul3A_461 = arith.mulf %get3A_458, %mul3A_460 : vector<16xf32>
      %mul3A_462 = arith.constant 2 : i32
      %mul3A_463 = arith.muli %scan3A_426, %mul3A_462 : i32
      %add3A_464 = arith.constant 0 : i32
      %add3A_465 = arith.addi %mul3A_463, %add3A_464 : i32
      %swap3A_466 = arith.constant 3 : i32
      %swap3A_467 = arith.index_cast %swap3A_466 : i32 to index
      %swap3A_468 = arith.index_cast %add3A_465 : i32 to index
      %swap3A_469 = arith.constant 16 : index
      %swap3A_470 = tpu.vector_load %arg6[%swap3A_467, %swap3A_468, %swap3A_469] {strides = array<i32>} : memref<8x64x128xf32, #tpu.memory_space<vmem>>, vector<1x1x16xf32>,
      %swap3A_471 = vector.shape_cast %swap3A_470 : vector<1x1x16xf32> to vector<16xf32>
      %swap3A_472 = vector.shape_cast %mul3A_461 : vector<16xf32> to vector<1x1x16xf32>
      tpu.vector_store %arg6[%swap3A_467, %swap3A_468, %swap3A_469], %swap3A_472 {strides = array<i32>} : memref<8x64x128xf32, #tpu.memory_space<vmem>>, vector<1x1x16xf32>,
      %mul3A_473 = arith.constant 2 : i32
      %mul3A_474 = arith.muli %scan3A_426, %mul3A_473 : i32
      %add3A_475 = arith.constant 0 : i32
      %add3A_476 = arith.addi %mul3A_474, %add3A_475 : i32
      %get3A_477 = arith.constant 3 : i32
      %get3A_478 = arith.index_cast %get3A_477 : i32 to index
      %get3A_479 = arith.index_cast %add3A_476 : i32 to index
      %get3A_480 = arith.constant 32 : index
      %get3A_481 = tpu.vector_load %arg6[%get3A_478, %get3A_479, %get3A_480] {strides = array<i32>} : memref<8x64x128xf32, #tpu.memory_space<vmem>>, vector<1x1x16xf32>,
      %get3A_482 = vector.shape_cast %get3A_481 : vector<1x1x16xf32> to vector<16xf32>
      %mul3A_483 = arith.constant 2.000000e-01 : f32
      %mul3A_484 = vector.broadcast %mul3A_483 : f32 to vector<16xf32>
      %mul3A_485 = arith.mulf %get3A_482, %mul3A_484 : vector<16xf32>
      %mul3A_486 = arith.constant 2 : i32
      %mul3A_487 = arith.muli %scan3A_426, %mul3A_486 : i32
      %add3A_488 = arith.constant 0 : i32
      %add3A_489 = arith.addi %mul3A_487, %add3A_488 : i32
      %swap3A_490 = arith.constant 3 : i32
      %swap3A_491 = arith.index_cast %swap3A_490 : i32 to index
      %swap3A_492 = arith.index_cast %add3A_489 : i32 to index
      %swap3A_493 = arith.constant 32 : index
      %swap3A_494 = tpu.vector_load %arg6[%swap3A_491, %swap3A_492, %swap3A_493] {strides = array<i32>} : memref<8x64x128xf32, #tpu.memory_space<vmem>>, vector<1x1x16xf32>,
      %swap3A_495 = vector.shape_cast %swap3A_494 : vector<1x1x16xf32> to vector<16xf32>
      %swap3A_496 = vector.shape_cast %mul3A_485 : vector<16xf32> to vector<1x1x16xf32>
      tpu.vector_store %arg6[%swap3A_491, %swap3A_492, %swap3A_493], %swap3A_496 {strides = array<i32>} : memref<8x64x128xf32, #tpu.memory_space<vmem>>, vector<1x1x16xf32>,
      %mul3A_497 = arith.constant 2 : i32
      %mul3A_498 = arith.muli %scan3A_426, %mul3A_497 : i32
      %add3A_499 = arith.constant 0 : i32
      %add3A_500 = arith.addi %mul3A_498, %add3A_499 : i32
      %get3A_501 = arith.constant 3 : i32
      %get3A_502 = arith.index_cast %get3A_501 : i32 to index
      %get3A_503 = arith.index_cast %add3A_500 : i32 to index
      %get3A_504 = arith.constant 48 : index
      %get3A_505 = tpu.vector_load %arg6[%get3A_502, %get3A_503, %get3A_504] {strides = array<i32>} : memref<8x64x128xf32, #tpu.memory_space<vmem>>, vector<1x1x16xf32>,
      %get3A_506 = vector.shape_cast %get3A_505 : vector<1x1x16xf32> to vector<16xf32>
      %mul3A_507 = arith.constant 2.000000e-01 : f32
      %mul3A_508 = vector.broadcast %mul3A_507 : f32 to vector<16xf32>
      %mul3A_509 = arith.mulf %get3A_506, %mul3A_508 : vector<16xf32>
      %mul3A_510 = arith.constant 2 : i32
      %mul3A_511 = arith.muli %scan3A_426, %mul3A_510 : i32
      %add3A_512 = arith.constant 0 : i32
      %add3A_513 = arith.addi %mul3A_511, %add3A_512 : i32
      %swap3A_514 = arith.constant 3 : i32
      %swap3A_515 = arith.index_cast %swap3A_514 : i32 to index
      %swap3A_516 = arith.index_cast %add3A_513 : i32 to index
      %swap3A_517 = arith.constant 48 : index
      %swap3A_518 = tpu.vector_load %arg6[%swap3A_515, %swap3A_516, %swap3A_517] {strides = array<i32>} : memref<8x64x128xf32, #tpu.memory_space<vmem>>, vector<1x1x16xf32>,
      %swap3A_519 = vector.shape_cast %swap3A_518 : vector<1x1x16xf32> to vector<16xf32>
      %swap3A_520 = vector.shape_cast %mul3A_509 : vector<16xf32> to vector<1x1x16xf32>
      tpu.vector_store %arg6[%swap3A_515, %swap3A_516, %swap3A_517], %swap3A_520 {strides = array<i32>} : memref<8x64x128xf32, #tpu.memory_space<vmem>>, vector<1x1x16xf32>,
      %mul3A_521 = arith.constant 2 : i32
      %mul3A_522 = arith.muli %scan3A_426, %mul3A_521 : i32
      %add3A_523 = arith.constant 0 : i32
      %add3A_524 = arith.addi %mul3A_522, %add3A_523 : i32
      %get3A_525 = arith.constant 3 : i32
      %get3A_526 = arith.index_cast %get3A_525 : i32 to index
      %get3A_527 = arith.index_cast %add3A_524 : i32 to index
      %get3A_528 = arith.constant 64 : index
      %get3A_529 = tpu.vector_load %arg6[%get3A_526, %get3A_527, %get3A_528] {strides = array<i32>} : memref<8x64x128xf32, #tpu.memory_space<vmem>>, vector<1x1x16xf32>,
      %get3A_530 = vector.shape_cast %get3A_529 : vector<1x1x16xf32> to vector<16xf32>
      %mul3A_531 = arith.constant 2.000000e-01 : f32
      %mul3A_532 = vector.broadcast %mul3A_531 : f32 to vector<16xf32>
      %mul3A_533 = arith.mulf %get3A_530, %mul3A_532 : vector<16xf32>
      %mul3A_534 = arith.constant 2 : i32
      %mul3A_535 = arith.muli %scan3A_426, %mul3A_534 : i32
      %add3A_536 = arith.constant 0 : i32
      %add3A_537 = arith.addi %mul3A_535, %add3A_536 : i32
      %swap3A_538 = arith.constant 3 : i32
      %swap3A_539 = arith.index_cast %swap3A_538 : i32 to index
      %swap3A_540 = arith.index_cast %add3A_537 : i32 to index
      %swap3A_541 = arith.constant 64 : index
      %swap3A_542 = tpu.vector_load %arg6[%swap3A_539, %swap3A_540, %swap3A_541] {strides = array<i32>} : memref<8x64x128xf32, #tpu.memory_space<vmem>>, vector<1x1x16xf32>,
      %swap3A_543 = vector.shape_cast %swap3A_542 : vector<1x1x16xf32> to vector<16xf32>
      %swap3A_544 = vector.shape_cast %mul3A_533 : vector<16xf32> to vector<1x1x16xf32>
      tpu.vector_store %arg6[%swap3A_539, %swap3A_540, %swap3A_541], %swap3A_544 {strides = array<i32>} : memref<8x64x128xf32, #tpu.memory_space<vmem>>, vector<1x1x16xf32>,
      %mul3A_545 = arith.constant 2 : i32
      %mul3A_546 = arith.muli %scan3A_426, %mul3A_545 : i32
      %add3A_547 = arith.constant 0 : i32
      %add3A_548 = arith.addi %mul3A_546, %add3A_547 : i32
      %get3A_549 = arith.constant 3 : i32
      %get3A_550 = arith.index_cast %get3A_549 : i32 to index
      %get3A_551 = arith.index_cast %add3A_548 : i32 to index
      %get3A_552 = arith.constant 80 : index
      %get3A_553 = tpu.vector_load %arg6[%get3A_550, %get3A_551, %get3A_552] {strides = array<i32>} : memref<8x64x128xf32, #tpu.memory_space<vmem>>, vector<1x1x16xf32>,
      %get3A_554 = vector.shape_cast %get3A_553 : vector<1x1x16xf32> to vector<16xf32>
      %mul3A_555 = arith.constant 2.000000e-01 : f32
      %mul3A_556 = vector.broadcast %mul3A_555 : f32 to vector<16xf32>
      %mul3A_557 = arith.mulf %get3A_554, %mul3A_556 : vector<16xf32>
      %mul3A_558 = arith.constant 2 : i32
      %mul3A_559 = arith.muli %scan3A_426, %mul3A_558 : i32
      %add3A_560 = arith.constant 0 : i32
      %add3A_561 = arith.addi %mul3A_559, %add3A_560 : i32
      %swap3A_562 = arith.constant 3 : i32
      %swap3A_563 = arith.index_cast %swap3A_562 : i32 to index
      %swap3A_564 = arith.index_cast %add3A_561 : i32 to index
      %swap3A_565 = arith.constant 80 : index
      %swap3A_566 = tpu.vector_load %arg6[%swap3A_563, %swap3A_564, %swap3A_565] {strides = array<i32>} : memref<8x64x128xf32, #tpu.memory_space<vmem>>, vector<1x1x16xf32>,
      %swap3A_567 = vector.shape_cast %swap3A_566 : vector<1x1x16xf32> to vector<16xf32>
      %swap3A_568 = vector.shape_cast %mul3A_557 : vector<16xf32> to vector<1x1x16xf32>
      tpu.vector_store %arg6[%swap3A_563, %swap3A_564, %swap3A_565], %swap3A_568 {strides = array<i32>} : memref<8x64x128xf32, #tpu.memory_space<vmem>>, vector<1x1x16xf32>,
      %mul3A_569 = arith.constant 2 : i32
      %mul3A_570 = arith.muli %scan3A_426, %mul3A_569 : i32
      %add3A_571 = arith.constant 0 : i32
      %add3A_572 = arith.addi %mul3A_570, %add3A_571 : i32
      %get3A_573 = arith.constant 3 : i32
      %get3A_574 = arith.index_cast %get3A_573 : i32 to index
      %get3A_575 = arith.index_cast %add3A_572 : i32 to index
      %get3A_576 = arith.constant 96 : index
      %get3A_577 = tpu.vector_load %arg6[%get3A_574, %get3A_575, %get3A_576] {strides = array<i32>} : memref<8x64x128xf32, #tpu.memory_space<vmem>>, vector<1x1x16xf32>,
      %get3A_578 = vector.shape_cast %get3A_577 : vector<1x1x16xf32> to vector<16xf32>
      %mul3A_579 = arith.constant 2.000000e-01 : f32
      %mul3A_580 = vector.broadcast %mul3A_579 : f32 to vector<16xf32>
      %mul3A_581 = arith.mulf %get3A_578, %mul3A_580 : vector<16xf32>
      %mul3A_582 = arith.constant 2 : i32
      %mul3A_583 = arith.muli %scan3A_426, %mul3A_582 : i32
      %add3A_584 = arith.constant 0 : i32
      %add3A_585 = arith.addi %mul3A_583, %add3A_584 : i32
      %swap3A_586 = arith.constant 3 : i32
      %swap3A_587 = arith.index_cast %swap3A_586 : i32 to index
      %swap3A_588 = arith.index_cast %add3A_585 : i32 to index
      %swap3A_589 = arith.constant 96 : index
      %swap3A_590 = tpu.vector_load %arg6[%swap3A_587, %swap3A_588, %swap3A_589] {strides = array<i32>} : memref<8x64x128xf32, #tpu.memory_space<vmem>>, vector<1x1x16xf32>,
      %swap3A_591 = vector.shape_cast %swap3A_590 : vector<1x1x16xf32> to vector<16xf32>
      %swap3A_592 = vector.shape_cast %mul3A_581 : vector<16xf32> to vector<1x1x16xf32>
      tpu.vector_store %arg6[%swap3A_587, %swap3A_588, %swap3A_589], %swap3A_592 {strides = array<i32>} : memref<8x64x128xf32, #tpu.memory_space<vmem>>, vector<1x1x16xf32>,
      %mul3A_593 = arith.constant 2 : i32
      %mul3A_594 = arith.muli %scan3A_426, %mul3A_593 : i32
      %add3A_595 = arith.constant 0 : i32
      %add3A_596 = arith.addi %mul3A_594, %add3A_595 : i32
      %get3A_597 = arith.constant 3 : i32
      %get3A_598 = arith.index_cast %get3A_597 : i32 to index
      %get3A_599 = arith.index_cast %add3A_596 : i32 to index
      %get3A_600 = arith.constant 112 : index
      %get3A_601 = tpu.vector_load %arg6[%get3A_598, %get3A_599, %get3A_600] {strides = array<i32>} : memref<8x64x128xf32, #tpu.memory_space<vmem>>, vector<1x1x16xf32>,
      %get3A_602 = vector.shape_cast %get3A_601 : vector<1x1x16xf32> to vector<16xf32>
      %mul3A_603 = arith.constant 2.000000e-01 : f32
      %mul3A_604 = vector.broadcast %mul3A_603 : f32 to vector<16xf32>
      %mul3A_605 = arith.mulf %get3A_602, %mul3A_604 : vector<16xf32>
      %mul3A_606 = arith.constant 2 : i32
      %mul3A_607 = arith.muli %scan3A_426, %mul3A_606 : i32
      %add3A_608 = arith.constant 0 : i32
      %add3A_609 = arith.addi %mul3A_607, %add3A_608 : i32
      %swap3A_610 = arith.constant 3 : i32
      %swap3A_611 = arith.index_cast %swap3A_610 : i32 to index
      %swap3A_612 = arith.index_cast %add3A_609 : i32 to index
      %swap3A_613 = arith.constant 112 : index
      %swap3A_614 = tpu.vector_load %arg6[%swap3A_611, %swap3A_612, %swap3A_613] {strides = array<i32>} : memref<8x64x128xf32, #tpu.memory_space<vmem>>, vector<1x1x16xf32>,
      %swap3A_615 = vector.shape_cast %swap3A_614 : vector<1x1x16xf32> to vector<16xf32>
      %swap3A_616 = vector.shape_cast %mul3A_605 : vector<16xf32> to vector<1x1x16xf32>
      tpu.vector_store %arg6[%swap3A_611, %swap3A_612, %swap3A_613], %swap3A_616 {strides = array<i32>} : memref<8x64x128xf32, #tpu.memory_space<vmem>>, vector<1x1x16xf32>,
      %mul3A_617 = arith.constant 2 : i32
      %mul3A_618 = arith.muli %scan3A_426, %mul3A_617 : i32
      %add3A_619 = arith.constant 1 : i32
      %add3A_620 = arith.addi %mul3A_618, %add3A_619 : i32
      %get3A_621 = arith.constant 3 : i32
      %get3A_622 = arith.index_cast %get3A_621 : i32 to index
      %get3A_623 = arith.index_cast %add3A_620 : i32 to index
      %get3A_624 = arith.constant 0 : index
      %get3A_625 = tpu.vector_load %arg6[%get3A_622, %get3A_623, %get3A_624] {strides = array<i32>} : memref<8x64x128xf32, #tpu.memory_space<vmem>>, vector<1x1x16xf32>,
      %get3A_626 = vector.shape_cast %get3A_625 : vector<1x1x16xf32> to vector<16xf32>
      %mul3A_627 = arith.constant 2.000000e-01 : f32
      %mul3A_628 = vector.broadcast %mul3A_627 : f32 to vector<16xf32>
      %mul3A_629 = arith.mulf %get3A_626, %mul3A_628 : vector<16xf32>
      %mul3A_630 = arith.constant 2 : i32
      %mul3A_631 = arith.muli %scan3A_426, %mul3A_630 : i32
      %add3A_632 = arith.constant 1 : i32
      %add3A_633 = arith.addi %mul3A_631, %add3A_632 : i32
      %swap3A_634 = arith.constant 3 : i32
      %swap3A_635 = arith.index_cast %swap3A_634 : i32 to index
      %swap3A_636 = arith.index_cast %add3A_633 : i32 to index
      %swap3A_637 = arith.constant 0 : index
      %swap3A_638 = tpu.vector_load %arg6[%swap3A_635, %swap3A_636, %swap3A_637] {strides = array<i32>} : memref<8x64x128xf32, #tpu.memory_space<vmem>>, vector<1x1x16xf32>,
      %swap3A_639 = vector.shape_cast %swap3A_638 : vector<1x1x16xf32> to vector<16xf32>
      %swap3A_640 = vector.shape_cast %mul3A_629 : vector<16xf32> to vector<1x1x16xf32>
      tpu.vector_store %arg6[%swap3A_635, %swap3A_636, %swap3A_637], %swap3A_640 {strides = array<i32>} : memref<8x64x128xf32, #tpu.memory_space<vmem>>, vector<1x1x16xf32>,
      %mul3A_641 = arith.constant 2 : i32
      %mul3A_642 = arith.muli %scan3A_426, %mul3A_641 : i32
      %add3A_643 = arith.constant 1 : i32
      %add3A_644 = arith.addi %mul3A_642, %add3A_643 : i32
      %get3A_645 = arith.constant 3 : i32
      %get3A_646 = arith.index_cast %get3A_645 : i32 to index
      %get3A_647 = arith.index_cast %add3A_644 : i32 to index
      %get3A_648 = arith.constant 16 : index
      %get3A_649 = tpu.vector_load %arg6[%get3A_646, %get3A_647, %get3A_648] {strides = array<i32>} : memref<8x64x128xf32, #tpu.memory_space<vmem>>, vector<1x1x16xf32>,
      %get3A_650 = vector.shape_cast %get3A_649 : vector<1x1x16xf32> to vector<16xf32>
      %mul3A_651 = arith.constant 2.000000e-01 : f32
      %mul3A_652 = vector.broadcast %mul3A_651 : f32 to vector<16xf32>
      %mul3A_653 = arith.mulf %get3A_650, %mul3A_652 : vector<16xf32>
      %mul3A_654 = arith.constant 2 : i32
      %mul3A_655 = arith.muli %scan3A_426, %mul3A_654 : i32
      %add3A_656 = arith.constant 1 : i32
      %add3A_657 = arith.addi %mul3A_655, %add3A_656 : i32
      %swap3A_658 = arith.constant 3 : i32
      %swap3A_659 = arith.index_cast %swap3A_658 : i32 to index
      %swap3A_660 = arith.index_cast %add3A_657 : i32 to index
      %swap3A_661 = arith.constant 16 : index
      %swap3A_662 = tpu.vector_load %arg6[%swap3A_659, %swap3A_660, %swap3A_661] {strides = array<i32>} : memref<8x64x128xf32, #tpu.memory_space<vmem>>, vector<1x1x16xf32>,
      %swap3A_663 = vector.shape_cast %swap3A_662 : vector<1x1x16xf32> to vector<16xf32>
      %swap3A_664 = vector.shape_cast %mul3A_653 : vector<16xf32> to vector<1x1x16xf32>
      tpu.vector_store %arg6[%swap3A_659, %swap3A_660, %swap3A_661], %swap3A_664 {strides = array<i32>} : memref<8x64x128xf32, #tpu.memory_space<vmem>>, vector<1x1x16xf32>,
      %mul3A_665 = arith.constant 2 : i32
      %mul3A_666 = arith.muli %scan3A_426, %mul3A_665 : i32
      %add3A_667 = arith.constant 1 : i32
      %add3A_668 = arith.addi %mul3A_666, %add3A_667 : i32
      %get3A_669 = arith.constant 3 : i32
      %get3A_670 = arith.index_cast %get3A_669 : i32 to index
      %get3A_671 = arith.index_cast %add3A_668 : i32 to index
      %get3A_672 = arith.constant 32 : index
      %get3A_673 = tpu.vector_load %arg6[%get3A_670, %get3A_671, %get3A_672] {strides = array<i32>} : memref<8x64x128xf32, #tpu.memory_space<vmem>>, vector<1x1x16xf32>,
      %get3A_674 = vector.shape_cast %get3A_673 : vector<1x1x16xf32> to vector<16xf32>
      %mul3A_675 = arith.constant 2.000000e-01 : f32
      %mul3A_676 = vector.broadcast %mul3A_675 : f32 to vector<16xf32>
      %mul3A_677 = arith.mulf %get3A_674, %mul3A_676 : vector<16xf32>
      %mul3A_678 = arith.constant 2 : i32
      %mul3A_679 = arith.muli %scan3A_426, %mul3A_678 : i32
      %add3A_680 = arith.constant 1 : i32
      %add3A_681 = arith.addi %mul3A_679, %add3A_680 : i32
      %swap3A_682 = arith.constant 3 : i32
      %swap3A_683 = arith.index_cast %swap3A_682 : i32 to index
      %swap3A_684 = arith.index_cast %add3A_681 : i32 to index
      %swap3A_685 = arith.constant 32 : index
      %swap3A_686 = tpu.vector_load %arg6[%swap3A_683, %swap3A_684, %swap3A_685] {strides = array<i32>} : memref<8x64x128xf32, #tpu.memory_space<vmem>>, vector<1x1x16xf32>,
      %swap3A_687 = vector.shape_cast %swap3A_686 : vector<1x1x16xf32> to vector<16xf32>
      %swap3A_688 = vector.shape_cast %mul3A_677 : vector<16xf32> to vector<1x1x16xf32>
      tpu.vector_store %arg6[%swap3A_683, %swap3A_684, %swap3A_685], %swap3A_688 {strides = array<i32>} : memref<8x64x128xf32, #tpu.memory_space<vmem>>, vector<1x1x16xf32>,
      %mul3A_689 = arith.constant 2 : i32
      %mul3A_690 = arith.muli %scan3A_426, %mul3A_689 : i32
      %add3A_691 = arith.constant 1 : i32
      %add3A_692 = arith.addi %mul3A_690, %add3A_691 : i32
      %get3A_693 = arith.constant 3 : i32
      %get3A_694 = arith.index_cast %get3A_693 : i32 to index
      %get3A_695 = arith.index_cast %add3A_692 : i32 to index
      %get3A_696 = arith.constant 48 : index
      %get3A_697 = tpu.vector_load %arg6[%get3A_694, %get3A_695, %get3A_696] {strides = array<i32>} : memref<8x64x128xf32, #tpu.memory_space<vmem>>, vector<1x1x16xf32>,
      %get3A_698 = vector.shape_cast %get3A_697 : vector<1x1x16xf32> to vector<16xf32>
      %mul3A_699 = arith.constant 2.000000e-01 : f32
      %mul3A_700 = vector.broadcast %mul3A_699 : f32 to vector<16xf32>
      %mul3A_701 = arith.mulf %get3A_698, %mul3A_700 : vector<16xf32>
      %mul3A_702 = arith.constant 2 : i32
      %mul3A_703 = arith.muli %scan3A_426, %mul3A_702 : i32
      %add3A_704 = arith.constant 1 : i32
      %add3A_705 = arith.addi %mul3A_703, %add3A_704 : i32
      %swap3A_706 = arith.constant 3 : i32
      %swap3A_707 = arith.index_cast %swap3A_706 : i32 to index
      %swap3A_708 = arith.index_cast %add3A_705 : i32 to index
      %swap3A_709 = arith.constant 48 : index
      %swap3A_710 = tpu.vector_load %arg6[%swap3A_707, %swap3A_708, %swap3A_709] {strides = array<i32>} : memref<8x64x128xf32, #tpu.memory_space<vmem>>, vector<1x1x16xf32>,
      %swap3A_711 = vector.shape_cast %swap3A_710 : vector<1x1x16xf32> to vector<16xf32>
      %swap3A_712 = vector.shape_cast %mul3A_701 : vector<16xf32> to vector<1x1x16xf32>
      tpu.vector_store %arg6[%swap3A_707, %swap3A_708, %swap3A_709], %swap3A_712 {strides = array<i32>} : memref<8x64x128xf32, #tpu.memory_space<vmem>>, vector<1x1x16xf32>,
      %mul3A_713 = arith.constant 2 : i32
      %mul3A_714 = arith.muli %scan3A_426, %mul3A_713 : i32
      %add3A_715 = arith.constant 1 : i32
      %add3A_716 = arith.addi %mul3A_714, %add3A_715 : i32
      %get3A_717 = arith.constant 3 : i32
      %get3A_718 = arith.index_cast %get3A_717 : i32 to index
      %get3A_719 = arith.index_cast %add3A_716 : i32 to index
      %get3A_720 = arith.constant 64 : index
      %get3A_721 = tpu.vector_load %arg6[%get3A_718, %get3A_719, %get3A_720] {strides = array<i32>} : memref<8x64x128xf32, #tpu.memory_space<vmem>>, vector<1x1x16xf32>,
      %get3A_722 = vector.shape_cast %get3A_721 : vector<1x1x16xf32> to vector<16xf32>
      %mul3A_723 = arith.constant 2.000000e-01 : f32
      %mul3A_724 = vector.broadcast %mul3A_723 : f32 to vector<16xf32>
      %mul3A_725 = arith.mulf %get3A_722, %mul3A_724 : vector<16xf32>
      %mul3A_726 = arith.constant 2 : i32
      %mul3A_727 = arith.muli %scan3A_426, %mul3A_726 : i32
      %add3A_728 = arith.constant 1 : i32
      %add3A_729 = arith.addi %mul3A_727, %add3A_728 : i32
      %swap3A_730 = arith.constant 3 : i32
      %swap3A_731 = arith.index_cast %swap3A_730 : i32 to index
      %swap3A_732 = arith.index_cast %add3A_729 : i32 to index
      %swap3A_733 = arith.constant 64 : index
      %swap3A_734 = tpu.vector_load %arg6[%swap3A_731, %swap3A_732, %swap3A_733] {strides = array<i32>} : memref<8x64x128xf32, #tpu.memory_space<vmem>>, vector<1x1x16xf32>,
      %swap3A_735 = vector.shape_cast %swap3A_734 : vector<1x1x16xf32> to vector<16xf32>
      %swap3A_736 = vector.shape_cast %mul3A_725 : vector<16xf32> to vector<1x1x16xf32>
      tpu.vector_store %arg6[%swap3A_731, %swap3A_732, %swap3A_733], %swap3A_736 {strides = array<i32>} : memref<8x64x128xf32, #tpu.memory_space<vmem>>, vector<1x1x16xf32>,
      %mul3A_737 = arith.constant 2 : i32
      %mul3A_738 = arith.muli %scan3A_426, %mul3A_737 : i32
      %add3A_739 = arith.constant 1 : i32
      %add3A_740 = arith.addi %mul3A_738, %add3A_739 : i32
      %get3A_741 = arith.constant 3 : i32
      %get3A_742 = arith.index_cast %get3A_741 : i32 to index
      %get3A_743 = arith.index_cast %add3A_740 : i32 to index
      %get3A_744 = arith.constant 80 : index
      %get3A_745 = tpu.vector_load %arg6[%get3A_742, %get3A_743, %get3A_744] {strides = array<i32>} : memref<8x64x128xf32, #tpu.memory_space<vmem>>, vector<1x1x16xf32>,
      %get3A_746 = vector.shape_cast %get3A_745 : vector<1x1x16xf32> to vector<16xf32>
      %mul3A_747 = arith.constant 2.000000e-01 : f32
      %mul3A_748 = vector.broadcast %mul3A_747 : f32 to vector<16xf32>
      %mul3A_749 = arith.mulf %get3A_746, %mul3A_748 : vector<16xf32>
      %mul3A_750 = arith.constant 2 : i32
      %mul3A_751 = arith.muli %scan3A_426, %mul3A_750 : i32
      %add3A_752 = arith.constant 1 : i32
      %add3A_753 = arith.addi %mul3A_751, %add3A_752 : i32
      %swap3A_754 = arith.constant 3 : i32
      %swap3A_755 = arith.index_cast %swap3A_754 : i32 to index
      %swap3A_756 = arith.index_cast %add3A_753 : i32 to index
      %swap3A_757 = arith.constant 80 : index
      %swap3A_758 = tpu.vector_load %arg6[%swap3A_755, %swap3A_756, %swap3A_757] {strides = array<i32>} : memref<8x64x128xf32, #tpu.memory_space<vmem>>, vector<1x1x16xf32>,
      %swap3A_759 = vector.shape_cast %swap3A_758 : vector<1x1x16xf32> to vector<16xf32>
      %swap3A_760 = vector.shape_cast %mul3A_749 : vector<16xf32> to vector<1x1x16xf32>
      tpu.vector_store %arg6[%swap3A_755, %swap3A_756, %swap3A_757], %swap3A_760 {strides = array<i32>} : memref<8x64x128xf32, #tpu.memory_space<vmem>>, vector<1x1x16xf32>,
      %mul3A_761 = arith.constant 2 : i32
      %mul3A_762 = arith.muli %scan3A_426, %mul3A_761 : i32
      %add3A_763 = arith.constant 1 : i32
      %add3A_764 = arith.addi %mul3A_762, %add3A_763 : i32
      %get3A_765 = arith.constant 3 : i32
      %get3A_766 = arith.index_cast %get3A_765 : i32 to index
      %get3A_767 = arith.index_cast %add3A_764 : i32 to index
      %get3A_768 = arith.constant 96 : index
      %get3A_769 = tpu.vector_load %arg6[%get3A_766, %get3A_767, %get3A_768] {strides = array<i32>} : memref<8x64x128xf32, #tpu.memory_space<vmem>>, vector<1x1x16xf32>,
      %get3A_770 = vector.shape_cast %get3A_769 : vector<1x1x16xf32> to vector<16xf32>
      %mul3A_771 = arith.constant 2.000000e-01 : f32
      %mul3A_772 = vector.broadcast %mul3A_771 : f32 to vector<16xf32>
      %mul3A_773 = arith.mulf %get3A_770, %mul3A_772 : vector<16xf32>
      %mul3A_774 = arith.constant 2 : i32
      %mul3A_775 = arith.muli %scan3A_426, %mul3A_774 : i32
      %add3A_776 = arith.constant 1 : i32
      %add3A_777 = arith.addi %mul3A_775, %add3A_776 : i32
      %swap3A_778 = arith.constant 3 : i32
      %swap3A_779 = arith.index_cast %swap3A_778 : i32 to index
      %swap3A_780 = arith.index_cast %add3A_777 : i32 to index
      %swap3A_781 = arith.constant 96 : index
      %swap3A_782 = tpu.vector_load %arg6[%swap3A_779, %swap3A_780, %swap3A_781] {strides = array<i32>} : memref<8x64x128xf32, #tpu.memory_space<vmem>>, vector<1x1x16xf32>,
      %swap3A_783 = vector.shape_cast %swap3A_782 : vector<1x1x16xf32> to vector<16xf32>
      %swap3A_784 = vector.shape_cast %mul3A_773 : vector<16xf32> to vector<1x1x16xf32>
      tpu.vector_store %arg6[%swap3A_779, %swap3A_780, %swap3A_781], %swap3A_784 {strides = array<i32>} : memref<8x64x128xf32, #tpu.memory_space<vmem>>, vector<1x1x16xf32>,
      %mul3A_785 = arith.constant 2 : i32
      %mul3A_786 = arith.muli %scan3A_426, %mul3A_785 : i32
      %add3A_787 = arith.constant 1 : i32
      %add3A_788 = arith.addi %mul3A_786, %add3A_787 : i32
      %get3A_789 = arith.constant 3 : i32
      %get3A_790 = arith.index_cast %get3A_789 : i32 to index
      %get3A_791 = arith.index_cast %add3A_788 : i32 to index
      %get3A_792 = arith.constant 112 : index
      %get3A_793 = tpu.vector_load %arg6[%get3A_790, %get3A_791, %get3A_792] {strides = array<i32>} : memref<8x64x128xf32, #tpu.memory_space<vmem>>, vector<1x1x16xf32>,
      %get3A_794 = vector.shape_cast %get3A_793 : vector<1x1x16xf32> to vector<16xf32>
      %mul3A_795 = arith.constant 2.000000e-01 : f32
      %mul3A_796 = vector.broadcast %mul3A_795 : f32 to vector<16xf32>
      %mul3A_797 = arith.mulf %get3A_794, %mul3A_796 : vector<16xf32>
      %mul3A_798 = arith.constant 2 : i32
      %mul3A_799 = arith.muli %scan3A_426, %mul3A_798 : i32
      %add3A_800 = arith.constant 1 : i32
      %add3A_801 = arith.addi %mul3A_799, %add3A_800 : i32
      %swap3A_802 = arith.constant 3 : i32
      %swap3A_803 = arith.index_cast %swap3A_802 : i32 to index
      %swap3A_804 = arith.index_cast %add3A_801 : i32 to index
      %swap3A_805 = arith.constant 112 : index
      %swap3A_806 = tpu.vector_load %arg6[%swap3A_803, %swap3A_804, %swap3A_805] {strides = array<i32>} : memref<8x64x128xf32, #tpu.memory_space<vmem>>, vector<1x1x16xf32>,
      %swap3A_807 = vector.shape_cast %swap3A_806 : vector<1x1x16xf32> to vector<16xf32>
      %swap3A_808 = vector.shape_cast %mul3A_797 : vector<16xf32> to vector<1x1x16xf32>
      tpu.vector_store %arg6[%swap3A_803, %swap3A_804, %swap3A_805], %swap3A_808 {strides = array<i32>} : memref<8x64x128xf32, #tpu.memory_space<vmem>>, vector<1x1x16xf32>,
    }
    %scan3A_186 = arith.constant 32 : i32
    %add3A_187 = arith.constant 192 : i32
    %add3A_188 = arith.addi %mul3A_2, %add3A_187 : i32
    %dma_start3A_189 = arith.constant 3 : i32
    %dma_start3A_190 = arith.constant 0 : i32
    %dma_start3A_191 = arith.constant 0 : i32
    %dma_start3A_192 = tpu.memref_slice %arg6[%dma_start3A_189, %dma_start3A_190, %dma_start3A_191] : memref<8x64x128xf32, #tpu.memory_space<vmem>> -> memref<1x64x128xf32, #tpu.memory_space<vmem>>
    %dma_start3A_193 = tpu.memref_squeeze %dma_start3A_192 : memref<1x64x128xf32, #tpu.memory_space<vmem>> -> memref<64x128xf32, #tpu.memory_space<vmem>>
    %dma_start3A_194 = arith.constant 0 : i32
    %dma_start3A_195 = tpu.memref_slice %arg4[%add3A_188, %dma_start3A_194] : memref<16384x128xf32, #tpu.memory_space<hbm>> -> memref<64x128xf32, #tpu.memory_space<hbm>>
    %dma_start3A_196 = arith.constant 0 : i32
    %dma_start3A_197 = tpu.memref_slice %arg4[%add3A_188, %dma_start3A_196] : memref<16384x128xf32, #tpu.memory_space<hbm>> -> memref<64x128xf32, #tpu.memory_space<hbm>>
    %dma_start3A_198 = arith.constant 0 : i32
    %dma_start3A_199 = arith.constant 0 : i32
    %dma_start3A_200 = tpu.memref_slice %arg6[%dma_start3A_189, %dma_start3A_198, %dma_start3A_199] : memref<8x64x128xf32, #tpu.memory_space<vmem>> -> memref<1x64x128xf32, #tpu.memory_space<vmem>>
    %dma_start3A_201 = tpu.memref_squeeze %dma_start3A_200 : memref<1x64x128xf32, #tpu.memory_space<vmem>> -> memref<64x128xf32, #tpu.memory_space<vmem>>
    tpu.enqueue_dma source(%dma_start3A_201 : memref<64x128xf32, #tpu.memory_space<vmem>>) target(%dma_start3A_197 : memref<64x128xf32, #tpu.memory_space<hbm>>) target_semaphore(%arg15 : memref<!tpu.dma_semaphore, #tpu.memory_space<semaphore_mem>>)
    %dma_wait3A_202 = arith.constant 4 : i32
    %dma_wait3A_203 = arith.constant 0 : i32
    %dma_wait3A_204 = arith.constant 0 : i32
    %dma_wait3A_205 = tpu.memref_slice %arg6[%dma_wait3A_202, %dma_wait3A_203, %dma_wait3A_204] : memref<8x64x128xf32, #tpu.memory_space<vmem>> -> memref<1x64x128xf32, #tpu.memory_space<vmem>>
    %dma_wait3A_206 = tpu.memref_squeeze %dma_wait3A_205 : memref<1x64x128xf32, #tpu.memory_space<vmem>> -> memref<64x128xf32, #tpu.memory_space<vmem>>
    %dma_wait3A_207 = arith.constant 256 : i32
    %dma_wait3A_208 = tpu.memref_slice %arg5[%dma_wait3A_207] : memref<512xi32, #tpu.memory_space<vmem>> -> memref<64xi32, #tpu.memory_space<vmem>>
    %dma_wait3A_209 = arith.constant 0 : i32
    %dma_wait3A_210 = arith.constant 0 : i32
    %dma_wait3A_211 = tpu.memref_slice %arg2[%dma_wait3A_209, %dma_wait3A_210] : memref<100000x128xf32, #tpu.memory_space<hbm>> -> memref<100000x128xf32, #tpu.memory_space<hbm>>
    tpu.wait_indirect_dma semaphore(%arg11 : memref<!tpu.dma_semaphore, #tpu.memory_space<semaphore_mem>>) src(%dma_wait3A_211 : memref<100000x128xf32, #tpu.memory_space<hbm>>) dst(%dma_wait3A_206 : memref<64x128xf32, #tpu.memory_space<vmem>>)
    %scan3A_212 = arith.constant 0 : i32
    %scan3A_213 = arith.constant 32 : i32
    %scan3A_214 = arith.addi %scan3A_212, %scan3A_213 : i32
    %scan3A_215 = arith.constant 1 : i32
    scf.for %scan3A_426 = %scan3A_212 to %scan3A_214 step %scan3A_215  : i32 {
      %mul3A_427 = arith.constant 2 : i32
      %mul3A_428 = arith.muli %scan3A_426, %mul3A_427 : i32
      %add3A_429 = arith.constant 0 : i32
      %add3A_430 = arith.addi %mul3A_428, %add3A_429 : i32
      %get3A = arith.constant 4 : i32
      %get3A_431 = arith.index_cast %get3A : i32 to index
      %get3A_432 = arith.index_cast %add3A_430 : i32 to index
      %get3A_433 = arith.constant 0 : index
      %get3A_434 = tpu.vector_load %arg6[%get3A_431, %get3A_432, %get3A_433] {strides = array<i32>} : memref<8x64x128xf32, #tpu.memory_space<vmem>>, vector<1x1x16xf32>,
      %get3A_435 = vector.shape_cast %get3A_434 : vector<1x1x16xf32> to vector<16xf32>
      %mul3A_436 = arith.constant 2.000000e-01 : f32
      %mul3A_437 = vector.broadcast %mul3A_436 : f32 to vector<16xf32>
      %mul3A_438 = arith.mulf %get3A_435, %mul3A_437 : vector<16xf32>
      %mul3A_439 = arith.constant 2 : i32
      %mul3A_440 = arith.muli %scan3A_426, %mul3A_439 : i32
      %add3A_441 = arith.constant 0 : i32
      %add3A_442 = arith.addi %mul3A_440, %add3A_441 : i32
      %swap3A = arith.constant 4 : i32
      %swap3A_443 = arith.index_cast %swap3A : i32 to index
      %swap3A_444 = arith.index_cast %add3A_442 : i32 to index
      %swap3A_445 = arith.constant 0 : index
      %swap3A_446 = tpu.vector_load %arg6[%swap3A_443, %swap3A_444, %swap3A_445] {strides = array<i32>} : memref<8x64x128xf32, #tpu.memory_space<vmem>>, vector<1x1x16xf32>,
      %swap3A_447 = vector.shape_cast %swap3A_446 : vector<1x1x16xf32> to vector<16xf32>
      %swap3A_448 = vector.shape_cast %mul3A_438 : vector<16xf32> to vector<1x1x16xf32>
      tpu.vector_store %arg6[%swap3A_443, %swap3A_444, %swap3A_445], %swap3A_448 {strides = array<i32>} : memref<8x64x128xf32, #tpu.memory_space<vmem>>, vector<1x1x16xf32>,
      %mul3A_449 = arith.constant 2 : i32
      %mul3A_450 = arith.muli %scan3A_426, %mul3A_449 : i32
      %add3A_451 = arith.constant 0 : i32
      %add3A_452 = arith.addi %mul3A_450, %add3A_451 : i32
      %get3A_453 = arith.constant 4 : i32
      %get3A_454 = arith.index_cast %get3A_453 : i32 to index
      %get3A_455 = arith.index_cast %add3A_452 : i32 to index
      %get3A_456 = arith.constant 16 : index
      %get3A_457 = tpu.vector_load %arg6[%get3A_454, %get3A_455, %get3A_456] {strides = array<i32>} : memref<8x64x128xf32, #tpu.memory_space<vmem>>, vector<1x1x16xf32>,
      %get3A_458 = vector.shape_cast %get3A_457 : vector<1x1x16xf32> to vector<16xf32>
      %mul3A_459 = arith.constant 2.000000e-01 : f32
      %mul3A_460 = vector.broadcast %mul3A_459 : f32 to vector<16xf32>
      %mul3A_461 = arith.mulf %get3A_458, %mul3A_460 : vector<16xf32>
      %mul3A_462 = arith.constant 2 : i32
      %mul3A_463 = arith.muli %scan3A_426, %mul3A_462 : i32
      %add3A_464 = arith.constant 0 : i32
      %add3A_465 = arith.addi %mul3A_463, %add3A_464 : i32
      %swap3A_466 = arith.constant 4 : i32
      %swap3A_467 = arith.index_cast %swap3A_466 : i32 to index
      %swap3A_468 = arith.index_cast %add3A_465 : i32 to index
      %swap3A_469 = arith.constant 16 : index
      %swap3A_470 = tpu.vector_load %arg6[%swap3A_467, %swap3A_468, %swap3A_469] {strides = array<i32>} : memref<8x64x128xf32, #tpu.memory_space<vmem>>, vector<1x1x16xf32>,
      %swap3A_471 = vector.shape_cast %swap3A_470 : vector<1x1x16xf32> to vector<16xf32>
      %swap3A_472 = vector.shape_cast %mul3A_461 : vector<16xf32> to vector<1x1x16xf32>
      tpu.vector_store %arg6[%swap3A_467, %swap3A_468, %swap3A_469], %swap3A_472 {strides = array<i32>} : memref<8x64x128xf32, #tpu.memory_space<vmem>>, vector<1x1x16xf32>,
      %mul3A_473 = arith.constant 2 : i32
      %mul3A_474 = arith.muli %scan3A_426, %mul3A_473 : i32
      %add3A_475 = arith.constant 0 : i32
      %add3A_476 = arith.addi %mul3A_474, %add3A_475 : i32
      %get3A_477 = arith.constant 4 : i32
      %get3A_478 = arith.index_cast %get3A_477 : i32 to index
      %get3A_479 = arith.index_cast %add3A_476 : i32 to index
      %get3A_480 = arith.constant 32 : index
      %get3A_481 = tpu.vector_load %arg6[%get3A_478, %get3A_479, %get3A_480] {strides = array<i32>} : memref<8x64x128xf32, #tpu.memory_space<vmem>>, vector<1x1x16xf32>,
      %get3A_482 = vector.shape_cast %get3A_481 : vector<1x1x16xf32> to vector<16xf32>
      %mul3A_483 = arith.constant 2.000000e-01 : f32
      %mul3A_484 = vector.broadcast %mul3A_483 : f32 to vector<16xf32>
      %mul3A_485 = arith.mulf %get3A_482, %mul3A_484 : vector<16xf32>
      %mul3A_486 = arith.constant 2 : i32
      %mul3A_487 = arith.muli %scan3A_426, %mul3A_486 : i32
      %add3A_488 = arith.constant 0 : i32
      %add3A_489 = arith.addi %mul3A_487, %add3A_488 : i32
      %swap3A_490 = arith.constant 4 : i32
      %swap3A_491 = arith.index_cast %swap3A_490 : i32 to index
      %swap3A_492 = arith.index_cast %add3A_489 : i32 to index
      %swap3A_493 = arith.constant 32 : index
      %swap3A_494 = tpu.vector_load %arg6[%swap3A_491, %swap3A_492, %swap3A_493] {strides = array<i32>} : memref<8x64x128xf32, #tpu.memory_space<vmem>>, vector<1x1x16xf32>,
      %swap3A_495 = vector.shape_cast %swap3A_494 : vector<1x1x16xf32> to vector<16xf32>
      %swap3A_496 = vector.shape_cast %mul3A_485 : vector<16xf32> to vector<1x1x16xf32>
      tpu.vector_store %arg6[%swap3A_491, %swap3A_492, %swap3A_493], %swap3A_496 {strides = array<i32>} : memref<8x64x128xf32, #tpu.memory_space<vmem>>, vector<1x1x16xf32>,
      %mul3A_497 = arith.constant 2 : i32
      %mul3A_498 = arith.muli %scan3A_426, %mul3A_497 : i32
      %add3A_499 = arith.constant 0 : i32
      %add3A_500 = arith.addi %mul3A_498, %add3A_499 : i32
      %get3A_501 = arith.constant 4 : i32
      %get3A_502 = arith.index_cast %get3A_501 : i32 to index
      %get3A_503 = arith.index_cast %add3A_500 : i32 to index
      %get3A_504 = arith.constant 48 : index
      %get3A_505 = tpu.vector_load %arg6[%get3A_502, %get3A_503, %get3A_504] {strides = array<i32>} : memref<8x64x128xf32, #tpu.memory_space<vmem>>, vector<1x1x16xf32>,
      %get3A_506 = vector.shape_cast %get3A_505 : vector<1x1x16xf32> to vector<16xf32>
      %mul3A_507 = arith.constant 2.000000e-01 : f32
      %mul3A_508 = vector.broadcast %mul3A_507 : f32 to vector<16xf32>
      %mul3A_509 = arith.mulf %get3A_506, %mul3A_508 : vector<16xf32>
      %mul3A_510 = arith.constant 2 : i32
      %mul3A_511 = arith.muli %scan3A_426, %mul3A_510 : i32
      %add3A_512 = arith.constant 0 : i32
      %add3A_513 = arith.addi %mul3A_511, %add3A_512 : i32
      %swap3A_514 = arith.constant 4 : i32
      %swap3A_515 = arith.index_cast %swap3A_514 : i32 to index
      %swap3A_516 = arith.index_cast %add3A_513 : i32 to index
      %swap3A_517 = arith.constant 48 : index
      %swap3A_518 = tpu.vector_load %arg6[%swap3A_515, %swap3A_516, %swap3A_517] {strides = array<i32>} : memref<8x64x128xf32, #tpu.memory_space<vmem>>, vector<1x1x16xf32>,
      %swap3A_519 = vector.shape_cast %swap3A_518 : vector<1x1x16xf32> to vector<16xf32>
      %swap3A_520 = vector.shape_cast %mul3A_509 : vector<16xf32> to vector<1x1x16xf32>
      tpu.vector_store %arg6[%swap3A_515, %swap3A_516, %swap3A_517], %swap3A_520 {strides = array<i32>} : memref<8x64x128xf32, #tpu.memory_space<vmem>>, vector<1x1x16xf32>,
      %mul3A_521 = arith.constant 2 : i32
      %mul3A_522 = arith.muli %scan3A_426, %mul3A_521 : i32
      %add3A_523 = arith.constant 0 : i32
      %add3A_524 = arith.addi %mul3A_522, %add3A_523 : i32
      %get3A_525 = arith.constant 4 : i32
      %get3A_526 = arith.index_cast %get3A_525 : i32 to index
      %get3A_527 = arith.index_cast %add3A_524 : i32 to index
      %get3A_528 = arith.constant 64 : index
      %get3A_529 = tpu.vector_load %arg6[%get3A_526, %get3A_527, %get3A_528] {strides = array<i32>} : memref<8x64x128xf32, #tpu.memory_space<vmem>>, vector<1x1x16xf32>,
      %get3A_530 = vector.shape_cast %get3A_529 : vector<1x1x16xf32> to vector<16xf32>
      %mul3A_531 = arith.constant 2.000000e-01 : f32
      %mul3A_532 = vector.broadcast %mul3A_531 : f32 to vector<16xf32>
      %mul3A_533 = arith.mulf %get3A_530, %mul3A_532 : vector<16xf32>
      %mul3A_534 = arith.constant 2 : i32
      %mul3A_535 = arith.muli %scan3A_426, %mul3A_534 : i32
      %add3A_536 = arith.constant 0 : i32
      %add3A_537 = arith.addi %mul3A_535, %add3A_536 : i32
      %swap3A_538 = arith.constant 4 : i32
      %swap3A_539 = arith.index_cast %swap3A_538 : i32 to index
      %swap3A_540 = arith.index_cast %add3A_537 : i32 to index
      %swap3A_541 = arith.constant 64 : index
      %swap3A_542 = tpu.vector_load %arg6[%swap3A_539, %swap3A_540, %swap3A_541] {strides = array<i32>} : memref<8x64x128xf32, #tpu.memory_space<vmem>>, vector<1x1x16xf32>,
      %swap3A_543 = vector.shape_cast %swap3A_542 : vector<1x1x16xf32> to vector<16xf32>
      %swap3A_544 = vector.shape_cast %mul3A_533 : vector<16xf32> to vector<1x1x16xf32>
      tpu.vector_store %arg6[%swap3A_539, %swap3A_540, %swap3A_541], %swap3A_544 {strides = array<i32>} : memref<8x64x128xf32, #tpu.memory_space<vmem>>, vector<1x1x16xf32>,
      %mul3A_545 = arith.constant 2 : i32
      %mul3A_546 = arith.muli %scan3A_426, %mul3A_545 : i32
      %add3A_547 = arith.constant 0 : i32
      %add3A_548 = arith.addi %mul3A_546, %add3A_547 : i32
      %get3A_549 = arith.constant 4 : i32
      %get3A_550 = arith.index_cast %get3A_549 : i32 to index
      %get3A_551 = arith.index_cast %add3A_548 : i32 to index
      %get3A_552 = arith.constant 80 : index
      %get3A_553 = tpu.vector_load %arg6[%get3A_550, %get3A_551, %get3A_552] {strides = array<i32>} : memref<8x64x128xf32, #tpu.memory_space<vmem>>, vector<1x1x16xf32>,
      %get3A_554 = vector.shape_cast %get3A_553 : vector<1x1x16xf32> to vector<16xf32>
      %mul3A_555 = arith.constant 2.000000e-01 : f32
      %mul3A_556 = vector.broadcast %mul3A_555 : f32 to vector<16xf32>
      %mul3A_557 = arith.mulf %get3A_554, %mul3A_556 : vector<16xf32>
      %mul3A_558 = arith.constant 2 : i32
      %mul3A_559 = arith.muli %scan3A_426, %mul3A_558 : i32
      %add3A_560 = arith.constant 0 : i32
      %add3A_561 = arith.addi %mul3A_559, %add3A_560 : i32
      %swap3A_562 = arith.constant 4 : i32
      %swap3A_563 = arith.index_cast %swap3A_562 : i32 to index
      %swap3A_564 = arith.index_cast %add3A_561 : i32 to index
      %swap3A_565 = arith.constant 80 : index
      %swap3A_566 = tpu.vector_load %arg6[%swap3A_563, %swap3A_564, %swap3A_565] {strides = array<i32>} : memref<8x64x128xf32, #tpu.memory_space<vmem>>, vector<1x1x16xf32>,
      %swap3A_567 = vector.shape_cast %swap3A_566 : vector<1x1x16xf32> to vector<16xf32>
      %swap3A_568 = vector.shape_cast %mul3A_557 : vector<16xf32> to vector<1x1x16xf32>
      tpu.vector_store %arg6[%swap3A_563, %swap3A_564, %swap3A_565], %swap3A_568 {strides = array<i32>} : memref<8x64x128xf32, #tpu.memory_space<vmem>>, vector<1x1x16xf32>,
      %mul3A_569 = arith.constant 2 : i32
      %mul3A_570 = arith.muli %scan3A_426, %mul3A_569 : i32
      %add3A_571 = arith.constant 0 : i32
      %add3A_572 = arith.addi %mul3A_570, %add3A_571 : i32
      %get3A_573 = arith.constant 4 : i32
      %get3A_574 = arith.index_cast %get3A_573 : i32 to index
      %get3A_575 = arith.index_cast %add3A_572 : i32 to index
      %get3A_576 = arith.constant 96 : index
      %get3A_577 = tpu.vector_load %arg6[%get3A_574, %get3A_575, %get3A_576] {strides = array<i32>} : memref<8x64x128xf32, #tpu.memory_space<vmem>>, vector<1x1x16xf32>,
      %get3A_578 = vector.shape_cast %get3A_577 : vector<1x1x16xf32> to vector<16xf32>
      %mul3A_579 = arith.constant 2.000000e-01 : f32
      %mul3A_580 = vector.broadcast %mul3A_579 : f32 to vector<16xf32>
      %mul3A_581 = arith.mulf %get3A_578, %mul3A_580 : vector<16xf32>
      %mul3A_582 = arith.constant 2 : i32
      %mul3A_583 = arith.muli %scan3A_426, %mul3A_582 : i32
      %add3A_584 = arith.constant 0 : i32
      %add3A_585 = arith.addi %mul3A_583, %add3A_584 : i32
      %swap3A_586 = arith.constant 4 : i32
      %swap3A_587 = arith.index_cast %swap3A_586 : i32 to index
      %swap3A_588 = arith.index_cast %add3A_585 : i32 to index
      %swap3A_589 = arith.constant 96 : index
      %swap3A_590 = tpu.vector_load %arg6[%swap3A_587, %swap3A_588, %swap3A_589] {strides = array<i32>} : memref<8x64x128xf32, #tpu.memory_space<vmem>>, vector<1x1x16xf32>,
      %swap3A_591 = vector.shape_cast %swap3A_590 : vector<1x1x16xf32> to vector<16xf32>
      %swap3A_592 = vector.shape_cast %mul3A_581 : vector<16xf32> to vector<1x1x16xf32>
      tpu.vector_store %arg6[%swap3A_587, %swap3A_588, %swap3A_589], %swap3A_592 {strides = array<i32>} : memref<8x64x128xf32, #tpu.memory_space<vmem>>, vector<1x1x16xf32>,
      %mul3A_593 = arith.constant 2 : i32
      %mul3A_594 = arith.muli %scan3A_426, %mul3A_593 : i32
      %add3A_595 = arith.constant 0 : i32
      %add3A_596 = arith.addi %mul3A_594, %add3A_595 : i32
      %get3A_597 = arith.constant 4 : i32
      %get3A_598 = arith.index_cast %get3A_597 : i32 to index
      %get3A_599 = arith.index_cast %add3A_596 : i32 to index
      %get3A_600 = arith.constant 112 : index
      %get3A_601 = tpu.vector_load %arg6[%get3A_598, %get3A_599, %get3A_600] {strides = array<i32>} : memref<8x64x128xf32, #tpu.memory_space<vmem>>, vector<1x1x16xf32>,
      %get3A_602 = vector.shape_cast %get3A_601 : vector<1x1x16xf32> to vector<16xf32>
      %mul3A_603 = arith.constant 2.000000e-01 : f32
      %mul3A_604 = vector.broadcast %mul3A_603 : f32 to vector<16xf32>
      %mul3A_605 = arith.mulf %get3A_602, %mul3A_604 : vector<16xf32>
      %mul3A_606 = arith.constant 2 : i32
      %mul3A_607 = arith.muli %scan3A_426, %mul3A_606 : i32
      %add3A_608 = arith.constant 0 : i32
      %add3A_609 = arith.addi %mul3A_607, %add3A_608 : i32
      %swap3A_610 = arith.constant 4 : i32
      %swap3A_611 = arith.index_cast %swap3A_610 : i32 to index
      %swap3A_612 = arith.index_cast %add3A_609 : i32 to index
      %swap3A_613 = arith.constant 112 : index
      %swap3A_614 = tpu.vector_load %arg6[%swap3A_611, %swap3A_612, %swap3A_613] {strides = array<i32>} : memref<8x64x128xf32, #tpu.memory_space<vmem>>, vector<1x1x16xf32>,
      %swap3A_615 = vector.shape_cast %swap3A_614 : vector<1x1x16xf32> to vector<16xf32>
      %swap3A_616 = vector.shape_cast %mul3A_605 : vector<16xf32> to vector<1x1x16xf32>
      tpu.vector_store %arg6[%swap3A_611, %swap3A_612, %swap3A_613], %swap3A_616 {strides = array<i32>} : memref<8x64x128xf32, #tpu.memory_space<vmem>>, vector<1x1x16xf32>,
      %mul3A_617 = arith.constant 2 : i32
      %mul3A_618 = arith.muli %scan3A_426, %mul3A_617 : i32
      %add3A_619 = arith.constant 1 : i32
      %add3A_620 = arith.addi %mul3A_618, %add3A_619 : i32
      %get3A_621 = arith.constant 4 : i32
      %get3A_622 = arith.index_cast %get3A_621 : i32 to index
      %get3A_623 = arith.index_cast %add3A_620 : i32 to index
      %get3A_624 = arith.constant 0 : index
      %get3A_625 = tpu.vector_load %arg6[%get3A_622, %get3A_623, %get3A_624] {strides = array<i32>} : memref<8x64x128xf32, #tpu.memory_space<vmem>>, vector<1x1x16xf32>,
      %get3A_626 = vector.shape_cast %get3A_625 : vector<1x1x16xf32> to vector<16xf32>
      %mul3A_627 = arith.constant 2.000000e-01 : f32
      %mul3A_628 = vector.broadcast %mul3A_627 : f32 to vector<16xf32>
      %mul3A_629 = arith.mulf %get3A_626, %mul3A_628 : vector<16xf32>
      %mul3A_630 = arith.constant 2 : i32
      %mul3A_631 = arith.muli %scan3A_426, %mul3A_630 : i32
      %add3A_632 = arith.constant 1 : i32
      %add3A_633 = arith.addi %mul3A_631, %add3A_632 : i32
      %swap3A_634 = arith.constant 4 : i32
      %swap3A_635 = arith.index_cast %swap3A_634 : i32 to index
      %swap3A_636 = arith.index_cast %add3A_633 : i32 to index
      %swap3A_637 = arith.constant 0 : index
      %swap3A_638 = tpu.vector_load %arg6[%swap3A_635, %swap3A_636, %swap3A_637] {strides = array<i32>} : memref<8x64x128xf32, #tpu.memory_space<vmem>>, vector<1x1x16xf32>,
      %swap3A_639 = vector.shape_cast %swap3A_638 : vector<1x1x16xf32> to vector<16xf32>
      %swap3A_640 = vector.shape_cast %mul3A_629 : vector<16xf32> to vector<1x1x16xf32>
      tpu.vector_store %arg6[%swap3A_635, %swap3A_636, %swap3A_637], %swap3A_640 {strides = array<i32>} : memref<8x64x128xf32, #tpu.memory_space<vmem>>, vector<1x1x16xf32>,
      %mul3A_641 = arith.constant 2 : i32
      %mul3A_642 = arith.muli %scan3A_426, %mul3A_641 : i32
      %add3A_643 = arith.constant 1 : i32
      %add3A_644 = arith.addi %mul3A_642, %add3A_643 : i32
      %get3A_645 = arith.constant 4 : i32
      %get3A_646 = arith.index_cast %get3A_645 : i32 to index
      %get3A_647 = arith.index_cast %add3A_644 : i32 to index
      %get3A_648 = arith.constant 16 : index
      %get3A_649 = tpu.vector_load %arg6[%get3A_646, %get3A_647, %get3A_648] {strides = array<i32>} : memref<8x64x128xf32, #tpu.memory_space<vmem>>, vector<1x1x16xf32>,
      %get3A_650 = vector.shape_cast %get3A_649 : vector<1x1x16xf32> to vector<16xf32>
      %mul3A_651 = arith.constant 2.000000e-01 : f32
      %mul3A_652 = vector.broadcast %mul3A_651 : f32 to vector<16xf32>
      %mul3A_653 = arith.mulf %get3A_650, %mul3A_652 : vector<16xf32>
      %mul3A_654 = arith.constant 2 : i32
      %mul3A_655 = arith.muli %scan3A_426, %mul3A_654 : i32
      %add3A_656 = arith.constant 1 : i32
      %add3A_657 = arith.addi %mul3A_655, %add3A_656 : i32
      %swap3A_658 = arith.constant 4 : i32
      %swap3A_659 = arith.index_cast %swap3A_658 : i32 to index
      %swap3A_660 = arith.index_cast %add3A_657 : i32 to index
      %swap3A_661 = arith.constant 16 : index
      %swap3A_662 = tpu.vector_load %arg6[%swap3A_659, %swap3A_660, %swap3A_661] {strides = array<i32>} : memref<8x64x128xf32, #tpu.memory_space<vmem>>, vector<1x1x16xf32>,
      %swap3A_663 = vector.shape_cast %swap3A_662 : vector<1x1x16xf32> to vector<16xf32>
      %swap3A_664 = vector.shape_cast %mul3A_653 : vector<16xf32> to vector<1x1x16xf32>
      tpu.vector_store %arg6[%swap3A_659, %swap3A_660, %swap3A_661], %swap3A_664 {strides = array<i32>} : memref<8x64x128xf32, #tpu.memory_space<vmem>>, vector<1x1x16xf32>,
      %mul3A_665 = arith.constant 2 : i32
      %mul3A_666 = arith.muli %scan3A_426, %mul3A_665 : i32
      %add3A_667 = arith.constant 1 : i32
      %add3A_668 = arith.addi %mul3A_666, %add3A_667 : i32
      %get3A_669 = arith.constant 4 : i32
      %get3A_670 = arith.index_cast %get3A_669 : i32 to index
      %get3A_671 = arith.index_cast %add3A_668 : i32 to index
      %get3A_672 = arith.constant 32 : index
      %get3A_673 = tpu.vector_load %arg6[%get3A_670, %get3A_671, %get3A_672] {strides = array<i32>} : memref<8x64x128xf32, #tpu.memory_space<vmem>>, vector<1x1x16xf32>,
      %get3A_674 = vector.shape_cast %get3A_673 : vector<1x1x16xf32> to vector<16xf32>
      %mul3A_675 = arith.constant 2.000000e-01 : f32
      %mul3A_676 = vector.broadcast %mul3A_675 : f32 to vector<16xf32>
      %mul3A_677 = arith.mulf %get3A_674, %mul3A_676 : vector<16xf32>
      %mul3A_678 = arith.constant 2 : i32
      %mul3A_679 = arith.muli %scan3A_426, %mul3A_678 : i32
      %add3A_680 = arith.constant 1 : i32
      %add3A_681 = arith.addi %mul3A_679, %add3A_680 : i32
      %swap3A_682 = arith.constant 4 : i32
      %swap3A_683 = arith.index_cast %swap3A_682 : i32 to index
      %swap3A_684 = arith.index_cast %add3A_681 : i32 to index
      %swap3A_685 = arith.constant 32 : index
      %swap3A_686 = tpu.vector_load %arg6[%swap3A_683, %swap3A_684, %swap3A_685] {strides = array<i32>} : memref<8x64x128xf32, #tpu.memory_space<vmem>>, vector<1x1x16xf32>,
      %swap3A_687 = vector.shape_cast %swap3A_686 : vector<1x1x16xf32> to vector<16xf32>
      %swap3A_688 = vector.shape_cast %mul3A_677 : vector<16xf32> to vector<1x1x16xf32>
      tpu.vector_store %arg6[%swap3A_683, %swap3A_684, %swap3A_685], %swap3A_688 {strides = array<i32>} : memref<8x64x128xf32, #tpu.memory_space<vmem>>, vector<1x1x16xf32>,
      %mul3A_689 = arith.constant 2 : i32
      %mul3A_690 = arith.muli %scan3A_426, %mul3A_689 : i32
      %add3A_691 = arith.constant 1 : i32
      %add3A_692 = arith.addi %mul3A_690, %add3A_691 : i32
      %get3A_693 = arith.constant 4 : i32
      %get3A_694 = arith.index_cast %get3A_693 : i32 to index
      %get3A_695 = arith.index_cast %add3A_692 : i32 to index
      %get3A_696 = arith.constant 48 : index
      %get3A_697 = tpu.vector_load %arg6[%get3A_694, %get3A_695, %get3A_696] {strides = array<i32>} : memref<8x64x128xf32, #tpu.memory_space<vmem>>, vector<1x1x16xf32>,
      %get3A_698 = vector.shape_cast %get3A_697 : vector<1x1x16xf32> to vector<16xf32>
      %mul3A_699 = arith.constant 2.000000e-01 : f32
      %mul3A_700 = vector.broadcast %mul3A_699 : f32 to vector<16xf32>
      %mul3A_701 = arith.mulf %get3A_698, %mul3A_700 : vector<16xf32>
      %mul3A_702 = arith.constant 2 : i32
      %mul3A_703 = arith.muli %scan3A_426, %mul3A_702 : i32
      %add3A_704 = arith.constant 1 : i32
      %add3A_705 = arith.addi %mul3A_703, %add3A_704 : i32
      %swap3A_706 = arith.constant 4 : i32
      %swap3A_707 = arith.index_cast %swap3A_706 : i32 to index
      %swap3A_708 = arith.index_cast %add3A_705 : i32 to index
      %swap3A_709 = arith.constant 48 : index
      %swap3A_710 = tpu.vector_load %arg6[%swap3A_707, %swap3A_708, %swap3A_709] {strides = array<i32>} : memref<8x64x128xf32, #tpu.memory_space<vmem>>, vector<1x1x16xf32>,
      %swap3A_711 = vector.shape_cast %swap3A_710 : vector<1x1x16xf32> to vector<16xf32>
      %swap3A_712 = vector.shape_cast %mul3A_701 : vector<16xf32> to vector<1x1x16xf32>
      tpu.vector_store %arg6[%swap3A_707, %swap3A_708, %swap3A_709], %swap3A_712 {strides = array<i32>} : memref<8x64x128xf32, #tpu.memory_space<vmem>>, vector<1x1x16xf32>,
      %mul3A_713 = arith.constant 2 : i32
      %mul3A_714 = arith.muli %scan3A_426, %mul3A_713 : i32
      %add3A_715 = arith.constant 1 : i32
      %add3A_716 = arith.addi %mul3A_714, %add3A_715 : i32
      %get3A_717 = arith.constant 4 : i32
      %get3A_718 = arith.index_cast %get3A_717 : i32 to index
      %get3A_719 = arith.index_cast %add3A_716 : i32 to index
      %get3A_720 = arith.constant 64 : index
      %get3A_721 = tpu.vector_load %arg6[%get3A_718, %get3A_719, %get3A_720] {strides = array<i32>} : memref<8x64x128xf32, #tpu.memory_space<vmem>>, vector<1x1x16xf32>,
      %get3A_722 = vector.shape_cast %get3A_721 : vector<1x1x16xf32> to vector<16xf32>
      %mul3A_723 = arith.constant 2.000000e-01 : f32
      %mul3A_724 = vector.broadcast %mul3A_723 : f32 to vector<16xf32>
      %mul3A_725 = arith.mulf %get3A_722, %mul3A_724 : vector<16xf32>
      %mul3A_726 = arith.constant 2 : i32
      %mul3A_727 = arith.muli %scan3A_426, %mul3A_726 : i32
      %add3A_728 = arith.constant 1 : i32
      %add3A_729 = arith.addi %mul3A_727, %add3A_728 : i32
      %swap3A_730 = arith.constant 4 : i32
      %swap3A_731 = arith.index_cast %swap3A_730 : i32 to index
      %swap3A_732 = arith.index_cast %add3A_729 : i32 to index
      %swap3A_733 = arith.constant 64 : index
      %swap3A_734 = tpu.vector_load %arg6[%swap3A_731, %swap3A_732, %swap3A_733] {strides = array<i32>} : memref<8x64x128xf32, #tpu.memory_space<vmem>>, vector<1x1x16xf32>,
      %swap3A_735 = vector.shape_cast %swap3A_734 : vector<1x1x16xf32> to vector<16xf32>
      %swap3A_736 = vector.shape_cast %mul3A_725 : vector<16xf32> to vector<1x1x16xf32>
      tpu.vector_store %arg6[%swap3A_731, %swap3A_732, %swap3A_733], %swap3A_736 {strides = array<i32>} : memref<8x64x128xf32, #tpu.memory_space<vmem>>, vector<1x1x16xf32>,
      %mul3A_737 = arith.constant 2 : i32
      %mul3A_738 = arith.muli %scan3A_426, %mul3A_737 : i32
      %add3A_739 = arith.constant 1 : i32
      %add3A_740 = arith.addi %mul3A_738, %add3A_739 : i32
      %get3A_741 = arith.constant 4 : i32
      %get3A_742 = arith.index_cast %get3A_741 : i32 to index
      %get3A_743 = arith.index_cast %add3A_740 : i32 to index
      %get3A_744 = arith.constant 80 : index
      %get3A_745 = tpu.vector_load %arg6[%get3A_742, %get3A_743, %get3A_744] {strides = array<i32>} : memref<8x64x128xf32, #tpu.memory_space<vmem>>, vector<1x1x16xf32>,
      %get3A_746 = vector.shape_cast %get3A_745 : vector<1x1x16xf32> to vector<16xf32>
      %mul3A_747 = arith.constant 2.000000e-01 : f32
      %mul3A_748 = vector.broadcast %mul3A_747 : f32 to vector<16xf32>
      %mul3A_749 = arith.mulf %get3A_746, %mul3A_748 : vector<16xf32>
      %mul3A_750 = arith.constant 2 : i32
      %mul3A_751 = arith.muli %scan3A_426, %mul3A_750 : i32
      %add3A_752 = arith.constant 1 : i32
      %add3A_753 = arith.addi %mul3A_751, %add3A_752 : i32
      %swap3A_754 = arith.constant 4 : i32
      %swap3A_755 = arith.index_cast %swap3A_754 : i32 to index
      %swap3A_756 = arith.index_cast %add3A_753 : i32 to index
      %swap3A_757 = arith.constant 80 : index
      %swap3A_758 = tpu.vector_load %arg6[%swap3A_755, %swap3A_756, %swap3A_757] {strides = array<i32>} : memref<8x64x128xf32, #tpu.memory_space<vmem>>, vector<1x1x16xf32>,
      %swap3A_759 = vector.shape_cast %swap3A_758 : vector<1x1x16xf32> to vector<16xf32>
      %swap3A_760 = vector.shape_cast %mul3A_749 : vector<16xf32> to vector<1x1x16xf32>
      tpu.vector_store %arg6[%swap3A_755, %swap3A_756, %swap3A_757], %swap3A_760 {strides = array<i32>} : memref<8x64x128xf32, #tpu.memory_space<vmem>>, vector<1x1x16xf32>,
      %mul3A_761 = arith.constant 2 : i32
      %mul3A_762 = arith.muli %scan3A_426, %mul3A_761 : i32
      %add3A_763 = arith.constant 1 : i32
      %add3A_764 = arith.addi %mul3A_762, %add3A_763 : i32
      %get3A_765 = arith.constant 4 : i32
      %get3A_766 = arith.index_cast %get3A_765 : i32 to index
      %get3A_767 = arith.index_cast %add3A_764 : i32 to index
      %get3A_768 = arith.constant 96 : index
      %get3A_769 = tpu.vector_load %arg6[%get3A_766, %get3A_767, %get3A_768] {strides = array<i32>} : memref<8x64x128xf32, #tpu.memory_space<vmem>>, vector<1x1x16xf32>,
      %get3A_770 = vector.shape_cast %get3A_769 : vector<1x1x16xf32> to vector<16xf32>
      %mul3A_771 = arith.constant 2.000000e-01 : f32
      %mul3A_772 = vector.broadcast %mul3A_771 : f32 to vector<16xf32>
      %mul3A_773 = arith.mulf %get3A_770, %mul3A_772 : vector<16xf32>
      %mul3A_774 = arith.constant 2 : i32
      %mul3A_775 = arith.muli %scan3A_426, %mul3A_774 : i32
      %add3A_776 = arith.constant 1 : i32
      %add3A_777 = arith.addi %mul3A_775, %add3A_776 : i32
      %swap3A_778 = arith.constant 4 : i32
      %swap3A_779 = arith.index_cast %swap3A_778 : i32 to index
      %swap3A_780 = arith.index_cast %add3A_777 : i32 to index
      %swap3A_781 = arith.constant 96 : index
      %swap3A_782 = tpu.vector_load %arg6[%swap3A_779, %swap3A_780, %swap3A_781] {strides = array<i32>} : memref<8x64x128xf32, #tpu.memory_space<vmem>>, vector<1x1x16xf32>,
      %swap3A_783 = vector.shape_cast %swap3A_782 : vector<1x1x16xf32> to vector<16xf32>
      %swap3A_784 = vector.shape_cast %mul3A_773 : vector<16xf32> to vector<1x1x16xf32>
      tpu.vector_store %arg6[%swap3A_779, %swap3A_780, %swap3A_781], %swap3A_784 {strides = array<i32>} : memref<8x64x128xf32, #tpu.memory_space<vmem>>, vector<1x1x16xf32>,
      %mul3A_785 = arith.constant 2 : i32
      %mul3A_786 = arith.muli %scan3A_426, %mul3A_785 : i32
      %add3A_787 = arith.constant 1 : i32
      %add3A_788 = arith.addi %mul3A_786, %add3A_787 : i32
      %get3A_789 = arith.constant 4 : i32
      %get3A_790 = arith.index_cast %get3A_789 : i32 to index
      %get3A_791 = arith.index_cast %add3A_788 : i32 to index
      %get3A_792 = arith.constant 112 : index
      %get3A_793 = tpu.vector_load %arg6[%get3A_790, %get3A_791, %get3A_792] {strides = array<i32>} : memref<8x64x128xf32, #tpu.memory_space<vmem>>, vector<1x1x16xf32>,
      %get3A_794 = vector.shape_cast %get3A_793 : vector<1x1x16xf32> to vector<16xf32>
      %mul3A_795 = arith.constant 2.000000e-01 : f32
      %mul3A_796 = vector.broadcast %mul3A_795 : f32 to vector<16xf32>
      %mul3A_797 = arith.mulf %get3A_794, %mul3A_796 : vector<16xf32>
      %mul3A_798 = arith.constant 2 : i32
      %mul3A_799 = arith.muli %scan3A_426, %mul3A_798 : i32
      %add3A_800 = arith.constant 1 : i32
      %add3A_801 = arith.addi %mul3A_799, %add3A_800 : i32
      %swap3A_802 = arith.constant 4 : i32
      %swap3A_803 = arith.index_cast %swap3A_802 : i32 to index
      %swap3A_804 = arith.index_cast %add3A_801 : i32 to index
      %swap3A_805 = arith.constant 112 : index
      %swap3A_806 = tpu.vector_load %arg6[%swap3A_803, %swap3A_804, %swap3A_805] {strides = array<i32>} : memref<8x64x128xf32, #tpu.memory_space<vmem>>, vector<1x1x16xf32>,
      %swap3A_807 = vector.shape_cast %swap3A_806 : vector<1x1x16xf32> to vector<16xf32>
      %swap3A_808 = vector.shape_cast %mul3A_797 : vector<16xf32> to vector<1x1x16xf32>
      tpu.vector_store %arg6[%swap3A_803, %swap3A_804, %swap3A_805], %swap3A_808 {strides = array<i32>} : memref<8x64x128xf32, #tpu.memory_space<vmem>>, vector<1x1x16xf32>,
    }
    %scan3A_216 = arith.constant 32 : i32
    %add3A_217 = arith.constant 256 : i32
    %add3A_218 = arith.addi %mul3A_2, %add3A_217 : i32
    %dma_start3A_219 = arith.constant 4 : i32
    %dma_start3A_220 = arith.constant 0 : i32
    %dma_start3A_221 = arith.constant 0 : i32
    %dma_start3A_222 = tpu.memref_slice %arg6[%dma_start3A_219, %dma_start3A_220, %dma_start3A_221] : memref<8x64x128xf32, #tpu.memory_space<vmem>> -> memref<1x64x128xf32, #tpu.memory_space<vmem>>
    %dma_start3A_223 = tpu.memref_squeeze %dma_start3A_222 : memref<1x64x128xf32, #tpu.memory_space<vmem>> -> memref<64x128xf32, #tpu.memory_space<vmem>>
    %dma_start3A_224 = arith.constant 0 : i32
    %dma_start3A_225 = tpu.memref_slice %arg4[%add3A_218, %dma_start3A_224] : memref<16384x128xf32, #tpu.memory_space<hbm>> -> memref<64x128xf32, #tpu.memory_space<hbm>>
    %dma_start3A_226 = arith.constant 0 : i32
    %dma_start3A_227 = tpu.memref_slice %arg4[%add3A_218, %dma_start3A_226] : memref<16384x128xf32, #tpu.memory_space<hbm>> -> memref<64x128xf32, #tpu.memory_space<hbm>>
    %dma_start3A_228 = arith.constant 0 : i32
    %dma_start3A_229 = arith.constant 0 : i32
    %dma_start3A_230 = tpu.memref_slice %arg6[%dma_start3A_219, %dma_start3A_228, %dma_start3A_229] : memref<8x64x128xf32, #tpu.memory_space<vmem>> -> memref<1x64x128xf32, #tpu.memory_space<vmem>>
    %dma_start3A_231 = tpu.memref_squeeze %dma_start3A_230 : memref<1x64x128xf32, #tpu.memory_space<vmem>> -> memref<64x128xf32, #tpu.memory_space<vmem>>
    tpu.enqueue_dma source(%dma_start3A_231 : memref<64x128xf32, #tpu.memory_space<vmem>>) target(%dma_start3A_227 : memref<64x128xf32, #tpu.memory_space<hbm>>) target_semaphore(%arg15 : memref<!tpu.dma_semaphore, #tpu.memory_space<semaphore_mem>>)
    %dma_wait3A_232 = arith.constant 5 : i32
    %dma_wait3A_233 = arith.constant 0 : i32
    %dma_wait3A_234 = arith.constant 0 : i32
    %dma_wait3A_235 = tpu.memref_slice %arg6[%dma_wait3A_232, %dma_wait3A_233, %dma_wait3A_234] : memref<8x64x128xf32, #tpu.memory_space<vmem>> -> memref<1x64x128xf32, #tpu.memory_space<vmem>>
    %dma_wait3A_236 = tpu.memref_squeeze %dma_wait3A_235 : memref<1x64x128xf32, #tpu.memory_space<vmem>> -> memref<64x128xf32, #tpu.memory_space<vmem>>
    %dma_wait3A_237 = arith.constant 320 : i32
    %dma_wait3A_238 = tpu.memref_slice %arg5[%dma_wait3A_237] : memref<512xi32, #tpu.memory_space<vmem>> -> memref<64xi32, #tpu.memory_space<vmem>>
    %dma_wait3A_239 = arith.constant 0 : i32
    %dma_wait3A_240 = arith.constant 0 : i32
    %dma_wait3A_241 = tpu.memref_slice %arg2[%dma_wait3A_239, %dma_wait3A_240] : memref<100000x128xf32, #tpu.memory_space<hbm>> -> memref<100000x128xf32, #tpu.memory_space<hbm>>
    tpu.wait_indirect_dma semaphore(%arg12 : memref<!tpu.dma_semaphore, #tpu.memory_space<semaphore_mem>>) src(%dma_wait3A_241 : memref<100000x128xf32, #tpu.memory_space<hbm>>) dst(%dma_wait3A_236 : memref<64x128xf32, #tpu.memory_space<vmem>>)
    %scan3A_242 = arith.constant 0 : i32
    %scan3A_243 = arith.constant 32 : i32
    %scan3A_244 = arith.addi %scan3A_242, %scan3A_243 : i32
    %scan3A_245 = arith.constant 1 : i32
    scf.for %scan3A_426 = %scan3A_242 to %scan3A_244 step %scan3A_245  : i32 {
      %mul3A_427 = arith.constant 2 : i32
      %mul3A_428 = arith.muli %scan3A_426, %mul3A_427 : i32
      %add3A_429 = arith.constant 0 : i32
      %add3A_430 = arith.addi %mul3A_428, %add3A_429 : i32
      %get3A = arith.constant 5 : i32
      %get3A_431 = arith.index_cast %get3A : i32 to index
      %get3A_432 = arith.index_cast %add3A_430 : i32 to index
      %get3A_433 = arith.constant 0 : index
      %get3A_434 = tpu.vector_load %arg6[%get3A_431, %get3A_432, %get3A_433] {strides = array<i32>} : memref<8x64x128xf32, #tpu.memory_space<vmem>>, vector<1x1x16xf32>,
      %get3A_435 = vector.shape_cast %get3A_434 : vector<1x1x16xf32> to vector<16xf32>
      %mul3A_436 = arith.constant 2.000000e-01 : f32
      %mul3A_437 = vector.broadcast %mul3A_436 : f32 to vector<16xf32>
      %mul3A_438 = arith.mulf %get3A_435, %mul3A_437 : vector<16xf32>
      %mul3A_439 = arith.constant 2 : i32
      %mul3A_440 = arith.muli %scan3A_426, %mul3A_439 : i32
      %add3A_441 = arith.constant 0 : i32
      %add3A_442 = arith.addi %mul3A_440, %add3A_441 : i32
      %swap3A = arith.constant 5 : i32
      %swap3A_443 = arith.index_cast %swap3A : i32 to index
      %swap3A_444 = arith.index_cast %add3A_442 : i32 to index
      %swap3A_445 = arith.constant 0 : index
      %swap3A_446 = tpu.vector_load %arg6[%swap3A_443, %swap3A_444, %swap3A_445] {strides = array<i32>} : memref<8x64x128xf32, #tpu.memory_space<vmem>>, vector<1x1x16xf32>,
      %swap3A_447 = vector.shape_cast %swap3A_446 : vector<1x1x16xf32> to vector<16xf32>
      %swap3A_448 = vector.shape_cast %mul3A_438 : vector<16xf32> to vector<1x1x16xf32>
      tpu.vector_store %arg6[%swap3A_443, %swap3A_444, %swap3A_445], %swap3A_448 {strides = array<i32>} : memref<8x64x128xf32, #tpu.memory_space<vmem>>, vector<1x1x16xf32>,
      %mul3A_449 = arith.constant 2 : i32
      %mul3A_450 = arith.muli %scan3A_426, %mul3A_449 : i32
      %add3A_451 = arith.constant 0 : i32
      %add3A_452 = arith.addi %mul3A_450, %add3A_451 : i32
      %get3A_453 = arith.constant 5 : i32
      %get3A_454 = arith.index_cast %get3A_453 : i32 to index
      %get3A_455 = arith.index_cast %add3A_452 : i32 to index
      %get3A_456 = arith.constant 16 : index
      %get3A_457 = tpu.vector_load %arg6[%get3A_454, %get3A_455, %get3A_456] {strides = array<i32>} : memref<8x64x128xf32, #tpu.memory_space<vmem>>, vector<1x1x16xf32>,
      %get3A_458 = vector.shape_cast %get3A_457 : vector<1x1x16xf32> to vector<16xf32>
      %mul3A_459 = arith.constant 2.000000e-01 : f32
      %mul3A_460 = vector.broadcast %mul3A_459 : f32 to vector<16xf32>
      %mul3A_461 = arith.mulf %get3A_458, %mul3A_460 : vector<16xf32>
      %mul3A_462 = arith.constant 2 : i32
      %mul3A_463 = arith.muli %scan3A_426, %mul3A_462 : i32
      %add3A_464 = arith.constant 0 : i32
      %add3A_465 = arith.addi %mul3A_463, %add3A_464 : i32
      %swap3A_466 = arith.constant 5 : i32
      %swap3A_467 = arith.index_cast %swap3A_466 : i32 to index
      %swap3A_468 = arith.index_cast %add3A_465 : i32 to index
      %swap3A_469 = arith.constant 16 : index
      %swap3A_470 = tpu.vector_load %arg6[%swap3A_467, %swap3A_468, %swap3A_469] {strides = array<i32>} : memref<8x64x128xf32, #tpu.memory_space<vmem>>, vector<1x1x16xf32>,
      %swap3A_471 = vector.shape_cast %swap3A_470 : vector<1x1x16xf32> to vector<16xf32>
      %swap3A_472 = vector.shape_cast %mul3A_461 : vector<16xf32> to vector<1x1x16xf32>
      tpu.vector_store %arg6[%swap3A_467, %swap3A_468, %swap3A_469], %swap3A_472 {strides = array<i32>} : memref<8x64x128xf32, #tpu.memory_space<vmem>>, vector<1x1x16xf32>,
      %mul3A_473 = arith.constant 2 : i32
      %mul3A_474 = arith.muli %scan3A_426, %mul3A_473 : i32
      %add3A_475 = arith.constant 0 : i32
      %add3A_476 = arith.addi %mul3A_474, %add3A_475 : i32
      %get3A_477 = arith.constant 5 : i32
      %get3A_478 = arith.index_cast %get3A_477 : i32 to index
      %get3A_479 = arith.index_cast %add3A_476 : i32 to index
      %get3A_480 = arith.constant 32 : index
      %get3A_481 = tpu.vector_load %arg6[%get3A_478, %get3A_479, %get3A_480] {strides = array<i32>} : memref<8x64x128xf32, #tpu.memory_space<vmem>>, vector<1x1x16xf32>,
      %get3A_482 = vector.shape_cast %get3A_481 : vector<1x1x16xf32> to vector<16xf32>
      %mul3A_483 = arith.constant 2.000000e-01 : f32
      %mul3A_484 = vector.broadcast %mul3A_483 : f32 to vector<16xf32>
      %mul3A_485 = arith.mulf %get3A_482, %mul3A_484 : vector<16xf32>
      %mul3A_486 = arith.constant 2 : i32
      %mul3A_487 = arith.muli %scan3A_426, %mul3A_486 : i32
      %add3A_488 = arith.constant 0 : i32
      %add3A_489 = arith.addi %mul3A_487, %add3A_488 : i32
      %swap3A_490 = arith.constant 5 : i32
      %swap3A_491 = arith.index_cast %swap3A_490 : i32 to index
      %swap3A_492 = arith.index_cast %add3A_489 : i32 to index
      %swap3A_493 = arith.constant 32 : index
      %swap3A_494 = tpu.vector_load %arg6[%swap3A_491, %swap3A_492, %swap3A_493] {strides = array<i32>} : memref<8x64x128xf32, #tpu.memory_space<vmem>>, vector<1x1x16xf32>,
      %swap3A_495 = vector.shape_cast %swap3A_494 : vector<1x1x16xf32> to vector<16xf32>
      %swap3A_496 = vector.shape_cast %mul3A_485 : vector<16xf32> to vector<1x1x16xf32>
      tpu.vector_store %arg6[%swap3A_491, %swap3A_492, %swap3A_493], %swap3A_496 {strides = array<i32>} : memref<8x64x128xf32, #tpu.memory_space<vmem>>, vector<1x1x16xf32>,
      %mul3A_497 = arith.constant 2 : i32
      %mul3A_498 = arith.muli %scan3A_426, %mul3A_497 : i32
      %add3A_499 = arith.constant 0 : i32
      %add3A_500 = arith.addi %mul3A_498, %add3A_499 : i32
      %get3A_501 = arith.constant 5 : i32
      %get3A_502 = arith.index_cast %get3A_501 : i32 to index
      %get3A_503 = arith.index_cast %add3A_500 : i32 to index
      %get3A_504 = arith.constant 48 : index
      %get3A_505 = tpu.vector_load %arg6[%get3A_502, %get3A_503, %get3A_504] {strides = array<i32>} : memref<8x64x128xf32, #tpu.memory_space<vmem>>, vector<1x1x16xf32>,
      %get3A_506 = vector.shape_cast %get3A_505 : vector<1x1x16xf32> to vector<16xf32>
      %mul3A_507 = arith.constant 2.000000e-01 : f32
      %mul3A_508 = vector.broadcast %mul3A_507 : f32 to vector<16xf32>
      %mul3A_509 = arith.mulf %get3A_506, %mul3A_508 : vector<16xf32>
      %mul3A_510 = arith.constant 2 : i32
      %mul3A_511 = arith.muli %scan3A_426, %mul3A_510 : i32
      %add3A_512 = arith.constant 0 : i32
      %add3A_513 = arith.addi %mul3A_511, %add3A_512 : i32
      %swap3A_514 = arith.constant 5 : i32
      %swap3A_515 = arith.index_cast %swap3A_514 : i32 to index
      %swap3A_516 = arith.index_cast %add3A_513 : i32 to index
      %swap3A_517 = arith.constant 48 : index
      %swap3A_518 = tpu.vector_load %arg6[%swap3A_515, %swap3A_516, %swap3A_517] {strides = array<i32>} : memref<8x64x128xf32, #tpu.memory_space<vmem>>, vector<1x1x16xf32>,
      %swap3A_519 = vector.shape_cast %swap3A_518 : vector<1x1x16xf32> to vector<16xf32>
      %swap3A_520 = vector.shape_cast %mul3A_509 : vector<16xf32> to vector<1x1x16xf32>
      tpu.vector_store %arg6[%swap3A_515, %swap3A_516, %swap3A_517], %swap3A_520 {strides = array<i32>} : memref<8x64x128xf32, #tpu.memory_space<vmem>>, vector<1x1x16xf32>,
      %mul3A_521 = arith.constant 2 : i32
      %mul3A_522 = arith.muli %scan3A_426, %mul3A_521 : i32
      %add3A_523 = arith.constant 0 : i32
      %add3A_524 = arith.addi %mul3A_522, %add3A_523 : i32
      %get3A_525 = arith.constant 5 : i32
      %get3A_526 = arith.index_cast %get3A_525 : i32 to index
      %get3A_527 = arith.index_cast %add3A_524 : i32 to index
      %get3A_528 = arith.constant 64 : index
      %get3A_529 = tpu.vector_load %arg6[%get3A_526, %get3A_527, %get3A_528] {strides = array<i32>} : memref<8x64x128xf32, #tpu.memory_space<vmem>>, vector<1x1x16xf32>,
      %get3A_530 = vector.shape_cast %get3A_529 : vector<1x1x16xf32> to vector<16xf32>
      %mul3A_531 = arith.constant 2.000000e-01 : f32
      %mul3A_532 = vector.broadcast %mul3A_531 : f32 to vector<16xf32>
      %mul3A_533 = arith.mulf %get3A_530, %mul3A_532 : vector<16xf32>
      %mul3A_534 = arith.constant 2 : i32
      %mul3A_535 = arith.muli %scan3A_426, %mul3A_534 : i32
      %add3A_536 = arith.constant 0 : i32
      %add3A_537 = arith.addi %mul3A_535, %add3A_536 : i32
      %swap3A_538 = arith.constant 5 : i32
      %swap3A_539 = arith.index_cast %swap3A_538 : i32 to index
      %swap3A_540 = arith.index_cast %add3A_537 : i32 to index
      %swap3A_541 = arith.constant 64 : index
      %swap3A_542 = tpu.vector_load %arg6[%swap3A_539, %swap3A_540, %swap3A_541] {strides = array<i32>} : memref<8x64x128xf32, #tpu.memory_space<vmem>>, vector<1x1x16xf32>,
      %swap3A_543 = vector.shape_cast %swap3A_542 : vector<1x1x16xf32> to vector<16xf32>
      %swap3A_544 = vector.shape_cast %mul3A_533 : vector<16xf32> to vector<1x1x16xf32>
      tpu.vector_store %arg6[%swap3A_539, %swap3A_540, %swap3A_541], %swap3A_544 {strides = array<i32>} : memref<8x64x128xf32, #tpu.memory_space<vmem>>, vector<1x1x16xf32>,
      %mul3A_545 = arith.constant 2 : i32
      %mul3A_546 = arith.muli %scan3A_426, %mul3A_545 : i32
      %add3A_547 = arith.constant 0 : i32
      %add3A_548 = arith.addi %mul3A_546, %add3A_547 : i32
      %get3A_549 = arith.constant 5 : i32
      %get3A_550 = arith.index_cast %get3A_549 : i32 to index
      %get3A_551 = arith.index_cast %add3A_548 : i32 to index
      %get3A_552 = arith.constant 80 : index
      %get3A_553 = tpu.vector_load %arg6[%get3A_550, %get3A_551, %get3A_552] {strides = array<i32>} : memref<8x64x128xf32, #tpu.memory_space<vmem>>, vector<1x1x16xf32>,
      %get3A_554 = vector.shape_cast %get3A_553 : vector<1x1x16xf32> to vector<16xf32>
      %mul3A_555 = arith.constant 2.000000e-01 : f32
      %mul3A_556 = vector.broadcast %mul3A_555 : f32 to vector<16xf32>
      %mul3A_557 = arith.mulf %get3A_554, %mul3A_556 : vector<16xf32>
      %mul3A_558 = arith.constant 2 : i32
      %mul3A_559 = arith.muli %scan3A_426, %mul3A_558 : i32
      %add3A_560 = arith.constant 0 : i32
      %add3A_561 = arith.addi %mul3A_559, %add3A_560 : i32
      %swap3A_562 = arith.constant 5 : i32
      %swap3A_563 = arith.index_cast %swap3A_562 : i32 to index
      %swap3A_564 = arith.index_cast %add3A_561 : i32 to index
      %swap3A_565 = arith.constant 80 : index
      %swap3A_566 = tpu.vector_load %arg6[%swap3A_563, %swap3A_564, %swap3A_565] {strides = array<i32>} : memref<8x64x128xf32, #tpu.memory_space<vmem>>, vector<1x1x16xf32>,
      %swap3A_567 = vector.shape_cast %swap3A_566 : vector<1x1x16xf32> to vector<16xf32>
      %swap3A_568 = vector.shape_cast %mul3A_557 : vector<16xf32> to vector<1x1x16xf32>
      tpu.vector_store %arg6[%swap3A_563, %swap3A_564, %swap3A_565], %swap3A_568 {strides = array<i32>} : memref<8x64x128xf32, #tpu.memory_space<vmem>>, vector<1x1x16xf32>,
      %mul3A_569 = arith.constant 2 : i32
      %mul3A_570 = arith.muli %scan3A_426, %mul3A_569 : i32
      %add3A_571 = arith.constant 0 : i32
      %add3A_572 = arith.addi %mul3A_570, %add3A_571 : i32
      %get3A_573 = arith.constant 5 : i32
      %get3A_574 = arith.index_cast %get3A_573 : i32 to index
      %get3A_575 = arith.index_cast %add3A_572 : i32 to index
      %get3A_576 = arith.constant 96 : index
      %get3A_577 = tpu.vector_load %arg6[%get3A_574, %get3A_575, %get3A_576] {strides = array<i32>} : memref<8x64x128xf32, #tpu.memory_space<vmem>>, vector<1x1x16xf32>,
      %get3A_578 = vector.shape_cast %get3A_577 : vector<1x1x16xf32> to vector<16xf32>
      %mul3A_579 = arith.constant 2.000000e-01 : f32
      %mul3A_580 = vector.broadcast %mul3A_579 : f32 to vector<16xf32>
      %mul3A_581 = arith.mulf %get3A_578, %mul3A_580 : vector<16xf32>
      %mul3A_582 = arith.constant 2 : i32
      %mul3A_583 = arith.muli %scan3A_426, %mul3A_582 : i32
      %add3A_584 = arith.constant 0 : i32
      %add3A_585 = arith.addi %mul3A_583, %add3A_584 : i32
      %swap3A_586 = arith.constant 5 : i32
      %swap3A_587 = arith.index_cast %swap3A_586 : i32 to index
      %swap3A_588 = arith.index_cast %add3A_585 : i32 to index
      %swap3A_589 = arith.constant 96 : index
      %swap3A_590 = tpu.vector_load %arg6[%swap3A_587, %swap3A_588, %swap3A_589] {strides = array<i32>} : memref<8x64x128xf32, #tpu.memory_space<vmem>>, vector<1x1x16xf32>,
      %swap3A_591 = vector.shape_cast %swap3A_590 : vector<1x1x16xf32> to vector<16xf32>
      %swap3A_592 = vector.shape_cast %mul3A_581 : vector<16xf32> to vector<1x1x16xf32>
      tpu.vector_store %arg6[%swap3A_587, %swap3A_588, %swap3A_589], %swap3A_592 {strides = array<i32>} : memref<8x64x128xf32, #tpu.memory_space<vmem>>, vector<1x1x16xf32>,
      %mul3A_593 = arith.constant 2 : i32
      %mul3A_594 = arith.muli %scan3A_426, %mul3A_593 : i32
      %add3A_595 = arith.constant 0 : i32
      %add3A_596 = arith.addi %mul3A_594, %add3A_595 : i32
      %get3A_597 = arith.constant 5 : i32
      %get3A_598 = arith.index_cast %get3A_597 : i32 to index
      %get3A_599 = arith.index_cast %add3A_596 : i32 to index
      %get3A_600 = arith.constant 112 : index
      %get3A_601 = tpu.vector_load %arg6[%get3A_598, %get3A_599, %get3A_600] {strides = array<i32>} : memref<8x64x128xf32, #tpu.memory_space<vmem>>, vector<1x1x16xf32>,
      %get3A_602 = vector.shape_cast %get3A_601 : vector<1x1x16xf32> to vector<16xf32>
      %mul3A_603 = arith.constant 2.000000e-01 : f32
      %mul3A_604 = vector.broadcast %mul3A_603 : f32 to vector<16xf32>
      %mul3A_605 = arith.mulf %get3A_602, %mul3A_604 : vector<16xf32>
      %mul3A_606 = arith.constant 2 : i32
      %mul3A_607 = arith.muli %scan3A_426, %mul3A_606 : i32
      %add3A_608 = arith.constant 0 : i32
      %add3A_609 = arith.addi %mul3A_607, %add3A_608 : i32
      %swap3A_610 = arith.constant 5 : i32
      %swap3A_611 = arith.index_cast %swap3A_610 : i32 to index
      %swap3A_612 = arith.index_cast %add3A_609 : i32 to index
      %swap3A_613 = arith.constant 112 : index
      %swap3A_614 = tpu.vector_load %arg6[%swap3A_611, %swap3A_612, %swap3A_613] {strides = array<i32>} : memref<8x64x128xf32, #tpu.memory_space<vmem>>, vector<1x1x16xf32>,
      %swap3A_615 = vector.shape_cast %swap3A_614 : vector<1x1x16xf32> to vector<16xf32>
      %swap3A_616 = vector.shape_cast %mul3A_605 : vector<16xf32> to vector<1x1x16xf32>
      tpu.vector_store %arg6[%swap3A_611, %swap3A_612, %swap3A_613], %swap3A_616 {strides = array<i32>} : memref<8x64x128xf32, #tpu.memory_space<vmem>>, vector<1x1x16xf32>,
      %mul3A_617 = arith.constant 2 : i32
      %mul3A_618 = arith.muli %scan3A_426, %mul3A_617 : i32
      %add3A_619 = arith.constant 1 : i32
      %add3A_620 = arith.addi %mul3A_618, %add3A_619 : i32
      %get3A_621 = arith.constant 5 : i32
      %get3A_622 = arith.index_cast %get3A_621 : i32 to index
      %get3A_623 = arith.index_cast %add3A_620 : i32 to index
      %get3A_624 = arith.constant 0 : index
      %get3A_625 = tpu.vector_load %arg6[%get3A_622, %get3A_623, %get3A_624] {strides = array<i32>} : memref<8x64x128xf32, #tpu.memory_space<vmem>>, vector<1x1x16xf32>,
      %get3A_626 = vector.shape_cast %get3A_625 : vector<1x1x16xf32> to vector<16xf32>
      %mul3A_627 = arith.constant 2.000000e-01 : f32
      %mul3A_628 = vector.broadcast %mul3A_627 : f32 to vector<16xf32>
      %mul3A_629 = arith.mulf %get3A_626, %mul3A_628 : vector<16xf32>
      %mul3A_630 = arith.constant 2 : i32
      %mul3A_631 = arith.muli %scan3A_426, %mul3A_630 : i32
      %add3A_632 = arith.constant 1 : i32
      %add3A_633 = arith.addi %mul3A_631, %add3A_632 : i32
      %swap3A_634 = arith.constant 5 : i32
      %swap3A_635 = arith.index_cast %swap3A_634 : i32 to index
      %swap3A_636 = arith.index_cast %add3A_633 : i32 to index
      %swap3A_637 = arith.constant 0 : index
      %swap3A_638 = tpu.vector_load %arg6[%swap3A_635, %swap3A_636, %swap3A_637] {strides = array<i32>} : memref<8x64x128xf32, #tpu.memory_space<vmem>>, vector<1x1x16xf32>,
      %swap3A_639 = vector.shape_cast %swap3A_638 : vector<1x1x16xf32> to vector<16xf32>
      %swap3A_640 = vector.shape_cast %mul3A_629 : vector<16xf32> to vector<1x1x16xf32>
      tpu.vector_store %arg6[%swap3A_635, %swap3A_636, %swap3A_637], %swap3A_640 {strides = array<i32>} : memref<8x64x128xf32, #tpu.memory_space<vmem>>, vector<1x1x16xf32>,
      %mul3A_641 = arith.constant 2 : i32
      %mul3A_642 = arith.muli %scan3A_426, %mul3A_641 : i32
      %add3A_643 = arith.constant 1 : i32
      %add3A_644 = arith.addi %mul3A_642, %add3A_643 : i32
      %get3A_645 = arith.constant 5 : i32
      %get3A_646 = arith.index_cast %get3A_645 : i32 to index
      %get3A_647 = arith.index_cast %add3A_644 : i32 to index
      %get3A_648 = arith.constant 16 : index
      %get3A_649 = tpu.vector_load %arg6[%get3A_646, %get3A_647, %get3A_648] {strides = array<i32>} : memref<8x64x128xf32, #tpu.memory_space<vmem>>, vector<1x1x16xf32>,
      %get3A_650 = vector.shape_cast %get3A_649 : vector<1x1x16xf32> to vector<16xf32>
      %mul3A_651 = arith.constant 2.000000e-01 : f32
      %mul3A_652 = vector.broadcast %mul3A_651 : f32 to vector<16xf32>
      %mul3A_653 = arith.mulf %get3A_650, %mul3A_652 : vector<16xf32>
      %mul3A_654 = arith.constant 2 : i32
      %mul3A_655 = arith.muli %scan3A_426, %mul3A_654 : i32
      %add3A_656 = arith.constant 1 : i32
      %add3A_657 = arith.addi %mul3A_655, %add3A_656 : i32
      %swap3A_658 = arith.constant 5 : i32
      %swap3A_659 = arith.index_cast %swap3A_658 : i32 to index
      %swap3A_660 = arith.index_cast %add3A_657 : i32 to index
      %swap3A_661 = arith.constant 16 : index
      %swap3A_662 = tpu.vector_load %arg6[%swap3A_659, %swap3A_660, %swap3A_661] {strides = array<i32>} : memref<8x64x128xf32, #tpu.memory_space<vmem>>, vector<1x1x16xf32>,
      %swap3A_663 = vector.shape_cast %swap3A_662 : vector<1x1x16xf32> to vector<16xf32>
      %swap3A_664 = vector.shape_cast %mul3A_653 : vector<16xf32> to vector<1x1x16xf32>
      tpu.vector_store %arg6[%swap3A_659, %swap3A_660, %swap3A_661], %swap3A_664 {strides = array<i32>} : memref<8x64x128xf32, #tpu.memory_space<vmem>>, vector<1x1x16xf32>,
      %mul3A_665 = arith.constant 2 : i32
      %mul3A_666 = arith.muli %scan3A_426, %mul3A_665 : i32
      %add3A_667 = arith.constant 1 : i32
      %add3A_668 = arith.addi %mul3A_666, %add3A_667 : i32
      %get3A_669 = arith.constant 5 : i32
      %get3A_670 = arith.index_cast %get3A_669 : i32 to index
      %get3A_671 = arith.index_cast %add3A_668 : i32 to index
      %get3A_672 = arith.constant 32 : index
      %get3A_673 = tpu.vector_load %arg6[%get3A_670, %get3A_671, %get3A_672] {strides = array<i32>} : memref<8x64x128xf32, #tpu.memory_space<vmem>>, vector<1x1x16xf32>,
      %get3A_674 = vector.shape_cast %get3A_673 : vector<1x1x16xf32> to vector<16xf32>
      %mul3A_675 = arith.constant 2.000000e-01 : f32
      %mul3A_676 = vector.broadcast %mul3A_675 : f32 to vector<16xf32>
      %mul3A_677 = arith.mulf %get3A_674, %mul3A_676 : vector<16xf32>
      %mul3A_678 = arith.constant 2 : i32
      %mul3A_679 = arith.muli %scan3A_426, %mul3A_678 : i32
      %add3A_680 = arith.constant 1 : i32
      %add3A_681 = arith.addi %mul3A_679, %add3A_680 : i32
      %swap3A_682 = arith.constant 5 : i32
      %swap3A_683 = arith.index_cast %swap3A_682 : i32 to index
      %swap3A_684 = arith.index_cast %add3A_681 : i32 to index
      %swap3A_685 = arith.constant 32 : index
      %swap3A_686 = tpu.vector_load %arg6[%swap3A_683, %swap3A_684, %swap3A_685] {strides = array<i32>} : memref<8x64x128xf32, #tpu.memory_space<vmem>>, vector<1x1x16xf32>,
      %swap3A_687 = vector.shape_cast %swap3A_686 : vector<1x1x16xf32> to vector<16xf32>
      %swap3A_688 = vector.shape_cast %mul3A_677 : vector<16xf32> to vector<1x1x16xf32>
      tpu.vector_store %arg6[%swap3A_683, %swap3A_684, %swap3A_685], %swap3A_688 {strides = array<i32>} : memref<8x64x128xf32, #tpu.memory_space<vmem>>, vector<1x1x16xf32>,
      %mul3A_689 = arith.constant 2 : i32
      %mul3A_690 = arith.muli %scan3A_426, %mul3A_689 : i32
      %add3A_691 = arith.constant 1 : i32
      %add3A_692 = arith.addi %mul3A_690, %add3A_691 : i32
      %get3A_693 = arith.constant 5 : i32
      %get3A_694 = arith.index_cast %get3A_693 : i32 to index
      %get3A_695 = arith.index_cast %add3A_692 : i32 to index
      %get3A_696 = arith.constant 48 : index
      %get3A_697 = tpu.vector_load %arg6[%get3A_694, %get3A_695, %get3A_696] {strides = array<i32>} : memref<8x64x128xf32, #tpu.memory_space<vmem>>, vector<1x1x16xf32>,
      %get3A_698 = vector.shape_cast %get3A_697 : vector<1x1x16xf32> to vector<16xf32>
      %mul3A_699 = arith.constant 2.000000e-01 : f32
      %mul3A_700 = vector.broadcast %mul3A_699 : f32 to vector<16xf32>
      %mul3A_701 = arith.mulf %get3A_698, %mul3A_700 : vector<16xf32>
      %mul3A_702 = arith.constant 2 : i32
      %mul3A_703 = arith.muli %scan3A_426, %mul3A_702 : i32
      %add3A_704 = arith.constant 1 : i32
      %add3A_705 = arith.addi %mul3A_703, %add3A_704 : i32
      %swap3A_706 = arith.constant 5 : i32
      %swap3A_707 = arith.index_cast %swap3A_706 : i32 to index
      %swap3A_708 = arith.index_cast %add3A_705 : i32 to index
      %swap3A_709 = arith.constant 48 : index
      %swap3A_710 = tpu.vector_load %arg6[%swap3A_707, %swap3A_708, %swap3A_709] {strides = array<i32>} : memref<8x64x128xf32, #tpu.memory_space<vmem>>, vector<1x1x16xf32>,
      %swap3A_711 = vector.shape_cast %swap3A_710 : vector<1x1x16xf32> to vector<16xf32>
      %swap3A_712 = vector.shape_cast %mul3A_701 : vector<16xf32> to vector<1x1x16xf32>
      tpu.vector_store %arg6[%swap3A_707, %swap3A_708, %swap3A_709], %swap3A_712 {strides = array<i32>} : memref<8x64x128xf32, #tpu.memory_space<vmem>>, vector<1x1x16xf32>,
      %mul3A_713 = arith.constant 2 : i32
      %mul3A_714 = arith.muli %scan3A_426, %mul3A_713 : i32
      %add3A_715 = arith.constant 1 : i32
      %add3A_716 = arith.addi %mul3A_714, %add3A_715 : i32
      %get3A_717 = arith.constant 5 : i32
      %get3A_718 = arith.index_cast %get3A_717 : i32 to index
      %get3A_719 = arith.index_cast %add3A_716 : i32 to index
      %get3A_720 = arith.constant 64 : index
      %get3A_721 = tpu.vector_load %arg6[%get3A_718, %get3A_719, %get3A_720] {strides = array<i32>} : memref<8x64x128xf32, #tpu.memory_space<vmem>>, vector<1x1x16xf32>,
      %get3A_722 = vector.shape_cast %get3A_721 : vector<1x1x16xf32> to vector<16xf32>
      %mul3A_723 = arith.constant 2.000000e-01 : f32
      %mul3A_724 = vector.broadcast %mul3A_723 : f32 to vector<16xf32>
      %mul3A_725 = arith.mulf %get3A_722, %mul3A_724 : vector<16xf32>
      %mul3A_726 = arith.constant 2 : i32
      %mul3A_727 = arith.muli %scan3A_426, %mul3A_726 : i32
      %add3A_728 = arith.constant 1 : i32
      %add3A_729 = arith.addi %mul3A_727, %add3A_728 : i32
      %swap3A_730 = arith.constant 5 : i32
      %swap3A_731 = arith.index_cast %swap3A_730 : i32 to index
      %swap3A_732 = arith.index_cast %add3A_729 : i32 to index
      %swap3A_733 = arith.constant 64 : index
      %swap3A_734 = tpu.vector_load %arg6[%swap3A_731, %swap3A_732, %swap3A_733] {strides = array<i32>} : memref<8x64x128xf32, #tpu.memory_space<vmem>>, vector<1x1x16xf32>,
      %swap3A_735 = vector.shape_cast %swap3A_734 : vector<1x1x16xf32> to vector<16xf32>
      %swap3A_736 = vector.shape_cast %mul3A_725 : vector<16xf32> to vector<1x1x16xf32>
      tpu.vector_store %arg6[%swap3A_731, %swap3A_732, %swap3A_733], %swap3A_736 {strides = array<i32>} : memref<8x64x128xf32, #tpu.memory_space<vmem>>, vector<1x1x16xf32>,
      %mul3A_737 = arith.constant 2 : i32
      %mul3A_738 = arith.muli %scan3A_426, %mul3A_737 : i32
      %add3A_739 = arith.constant 1 : i32
      %add3A_740 = arith.addi %mul3A_738, %add3A_739 : i32
      %get3A_741 = arith.constant 5 : i32
      %get3A_742 = arith.index_cast %get3A_741 : i32 to index
      %get3A_743 = arith.index_cast %add3A_740 : i32 to index
      %get3A_744 = arith.constant 80 : index
      %get3A_745 = tpu.vector_load %arg6[%get3A_742, %get3A_743, %get3A_744] {strides = array<i32>} : memref<8x64x128xf32, #tpu.memory_space<vmem>>, vector<1x1x16xf32>,
      %get3A_746 = vector.shape_cast %get3A_745 : vector<1x1x16xf32> to vector<16xf32>
      %mul3A_747 = arith.constant 2.000000e-01 : f32
      %mul3A_748 = vector.broadcast %mul3A_747 : f32 to vector<16xf32>
      %mul3A_749 = arith.mulf %get3A_746, %mul3A_748 : vector<16xf32>
      %mul3A_750 = arith.constant 2 : i32
      %mul3A_751 = arith.muli %scan3A_426, %mul3A_750 : i32
      %add3A_752 = arith.constant 1 : i32
      %add3A_753 = arith.addi %mul3A_751, %add3A_752 : i32
      %swap3A_754 = arith.constant 5 : i32
      %swap3A_755 = arith.index_cast %swap3A_754 : i32 to index
      %swap3A_756 = arith.index_cast %add3A_753 : i32 to index
      %swap3A_757 = arith.constant 80 : index
      %swap3A_758 = tpu.vector_load %arg6[%swap3A_755, %swap3A_756, %swap3A_757] {strides = array<i32>} : memref<8x64x128xf32, #tpu.memory_space<vmem>>, vector<1x1x16xf32>,
      %swap3A_759 = vector.shape_cast %swap3A_758 : vector<1x1x16xf32> to vector<16xf32>
      %swap3A_760 = vector.shape_cast %mul3A_749 : vector<16xf32> to vector<1x1x16xf32>
      tpu.vector_store %arg6[%swap3A_755, %swap3A_756, %swap3A_757], %swap3A_760 {strides = array<i32>} : memref<8x64x128xf32, #tpu.memory_space<vmem>>, vector<1x1x16xf32>,
      %mul3A_761 = arith.constant 2 : i32
      %mul3A_762 = arith.muli %scan3A_426, %mul3A_761 : i32
      %add3A_763 = arith.constant 1 : i32
      %add3A_764 = arith.addi %mul3A_762, %add3A_763 : i32
      %get3A_765 = arith.constant 5 : i32
      %get3A_766 = arith.index_cast %get3A_765 : i32 to index
      %get3A_767 = arith.index_cast %add3A_764 : i32 to index
      %get3A_768 = arith.constant 96 : index
      %get3A_769 = tpu.vector_load %arg6[%get3A_766, %get3A_767, %get3A_768] {strides = array<i32>} : memref<8x64x128xf32, #tpu.memory_space<vmem>>, vector<1x1x16xf32>,
      %get3A_770 = vector.shape_cast %get3A_769 : vector<1x1x16xf32> to vector<16xf32>
      %mul3A_771 = arith.constant 2.000000e-01 : f32
      %mul3A_772 = vector.broadcast %mul3A_771 : f32 to vector<16xf32>
      %mul3A_773 = arith.mulf %get3A_770, %mul3A_772 : vector<16xf32>
      %mul3A_774 = arith.constant 2 : i32
      %mul3A_775 = arith.muli %scan3A_426, %mul3A_774 : i32
      %add3A_776 = arith.constant 1 : i32
      %add3A_777 = arith.addi %mul3A_775, %add3A_776 : i32
      %swap3A_778 = arith.constant 5 : i32
      %swap3A_779 = arith.index_cast %swap3A_778 : i32 to index
      %swap3A_780 = arith.index_cast %add3A_777 : i32 to index
      %swap3A_781 = arith.constant 96 : index
      %swap3A_782 = tpu.vector_load %arg6[%swap3A_779, %swap3A_780, %swap3A_781] {strides = array<i32>} : memref<8x64x128xf32, #tpu.memory_space<vmem>>, vector<1x1x16xf32>,
      %swap3A_783 = vector.shape_cast %swap3A_782 : vector<1x1x16xf32> to vector<16xf32>
      %swap3A_784 = vector.shape_cast %mul3A_773 : vector<16xf32> to vector<1x1x16xf32>
      tpu.vector_store %arg6[%swap3A_779, %swap3A_780, %swap3A_781], %swap3A_784 {strides = array<i32>} : memref<8x64x128xf32, #tpu.memory_space<vmem>>, vector<1x1x16xf32>,
      %mul3A_785 = arith.constant 2 : i32
      %mul3A_786 = arith.muli %scan3A_426, %mul3A_785 : i32
      %add3A_787 = arith.constant 1 : i32
      %add3A_788 = arith.addi %mul3A_786, %add3A_787 : i32
      %get3A_789 = arith.constant 5 : i32
      %get3A_790 = arith.index_cast %get3A_789 : i32 to index
      %get3A_791 = arith.index_cast %add3A_788 : i32 to index
      %get3A_792 = arith.constant 112 : index
      %get3A_793 = tpu.vector_load %arg6[%get3A_790, %get3A_791, %get3A_792] {strides = array<i32>} : memref<8x64x128xf32, #tpu.memory_space<vmem>>, vector<1x1x16xf32>,
      %get3A_794 = vector.shape_cast %get3A_793 : vector<1x1x16xf32> to vector<16xf32>
      %mul3A_795 = arith.constant 2.000000e-01 : f32
      %mul3A_796 = vector.broadcast %mul3A_795 : f32 to vector<16xf32>
      %mul3A_797 = arith.mulf %get3A_794, %mul3A_796 : vector<16xf32>
      %mul3A_798 = arith.constant 2 : i32
      %mul3A_799 = arith.muli %scan3A_426, %mul3A_798 : i32
      %add3A_800 = arith.constant 1 : i32
      %add3A_801 = arith.addi %mul3A_799, %add3A_800 : i32
      %swap3A_802 = arith.constant 5 : i32
      %swap3A_803 = arith.index_cast %swap3A_802 : i32 to index
      %swap3A_804 = arith.index_cast %add3A_801 : i32 to index
      %swap3A_805 = arith.constant 112 : index
      %swap3A_806 = tpu.vector_load %arg6[%swap3A_803, %swap3A_804, %swap3A_805] {strides = array<i32>} : memref<8x64x128xf32, #tpu.memory_space<vmem>>, vector<1x1x16xf32>,
      %swap3A_807 = vector.shape_cast %swap3A_806 : vector<1x1x16xf32> to vector<16xf32>
      %swap3A_808 = vector.shape_cast %mul3A_797 : vector<16xf32> to vector<1x1x16xf32>
      tpu.vector_store %arg6[%swap3A_803, %swap3A_804, %swap3A_805], %swap3A_808 {strides = array<i32>} : memref<8x64x128xf32, #tpu.memory_space<vmem>>, vector<1x1x16xf32>,
    }
    %scan3A_246 = arith.constant 32 : i32
    %add3A_247 = arith.constant 320 : i32
    %add3A_248 = arith.addi %mul3A_2, %add3A_247 : i32
    %dma_start3A_249 = arith.constant 5 : i32
    %dma_start3A_250 = arith.constant 0 : i32
    %dma_start3A_251 = arith.constant 0 : i32
    %dma_start3A_252 = tpu.memref_slice %arg6[%dma_start3A_249, %dma_start3A_250, %dma_start3A_251] : memref<8x64x128xf32, #tpu.memory_space<vmem>> -> memref<1x64x128xf32, #tpu.memory_space<vmem>>
    %dma_start3A_253 = tpu.memref_squeeze %dma_start3A_252 : memref<1x64x128xf32, #tpu.memory_space<vmem>> -> memref<64x128xf32, #tpu.memory_space<vmem>>
    %dma_start3A_254 = arith.constant 0 : i32
    %dma_start3A_255 = tpu.memref_slice %arg4[%add3A_248, %dma_start3A_254] : memref<16384x128xf32, #tpu.memory_space<hbm>> -> memref<64x128xf32, #tpu.memory_space<hbm>>
    %dma_start3A_256 = arith.constant 0 : i32
    %dma_start3A_257 = tpu.memref_slice %arg4[%add3A_248, %dma_start3A_256] : memref<16384x128xf32, #tpu.memory_space<hbm>> -> memref<64x128xf32, #tpu.memory_space<hbm>>
    %dma_start3A_258 = arith.constant 0 : i32
    %dma_start3A_259 = arith.constant 0 : i32
    %dma_start3A_260 = tpu.memref_slice %arg6[%dma_start3A_249, %dma_start3A_258, %dma_start3A_259] : memref<8x64x128xf32, #tpu.memory_space<vmem>> -> memref<1x64x128xf32, #tpu.memory_space<vmem>>
    %dma_start3A_261 = tpu.memref_squeeze %dma_start3A_260 : memref<1x64x128xf32, #tpu.memory_space<vmem>> -> memref<64x128xf32, #tpu.memory_space<vmem>>
    tpu.enqueue_dma source(%dma_start3A_261 : memref<64x128xf32, #tpu.memory_space<vmem>>) target(%dma_start3A_257 : memref<64x128xf32, #tpu.memory_space<hbm>>) target_semaphore(%arg15 : memref<!tpu.dma_semaphore, #tpu.memory_space<semaphore_mem>>)
    %dma_wait3A_262 = arith.constant 6 : i32
    %dma_wait3A_263 = arith.constant 0 : i32
    %dma_wait3A_264 = arith.constant 0 : i32
    %dma_wait3A_265 = tpu.memref_slice %arg6[%dma_wait3A_262, %dma_wait3A_263, %dma_wait3A_264] : memref<8x64x128xf32, #tpu.memory_space<vmem>> -> memref<1x64x128xf32, #tpu.memory_space<vmem>>
    %dma_wait3A_266 = tpu.memref_squeeze %dma_wait3A_265 : memref<1x64x128xf32, #tpu.memory_space<vmem>> -> memref<64x128xf32, #tpu.memory_space<vmem>>
    %dma_wait3A_267 = arith.constant 384 : i32
    %dma_wait3A_268 = tpu.memref_slice %arg5[%dma_wait3A_267] : memref<512xi32, #tpu.memory_space<vmem>> -> memref<64xi32, #tpu.memory_space<vmem>>
    %dma_wait3A_269 = arith.constant 0 : i32
    %dma_wait3A_270 = arith.constant 0 : i32
    %dma_wait3A_271 = tpu.memref_slice %arg2[%dma_wait3A_269, %dma_wait3A_270] : memref<100000x128xf32, #tpu.memory_space<hbm>> -> memref<100000x128xf32, #tpu.memory_space<hbm>>
    tpu.wait_indirect_dma semaphore(%arg13 : memref<!tpu.dma_semaphore, #tpu.memory_space<semaphore_mem>>) src(%dma_wait3A_271 : memref<100000x128xf32, #tpu.memory_space<hbm>>) dst(%dma_wait3A_266 : memref<64x128xf32, #tpu.memory_space<vmem>>)
    %scan3A_272 = arith.constant 0 : i32
    %scan3A_273 = arith.constant 32 : i32
    %scan3A_274 = arith.addi %scan3A_272, %scan3A_273 : i32
    %scan3A_275 = arith.constant 1 : i32
    scf.for %scan3A_426 = %scan3A_272 to %scan3A_274 step %scan3A_275  : i32 {
      %mul3A_427 = arith.constant 2 : i32
      %mul3A_428 = arith.muli %scan3A_426, %mul3A_427 : i32
      %add3A_429 = arith.constant 0 : i32
      %add3A_430 = arith.addi %mul3A_428, %add3A_429 : i32
      %get3A = arith.constant 6 : i32
      %get3A_431 = arith.index_cast %get3A : i32 to index
      %get3A_432 = arith.index_cast %add3A_430 : i32 to index
      %get3A_433 = arith.constant 0 : index
      %get3A_434 = tpu.vector_load %arg6[%get3A_431, %get3A_432, %get3A_433] {strides = array<i32>} : memref<8x64x128xf32, #tpu.memory_space<vmem>>, vector<1x1x16xf32>,
      %get3A_435 = vector.shape_cast %get3A_434 : vector<1x1x16xf32> to vector<16xf32>
      %mul3A_436 = arith.constant 2.000000e-01 : f32
      %mul3A_437 = vector.broadcast %mul3A_436 : f32 to vector<16xf32>
      %mul3A_438 = arith.mulf %get3A_435, %mul3A_437 : vector<16xf32>
      %mul3A_439 = arith.constant 2 : i32
      %mul3A_440 = arith.muli %scan3A_426, %mul3A_439 : i32
      %add3A_441 = arith.constant 0 : i32
      %add3A_442 = arith.addi %mul3A_440, %add3A_441 : i32
      %swap3A = arith.constant 6 : i32
      %swap3A_443 = arith.index_cast %swap3A : i32 to index
      %swap3A_444 = arith.index_cast %add3A_442 : i32 to index
      %swap3A_445 = arith.constant 0 : index
      %swap3A_446 = tpu.vector_load %arg6[%swap3A_443, %swap3A_444, %swap3A_445] {strides = array<i32>} : memref<8x64x128xf32, #tpu.memory_space<vmem>>, vector<1x1x16xf32>,
      %swap3A_447 = vector.shape_cast %swap3A_446 : vector<1x1x16xf32> to vector<16xf32>
      %swap3A_448 = vector.shape_cast %mul3A_438 : vector<16xf32> to vector<1x1x16xf32>
      tpu.vector_store %arg6[%swap3A_443, %swap3A_444, %swap3A_445], %swap3A_448 {strides = array<i32>} : memref<8x64x128xf32, #tpu.memory_space<vmem>>, vector<1x1x16xf32>,
      %mul3A_449 = arith.constant 2 : i32
      %mul3A_450 = arith.muli %scan3A_426, %mul3A_449 : i32
      %add3A_451 = arith.constant 0 : i32
      %add3A_452 = arith.addi %mul3A_450, %add3A_451 : i32
      %get3A_453 = arith.constant 6 : i32
      %get3A_454 = arith.index_cast %get3A_453 : i32 to index
      %get3A_455 = arith.index_cast %add3A_452 : i32 to index
      %get3A_456 = arith.constant 16 : index
      %get3A_457 = tpu.vector_load %arg6[%get3A_454, %get3A_455, %get3A_456] {strides = array<i32>} : memref<8x64x128xf32, #tpu.memory_space<vmem>>, vector<1x1x16xf32>,
      %get3A_458 = vector.shape_cast %get3A_457 : vector<1x1x16xf32> to vector<16xf32>
      %mul3A_459 = arith.constant 2.000000e-01 : f32
      %mul3A_460 = vector.broadcast %mul3A_459 : f32 to vector<16xf32>
      %mul3A_461 = arith.mulf %get3A_458, %mul3A_460 : vector<16xf32>
      %mul3A_462 = arith.constant 2 : i32
      %mul3A_463 = arith.muli %scan3A_426, %mul3A_462 : i32
      %add3A_464 = arith.constant 0 : i32
      %add3A_465 = arith.addi %mul3A_463, %add3A_464 : i32
      %swap3A_466 = arith.constant 6 : i32
      %swap3A_467 = arith.index_cast %swap3A_466 : i32 to index
      %swap3A_468 = arith.index_cast %add3A_465 : i32 to index
      %swap3A_469 = arith.constant 16 : index
      %swap3A_470 = tpu.vector_load %arg6[%swap3A_467, %swap3A_468, %swap3A_469] {strides = array<i32>} : memref<8x64x128xf32, #tpu.memory_space<vmem>>, vector<1x1x16xf32>,
      %swap3A_471 = vector.shape_cast %swap3A_470 : vector<1x1x16xf32> to vector<16xf32>
      %swap3A_472 = vector.shape_cast %mul3A_461 : vector<16xf32> to vector<1x1x16xf32>
      tpu.vector_store %arg6[%swap3A_467, %swap3A_468, %swap3A_469], %swap3A_472 {strides = array<i32>} : memref<8x64x128xf32, #tpu.memory_space<vmem>>, vector<1x1x16xf32>,
      %mul3A_473 = arith.constant 2 : i32
      %mul3A_474 = arith.muli %scan3A_426, %mul3A_473 : i32
      %add3A_475 = arith.constant 0 : i32
      %add3A_476 = arith.addi %mul3A_474, %add3A_475 : i32
      %get3A_477 = arith.constant 6 : i32
      %get3A_478 = arith.index_cast %get3A_477 : i32 to index
      %get3A_479 = arith.index_cast %add3A_476 : i32 to index
      %get3A_480 = arith.constant 32 : index
      %get3A_481 = tpu.vector_load %arg6[%get3A_478, %get3A_479, %get3A_480] {strides = array<i32>} : memref<8x64x128xf32, #tpu.memory_space<vmem>>, vector<1x1x16xf32>,
      %get3A_482 = vector.shape_cast %get3A_481 : vector<1x1x16xf32> to vector<16xf32>
      %mul3A_483 = arith.constant 2.000000e-01 : f32
      %mul3A_484 = vector.broadcast %mul3A_483 : f32 to vector<16xf32>
      %mul3A_485 = arith.mulf %get3A_482, %mul3A_484 : vector<16xf32>
      %mul3A_486 = arith.constant 2 : i32
      %mul3A_487 = arith.muli %scan3A_426, %mul3A_486 : i32
      %add3A_488 = arith.constant 0 : i32
      %add3A_489 = arith.addi %mul3A_487, %add3A_488 : i32
      %swap3A_490 = arith.constant 6 : i32
      %swap3A_491 = arith.index_cast %swap3A_490 : i32 to index
      %swap3A_492 = arith.index_cast %add3A_489 : i32 to index
      %swap3A_493 = arith.constant 32 : index
      %swap3A_494 = tpu.vector_load %arg6[%swap3A_491, %swap3A_492, %swap3A_493] {strides = array<i32>} : memref<8x64x128xf32, #tpu.memory_space<vmem>>, vector<1x1x16xf32>,
      %swap3A_495 = vector.shape_cast %swap3A_494 : vector<1x1x16xf32> to vector<16xf32>
      %swap3A_496 = vector.shape_cast %mul3A_485 : vector<16xf32> to vector<1x1x16xf32>
      tpu.vector_store %arg6[%swap3A_491, %swap3A_492, %swap3A_493], %swap3A_496 {strides = array<i32>} : memref<8x64x128xf32, #tpu.memory_space<vmem>>, vector<1x1x16xf32>,
      %mul3A_497 = arith.constant 2 : i32
      %mul3A_498 = arith.muli %scan3A_426, %mul3A_497 : i32
      %add3A_499 = arith.constant 0 : i32
      %add3A_500 = arith.addi %mul3A_498, %add3A_499 : i32
      %get3A_501 = arith.constant 6 : i32
      %get3A_502 = arith.index_cast %get3A_501 : i32 to index
      %get3A_503 = arith.index_cast %add3A_500 : i32 to index
      %get3A_504 = arith.constant 48 : index
      %get3A_505 = tpu.vector_load %arg6[%get3A_502, %get3A_503, %get3A_504] {strides = array<i32>} : memref<8x64x128xf32, #tpu.memory_space<vmem>>, vector<1x1x16xf32>,
      %get3A_506 = vector.shape_cast %get3A_505 : vector<1x1x16xf32> to vector<16xf32>
      %mul3A_507 = arith.constant 2.000000e-01 : f32
      %mul3A_508 = vector.broadcast %mul3A_507 : f32 to vector<16xf32>
      %mul3A_509 = arith.mulf %get3A_506, %mul3A_508 : vector<16xf32>
      %mul3A_510 = arith.constant 2 : i32
      %mul3A_511 = arith.muli %scan3A_426, %mul3A_510 : i32
      %add3A_512 = arith.constant 0 : i32
      %add3A_513 = arith.addi %mul3A_511, %add3A_512 : i32
      %swap3A_514 = arith.constant 6 : i32
      %swap3A_515 = arith.index_cast %swap3A_514 : i32 to index
      %swap3A_516 = arith.index_cast %add3A_513 : i32 to index
      %swap3A_517 = arith.constant 48 : index
      %swap3A_518 = tpu.vector_load %arg6[%swap3A_515, %swap3A_516, %swap3A_517] {strides = array<i32>} : memref<8x64x128xf32, #tpu.memory_space<vmem>>, vector<1x1x16xf32>,
      %swap3A_519 = vector.shape_cast %swap3A_518 : vector<1x1x16xf32> to vector<16xf32>
      %swap3A_520 = vector.shape_cast %mul3A_509 : vector<16xf32> to vector<1x1x16xf32>
      tpu.vector_store %arg6[%swap3A_515, %swap3A_516, %swap3A_517], %swap3A_520 {strides = array<i32>} : memref<8x64x128xf32, #tpu.memory_space<vmem>>, vector<1x1x16xf32>,
      %mul3A_521 = arith.constant 2 : i32
      %mul3A_522 = arith.muli %scan3A_426, %mul3A_521 : i32
      %add3A_523 = arith.constant 0 : i32
      %add3A_524 = arith.addi %mul3A_522, %add3A_523 : i32
      %get3A_525 = arith.constant 6 : i32
      %get3A_526 = arith.index_cast %get3A_525 : i32 to index
      %get3A_527 = arith.index_cast %add3A_524 : i32 to index
      %get3A_528 = arith.constant 64 : index
      %get3A_529 = tpu.vector_load %arg6[%get3A_526, %get3A_527, %get3A_528] {strides = array<i32>} : memref<8x64x128xf32, #tpu.memory_space<vmem>>, vector<1x1x16xf32>,
      %get3A_530 = vector.shape_cast %get3A_529 : vector<1x1x16xf32> to vector<16xf32>
      %mul3A_531 = arith.constant 2.000000e-01 : f32
      %mul3A_532 = vector.broadcast %mul3A_531 : f32 to vector<16xf32>
      %mul3A_533 = arith.mulf %get3A_530, %mul3A_532 : vector<16xf32>
      %mul3A_534 = arith.constant 2 : i32
      %mul3A_535 = arith.muli %scan3A_426, %mul3A_534 : i32
      %add3A_536 = arith.constant 0 : i32
      %add3A_537 = arith.addi %mul3A_535, %add3A_536 : i32
      %swap3A_538 = arith.constant 6 : i32
      %swap3A_539 = arith.index_cast %swap3A_538 : i32 to index
      %swap3A_540 = arith.index_cast %add3A_537 : i32 to index
      %swap3A_541 = arith.constant 64 : index
      %swap3A_542 = tpu.vector_load %arg6[%swap3A_539, %swap3A_540, %swap3A_541] {strides = array<i32>} : memref<8x64x128xf32, #tpu.memory_space<vmem>>, vector<1x1x16xf32>,
      %swap3A_543 = vector.shape_cast %swap3A_542 : vector<1x1x16xf32> to vector<16xf32>
      %swap3A_544 = vector.shape_cast %mul3A_533 : vector<16xf32> to vector<1x1x16xf32>
      tpu.vector_store %arg6[%swap3A_539, %swap3A_540, %swap3A_541], %swap3A_544 {strides = array<i32>} : memref<8x64x128xf32, #tpu.memory_space<vmem>>, vector<1x1x16xf32>,
      %mul3A_545 = arith.constant 2 : i32
      %mul3A_546 = arith.muli %scan3A_426, %mul3A_545 : i32
      %add3A_547 = arith.constant 0 : i32
      %add3A_548 = arith.addi %mul3A_546, %add3A_547 : i32
      %get3A_549 = arith.constant 6 : i32
      %get3A_550 = arith.index_cast %get3A_549 : i32 to index
      %get3A_551 = arith.index_cast %add3A_548 : i32 to index
      %get3A_552 = arith.constant 80 : index
      %get3A_553 = tpu.vector_load %arg6[%get3A_550, %get3A_551, %get3A_552] {strides = array<i32>} : memref<8x64x128xf32, #tpu.memory_space<vmem>>, vector<1x1x16xf32>,
      %get3A_554 = vector.shape_cast %get3A_553 : vector<1x1x16xf32> to vector<16xf32>
      %mul3A_555 = arith.constant 2.000000e-01 : f32
      %mul3A_556 = vector.broadcast %mul3A_555 : f32 to vector<16xf32>
      %mul3A_557 = arith.mulf %get3A_554, %mul3A_556 : vector<16xf32>
      %mul3A_558 = arith.constant 2 : i32
      %mul3A_559 = arith.muli %scan3A_426, %mul3A_558 : i32
      %add3A_560 = arith.constant 0 : i32
      %add3A_561 = arith.addi %mul3A_559, %add3A_560 : i32
      %swap3A_562 = arith.constant 6 : i32
      %swap3A_563 = arith.index_cast %swap3A_562 : i32 to index
      %swap3A_564 = arith.index_cast %add3A_561 : i32 to index
      %swap3A_565 = arith.constant 80 : index
      %swap3A_566 = tpu.vector_load %arg6[%swap3A_563, %swap3A_564, %swap3A_565] {strides = array<i32>} : memref<8x64x128xf32, #tpu.memory_space<vmem>>, vector<1x1x16xf32>,
      %swap3A_567 = vector.shape_cast %swap3A_566 : vector<1x1x16xf32> to vector<16xf32>
      %swap3A_568 = vector.shape_cast %mul3A_557 : vector<16xf32> to vector<1x1x16xf32>
      tpu.vector_store %arg6[%swap3A_563, %swap3A_564, %swap3A_565], %swap3A_568 {strides = array<i32>} : memref<8x64x128xf32, #tpu.memory_space<vmem>>, vector<1x1x16xf32>,
      %mul3A_569 = arith.constant 2 : i32
      %mul3A_570 = arith.muli %scan3A_426, %mul3A_569 : i32
      %add3A_571 = arith.constant 0 : i32
      %add3A_572 = arith.addi %mul3A_570, %add3A_571 : i32
      %get3A_573 = arith.constant 6 : i32
      %get3A_574 = arith.index_cast %get3A_573 : i32 to index
      %get3A_575 = arith.index_cast %add3A_572 : i32 to index
      %get3A_576 = arith.constant 96 : index
      %get3A_577 = tpu.vector_load %arg6[%get3A_574, %get3A_575, %get3A_576] {strides = array<i32>} : memref<8x64x128xf32, #tpu.memory_space<vmem>>, vector<1x1x16xf32>,
      %get3A_578 = vector.shape_cast %get3A_577 : vector<1x1x16xf32> to vector<16xf32>
      %mul3A_579 = arith.constant 2.000000e-01 : f32
      %mul3A_580 = vector.broadcast %mul3A_579 : f32 to vector<16xf32>
      %mul3A_581 = arith.mulf %get3A_578, %mul3A_580 : vector<16xf32>
      %mul3A_582 = arith.constant 2 : i32
      %mul3A_583 = arith.muli %scan3A_426, %mul3A_582 : i32
      %add3A_584 = arith.constant 0 : i32
      %add3A_585 = arith.addi %mul3A_583, %add3A_584 : i32
      %swap3A_586 = arith.constant 6 : i32
      %swap3A_587 = arith.index_cast %swap3A_586 : i32 to index
      %swap3A_588 = arith.index_cast %add3A_585 : i32 to index
      %swap3A_589 = arith.constant 96 : index
      %swap3A_590 = tpu.vector_load %arg6[%swap3A_587, %swap3A_588, %swap3A_589] {strides = array<i32>} : memref<8x64x128xf32, #tpu.memory_space<vmem>>, vector<1x1x16xf32>,
      %swap3A_591 = vector.shape_cast %swap3A_590 : vector<1x1x16xf32> to vector<16xf32>
      %swap3A_592 = vector.shape_cast %mul3A_581 : vector<16xf32> to vector<1x1x16xf32>
      tpu.vector_store %arg6[%swap3A_587, %swap3A_588, %swap3A_589], %swap3A_592 {strides = array<i32>} : memref<8x64x128xf32, #tpu.memory_space<vmem>>, vector<1x1x16xf32>,
      %mul3A_593 = arith.constant 2 : i32
      %mul3A_594 = arith.muli %scan3A_426, %mul3A_593 : i32
      %add3A_595 = arith.constant 0 : i32
      %add3A_596 = arith.addi %mul3A_594, %add3A_595 : i32
      %get3A_597 = arith.constant 6 : i32
      %get3A_598 = arith.index_cast %get3A_597 : i32 to index
      %get3A_599 = arith.index_cast %add3A_596 : i32 to index
      %get3A_600 = arith.constant 112 : index
      %get3A_601 = tpu.vector_load %arg6[%get3A_598, %get3A_599, %get3A_600] {strides = array<i32>} : memref<8x64x128xf32, #tpu.memory_space<vmem>>, vector<1x1x16xf32>,
      %get3A_602 = vector.shape_cast %get3A_601 : vector<1x1x16xf32> to vector<16xf32>
      %mul3A_603 = arith.constant 2.000000e-01 : f32
      %mul3A_604 = vector.broadcast %mul3A_603 : f32 to vector<16xf32>
      %mul3A_605 = arith.mulf %get3A_602, %mul3A_604 : vector<16xf32>
      %mul3A_606 = arith.constant 2 : i32
      %mul3A_607 = arith.muli %scan3A_426, %mul3A_606 : i32
      %add3A_608 = arith.constant 0 : i32
      %add3A_609 = arith.addi %mul3A_607, %add3A_608 : i32
      %swap3A_610 = arith.constant 6 : i32
      %swap3A_611 = arith.index_cast %swap3A_610 : i32 to index
      %swap3A_612 = arith.index_cast %add3A_609 : i32 to index
      %swap3A_613 = arith.constant 112 : index
      %swap3A_614 = tpu.vector_load %arg6[%swap3A_611, %swap3A_612, %swap3A_613] {strides = array<i32>} : memref<8x64x128xf32, #tpu.memory_space<vmem>>, vector<1x1x16xf32>,
      %swap3A_615 = vector.shape_cast %swap3A_614 : vector<1x1x16xf32> to vector<16xf32>
      %swap3A_616 = vector.shape_cast %mul3A_605 : vector<16xf32> to vector<1x1x16xf32>
      tpu.vector_store %arg6[%swap3A_611, %swap3A_612, %swap3A_613], %swap3A_616 {strides = array<i32>} : memref<8x64x128xf32, #tpu.memory_space<vmem>>, vector<1x1x16xf32>,
      %mul3A_617 = arith.constant 2 : i32
      %mul3A_618 = arith.muli %scan3A_426, %mul3A_617 : i32
      %add3A_619 = arith.constant 1 : i32
      %add3A_620 = arith.addi %mul3A_618, %add3A_619 : i32
      %get3A_621 = arith.constant 6 : i32
      %get3A_622 = arith.index_cast %get3A_621 : i32 to index
      %get3A_623 = arith.index_cast %add3A_620 : i32 to index
      %get3A_624 = arith.constant 0 : index
      %get3A_625 = tpu.vector_load %arg6[%get3A_622, %get3A_623, %get3A_624] {strides = array<i32>} : memref<8x64x128xf32, #tpu.memory_space<vmem>>, vector<1x1x16xf32>,
      %get3A_626 = vector.shape_cast %get3A_625 : vector<1x1x16xf32> to vector<16xf32>
      %mul3A_627 = arith.constant 2.000000e-01 : f32
      %mul3A_628 = vector.broadcast %mul3A_627 : f32 to vector<16xf32>
      %mul3A_629 = arith.mulf %get3A_626, %mul3A_628 : vector<16xf32>
      %mul3A_630 = arith.constant 2 : i32
      %mul3A_631 = arith.muli %scan3A_426, %mul3A_630 : i32
      %add3A_632 = arith.constant 1 : i32
      %add3A_633 = arith.addi %mul3A_631, %add3A_632 : i32
      %swap3A_634 = arith.constant 6 : i32
      %swap3A_635 = arith.index_cast %swap3A_634 : i32 to index
      %swap3A_636 = arith.index_cast %add3A_633 : i32 to index
      %swap3A_637 = arith.constant 0 : index
      %swap3A_638 = tpu.vector_load %arg6[%swap3A_635, %swap3A_636, %swap3A_637] {strides = array<i32>} : memref<8x64x128xf32, #tpu.memory_space<vmem>>, vector<1x1x16xf32>,
      %swap3A_639 = vector.shape_cast %swap3A_638 : vector<1x1x16xf32> to vector<16xf32>
      %swap3A_640 = vector.shape_cast %mul3A_629 : vector<16xf32> to vector<1x1x16xf32>
      tpu.vector_store %arg6[%swap3A_635, %swap3A_636, %swap3A_637], %swap3A_640 {strides = array<i32>} : memref<8x64x128xf32, #tpu.memory_space<vmem>>, vector<1x1x16xf32>,
      %mul3A_641 = arith.constant 2 : i32
      %mul3A_642 = arith.muli %scan3A_426, %mul3A_641 : i32
      %add3A_643 = arith.constant 1 : i32
      %add3A_644 = arith.addi %mul3A_642, %add3A_643 : i32
      %get3A_645 = arith.constant 6 : i32
      %get3A_646 = arith.index_cast %get3A_645 : i32 to index
      %get3A_647 = arith.index_cast %add3A_644 : i32 to index
      %get3A_648 = arith.constant 16 : index
      %get3A_649 = tpu.vector_load %arg6[%get3A_646, %get3A_647, %get3A_648] {strides = array<i32>} : memref<8x64x128xf32, #tpu.memory_space<vmem>>, vector<1x1x16xf32>,
      %get3A_650 = vector.shape_cast %get3A_649 : vector<1x1x16xf32> to vector<16xf32>
      %mul3A_651 = arith.constant 2.000000e-01 : f32
      %mul3A_652 = vector.broadcast %mul3A_651 : f32 to vector<16xf32>
      %mul3A_653 = arith.mulf %get3A_650, %mul3A_652 : vector<16xf32>
      %mul3A_654 = arith.constant 2 : i32
      %mul3A_655 = arith.muli %scan3A_426, %mul3A_654 : i32
      %add3A_656 = arith.constant 1 : i32
      %add3A_657 = arith.addi %mul3A_655, %add3A_656 : i32
      %swap3A_658 = arith.constant 6 : i32
      %swap3A_659 = arith.index_cast %swap3A_658 : i32 to index
      %swap3A_660 = arith.index_cast %add3A_657 : i32 to index
      %swap3A_661 = arith.constant 16 : index
      %swap3A_662 = tpu.vector_load %arg6[%swap3A_659, %swap3A_660, %swap3A_661] {strides = array<i32>} : memref<8x64x128xf32, #tpu.memory_space<vmem>>, vector<1x1x16xf32>,
      %swap3A_663 = vector.shape_cast %swap3A_662 : vector<1x1x16xf32> to vector<16xf32>
      %swap3A_664 = vector.shape_cast %mul3A_653 : vector<16xf32> to vector<1x1x16xf32>
      tpu.vector_store %arg6[%swap3A_659, %swap3A_660, %swap3A_661], %swap3A_664 {strides = array<i32>} : memref<8x64x128xf32, #tpu.memory_space<vmem>>, vector<1x1x16xf32>,
      %mul3A_665 = arith.constant 2 : i32
      %mul3A_666 = arith.muli %scan3A_426, %mul3A_665 : i32
      %add3A_667 = arith.constant 1 : i32
      %add3A_668 = arith.addi %mul3A_666, %add3A_667 : i32
      %get3A_669 = arith.constant 6 : i32
      %get3A_670 = arith.index_cast %get3A_669 : i32 to index
      %get3A_671 = arith.index_cast %add3A_668 : i32 to index
      %get3A_672 = arith.constant 32 : index
      %get3A_673 = tpu.vector_load %arg6[%get3A_670, %get3A_671, %get3A_672] {strides = array<i32>} : memref<8x64x128xf32, #tpu.memory_space<vmem>>, vector<1x1x16xf32>,
      %get3A_674 = vector.shape_cast %get3A_673 : vector<1x1x16xf32> to vector<16xf32>
      %mul3A_675 = arith.constant 2.000000e-01 : f32
      %mul3A_676 = vector.broadcast %mul3A_675 : f32 to vector<16xf32>
      %mul3A_677 = arith.mulf %get3A_674, %mul3A_676 : vector<16xf32>
      %mul3A_678 = arith.constant 2 : i32
      %mul3A_679 = arith.muli %scan3A_426, %mul3A_678 : i32
      %add3A_680 = arith.constant 1 : i32
      %add3A_681 = arith.addi %mul3A_679, %add3A_680 : i32
      %swap3A_682 = arith.constant 6 : i32
      %swap3A_683 = arith.index_cast %swap3A_682 : i32 to index
      %swap3A_684 = arith.index_cast %add3A_681 : i32 to index
      %swap3A_685 = arith.constant 32 : index
      %swap3A_686 = tpu.vector_load %arg6[%swap3A_683, %swap3A_684, %swap3A_685] {strides = array<i32>} : memref<8x64x128xf32, #tpu.memory_space<vmem>>, vector<1x1x16xf32>,
      %swap3A_687 = vector.shape_cast %swap3A_686 : vector<1x1x16xf32> to vector<16xf32>
      %swap3A_688 = vector.shape_cast %mul3A_677 : vector<16xf32> to vector<1x1x16xf32>
      tpu.vector_store %arg6[%swap3A_683, %swap3A_684, %swap3A_685], %swap3A_688 {strides = array<i32>} : memref<8x64x128xf32, #tpu.memory_space<vmem>>, vector<1x1x16xf32>,
      %mul3A_689 = arith.constant 2 : i32
      %mul3A_690 = arith.muli %scan3A_426, %mul3A_689 : i32
      %add3A_691 = arith.constant 1 : i32
      %add3A_692 = arith.addi %mul3A_690, %add3A_691 : i32
      %get3A_693 = arith.constant 6 : i32
      %get3A_694 = arith.index_cast %get3A_693 : i32 to index
      %get3A_695 = arith.index_cast %add3A_692 : i32 to index
      %get3A_696 = arith.constant 48 : index
      %get3A_697 = tpu.vector_load %arg6[%get3A_694, %get3A_695, %get3A_696] {strides = array<i32>} : memref<8x64x128xf32, #tpu.memory_space<vmem>>, vector<1x1x16xf32>,
      %get3A_698 = vector.shape_cast %get3A_697 : vector<1x1x16xf32> to vector<16xf32>
      %mul3A_699 = arith.constant 2.000000e-01 : f32
      %mul3A_700 = vector.broadcast %mul3A_699 : f32 to vector<16xf32>
      %mul3A_701 = arith.mulf %get3A_698, %mul3A_700 : vector<16xf32>
      %mul3A_702 = arith.constant 2 : i32
      %mul3A_703 = arith.muli %scan3A_426, %mul3A_702 : i32
      %add3A_704 = arith.constant 1 : i32
      %add3A_705 = arith.addi %mul3A_703, %add3A_704 : i32
      %swap3A_706 = arith.constant 6 : i32
      %swap3A_707 = arith.index_cast %swap3A_706 : i32 to index
      %swap3A_708 = arith.index_cast %add3A_705 : i32 to index
      %swap3A_709 = arith.constant 48 : index
      %swap3A_710 = tpu.vector_load %arg6[%swap3A_707, %swap3A_708, %swap3A_709] {strides = array<i32>} : memref<8x64x128xf32, #tpu.memory_space<vmem>>, vector<1x1x16xf32>,
      %swap3A_711 = vector.shape_cast %swap3A_710 : vector<1x1x16xf32> to vector<16xf32>
      %swap3A_712 = vector.shape_cast %mul3A_701 : vector<16xf32> to vector<1x1x16xf32>
      tpu.vector_store %arg6[%swap3A_707, %swap3A_708, %swap3A_709], %swap3A_712 {strides = array<i32>} : memref<8x64x128xf32, #tpu.memory_space<vmem>>, vector<1x1x16xf32>,
      %mul3A_713 = arith.constant 2 : i32
      %mul3A_714 = arith.muli %scan3A_426, %mul3A_713 : i32
      %add3A_715 = arith.constant 1 : i32
      %add3A_716 = arith.addi %mul3A_714, %add3A_715 : i32
      %get3A_717 = arith.constant 6 : i32
      %get3A_718 = arith.index_cast %get3A_717 : i32 to index
      %get3A_719 = arith.index_cast %add3A_716 : i32 to index
      %get3A_720 = arith.constant 64 : index
      %get3A_721 = tpu.vector_load %arg6[%get3A_718, %get3A_719, %get3A_720] {strides = array<i32>} : memref<8x64x128xf32, #tpu.memory_space<vmem>>, vector<1x1x16xf32>,
      %get3A_722 = vector.shape_cast %get3A_721 : vector<1x1x16xf32> to vector<16xf32>
      %mul3A_723 = arith.constant 2.000000e-01 : f32
      %mul3A_724 = vector.broadcast %mul3A_723 : f32 to vector<16xf32>
      %mul3A_725 = arith.mulf %get3A_722, %mul3A_724 : vector<16xf32>
      %mul3A_726 = arith.constant 2 : i32
      %mul3A_727 = arith.muli %scan3A_426, %mul3A_726 : i32
      %add3A_728 = arith.constant 1 : i32
      %add3A_729 = arith.addi %mul3A_727, %add3A_728 : i32
      %swap3A_730 = arith.constant 6 : i32
      %swap3A_731 = arith.index_cast %swap3A_730 : i32 to index
      %swap3A_732 = arith.index_cast %add3A_729 : i32 to index
      %swap3A_733 = arith.constant 64 : index
      %swap3A_734 = tpu.vector_load %arg6[%swap3A_731, %swap3A_732, %swap3A_733] {strides = array<i32>} : memref<8x64x128xf32, #tpu.memory_space<vmem>>, vector<1x1x16xf32>,
      %swap3A_735 = vector.shape_cast %swap3A_734 : vector<1x1x16xf32> to vector<16xf32>
      %swap3A_736 = vector.shape_cast %mul3A_725 : vector<16xf32> to vector<1x1x16xf32>
      tpu.vector_store %arg6[%swap3A_731, %swap3A_732, %swap3A_733], %swap3A_736 {strides = array<i32>} : memref<8x64x128xf32, #tpu.memory_space<vmem>>, vector<1x1x16xf32>,
      %mul3A_737 = arith.constant 2 : i32
      %mul3A_738 = arith.muli %scan3A_426, %mul3A_737 : i32
      %add3A_739 = arith.constant 1 : i32
      %add3A_740 = arith.addi %mul3A_738, %add3A_739 : i32
      %get3A_741 = arith.constant 6 : i32
      %get3A_742 = arith.index_cast %get3A_741 : i32 to index
      %get3A_743 = arith.index_cast %add3A_740 : i32 to index
      %get3A_744 = arith.constant 80 : index
      %get3A_745 = tpu.vector_load %arg6[%get3A_742, %get3A_743, %get3A_744] {strides = array<i32>} : memref<8x64x128xf32, #tpu.memory_space<vmem>>, vector<1x1x16xf32>,
      %get3A_746 = vector.shape_cast %get3A_745 : vector<1x1x16xf32> to vector<16xf32>
      %mul3A_747 = arith.constant 2.000000e-01 : f32
      %mul3A_748 = vector.broadcast %mul3A_747 : f32 to vector<16xf32>
      %mul3A_749 = arith.mulf %get3A_746, %mul3A_748 : vector<16xf32>
      %mul3A_750 = arith.constant 2 : i32
      %mul3A_751 = arith.muli %scan3A_426, %mul3A_750 : i32
      %add3A_752 = arith.constant 1 : i32
      %add3A_753 = arith.addi %mul3A_751, %add3A_752 : i32
      %swap3A_754 = arith.constant 6 : i32
      %swap3A_755 = arith.index_cast %swap3A_754 : i32 to index
      %swap3A_756 = arith.index_cast %add3A_753 : i32 to index
      %swap3A_757 = arith.constant 80 : index
      %swap3A_758 = tpu.vector_load %arg6[%swap3A_755, %swap3A_756, %swap3A_757] {strides = array<i32>} : memref<8x64x128xf32, #tpu.memory_space<vmem>>, vector<1x1x16xf32>,
      %swap3A_759 = vector.shape_cast %swap3A_758 : vector<1x1x16xf32> to vector<16xf32>
      %swap3A_760 = vector.shape_cast %mul3A_749 : vector<16xf32> to vector<1x1x16xf32>
      tpu.vector_store %arg6[%swap3A_755, %swap3A_756, %swap3A_757], %swap3A_760 {strides = array<i32>} : memref<8x64x128xf32, #tpu.memory_space<vmem>>, vector<1x1x16xf32>,
      %mul3A_761 = arith.constant 2 : i32
      %mul3A_762 = arith.muli %scan3A_426, %mul3A_761 : i32
      %add3A_763 = arith.constant 1 : i32
      %add3A_764 = arith.addi %mul3A_762, %add3A_763 : i32
      %get3A_765 = arith.constant 6 : i32
      %get3A_766 = arith.index_cast %get3A_765 : i32 to index
      %get3A_767 = arith.index_cast %add3A_764 : i32 to index
      %get3A_768 = arith.constant 96 : index
      %get3A_769 = tpu.vector_load %arg6[%get3A_766, %get3A_767, %get3A_768] {strides = array<i32>} : memref<8x64x128xf32, #tpu.memory_space<vmem>>, vector<1x1x16xf32>,
      %get3A_770 = vector.shape_cast %get3A_769 : vector<1x1x16xf32> to vector<16xf32>
      %mul3A_771 = arith.constant 2.000000e-01 : f32
      %mul3A_772 = vector.broadcast %mul3A_771 : f32 to vector<16xf32>
      %mul3A_773 = arith.mulf %get3A_770, %mul3A_772 : vector<16xf32>
      %mul3A_774 = arith.constant 2 : i32
      %mul3A_775 = arith.muli %scan3A_426, %mul3A_774 : i32
      %add3A_776 = arith.constant 1 : i32
      %add3A_777 = arith.addi %mul3A_775, %add3A_776 : i32
      %swap3A_778 = arith.constant 6 : i32
      %swap3A_779 = arith.index_cast %swap3A_778 : i32 to index
      %swap3A_780 = arith.index_cast %add3A_777 : i32 to index
      %swap3A_781 = arith.constant 96 : index
      %swap3A_782 = tpu.vector_load %arg6[%swap3A_779, %swap3A_780, %swap3A_781] {strides = array<i32>} : memref<8x64x128xf32, #tpu.memory_space<vmem>>, vector<1x1x16xf32>,
      %swap3A_783 = vector.shape_cast %swap3A_782 : vector<1x1x16xf32> to vector<16xf32>
      %swap3A_784 = vector.shape_cast %mul3A_773 : vector<16xf32> to vector<1x1x16xf32>
      tpu.vector_store %arg6[%swap3A_779, %swap3A_780, %swap3A_781], %swap3A_784 {strides = array<i32>} : memref<8x64x128xf32, #tpu.memory_space<vmem>>, vector<1x1x16xf32>,
      %mul3A_785 = arith.constant 2 : i32
      %mul3A_786 = arith.muli %scan3A_426, %mul3A_785 : i32
      %add3A_787 = arith.constant 1 : i32
      %add3A_788 = arith.addi %mul3A_786, %add3A_787 : i32
      %get3A_789 = arith.constant 6 : i32
      %get3A_790 = arith.index_cast %get3A_789 : i32 to index
      %get3A_791 = arith.index_cast %add3A_788 : i32 to index
      %get3A_792 = arith.constant 112 : index
      %get3A_793 = tpu.vector_load %arg6[%get3A_790, %get3A_791, %get3A_792] {strides = array<i32>} : memref<8x64x128xf32, #tpu.memory_space<vmem>>, vector<1x1x16xf32>,
      %get3A_794 = vector.shape_cast %get3A_793 : vector<1x1x16xf32> to vector<16xf32>
      %mul3A_795 = arith.constant 2.000000e-01 : f32
      %mul3A_796 = vector.broadcast %mul3A_795 : f32 to vector<16xf32>
      %mul3A_797 = arith.mulf %get3A_794, %mul3A_796 : vector<16xf32>
      %mul3A_798 = arith.constant 2 : i32
      %mul3A_799 = arith.muli %scan3A_426, %mul3A_798 : i32
      %add3A_800 = arith.constant 1 : i32
      %add3A_801 = arith.addi %mul3A_799, %add3A_800 : i32
      %swap3A_802 = arith.constant 6 : i32
      %swap3A_803 = arith.index_cast %swap3A_802 : i32 to index
      %swap3A_804 = arith.index_cast %add3A_801 : i32 to index
      %swap3A_805 = arith.constant 112 : index
      %swap3A_806 = tpu.vector_load %arg6[%swap3A_803, %swap3A_804, %swap3A_805] {strides = array<i32>} : memref<8x64x128xf32, #tpu.memory_space<vmem>>, vector<1x1x16xf32>,
      %swap3A_807 = vector.shape_cast %swap3A_806 : vector<1x1x16xf32> to vector<16xf32>
      %swap3A_808 = vector.shape_cast %mul3A_797 : vector<16xf32> to vector<1x1x16xf32>
      tpu.vector_store %arg6[%swap3A_803, %swap3A_804, %swap3A_805], %swap3A_808 {strides = array<i32>} : memref<8x64x128xf32, #tpu.memory_space<vmem>>, vector<1x1x16xf32>,
    }
    %scan3A_276 = arith.constant 32 : i32
    %add3A_277 = arith.constant 384 : i32
    %add3A_278 = arith.addi %mul3A_2, %add3A_277 : i32
    %dma_start3A_279 = arith.constant 6 : i32
    %dma_start3A_280 = arith.constant 0 : i32
    %dma_start3A_281 = arith.constant 0 : i32
    %dma_start3A_282 = tpu.memref_slice %arg6[%dma_start3A_279, %dma_start3A_280, %dma_start3A_281] : memref<8x64x128xf32, #tpu.memory_space<vmem>> -> memref<1x64x128xf32, #tpu.memory_space<vmem>>
    %dma_start3A_283 = tpu.memref_squeeze %dma_start3A_282 : memref<1x64x128xf32, #tpu.memory_space<vmem>> -> memref<64x128xf32, #tpu.memory_space<vmem>>
    %dma_start3A_284 = arith.constant 0 : i32
    %dma_start3A_285 = tpu.memref_slice %arg4[%add3A_278, %dma_start3A_284] : memref<16384x128xf32, #tpu.memory_space<hbm>> -> memref<64x128xf32, #tpu.memory_space<hbm>>
    %dma_start3A_286 = arith.constant 0 : i32
    %dma_start3A_287 = tpu.memref_slice %arg4[%add3A_278, %dma_start3A_286] : memref<16384x128xf32, #tpu.memory_space<hbm>> -> memref<64x128xf32, #tpu.memory_space<hbm>>
    %dma_start3A_288 = arith.constant 0 : i32
    %dma_start3A_289 = arith.constant 0 : i32
    %dma_start3A_290 = tpu.memref_slice %arg6[%dma_start3A_279, %dma_start3A_288, %dma_start3A_289] : memref<8x64x128xf32, #tpu.memory_space<vmem>> -> memref<1x64x128xf32, #tpu.memory_space<vmem>>
    %dma_start3A_291 = tpu.memref_squeeze %dma_start3A_290 : memref<1x64x128xf32, #tpu.memory_space<vmem>> -> memref<64x128xf32, #tpu.memory_space<vmem>>
    tpu.enqueue_dma source(%dma_start3A_291 : memref<64x128xf32, #tpu.memory_space<vmem>>) target(%dma_start3A_287 : memref<64x128xf32, #tpu.memory_space<hbm>>) target_semaphore(%arg15 : memref<!tpu.dma_semaphore, #tpu.memory_space<semaphore_mem>>)
    %dma_wait3A_292 = arith.constant 7 : i32
    %dma_wait3A_293 = arith.constant 0 : i32
    %dma_wait3A_294 = arith.constant 0 : i32
    %dma_wait3A_295 = tpu.memref_slice %arg6[%dma_wait3A_292, %dma_wait3A_293, %dma_wait3A_294] : memref<8x64x128xf32, #tpu.memory_space<vmem>> -> memref<1x64x128xf32, #tpu.memory_space<vmem>>
    %dma_wait3A_296 = tpu.memref_squeeze %dma_wait3A_295 : memref<1x64x128xf32, #tpu.memory_space<vmem>> -> memref<64x128xf32, #tpu.memory_space<vmem>>
    %dma_wait3A_297 = arith.constant 448 : i32
    %dma_wait3A_298 = tpu.memref_slice %arg5[%dma_wait3A_297] : memref<512xi32, #tpu.memory_space<vmem>> -> memref<64xi32, #tpu.memory_space<vmem>>
    %dma_wait3A_299 = arith.constant 0 : i32
    %dma_wait3A_300 = arith.constant 0 : i32
    %dma_wait3A_301 = tpu.memref_slice %arg2[%dma_wait3A_299, %dma_wait3A_300] : memref<100000x128xf32, #tpu.memory_space<hbm>> -> memref<100000x128xf32, #tpu.memory_space<hbm>>
    tpu.wait_indirect_dma semaphore(%arg14 : memref<!tpu.dma_semaphore, #tpu.memory_space<semaphore_mem>>) src(%dma_wait3A_301 : memref<100000x128xf32, #tpu.memory_space<hbm>>) dst(%dma_wait3A_296 : memref<64x128xf32, #tpu.memory_space<vmem>>)
    %scan3A_302 = arith.constant 0 : i32
    %scan3A_303 = arith.constant 32 : i32
    %scan3A_304 = arith.addi %scan3A_302, %scan3A_303 : i32
    %scan3A_305 = arith.constant 1 : i32
    scf.for %scan3A_426 = %scan3A_302 to %scan3A_304 step %scan3A_305  : i32 {
      %mul3A_427 = arith.constant 2 : i32
      %mul3A_428 = arith.muli %scan3A_426, %mul3A_427 : i32
      %add3A_429 = arith.constant 0 : i32
      %add3A_430 = arith.addi %mul3A_428, %add3A_429 : i32
      %get3A = arith.constant 7 : i32
      %get3A_431 = arith.index_cast %get3A : i32 to index
      %get3A_432 = arith.index_cast %add3A_430 : i32 to index
      %get3A_433 = arith.constant 0 : index
      %get3A_434 = tpu.vector_load %arg6[%get3A_431, %get3A_432, %get3A_433] {strides = array<i32>} : memref<8x64x128xf32, #tpu.memory_space<vmem>>, vector<1x1x16xf32>,
      %get3A_435 = vector.shape_cast %get3A_434 : vector<1x1x16xf32> to vector<16xf32>
      %mul3A_436 = arith.constant 2.000000e-01 : f32
      %mul3A_437 = vector.broadcast %mul3A_436 : f32 to vector<16xf32>
      %mul3A_438 = arith.mulf %get3A_435, %mul3A_437 : vector<16xf32>
      %mul3A_439 = arith.constant 2 : i32
      %mul3A_440 = arith.muli %scan3A_426, %mul3A_439 : i32
      %add3A_441 = arith.constant 0 : i32
      %add3A_442 = arith.addi %mul3A_440, %add3A_441 : i32
      %swap3A = arith.constant 7 : i32
      %swap3A_443 = arith.index_cast %swap3A : i32 to index
      %swap3A_444 = arith.index_cast %add3A_442 : i32 to index
      %swap3A_445 = arith.constant 0 : index
      %swap3A_446 = tpu.vector_load %arg6[%swap3A_443, %swap3A_444, %swap3A_445] {strides = array<i32>} : memref<8x64x128xf32, #tpu.memory_space<vmem>>, vector<1x1x16xf32>,
      %swap3A_447 = vector.shape_cast %swap3A_446 : vector<1x1x16xf32> to vector<16xf32>
      %swap3A_448 = vector.shape_cast %mul3A_438 : vector<16xf32> to vector<1x1x16xf32>
      tpu.vector_store %arg6[%swap3A_443, %swap3A_444, %swap3A_445], %swap3A_448 {strides = array<i32>} : memref<8x64x128xf32, #tpu.memory_space<vmem>>, vector<1x1x16xf32>,
      %mul3A_449 = arith.constant 2 : i32
      %mul3A_450 = arith.muli %scan3A_426, %mul3A_449 : i32
      %add3A_451 = arith.constant 0 : i32
      %add3A_452 = arith.addi %mul3A_450, %add3A_451 : i32
      %get3A_453 = arith.constant 7 : i32
      %get3A_454 = arith.index_cast %get3A_453 : i32 to index
      %get3A_455 = arith.index_cast %add3A_452 : i32 to index
      %get3A_456 = arith.constant 16 : index
      %get3A_457 = tpu.vector_load %arg6[%get3A_454, %get3A_455, %get3A_456] {strides = array<i32>} : memref<8x64x128xf32, #tpu.memory_space<vmem>>, vector<1x1x16xf32>,
      %get3A_458 = vector.shape_cast %get3A_457 : vector<1x1x16xf32> to vector<16xf32>
      %mul3A_459 = arith.constant 2.000000e-01 : f32
      %mul3A_460 = vector.broadcast %mul3A_459 : f32 to vector<16xf32>
      %mul3A_461 = arith.mulf %get3A_458, %mul3A_460 : vector<16xf32>
      %mul3A_462 = arith.constant 2 : i32
      %mul3A_463 = arith.muli %scan3A_426, %mul3A_462 : i32
      %add3A_464 = arith.constant 0 : i32
      %add3A_465 = arith.addi %mul3A_463, %add3A_464 : i32
      %swap3A_466 = arith.constant 7 : i32
      %swap3A_467 = arith.index_cast %swap3A_466 : i32 to index
      %swap3A_468 = arith.index_cast %add3A_465 : i32 to index
      %swap3A_469 = arith.constant 16 : index
      %swap3A_470 = tpu.vector_load %arg6[%swap3A_467, %swap3A_468, %swap3A_469] {strides = array<i32>} : memref<8x64x128xf32, #tpu.memory_space<vmem>>, vector<1x1x16xf32>,
      %swap3A_471 = vector.shape_cast %swap3A_470 : vector<1x1x16xf32> to vector<16xf32>
      %swap3A_472 = vector.shape_cast %mul3A_461 : vector<16xf32> to vector<1x1x16xf32>
      tpu.vector_store %arg6[%swap3A_467, %swap3A_468, %swap3A_469], %swap3A_472 {strides = array<i32>} : memref<8x64x128xf32, #tpu.memory_space<vmem>>, vector<1x1x16xf32>,
      %mul3A_473 = arith.constant 2 : i32
      %mul3A_474 = arith.muli %scan3A_426, %mul3A_473 : i32
      %add3A_475 = arith.constant 0 : i32
      %add3A_476 = arith.addi %mul3A_474, %add3A_475 : i32
      %get3A_477 = arith.constant 7 : i32
      %get3A_478 = arith.index_cast %get3A_477 : i32 to index
      %get3A_479 = arith.index_cast %add3A_476 : i32 to index
      %get3A_480 = arith.constant 32 : index
      %get3A_481 = tpu.vector_load %arg6[%get3A_478, %get3A_479, %get3A_480] {strides = array<i32>} : memref<8x64x128xf32, #tpu.memory_space<vmem>>, vector<1x1x16xf32>,
      %get3A_482 = vector.shape_cast %get3A_481 : vector<1x1x16xf32> to vector<16xf32>
      %mul3A_483 = arith.constant 2.000000e-01 : f32
      %mul3A_484 = vector.broadcast %mul3A_483 : f32 to vector<16xf32>
      %mul3A_485 = arith.mulf %get3A_482, %mul3A_484 : vector<16xf32>
      %mul3A_486 = arith.constant 2 : i32
      %mul3A_487 = arith.muli %scan3A_426, %mul3A_486 : i32
      %add3A_488 = arith.constant 0 : i32
      %add3A_489 = arith.addi %mul3A_487, %add3A_488 : i32
      %swap3A_490 = arith.constant 7 : i32
      %swap3A_491 = arith.index_cast %swap3A_490 : i32 to index
      %swap3A_492 = arith.index_cast %add3A_489 : i32 to index
      %swap3A_493 = arith.constant 32 : index
      %swap3A_494 = tpu.vector_load %arg6[%swap3A_491, %swap3A_492, %swap3A_493] {strides = array<i32>} : memref<8x64x128xf32, #tpu.memory_space<vmem>>, vector<1x1x16xf32>,
      %swap3A_495 = vector.shape_cast %swap3A_494 : vector<1x1x16xf32> to vector<16xf32>
      %swap3A_496 = vector.shape_cast %mul3A_485 : vector<16xf32> to vector<1x1x16xf32>
      tpu.vector_store %arg6[%swap3A_491, %swap3A_492, %swap3A_493], %swap3A_496 {strides = array<i32>} : memref<8x64x128xf32, #tpu.memory_space<vmem>>, vector<1x1x16xf32>,
      %mul3A_497 = arith.constant 2 : i32
      %mul3A_498 = arith.muli %scan3A_426, %mul3A_497 : i32
      %add3A_499 = arith.constant 0 : i32
      %add3A_500 = arith.addi %mul3A_498, %add3A_499 : i32
      %get3A_501 = arith.constant 7 : i32
      %get3A_502 = arith.index_cast %get3A_501 : i32 to index
      %get3A_503 = arith.index_cast %add3A_500 : i32 to index
      %get3A_504 = arith.constant 48 : index
      %get3A_505 = tpu.vector_load %arg6[%get3A_502, %get3A_503, %get3A_504] {strides = array<i32>} : memref<8x64x128xf32, #tpu.memory_space<vmem>>, vector<1x1x16xf32>,
      %get3A_506 = vector.shape_cast %get3A_505 : vector<1x1x16xf32> to vector<16xf32>
      %mul3A_507 = arith.constant 2.000000e-01 : f32
      %mul3A_508 = vector.broadcast %mul3A_507 : f32 to vector<16xf32>
      %mul3A_509 = arith.mulf %get3A_506, %mul3A_508 : vector<16xf32>
      %mul3A_510 = arith.constant 2 : i32
      %mul3A_511 = arith.muli %scan3A_426, %mul3A_510 : i32
      %add3A_512 = arith.constant 0 : i32
      %add3A_513 = arith.addi %mul3A_511, %add3A_512 : i32
      %swap3A_514 = arith.constant 7 : i32
      %swap3A_515 = arith.index_cast %swap3A_514 : i32 to index
      %swap3A_516 = arith.index_cast %add3A_513 : i32 to index
      %swap3A_517 = arith.constant 48 : index
      %swap3A_518 = tpu.vector_load %arg6[%swap3A_515, %swap3A_516, %swap3A_517] {strides = array<i32>} : memref<8x64x128xf32, #tpu.memory_space<vmem>>, vector<1x1x16xf32>,
      %swap3A_519 = vector.shape_cast %swap3A_518 : vector<1x1x16xf32> to vector<16xf32>
      %swap3A_520 = vector.shape_cast %mul3A_509 : vector<16xf32> to vector<1x1x16xf32>
      tpu.vector_store %arg6[%swap3A_515, %swap3A_516, %swap3A_517], %swap3A_520 {strides = array<i32>} : memref<8x64x128xf32, #tpu.memory_space<vmem>>, vector<1x1x16xf32>,
      %mul3A_521 = arith.constant 2 : i32
      %mul3A_522 = arith.muli %scan3A_426, %mul3A_521 : i32
      %add3A_523 = arith.constant 0 : i32
      %add3A_524 = arith.addi %mul3A_522, %add3A_523 : i32
      %get3A_525 = arith.constant 7 : i32
      %get3A_526 = arith.index_cast %get3A_525 : i32 to index
      %get3A_527 = arith.index_cast %add3A_524 : i32 to index
      %get3A_528 = arith.constant 64 : index
      %get3A_529 = tpu.vector_load %arg6[%get3A_526, %get3A_527, %get3A_528] {strides = array<i32>} : memref<8x64x128xf32, #tpu.memory_space<vmem>>, vector<1x1x16xf32>,
      %get3A_530 = vector.shape_cast %get3A_529 : vector<1x1x16xf32> to vector<16xf32>
      %mul3A_531 = arith.constant 2.000000e-01 : f32
      %mul3A_532 = vector.broadcast %mul3A_531 : f32 to vector<16xf32>
      %mul3A_533 = arith.mulf %get3A_530, %mul3A_532 : vector<16xf32>
      %mul3A_534 = arith.constant 2 : i32
      %mul3A_535 = arith.muli %scan3A_426, %mul3A_534 : i32
      %add3A_536 = arith.constant 0 : i32
      %add3A_537 = arith.addi %mul3A_535, %add3A_536 : i32
      %swap3A_538 = arith.constant 7 : i32
      %swap3A_539 = arith.index_cast %swap3A_538 : i32 to index
      %swap3A_540 = arith.index_cast %add3A_537 : i32 to index
      %swap3A_541 = arith.constant 64 : index
      %swap3A_542 = tpu.vector_load %arg6[%swap3A_539, %swap3A_540, %swap3A_541] {strides = array<i32>} : memref<8x64x128xf32, #tpu.memory_space<vmem>>, vector<1x1x16xf32>,
      %swap3A_543 = vector.shape_cast %swap3A_542 : vector<1x1x16xf32> to vector<16xf32>
      %swap3A_544 = vector.shape_cast %mul3A_533 : vector<16xf32> to vector<1x1x16xf32>
      tpu.vector_store %arg6[%swap3A_539, %swap3A_540, %swap3A_541], %swap3A_544 {strides = array<i32>} : memref<8x64x128xf32, #tpu.memory_space<vmem>>, vector<1x1x16xf32>,
      %mul3A_545 = arith.constant 2 : i32
      %mul3A_546 = arith.muli %scan3A_426, %mul3A_545 : i32
      %add3A_547 = arith.constant 0 : i32
      %add3A_548 = arith.addi %mul3A_546, %add3A_547 : i32
      %get3A_549 = arith.constant 7 : i32
      %get3A_550 = arith.index_cast %get3A_549 : i32 to index
      %get3A_551 = arith.index_cast %add3A_548 : i32 to index
      %get3A_552 = arith.constant 80 : index
      %get3A_553 = tpu.vector_load %arg6[%get3A_550, %get3A_551, %get3A_552] {strides = array<i32>} : memref<8x64x128xf32, #tpu.memory_space<vmem>>, vector<1x1x16xf32>,
      %get3A_554 = vector.shape_cast %get3A_553 : vector<1x1x16xf32> to vector<16xf32>
      %mul3A_555 = arith.constant 2.000000e-01 : f32
      %mul3A_556 = vector.broadcast %mul3A_555 : f32 to vector<16xf32>
      %mul3A_557 = arith.mulf %get3A_554, %mul3A_556 : vector<16xf32>
      %mul3A_558 = arith.constant 2 : i32
      %mul3A_559 = arith.muli %scan3A_426, %mul3A_558 : i32
      %add3A_560 = arith.constant 0 : i32
      %add3A_561 = arith.addi %mul3A_559, %add3A_560 : i32
      %swap3A_562 = arith.constant 7 : i32
      %swap3A_563 = arith.index_cast %swap3A_562 : i32 to index
      %swap3A_564 = arith.index_cast %add3A_561 : i32 to index
      %swap3A_565 = arith.constant 80 : index
      %swap3A_566 = tpu.vector_load %arg6[%swap3A_563, %swap3A_564, %swap3A_565] {strides = array<i32>} : memref<8x64x128xf32, #tpu.memory_space<vmem>>, vector<1x1x16xf32>,
      %swap3A_567 = vector.shape_cast %swap3A_566 : vector<1x1x16xf32> to vector<16xf32>
      %swap3A_568 = vector.shape_cast %mul3A_557 : vector<16xf32> to vector<1x1x16xf32>
      tpu.vector_store %arg6[%swap3A_563, %swap3A_564, %swap3A_565], %swap3A_568 {strides = array<i32>} : memref<8x64x128xf32, #tpu.memory_space<vmem>>, vector<1x1x16xf32>,
      %mul3A_569 = arith.constant 2 : i32
      %mul3A_570 = arith.muli %scan3A_426, %mul3A_569 : i32
      %add3A_571 = arith.constant 0 : i32
      %add3A_572 = arith.addi %mul3A_570, %add3A_571 : i32
      %get3A_573 = arith.constant 7 : i32
      %get3A_574 = arith.index_cast %get3A_573 : i32 to index
      %get3A_575 = arith.index_cast %add3A_572 : i32 to index
      %get3A_576 = arith.constant 96 : index
      %get3A_577 = tpu.vector_load %arg6[%get3A_574, %get3A_575, %get3A_576] {strides = array<i32>} : memref<8x64x128xf32, #tpu.memory_space<vmem>>, vector<1x1x16xf32>,
      %get3A_578 = vector.shape_cast %get3A_577 : vector<1x1x16xf32> to vector<16xf32>
      %mul3A_579 = arith.constant 2.000000e-01 : f32
      %mul3A_580 = vector.broadcast %mul3A_579 : f32 to vector<16xf32>
      %mul3A_581 = arith.mulf %get3A_578, %mul3A_580 : vector<16xf32>
      %mul3A_582 = arith.constant 2 : i32
      %mul3A_583 = arith.muli %scan3A_426, %mul3A_582 : i32
      %add3A_584 = arith.constant 0 : i32
      %add3A_585 = arith.addi %mul3A_583, %add3A_584 : i32
      %swap3A_586 = arith.constant 7 : i32
      %swap3A_587 = arith.index_cast %swap3A_586 : i32 to index
      %swap3A_588 = arith.index_cast %add3A_585 : i32 to index
      %swap3A_589 = arith.constant 96 : index
      %swap3A_590 = tpu.vector_load %arg6[%swap3A_587, %swap3A_588, %swap3A_589] {strides = array<i32>} : memref<8x64x128xf32, #tpu.memory_space<vmem>>, vector<1x1x16xf32>,
      %swap3A_591 = vector.shape_cast %swap3A_590 : vector<1x1x16xf32> to vector<16xf32>
      %swap3A_592 = vector.shape_cast %mul3A_581 : vector<16xf32> to vector<1x1x16xf32>
      tpu.vector_store %arg6[%swap3A_587, %swap3A_588, %swap3A_589], %swap3A_592 {strides = array<i32>} : memref<8x64x128xf32, #tpu.memory_space<vmem>>, vector<1x1x16xf32>,
      %mul3A_593 = arith.constant 2 : i32
      %mul3A_594 = arith.muli %scan3A_426, %mul3A_593 : i32
      %add3A_595 = arith.constant 0 : i32
      %add3A_596 = arith.addi %mul3A_594, %add3A_595 : i32
      %get3A_597 = arith.constant 7 : i32
      %get3A_598 = arith.index_cast %get3A_597 : i32 to index
      %get3A_599 = arith.index_cast %add3A_596 : i32 to index
      %get3A_600 = arith.constant 112 : index
      %get3A_601 = tpu.vector_load %arg6[%get3A_598, %get3A_599, %get3A_600] {strides = array<i32>} : memref<8x64x128xf32, #tpu.memory_space<vmem>>, vector<1x1x16xf32>,
      %get3A_602 = vector.shape_cast %get3A_601 : vector<1x1x16xf32> to vector<16xf32>
      %mul3A_603 = arith.constant 2.000000e-01 : f32
      %mul3A_604 = vector.broadcast %mul3A_603 : f32 to vector<16xf32>
      %mul3A_605 = arith.mulf %get3A_602, %mul3A_604 : vector<16xf32>
      %mul3A_606 = arith.constant 2 : i32
      %mul3A_607 = arith.muli %scan3A_426, %mul3A_606 : i32
      %add3A_608 = arith.constant 0 : i32
      %add3A_609 = arith.addi %mul3A_607, %add3A_608 : i32
      %swap3A_610 = arith.constant 7 : i32
      %swap3A_611 = arith.index_cast %swap3A_610 : i32 to index
      %swap3A_612 = arith.index_cast %add3A_609 : i32 to index
      %swap3A_613 = arith.constant 112 : index
      %swap3A_614 = tpu.vector_load %arg6[%swap3A_611, %swap3A_612, %swap3A_613] {strides = array<i32>} : memref<8x64x128xf32, #tpu.memory_space<vmem>>, vector<1x1x16xf32>,
      %swap3A_615 = vector.shape_cast %swap3A_614 : vector<1x1x16xf32> to vector<16xf32>
      %swap3A_616 = vector.shape_cast %mul3A_605 : vector<16xf32> to vector<1x1x16xf32>
      tpu.vector_store %arg6[%swap3A_611, %swap3A_612, %swap3A_613], %swap3A_616 {strides = array<i32>} : memref<8x64x128xf32, #tpu.memory_space<vmem>>, vector<1x1x16xf32>,
      %mul3A_617 = arith.constant 2 : i32
      %mul3A_618 = arith.muli %scan3A_426, %mul3A_617 : i32
      %add3A_619 = arith.constant 1 : i32
      %add3A_620 = arith.addi %mul3A_618, %add3A_619 : i32
      %get3A_621 = arith.constant 7 : i32
      %get3A_622 = arith.index_cast %get3A_621 : i32 to index
      %get3A_623 = arith.index_cast %add3A_620 : i32 to index
      %get3A_624 = arith.constant 0 : index
      %get3A_625 = tpu.vector_load %arg6[%get3A_622, %get3A_623, %get3A_624] {strides = array<i32>} : memref<8x64x128xf32, #tpu.memory_space<vmem>>, vector<1x1x16xf32>,
      %get3A_626 = vector.shape_cast %get3A_625 : vector<1x1x16xf32> to vector<16xf32>
      %mul3A_627 = arith.constant 2.000000e-01 : f32
      %mul3A_628 = vector.broadcast %mul3A_627 : f32 to vector<16xf32>
      %mul3A_629 = arith.mulf %get3A_626, %mul3A_628 : vector<16xf32>
      %mul3A_630 = arith.constant 2 : i32
      %mul3A_631 = arith.muli %scan3A_426, %mul3A_630 : i32
      %add3A_632 = arith.constant 1 : i32
      %add3A_633 = arith.addi %mul3A_631, %add3A_632 : i32
      %swap3A_634 = arith.constant 7 : i32
      %swap3A_635 = arith.index_cast %swap3A_634 : i32 to index
      %swap3A_636 = arith.index_cast %add3A_633 : i32 to index
      %swap3A_637 = arith.constant 0 : index
      %swap3A_638 = tpu.vector_load %arg6[%swap3A_635, %swap3A_636, %swap3A_637] {strides = array<i32>} : memref<8x64x128xf32, #tpu.memory_space<vmem>>, vector<1x1x16xf32>,
      %swap3A_639 = vector.shape_cast %swap3A_638 : vector<1x1x16xf32> to vector<16xf32>
      %swap3A_640 = vector.shape_cast %mul3A_629 : vector<16xf32> to vector<1x1x16xf32>
      tpu.vector_store %arg6[%swap3A_635, %swap3A_636, %swap3A_637], %swap3A_640 {strides = array<i32>} : memref<8x64x128xf32, #tpu.memory_space<vmem>>, vector<1x1x16xf32>,
      %mul3A_641 = arith.constant 2 : i32
      %mul3A_642 = arith.muli %scan3A_426, %mul3A_641 : i32
      %add3A_643 = arith.constant 1 : i32
      %add3A_644 = arith.addi %mul3A_642, %add3A_643 : i32
      %get3A_645 = arith.constant 7 : i32
      %get3A_646 = arith.index_cast %get3A_645 : i32 to index
      %get3A_647 = arith.index_cast %add3A_644 : i32 to index
      %get3A_648 = arith.constant 16 : index
      %get3A_649 = tpu.vector_load %arg6[%get3A_646, %get3A_647, %get3A_648] {strides = array<i32>} : memref<8x64x128xf32, #tpu.memory_space<vmem>>, vector<1x1x16xf32>,
      %get3A_650 = vector.shape_cast %get3A_649 : vector<1x1x16xf32> to vector<16xf32>
      %mul3A_651 = arith.constant 2.000000e-01 : f32
      %mul3A_652 = vector.broadcast %mul3A_651 : f32 to vector<16xf32>
      %mul3A_653 = arith.mulf %get3A_650, %mul3A_652 : vector<16xf32>
      %mul3A_654 = arith.constant 2 : i32
      %mul3A_655 = arith.muli %scan3A_426, %mul3A_654 : i32
      %add3A_656 = arith.constant 1 : i32
      %add3A_657 = arith.addi %mul3A_655, %add3A_656 : i32
      %swap3A_658 = arith.constant 7 : i32
      %swap3A_659 = arith.index_cast %swap3A_658 : i32 to index
      %swap3A_660 = arith.index_cast %add3A_657 : i32 to index
      %swap3A_661 = arith.constant 16 : index
      %swap3A_662 = tpu.vector_load %arg6[%swap3A_659, %swap3A_660, %swap3A_661] {strides = array<i32>} : memref<8x64x128xf32, #tpu.memory_space<vmem>>, vector<1x1x16xf32>,
      %swap3A_663 = vector.shape_cast %swap3A_662 : vector<1x1x16xf32> to vector<16xf32>
      %swap3A_664 = vector.shape_cast %mul3A_653 : vector<16xf32> to vector<1x1x16xf32>
      tpu.vector_store %arg6[%swap3A_659, %swap3A_660, %swap3A_661], %swap3A_664 {strides = array<i32>} : memref<8x64x128xf32, #tpu.memory_space<vmem>>, vector<1x1x16xf32>,
      %mul3A_665 = arith.constant 2 : i32
      %mul3A_666 = arith.muli %scan3A_426, %mul3A_665 : i32
      %add3A_667 = arith.constant 1 : i32
      %add3A_668 = arith.addi %mul3A_666, %add3A_667 : i32
      %get3A_669 = arith.constant 7 : i32
      %get3A_670 = arith.index_cast %get3A_669 : i32 to index
      %get3A_671 = arith.index_cast %add3A_668 : i32 to index
      %get3A_672 = arith.constant 32 : index
      %get3A_673 = tpu.vector_load %arg6[%get3A_670, %get3A_671, %get3A_672] {strides = array<i32>} : memref<8x64x128xf32, #tpu.memory_space<vmem>>, vector<1x1x16xf32>,
      %get3A_674 = vector.shape_cast %get3A_673 : vector<1x1x16xf32> to vector<16xf32>
      %mul3A_675 = arith.constant 2.000000e-01 : f32
      %mul3A_676 = vector.broadcast %mul3A_675 : f32 to vector<16xf32>
      %mul3A_677 = arith.mulf %get3A_674, %mul3A_676 : vector<16xf32>
      %mul3A_678 = arith.constant 2 : i32
      %mul3A_679 = arith.muli %scan3A_426, %mul3A_678 : i32
      %add3A_680 = arith.constant 1 : i32
      %add3A_681 = arith.addi %mul3A_679, %add3A_680 : i32
      %swap3A_682 = arith.constant 7 : i32
      %swap3A_683 = arith.index_cast %swap3A_682 : i32 to index
      %swap3A_684 = arith.index_cast %add3A_681 : i32 to index
      %swap3A_685 = arith.constant 32 : index
      %swap3A_686 = tpu.vector_load %arg6[%swap3A_683, %swap3A_684, %swap3A_685] {strides = array<i32>} : memref<8x64x128xf32, #tpu.memory_space<vmem>>, vector<1x1x16xf32>,
      %swap3A_687 = vector.shape_cast %swap3A_686 : vector<1x1x16xf32> to vector<16xf32>
      %swap3A_688 = vector.shape_cast %mul3A_677 : vector<16xf32> to vector<1x1x16xf32>
      tpu.vector_store %arg6[%swap3A_683, %swap3A_684, %swap3A_685], %swap3A_688 {strides = array<i32>} : memref<8x64x128xf32, #tpu.memory_space<vmem>>, vector<1x1x16xf32>,
      %mul3A_689 = arith.constant 2 : i32
      %mul3A_690 = arith.muli %scan3A_426, %mul3A_689 : i32
      %add3A_691 = arith.constant 1 : i32
      %add3A_692 = arith.addi %mul3A_690, %add3A_691 : i32
      %get3A_693 = arith.constant 7 : i32
      %get3A_694 = arith.index_cast %get3A_693 : i32 to index
      %get3A_695 = arith.index_cast %add3A_692 : i32 to index
      %get3A_696 = arith.constant 48 : index
      %get3A_697 = tpu.vector_load %arg6[%get3A_694, %get3A_695, %get3A_696] {strides = array<i32>} : memref<8x64x128xf32, #tpu.memory_space<vmem>>, vector<1x1x16xf32>,
      %get3A_698 = vector.shape_cast %get3A_697 : vector<1x1x16xf32> to vector<16xf32>
      %mul3A_699 = arith.constant 2.000000e-01 : f32
      %mul3A_700 = vector.broadcast %mul3A_699 : f32 to vector<16xf32>
      %mul3A_701 = arith.mulf %get3A_698, %mul3A_700 : vector<16xf32>
      %mul3A_702 = arith.constant 2 : i32
      %mul3A_703 = arith.muli %scan3A_426, %mul3A_702 : i32
      %add3A_704 = arith.constant 1 : i32
      %add3A_705 = arith.addi %mul3A_703, %add3A_704 : i32
      %swap3A_706 = arith.constant 7 : i32
      %swap3A_707 = arith.index_cast %swap3A_706 : i32 to index
      %swap3A_708 = arith.index_cast %add3A_705 : i32 to index
      %swap3A_709 = arith.constant 48 : index
      %swap3A_710 = tpu.vector_load %arg6[%swap3A_707, %swap3A_708, %swap3A_709] {strides = array<i32>} : memref<8x64x128xf32, #tpu.memory_space<vmem>>, vector<1x1x16xf32>,
      %swap3A_711 = vector.shape_cast %swap3A_710 : vector<1x1x16xf32> to vector<16xf32>
      %swap3A_712 = vector.shape_cast %mul3A_701 : vector<16xf32> to vector<1x1x16xf32>
      tpu.vector_store %arg6[%swap3A_707, %swap3A_708, %swap3A_709], %swap3A_712 {strides = array<i32>} : memref<8x64x128xf32, #tpu.memory_space<vmem>>, vector<1x1x16xf32>,
      %mul3A_713 = arith.constant 2 : i32
      %mul3A_714 = arith.muli %scan3A_426, %mul3A_713 : i32
      %add3A_715 = arith.constant 1 : i32
      %add3A_716 = arith.addi %mul3A_714, %add3A_715 : i32
      %get3A_717 = arith.constant 7 : i32
      %get3A_718 = arith.index_cast %get3A_717 : i32 to index
      %get3A_719 = arith.index_cast %add3A_716 : i32 to index
      %get3A_720 = arith.constant 64 : index
      %get3A_721 = tpu.vector_load %arg6[%get3A_718, %get3A_719, %get3A_720] {strides = array<i32>} : memref<8x64x128xf32, #tpu.memory_space<vmem>>, vector<1x1x16xf32>,
      %get3A_722 = vector.shape_cast %get3A_721 : vector<1x1x16xf32> to vector<16xf32>
      %mul3A_723 = arith.constant 2.000000e-01 : f32
      %mul3A_724 = vector.broadcast %mul3A_723 : f32 to vector<16xf32>
      %mul3A_725 = arith.mulf %get3A_722, %mul3A_724 : vector<16xf32>
      %mul3A_726 = arith.constant 2 : i32
      %mul3A_727 = arith.muli %scan3A_426, %mul3A_726 : i32
      %add3A_728 = arith.constant 1 : i32
      %add3A_729 = arith.addi %mul3A_727, %add3A_728 : i32
      %swap3A_730 = arith.constant 7 : i32
      %swap3A_731 = arith.index_cast %swap3A_730 : i32 to index
      %swap3A_732 = arith.index_cast %add3A_729 : i32 to index
      %swap3A_733 = arith.constant 64 : index
      %swap3A_734 = tpu.vector_load %arg6[%swap3A_731, %swap3A_732, %swap3A_733] {strides = array<i32>} : memref<8x64x128xf32, #tpu.memory_space<vmem>>, vector<1x1x16xf32>,
      %swap3A_735 = vector.shape_cast %swap3A_734 : vector<1x1x16xf32> to vector<16xf32>
      %swap3A_736 = vector.shape_cast %mul3A_725 : vector<16xf32> to vector<1x1x16xf32>
      tpu.vector_store %arg6[%swap3A_731, %swap3A_732, %swap3A_733], %swap3A_736 {strides = array<i32>} : memref<8x64x128xf32, #tpu.memory_space<vmem>>, vector<1x1x16xf32>,
      %mul3A_737 = arith.constant 2 : i32
      %mul3A_738 = arith.muli %scan3A_426, %mul3A_737 : i32
      %add3A_739 = arith.constant 1 : i32
      %add3A_740 = arith.addi %mul3A_738, %add3A_739 : i32
      %get3A_741 = arith.constant 7 : i32
      %get3A_742 = arith.index_cast %get3A_741 : i32 to index
      %get3A_743 = arith.index_cast %add3A_740 : i32 to index
      %get3A_744 = arith.constant 80 : index
      %get3A_745 = tpu.vector_load %arg6[%get3A_742, %get3A_743, %get3A_744] {strides = array<i32>} : memref<8x64x128xf32, #tpu.memory_space<vmem>>, vector<1x1x16xf32>,
      %get3A_746 = vector.shape_cast %get3A_745 : vector<1x1x16xf32> to vector<16xf32>
      %mul3A_747 = arith.constant 2.000000e-01 : f32
      %mul3A_748 = vector.broadcast %mul3A_747 : f32 to vector<16xf32>
      %mul3A_749 = arith.mulf %get3A_746, %mul3A_748 : vector<16xf32>
      %mul3A_750 = arith.constant 2 : i32
      %mul3A_751 = arith.muli %scan3A_426, %mul3A_750 : i32
      %add3A_752 = arith.constant 1 : i32
      %add3A_753 = arith.addi %mul3A_751, %add3A_752 : i32
      %swap3A_754 = arith.constant 7 : i32
      %swap3A_755 = arith.index_cast %swap3A_754 : i32 to index
      %swap3A_756 = arith.index_cast %add3A_753 : i32 to index
      %swap3A_757 = arith.constant 80 : index
      %swap3A_758 = tpu.vector_load %arg6[%swap3A_755, %swap3A_756, %swap3A_757] {strides = array<i32>} : memref<8x64x128xf32, #tpu.memory_space<vmem>>, vector<1x1x16xf32>,
      %swap3A_759 = vector.shape_cast %swap3A_758 : vector<1x1x16xf32> to vector<16xf32>
      %swap3A_760 = vector.shape_cast %mul3A_749 : vector<16xf32> to vector<1x1x16xf32>
      tpu.vector_store %arg6[%swap3A_755, %swap3A_756, %swap3A_757], %swap3A_760 {strides = array<i32>} : memref<8x64x128xf32, #tpu.memory_space<vmem>>, vector<1x1x16xf32>,
      %mul3A_761 = arith.constant 2 : i32
      %mul3A_762 = arith.muli %scan3A_426, %mul3A_761 : i32
      %add3A_763 = arith.constant 1 : i32
      %add3A_764 = arith.addi %mul3A_762, %add3A_763 : i32
      %get3A_765 = arith.constant 7 : i32
      %get3A_766 = arith.index_cast %get3A_765 : i32 to index
      %get3A_767 = arith.index_cast %add3A_764 : i32 to index
      %get3A_768 = arith.constant 96 : index
      %get3A_769 = tpu.vector_load %arg6[%get3A_766, %get3A_767, %get3A_768] {strides = array<i32>} : memref<8x64x128xf32, #tpu.memory_space<vmem>>, vector<1x1x16xf32>,
      %get3A_770 = vector.shape_cast %get3A_769 : vector<1x1x16xf32> to vector<16xf32>
      %mul3A_771 = arith.constant 2.000000e-01 : f32
      %mul3A_772 = vector.broadcast %mul3A_771 : f32 to vector<16xf32>
      %mul3A_773 = arith.mulf %get3A_770, %mul3A_772 : vector<16xf32>
      %mul3A_774 = arith.constant 2 : i32
      %mul3A_775 = arith.muli %scan3A_426, %mul3A_774 : i32
      %add3A_776 = arith.constant 1 : i32
      %add3A_777 = arith.addi %mul3A_775, %add3A_776 : i32
      %swap3A_778 = arith.constant 7 : i32
      %swap3A_779 = arith.index_cast %swap3A_778 : i32 to index
      %swap3A_780 = arith.index_cast %add3A_777 : i32 to index
      %swap3A_781 = arith.constant 96 : index
      %swap3A_782 = tpu.vector_load %arg6[%swap3A_779, %swap3A_780, %swap3A_781] {strides = array<i32>} : memref<8x64x128xf32, #tpu.memory_space<vmem>>, vector<1x1x16xf32>,
      %swap3A_783 = vector.shape_cast %swap3A_782 : vector<1x1x16xf32> to vector<16xf32>
      %swap3A_784 = vector.shape_cast %mul3A_773 : vector<16xf32> to vector<1x1x16xf32>
      tpu.vector_store %arg6[%swap3A_779, %swap3A_780, %swap3A_781], %swap3A_784 {strides = array<i32>} : memref<8x64x128xf32, #tpu.memory_space<vmem>>, vector<1x1x16xf32>,
      %mul3A_785 = arith.constant 2 : i32
      %mul3A_786 = arith.muli %scan3A_426, %mul3A_785 : i32
      %add3A_787 = arith.constant 1 : i32
      %add3A_788 = arith.addi %mul3A_786, %add3A_787 : i32
      %get3A_789 = arith.constant 7 : i32
      %get3A_790 = arith.index_cast %get3A_789 : i32 to index
      %get3A_791 = arith.index_cast %add3A_788 : i32 to index
      %get3A_792 = arith.constant 112 : index
      %get3A_793 = tpu.vector_load %arg6[%get3A_790, %get3A_791, %get3A_792] {strides = array<i32>} : memref<8x64x128xf32, #tpu.memory_space<vmem>>, vector<1x1x16xf32>,
      %get3A_794 = vector.shape_cast %get3A_793 : vector<1x1x16xf32> to vector<16xf32>
      %mul3A_795 = arith.constant 2.000000e-01 : f32
      %mul3A_796 = vector.broadcast %mul3A_795 : f32 to vector<16xf32>
      %mul3A_797 = arith.mulf %get3A_794, %mul3A_796 : vector<16xf32>
      %mul3A_798 = arith.constant 2 : i32
      %mul3A_799 = arith.muli %scan3A_426, %mul3A_798 : i32
      %add3A_800 = arith.constant 1 : i32
      %add3A_801 = arith.addi %mul3A_799, %add3A_800 : i32
      %swap3A_802 = arith.constant 7 : i32
      %swap3A_803 = arith.index_cast %swap3A_802 : i32 to index
      %swap3A_804 = arith.index_cast %add3A_801 : i32 to index
      %swap3A_805 = arith.constant 112 : index
      %swap3A_806 = tpu.vector_load %arg6[%swap3A_803, %swap3A_804, %swap3A_805] {strides = array<i32>} : memref<8x64x128xf32, #tpu.memory_space<vmem>>, vector<1x1x16xf32>,
      %swap3A_807 = vector.shape_cast %swap3A_806 : vector<1x1x16xf32> to vector<16xf32>
      %swap3A_808 = vector.shape_cast %mul3A_797 : vector<16xf32> to vector<1x1x16xf32>
      tpu.vector_store %arg6[%swap3A_803, %swap3A_804, %swap3A_805], %swap3A_808 {strides = array<i32>} : memref<8x64x128xf32, #tpu.memory_space<vmem>>, vector<1x1x16xf32>,
    }
    %scan3A_306 = arith.constant 32 : i32
    %add3A_307 = arith.constant 448 : i32
    %add3A_308 = arith.addi %mul3A_2, %add3A_307 : i32
    %dma_start3A_309 = arith.constant 7 : i32
    %dma_start3A_310 = arith.constant 0 : i32
    %dma_start3A_311 = arith.constant 0 : i32
    %dma_start3A_312 = tpu.memref_slice %arg6[%dma_start3A_309, %dma_start3A_310, %dma_start3A_311] : memref<8x64x128xf32, #tpu.memory_space<vmem>> -> memref<1x64x128xf32, #tpu.memory_space<vmem>>
    %dma_start3A_313 = tpu.memref_squeeze %dma_start3A_312 : memref<1x64x128xf32, #tpu.memory_space<vmem>> -> memref<64x128xf32, #tpu.memory_space<vmem>>
    %dma_start3A_314 = arith.constant 0 : i32
    %dma_start3A_315 = tpu.memref_slice %arg4[%add3A_308, %dma_start3A_314] : memref<16384x128xf32, #tpu.memory_space<hbm>> -> memref<64x128xf32, #tpu.memory_space<hbm>>
    %dma_start3A_316 = arith.constant 0 : i32
    %dma_start3A_317 = tpu.memref_slice %arg4[%add3A_308, %dma_start3A_316] : memref<16384x128xf32, #tpu.memory_space<hbm>> -> memref<64x128xf32, #tpu.memory_space<hbm>>
    %dma_start3A_318 = arith.constant 0 : i32
    %dma_start3A_319 = arith.constant 0 : i32
    %dma_start3A_320 = tpu.memref_slice %arg6[%dma_start3A_309, %dma_start3A_318, %dma_start3A_319] : memref<8x64x128xf32, #tpu.memory_space<vmem>> -> memref<1x64x128xf32, #tpu.memory_space<vmem>>
    %dma_start3A_321 = tpu.memref_squeeze %dma_start3A_320 : memref<1x64x128xf32, #tpu.memory_space<vmem>> -> memref<64x128xf32, #tpu.memory_space<vmem>>
    tpu.enqueue_dma source(%dma_start3A_321 : memref<64x128xf32, #tpu.memory_space<vmem>>) target(%dma_start3A_317 : memref<64x128xf32, #tpu.memory_space<hbm>>) target_semaphore(%arg15 : memref<!tpu.dma_semaphore, #tpu.memory_space<semaphore_mem>>)
    %dma_wait3A_322 = arith.constant 0 : i32
    %dma_wait3A_323 = arith.constant 0 : i32
    %dma_wait3A_324 = arith.constant 0 : i32
    %dma_wait3A_325 = tpu.memref_slice %arg6[%dma_wait3A_322, %dma_wait3A_323, %dma_wait3A_324] : memref<8x64x128xf32, #tpu.memory_space<vmem>> -> memref<1x64x128xf32, #tpu.memory_space<vmem>>
    %dma_wait3A_326 = tpu.memref_squeeze %dma_wait3A_325 : memref<1x64x128xf32, #tpu.memory_space<vmem>> -> memref<64x128xf32, #tpu.memory_space<vmem>>
    %dma_wait3A_327 = arith.constant 0 : i32
    %dma_wait3A_328 = tpu.memref_slice %arg4[%add3A_98, %dma_wait3A_327] : memref<16384x128xf32, #tpu.memory_space<hbm>> -> memref<64x128xf32, #tpu.memory_space<hbm>>
    %dma_wait3A_329 = arith.constant 0 : i32
    %dma_wait3A_330 = tpu.memref_slice %arg4[%add3A_98, %dma_wait3A_329] : memref<16384x128xf32, #tpu.memory_space<hbm>> -> memref<64x128xf32, #tpu.memory_space<hbm>>
    %dma_wait3A_331 = arith.constant 0 : i32
    %dma_wait3A_332 = arith.constant 0 : i32
    %dma_wait3A_333 = tpu.memref_slice %arg6[%dma_wait3A_322, %dma_wait3A_331, %dma_wait3A_332] : memref<8x64x128xf32, #tpu.memory_space<vmem>> -> memref<1x64x128xf32, #tpu.memory_space<vmem>>
    %dma_wait3A_334 = tpu.memref_squeeze %dma_wait3A_333 : memref<1x64x128xf32, #tpu.memory_space<vmem>> -> memref<64x128xf32, #tpu.memory_space<vmem>>
    tpu.wait_dma2 semaphore(%arg15 : memref<!tpu.dma_semaphore, #tpu.memory_space<semaphore_mem>>) src(%dma_wait3A_334 : memref<64x128xf32, #tpu.memory_space<vmem>>) dst(%dma_wait3A_330 : memref<64x128xf32, #tpu.memory_space<hbm>>)
    %dma_wait3A_335 = arith.constant 1 : i32
    %dma_wait3A_336 = arith.constant 0 : i32
    %dma_wait3A_337 = arith.constant 0 : i32
    %dma_wait3A_338 = tpu.memref_slice %arg6[%dma_wait3A_335, %dma_wait3A_336, %dma_wait3A_337] : memref<8x64x128xf32, #tpu.memory_space<vmem>> -> memref<1x64x128xf32, #tpu.memory_space<vmem>>
    %dma_wait3A_339 = tpu.memref_squeeze %dma_wait3A_338 : memref<1x64x128xf32, #tpu.memory_space<vmem>> -> memref<64x128xf32, #tpu.memory_space<vmem>>
    %dma_wait3A_340 = arith.constant 0 : i32
    %dma_wait3A_341 = tpu.memref_slice %arg4[%add3A_128, %dma_wait3A_340] : memref<16384x128xf32, #tpu.memory_space<hbm>> -> memref<64x128xf32, #tpu.memory_space<hbm>>
    %dma_wait3A_342 = arith.constant 0 : i32
    %dma_wait3A_343 = tpu.memref_slice %arg4[%add3A_128, %dma_wait3A_342] : memref<16384x128xf32, #tpu.memory_space<hbm>> -> memref<64x128xf32, #tpu.memory_space<hbm>>
    %dma_wait3A_344 = arith.constant 0 : i32
    %dma_wait3A_345 = arith.constant 0 : i32
    %dma_wait3A_346 = tpu.memref_slice %arg6[%dma_wait3A_335, %dma_wait3A_344, %dma_wait3A_345] : memref<8x64x128xf32, #tpu.memory_space<vmem>> -> memref<1x64x128xf32, #tpu.memory_space<vmem>>
    %dma_wait3A_347 = tpu.memref_squeeze %dma_wait3A_346 : memref<1x64x128xf32, #tpu.memory_space<vmem>> -> memref<64x128xf32, #tpu.memory_space<vmem>>
    tpu.wait_dma2 semaphore(%arg15 : memref<!tpu.dma_semaphore, #tpu.memory_space<semaphore_mem>>) src(%dma_wait3A_347 : memref<64x128xf32, #tpu.memory_space<vmem>>) dst(%dma_wait3A_343 : memref<64x128xf32, #tpu.memory_space<hbm>>)
    %dma_wait3A_348 = arith.constant 2 : i32
    %dma_wait3A_349 = arith.constant 0 : i32
    %dma_wait3A_350 = arith.constant 0 : i32
    %dma_wait3A_351 = tpu.memref_slice %arg6[%dma_wait3A_348, %dma_wait3A_349, %dma_wait3A_350] : memref<8x64x128xf32, #tpu.memory_space<vmem>> -> memref<1x64x128xf32, #tpu.memory_space<vmem>>
    %dma_wait3A_352 = tpu.memref_squeeze %dma_wait3A_351 : memref<1x64x128xf32, #tpu.memory_space<vmem>> -> memref<64x128xf32, #tpu.memory_space<vmem>>
    %dma_wait3A_353 = arith.constant 0 : i32
    %dma_wait3A_354 = tpu.memref_slice %arg4[%add3A_158, %dma_wait3A_353] : memref<16384x128xf32, #tpu.memory_space<hbm>> -> memref<64x128xf32, #tpu.memory_space<hbm>>
    %dma_wait3A_355 = arith.constant 0 : i32
    %dma_wait3A_356 = tpu.memref_slice %arg4[%add3A_158, %dma_wait3A_355] : memref<16384x128xf32, #tpu.memory_space<hbm>> -> memref<64x128xf32, #tpu.memory_space<hbm>>
    %dma_wait3A_357 = arith.constant 0 : i32
    %dma_wait3A_358 = arith.constant 0 : i32
    %dma_wait3A_359 = tpu.memref_slice %arg6[%dma_wait3A_348, %dma_wait3A_357, %dma_wait3A_358] : memref<8x64x128xf32, #tpu.memory_space<vmem>> -> memref<1x64x128xf32, #tpu.memory_space<vmem>>
    %dma_wait3A_360 = tpu.memref_squeeze %dma_wait3A_359 : memref<1x64x128xf32, #tpu.memory_space<vmem>> -> memref<64x128xf32, #tpu.memory_space<vmem>>
    tpu.wait_dma2 semaphore(%arg15 : memref<!tpu.dma_semaphore, #tpu.memory_space<semaphore_mem>>) src(%dma_wait3A_360 : memref<64x128xf32, #tpu.memory_space<vmem>>) dst(%dma_wait3A_356 : memref<64x128xf32, #tpu.memory_space<hbm>>)
    %dma_wait3A_361 = arith.constant 3 : i32
    %dma_wait3A_362 = arith.constant 0 : i32
    %dma_wait3A_363 = arith.constant 0 : i32
    %dma_wait3A_364 = tpu.memref_slice %arg6[%dma_wait3A_361, %dma_wait3A_362, %dma_wait3A_363] : memref<8x64x128xf32, #tpu.memory_space<vmem>> -> memref<1x64x128xf32, #tpu.memory_space<vmem>>
    %dma_wait3A_365 = tpu.memref_squeeze %dma_wait3A_364 : memref<1x64x128xf32, #tpu.memory_space<vmem>> -> memref<64x128xf32, #tpu.memory_space<vmem>>
    %dma_wait3A_366 = arith.constant 0 : i32
    %dma_wait3A_367 = tpu.memref_slice %arg4[%add3A_188, %dma_wait3A_366] : memref<16384x128xf32, #tpu.memory_space<hbm>> -> memref<64x128xf32, #tpu.memory_space<hbm>>
    %dma_wait3A_368 = arith.constant 0 : i32
    %dma_wait3A_369 = tpu.memref_slice %arg4[%add3A_188, %dma_wait3A_368] : memref<16384x128xf32, #tpu.memory_space<hbm>> -> memref<64x128xf32, #tpu.memory_space<hbm>>
    %dma_wait3A_370 = arith.constant 0 : i32
    %dma_wait3A_371 = arith.constant 0 : i32
    %dma_wait3A_372 = tpu.memref_slice %arg6[%dma_wait3A_361, %dma_wait3A_370, %dma_wait3A_371] : memref<8x64x128xf32, #tpu.memory_space<vmem>> -> memref<1x64x128xf32, #tpu.memory_space<vmem>>
    %dma_wait3A_373 = tpu.memref_squeeze %dma_wait3A_372 : memref<1x64x128xf32, #tpu.memory_space<vmem>> -> memref<64x128xf32, #tpu.memory_space<vmem>>
    tpu.wait_dma2 semaphore(%arg15 : memref<!tpu.dma_semaphore, #tpu.memory_space<semaphore_mem>>) src(%dma_wait3A_373 : memref<64x128xf32, #tpu.memory_space<vmem>>) dst(%dma_wait3A_369 : memref<64x128xf32, #tpu.memory_space<hbm>>)
    %dma_wait3A_374 = arith.constant 4 : i32
    %dma_wait3A_375 = arith.constant 0 : i32
    %dma_wait3A_376 = arith.constant 0 : i32
    %dma_wait3A_377 = tpu.memref_slice %arg6[%dma_wait3A_374, %dma_wait3A_375, %dma_wait3A_376] : memref<8x64x128xf32, #tpu.memory_space<vmem>> -> memref<1x64x128xf32, #tpu.memory_space<vmem>>
    %dma_wait3A_378 = tpu.memref_squeeze %dma_wait3A_377 : memref<1x64x128xf32, #tpu.memory_space<vmem>> -> memref<64x128xf32, #tpu.memory_space<vmem>>
    %dma_wait3A_379 = arith.constant 0 : i32
    %dma_wait3A_380 = tpu.memref_slice %arg4[%add3A_218, %dma_wait3A_379] : memref<16384x128xf32, #tpu.memory_space<hbm>> -> memref<64x128xf32, #tpu.memory_space<hbm>>
    %dma_wait3A_381 = arith.constant 0 : i32
    %dma_wait3A_382 = tpu.memref_slice %arg4[%add3A_218, %dma_wait3A_381] : memref<16384x128xf32, #tpu.memory_space<hbm>> -> memref<64x128xf32, #tpu.memory_space<hbm>>
    %dma_wait3A_383 = arith.constant 0 : i32
    %dma_wait3A_384 = arith.constant 0 : i32
    %dma_wait3A_385 = tpu.memref_slice %arg6[%dma_wait3A_374, %dma_wait3A_383, %dma_wait3A_384] : memref<8x64x128xf32, #tpu.memory_space<vmem>> -> memref<1x64x128xf32, #tpu.memory_space<vmem>>
    %dma_wait3A_386 = tpu.memref_squeeze %dma_wait3A_385 : memref<1x64x128xf32, #tpu.memory_space<vmem>> -> memref<64x128xf32, #tpu.memory_space<vmem>>
    tpu.wait_dma2 semaphore(%arg15 : memref<!tpu.dma_semaphore, #tpu.memory_space<semaphore_mem>>) src(%dma_wait3A_386 : memref<64x128xf32, #tpu.memory_space<vmem>>) dst(%dma_wait3A_382 : memref<64x128xf32, #tpu.memory_space<hbm>>)
    %dma_wait3A_387 = arith.constant 5 : i32
    %dma_wait3A_388 = arith.constant 0 : i32
    %dma_wait3A_389 = arith.constant 0 : i32
    %dma_wait3A_390 = tpu.memref_slice %arg6[%dma_wait3A_387, %dma_wait3A_388, %dma_wait3A_389] : memref<8x64x128xf32, #tpu.memory_space<vmem>> -> memref<1x64x128xf32, #tpu.memory_space<vmem>>
    %dma_wait3A_391 = tpu.memref_squeeze %dma_wait3A_390 : memref<1x64x128xf32, #tpu.memory_space<vmem>> -> memref<64x128xf32, #tpu.memory_space<vmem>>
    %dma_wait3A_392 = arith.constant 0 : i32
    %dma_wait3A_393 = tpu.memref_slice %arg4[%add3A_248, %dma_wait3A_392] : memref<16384x128xf32, #tpu.memory_space<hbm>> -> memref<64x128xf32, #tpu.memory_space<hbm>>
    %dma_wait3A_394 = arith.constant 0 : i32
    %dma_wait3A_395 = tpu.memref_slice %arg4[%add3A_248, %dma_wait3A_394] : memref<16384x128xf32, #tpu.memory_space<hbm>> -> memref<64x128xf32, #tpu.memory_space<hbm>>
    %dma_wait3A_396 = arith.constant 0 : i32
    %dma_wait3A_397 = arith.constant 0 : i32
    %dma_wait3A_398 = tpu.memref_slice %arg6[%dma_wait3A_387, %dma_wait3A_396, %dma_wait3A_397] : memref<8x64x128xf32, #tpu.memory_space<vmem>> -> memref<1x64x128xf32, #tpu.memory_space<vmem>>
    %dma_wait3A_399 = tpu.memref_squeeze %dma_wait3A_398 : memref<1x64x128xf32, #tpu.memory_space<vmem>> -> memref<64x128xf32, #tpu.memory_space<vmem>>
    tpu.wait_dma2 semaphore(%arg15 : memref<!tpu.dma_semaphore, #tpu.memory_space<semaphore_mem>>) src(%dma_wait3A_399 : memref<64x128xf32, #tpu.memory_space<vmem>>) dst(%dma_wait3A_395 : memref<64x128xf32, #tpu.memory_space<hbm>>)
    %dma_wait3A_400 = arith.constant 6 : i32
    %dma_wait3A_401 = arith.constant 0 : i32
    %dma_wait3A_402 = arith.constant 0 : i32
    %dma_wait3A_403 = tpu.memref_slice %arg6[%dma_wait3A_400, %dma_wait3A_401, %dma_wait3A_402] : memref<8x64x128xf32, #tpu.memory_space<vmem>> -> memref<1x64x128xf32, #tpu.memory_space<vmem>>
    %dma_wait3A_404 = tpu.memref_squeeze %dma_wait3A_403 : memref<1x64x128xf32, #tpu.memory_space<vmem>> -> memref<64x128xf32, #tpu.memory_space<vmem>>
    %dma_wait3A_405 = arith.constant 0 : i32
    %dma_wait3A_406 = tpu.memref_slice %arg4[%add3A_278, %dma_wait3A_405] : memref<16384x128xf32, #tpu.memory_space<hbm>> -> memref<64x128xf32, #tpu.memory_space<hbm>>
    %dma_wait3A_407 = arith.constant 0 : i32
    %dma_wait3A_408 = tpu.memref_slice %arg4[%add3A_278, %dma_wait3A_407] : memref<16384x128xf32, #tpu.memory_space<hbm>> -> memref<64x128xf32, #tpu.memory_space<hbm>>
    %dma_wait3A_409 = arith.constant 0 : i32
    %dma_wait3A_410 = arith.constant 0 : i32
    %dma_wait3A_411 = tpu.memref_slice %arg6[%dma_wait3A_400, %dma_wait3A_409, %dma_wait3A_410] : memref<8x64x128xf32, #tpu.memory_space<vmem>> -> memref<1x64x128xf32, #tpu.memory_space<vmem>>
    %dma_wait3A_412 = tpu.memref_squeeze %dma_wait3A_411 : memref<1x64x128xf32, #tpu.memory_space<vmem>> -> memref<64x128xf32, #tpu.memory_space<vmem>>
    tpu.wait_dma2 semaphore(%arg15 : memref<!tpu.dma_semaphore, #tpu.memory_space<semaphore_mem>>) src(%dma_wait3A_412 : memref<64x128xf32, #tpu.memory_space<vmem>>) dst(%dma_wait3A_408 : memref<64x128xf32, #tpu.memory_space<hbm>>)
    %dma_wait3A_413 = arith.constant 7 : i32
    %dma_wait3A_414 = arith.constant 0 : i32
    %dma_wait3A_415 = arith.constant 0 : i32
    %dma_wait3A_416 = tpu.memref_slice %arg6[%dma_wait3A_413, %dma_wait3A_414, %dma_wait3A_415] : memref<8x64x128xf32, #tpu.memory_space<vmem>> -> memref<1x64x128xf32, #tpu.memory_space<vmem>>
    %dma_wait3A_417 = tpu.memref_squeeze %dma_wait3A_416 : memref<1x64x128xf32, #tpu.memory_space<vmem>> -> memref<64x128xf32, #tpu.memory_space<vmem>>
    %dma_wait3A_418 = arith.constant 0 : i32
    %dma_wait3A_419 = tpu.memref_slice %arg4[%add3A_308, %dma_wait3A_418] : memref<16384x128xf32, #tpu.memory_space<hbm>> -> memref<64x128xf32, #tpu.memory_space<hbm>>
    %dma_wait3A_420 = arith.constant 0 : i32
    %dma_wait3A_421 = tpu.memref_slice %arg4[%add3A_308, %dma_wait3A_420] : memref<16384x128xf32, #tpu.memory_space<hbm>> -> memref<64x128xf32, #tpu.memory_space<hbm>>
    %dma_wait3A_422 = arith.constant 0 : i32
    %dma_wait3A_423 = arith.constant 0 : i32
    %dma_wait3A_424 = tpu.memref_slice %arg6[%dma_wait3A_413, %dma_wait3A_422, %dma_wait3A_423] : memref<8x64x128xf32, #tpu.memory_space<vmem>> -> memref<1x64x128xf32, #tpu.memory_space<vmem>>
    %dma_wait3A_425 = tpu.memref_squeeze %dma_wait3A_424 : memref<1x64x128xf32, #tpu.memory_space<vmem>> -> memref<64x128xf32, #tpu.memory_space<vmem>>
    tpu.wait_dma2 semaphore(%arg15 : memref<!tpu.dma_semaphore, #tpu.memory_space<semaphore_mem>>) src(%dma_wait3A_425 : memref<64x128xf32, #tpu.memory_space<vmem>>) dst(%dma_wait3A_421 : memref<64x128xf32, #tpu.memory_space<hbm>>)
    return
  }
}

</mosaic_0001>

<sc_bundles>
// kernel: kernel.3.cloned.1.call-start
scs
__scs_entry_jumppad:
0x0: {  	(pc) =	sbr.rel $0x88, $3  }
0x1: {  	(tag) =	ssettag $0x0;
	lr =	simm.s32 $0x1  }
0x2: {  	[smem:$0x3F9F] =	sst lr;
	_ =	strace $0xD0000000  }
0x3: {  	_ = 	snop  }
0x4: {  	_ = 	snop  }
0x5: {  	_ = 	snop  }
0x6: {  	_ = 	snop  }
0x7: {  	_ = 	snop  }
__scs_overlays_trampoline_lowered:
0x8: {  	[smem:$0x3FAE] =	sst s0  }
0x9: {  	[smem:$0x3FAF] =	sst s1  }
0xa: {  	[smem:$0x3FB0] =	sst s2  }
0xb: {  	[smem:$0x3FB1] =	sst s3  }
0xc: {  	[smem:$0x3FB2] =	sst s4  }
0xd: {  	[smem:$0x3FB3] =	sst s5  }
0xe: {  	[smem:$0x3FB4] =	sst s6  }
0xf: {  	[smem:$0x3FB5] =	sst s7  }
0x10: {  	[smem:$0x3FB6] =	sst s8  }
0x11: {  	[smem:$0x3FB7] =	sst s9;
	s0 =	simm.s32 @!p0 $0x0  }
0x12: {  	s1 =	sld [smem:$0x3F9D];
	s0 =	simm.s32 @p0 $0x1  }
0x13: {  	[smem:$0x3FB8] =	sst s0;
	s0 =	simm.s32 @!p1 $0x0  }
0x14: {  	s2 =	sld [smem:$0x3F9C];
	s0 =	simm.s32 @p1 $0x1  }
0x15: {  	[smem:$0x3FB9] =	sst s0;
	s0 =	simm.s32 @!p2 $0x0  }
0x16: {  	s3 =	sld [smem:$0x3FDB];
	s0 =	simm.s32 @p2 $0x1  }
0x17: {  	s4 =	simm.s32 $0x1BF5;
	[smem:$0x3FBB] =	sst s0  }
0x18: {  	s0 =	sld [smem:$0x3F9E];
	_ =	swait.ge [sflag:s4], $0x0  }
0x19: {  	s7 =	sld [smem:$0x3F9F]  }
0x1a: {  	s8 =	sadd.s32 $0xFFFFE003, lr  }
0x1b: {  	s9 =	sadd.s32 $0xFFFFFEF7, lr;
	s5 =	simm.s32 $0xFFFFFFFF;
	p2 =	slt.u32 s8, $0xFFFFF086  }
0x1c: {  	p1 =	slt.u32 s9, $0xF7A;
	s5 =	simm.s32 @!p2 $0x0  }
0x1d: {  	s5 =	simm.s32 @p1 $0x1;
	p0 =	seq.s32 s7, s2  }
0x1e: {  	s7 =	smul.u32 @!p0 $0xF7A, s2;
	p2 =	seq.s32 @!p0 s5, $0x0  }
0x1f: {  	s9 =	smul.u32 $0xF7A, s1;
	s8 =	simm.s32 @!p0 $0x1BF5;
	p2 =	por !p2, p0  }
0x20: {  	[sflag:s8] =	ssyncset.s32 @!p0 $0xFFFFF086;
	s6 =	sadd.s32 @!p0 s3, s7;
	s7 =	simm.s32 @!p0 $0x108  }
0x21: {  	s3 =	sadd.s32 s3, s9;
	s6 =	sadd.s32 @!p0 $0x88, s6;
	s7 =	simm.s32 @p2 $0x1082  }
0x22: {  	[simem:s7], [sflag:s8] =	dma.local @!p0 [hbm:s6], $0xF7A  }
0x23: {  	s9 =	sor.u32 $0xD0000000, s2;
	s6 =	simm.s32 $0x108;
	_ =	swait.ge @!p0 [sflag:s8], $0x0  }
0x24: {  	s3 =	sadd.s32 $0x88, s3;
	s6 =	simm.s32 @!p1 $0x1082;
	[sflag:s4] =	ssyncset.s32 $0xFFFFF086  }
0x25: {  	[simem:s6], [sflag:s4] =	dma.local [hbm:s3], $0xF7A  }
0x26: {  	[smem:$0x3F9F] =	sst s1;
	(tag) =	ssettag s2;
	_ =	strace s9  }
0x27: {  	s1 =	sld [smem:$0x3FAF]  }
0x28: {  	s2 =	sld [smem:$0x3FB0]  }
0x29: {  	s4 =	sld [smem:$0x3FB2]  }
0x2a: {  	p0 =	seq.s32 s5, $0x0;
	s5 =	sld [smem:$0x3FB3]  }
0x2b: {  	s6 =	sld [smem:$0x3FB4]  }
0x2c: {  	s7 =	sld [smem:$0x3FB5]  }
0x2d: {  	s3 =	simm.s32 $0x108;
	s8 =	sld [smem:$0x3FB6]  }
0x2e: {  	s3 =	simm.s32 @!p0 $0x1082;
	s9 =	sld [smem:$0x3FB7]  }
0x2f: {  	lr =	sadd.s32 s0, s3;
	s0 =	sld [smem:$0x3FAE]  }
0x30: {  	s3 =	sld [smem:$0x3FB1]  }
0x31: {  	[smem:$0x3FBA] =	sst s10  }
0x32: {  	s10 =	sld [smem:$0x3FB8];
	_ =	sdelay $0x3  }
0x33: {  	p0 =	seq.s32 s10, $0x1;
	s10 =	sld [smem:$0x3FBA];
	_ =	sdelay $0x3  }
0x34: {  	[smem:$0x3FBA] =	sst s10  }
0x35: {  	s10 =	sld [smem:$0x3FB9];
	_ =	sdelay $0x3  }
0x36: {  	p1 =	seq.s32 s10, $0x1;
	s10 =	sld [smem:$0x3FBA];
	_ =	sdelay $0x3  }
0x37: {  	[smem:$0x3FBA] =	sst s10  }
0x38: {  	s10 =	sld [smem:$0x3FBB]  }
0x39: {  	_ = 	snop;
	(pc) =	sbr.ind lr, $3  }
0x3a: {  	_ = 	snop  }
0x3b: {  	_ = 	snop  }
0x3c: {  	p2 =	seq.s32 s10, $0x1;
	s10 =	sld [smem:$0x3FBA]  }
0x3d: {  	_ =	shalt  }
0x3e: {  	_ =	shalt  }
0x3f: {  	_ =	shalt  }
0x40: {  	_ =	shalt  }
0x41: {  	_ =	shalt  }
0x42: {  	_ =	shalt  }
0x43: {  	_ =	shalt  }
0x44: {  	_ =	shalt  }
0x45: {  	_ =	shalt  }
0x46: {  	_ =	shalt  }
0x47: {  	_ =	shalt  }
0x48: {  	_ =	shalt  }
0x49: {  	_ =	shalt  }
0x4a: {  	_ =	shalt  }
0x4b: {  	_ =	shalt  }
0x4c: {  	_ =	shalt  }
0x4d: {  	_ =	shalt  }
0x4e: {  	_ =	shalt  }
0x4f: {  	_ =	shalt  }
0x50: {  	_ =	shalt  }
0x51: {  	_ =	shalt  }
0x52: {  	_ =	shalt  }
0x53: {  	_ =	shalt  }
0x54: {  	_ =	shalt  }
0x55: {  	_ =	shalt  }
0x56: {  	_ =	shalt  }
0x57: {  	_ =	shalt  }
0x58: {  	_ =	shalt  }
0x59: {  	_ =	shalt  }
0x5a: {  	_ =	shalt  }
0x5b: {  	_ =	shalt  }
0x5c: {  	_ =	shalt  }
0x5d: {  	_ =	shalt  }
0x5e: {  	_ =	shalt  }
0x5f: {  	_ =	shalt  }
0x60: {  	_ =	shalt  }
0x61: {  	_ =	shalt  }
0x62: {  	_ =	shalt  }
0x63: {  	_ =	shalt  }
0x64: {  	_ =	shalt  }
0x65: {  	_ =	shalt  }
0x66: {  	_ =	shalt  }
0x67: {  	_ =	shalt  }
0x68: {  	_ =	shalt  }
0x69: {  	_ =	shalt  }
0x6a: {  	_ =	shalt  }
0x6b: {  	_ =	shalt  }
0x6c: {  	_ =	shalt  }
0x6d: {  	_ =	shalt  }
0x6e: {  	_ =	shalt  }
0x6f: {  	_ =	shalt  }
0x70: {  	_ =	shalt  }
0x71: {  	_ =	shalt  }
0x72: {  	_ =	shalt  }
0x73: {  	_ =	shalt  }
0x74: {  	_ =	shalt  }
0x75: {  	_ =	shalt  }
0x76: {  	_ =	shalt  }
0x77: {  	_ =	shalt  }
0x78: {  	_ =	shalt  }
0x79: {  	_ =	shalt  }
0x7a: {  	_ =	shalt  }
0x7b: {  	_ =	shalt  }
0x7c: {  	_ =	shalt  }
0x7d: {  	_ =	shalt  }
0x7e: {  	_ =	shalt  }
0x7f: {  	_ =	shalt  }
0x80: {  	_ =	shalt  }
0x81: {  	_ =	shalt  }
0x82: {  	_ =	shalt  }
0x83: {  	_ =	shalt  }
0x84: {  	_ =	shalt  }
0x85: {  	_ =	shalt  }
0x86: {  	_ =	shalt  }
0x87: {  	_ =	shalt  }
.Lfunc_end0:
.L_simem_size_0:
called_computation_lowered:
.L_overlay_start_0:
0x88: {  	s2 =	sld [smem:$0x3FD9]  }
0x89: {  	s3 =	sld [smem:$0x3FFE];
	_ =	sdelay $0x1  }
0x8a: {  	s1 =	srdreg.scid  }
0x8b: {  	s0 =	sand.u32 $0x1, s1  }
0x8c: {  	s18 =	sshll.u32 s0, $0xA;
	s2 =	sadd.s32 s3, s2  }
0x8d: {  	s2 =	sadd.s32 s2, s18  }
0x8e: {  	[smem:$0x3FC6] =	sst s2  }
0x8f: {  	_ = 	snop  }
0x90: {  	s2 =	sld [smem:$0x3FC9]  }
0x91: {  	s19 =	sld [smem:$0x3FC8]  }
0x92: {  	s4 =	sld [smem:$0x3FD0];
	(tm) =	ssettm $0x1  }
0x93: {  	s5 =	sld [smem:$0x3FFB];
	_ =	sdelay $0x3  }
0x94: {  	_ =	strace s5  }
0x95: {  	s5 =	sld [smem:$0x3FFC];
	_ =	sdelay $0x3  }
0x96: {  	_ =	strace s5  }
0x97: {  	s5 =	sld [smem:$0x3FFD];
	_ =	sdelay $0x3  }
0x98: {  	_ =	strace s5  }
0x99: {  	_ =	strace $0x8FFFFFFF  }
0x9a: {  	s20 =	sld [smem:$0x3FDB];
	_ =	sdelay $0x1  }
0x9b: {  	s6 =	simm.s32 $_scs_section_size  }
0x9c: {  	s7 =	simm.s32 $_size__tile_overlayer_lowered;
	s8 =	simm.s32 $_tile_overlayer_lowered  }
0x9d: {  	s23 =	simm.s32 $0x1BFF;
	s22 =	sshll.u32 s8, $0x1;
	s5 =	sadd.s32 s6, s20  }
0x9e: {  	s9 =	simm.s32 $0x0;
	s21 =	sshll.u32 s7, $0x1;
	s7 =	sadd.s32 s22, s5  }
0x9f: {  	[timem:s9], [sflag:s23] =	dma.local [hbm:s7], s21  }
0xa0: {  	_ =	swait.ge [sflag:s23], s21  }
0xa1: {  	s6 =	ssub.s32 $0x0, s21;
	[sflag:s23] =	ssyncset.done $0x0  }
0xa2: {  	[sflag:s23] =	ssyncadd.s32 s6;
	_ =	sdelay $0x1  }
0xa3: {  	s24 =	simm.s32 $0x1B8B  }
0xa4: {  	_ =	swait.ge [sflag:s24], $0x1  }
0xa5: {  	[sflag:s24] =	ssyncset.done $0x0  }
0xa6: {  	s25 =	simm.s32 $0x1B8E;
	[sflag:s24] =	ssyncadd.s32 $0xFFFFFFFF  }
0xa7: {  	s26 =	simm.s32 $execute0_lowered;
	[smem:$0x3FD2] =	sst s25  }
0xa8: {  	s6 =	sshll.u32 s26, $0x1;
	_ =	strace $0x80000046;
	[dreg:$0x1] =	wrdreg $0xFFFFFFFF  }
0xa9: {  	s28 =	simm.s32 $_size_execute0_lowered;
	s5 =	sadd.s32 s5, s6;
	[dreg:$0x0] =	wrdreg $0x0  }
0xaa: {  	s6 =	sshll.u32 s28, $0x1;
	[dreg:$0x2] =	wrdreg s5  }
0xab: {  	[dreg:$0x3] =	wrdreg s6  }
0xac: {  	[dreg:$0x4] =	wrdreg $0xC0  }
0xad: {  	_ =	task [dreg:s9], $0x5FFFF  }
0xae: {  	[dreg:$0x1] =	wrdreg $0xFFFFFFFF  }
0xaf: {  	[dreg:$0x0] =	wrdreg $0x60  }
0xb0: {  	[dreg:$0x2] =	wrdreg s2  }
0xb1: {  	[dreg:$0x3] =	wrdreg s19  }
0xb2: {  	[dreg:$0x4] =	wrdreg s4  }
0xb3: {  	[dreg:$0x5] =	wrdreg $0x9  }
0xb4: {  	_ =	task.clear_ibuf [dreg:s9], $0x6FFFF;
	_ =	strace $0x90000046  }
0xb5: {  	s29 =	simm.s32 $0x9;
	_ =	strace $0x80000048  }
0xb6: {  	_ =	swait.ge [sflag:s29], $0x1  }
0xb7: {  	[sflag:s29] =	ssyncadd.s32 $0xFFFFFFFF  }
0xb8: {  	_ =	strace $0x90000048  }
0xb9: {  	_ =	sfence  }
0xba: {  	s30 =	sld [smem:$0x0];
	_ =	sdelay $0x2  }
0xbb: {  	s31 =	sshll.u32 s1, $0xD;
	s1 =	sshrl.u32 s1, $0x2  }
0xbc: {  	s3 =	sand.u32 $0x4000, s31;
	s1 =	sadd.s32 s1, s30  }
0xbd: {  	s0 =	sor.u32 s3, s0;
	s1 =	sshll.u32 s1, $0x11  }
0xbe: {  	s0 =	sor.u32 s1, s0  }
0xbf: {  	s0 =	sadd.s32 $0x8F2B, s0  }
0xc0: {  	[sflag:s0] =	ssyncadd.remote.s32 $0x1  }
0xc1: {  	_ =	sfence.sel $0xFFFF  }
0xc2: {  	[dreg:$0x0] =	wrdreg $0xFFFFFFFF;
	(pc) =	sbr.abs _section_cstart, $3  }
0xc3: {  	[dreg:$0x1] =	wrdreg $0xFFFFFFFF  }
0xc4: {  	_ =	task.clear_ibuf [dreg:s9], $0x2FFFF;
	_ =	strace $0x9FFFFFFF  }
0xc5: {  	(tm) =	ssettm $0x7FFFFFFF  }
tec
execute0_lowered:
.L_overlay_start_1:
0x0: {  	(tag) =	ssettag $0x1  }
0x1: {  	s1 =	rddreg [dreg:$0x0]  }
0x2: {  	s0 =	rddreg [dreg:$0x1]  }
0x3: {  	s2 =	rddreg [dreg:$0x2];
	s3 =	srdreg.scid  }
0x4: {  	s5 =	stileid.u32;
	s14 =	simm.s32 $0xA;
	s15 =	simm.s32 $0x40  }
0x5: {  	s23 =	simm.s32 $0x8200;
	s28 =	simm.s32 $0xC200;
	s30 =	simm.s32 $0xE200  }
0x6: {  	s31 =	simm.s32 $0x1;
	s18 =	simm.s32 $0x4;
	s20 =	simm.s32 $0x5  }
0x7: {  	s22 =	simm.s32 $0x6;
	s29 =	simm.s32 $0x9;
	s16 =	simm.s32 $0x0  }
0x8: {  	s4 =	sand.u32 $0x1, s3;
	s3 =	simm.s32 $0x0;
	s5 =	sshll.u32 s5, $0xA  }
0x9: {  	s6 =	sshll.u32 s4, $0x9;
	[smem:$0x7FF] =	sst s3;
	s24 =	ssub.s32 $0x2, s4  }
0xa: {  	s5 =	sor.u32 s6, s5;
	_ =	strace $0x80000047;
	s7 =	sshrl.u32 s24, $0x1  }
0xb: {  	s25 =	sshll.u32 s5, $0x4;
	s5 =	sshrl.u32 s5, $0x3;
	s26 =	ssub.s32 s24, s7  }
0xc: {  	s24 =	simm.s32 $0x7;
	s4 =	sadd.s32 s2, s25;
	s5 =	sadd.s32 s0, s5  }
0xd: {  	s13 =	smax.u32 s26, $0x1;
	s25 =	simm.s32 $0xA200;
	s0 =	simm.s32 $0x2  }
0xe: {  	s2 =	simm.s32 $0x3;
	s26 =	simm.s32 $0x8;
	s6 =	sadd.s32 $0x400, s4  }
0xf: {  	s7 =	sadd.s32 $0x800, s4;
	s8 =	sadd.s32 $0xC00, s4;
	s9 =	sadd.s32 $0x1000, s4  }
0x10: {  	s10 =	sadd.s32 $0x1400, s4;
	s11 =	sadd.s32 $0x1800, s4;
	s12 =	sadd.s32 $0x1C00, s4  }
.LBB2_1:
0x11: {  	[tilespmem:s3], [sflag:$0xA] =	stream.linear.gather [hbm4b:s5+s3], $0x200, $0x38;
	[tilespmem:$0x10200] =	vst v63  }
0x12: {  	_ =	swait.ge [sflag:s14], $0x200  }
0x13: {  	[sflag:s14] =	ssyncset.done $0x0  }
0x14: {  	s17 =	simm.s32 $0x200;
	[sflag:s14] =	ssyncadd.s32 $0xFFFFFE00  }
0x15: {  	[tilespmem:s17], [sflag:$0x1] =	stream.indirect.gather [hbm4b:s1+s15], $0x80, s3, s15, $0xb8;
	[tilespmem:$0x10200] =	vst v63  }
0x16: {  	s19 =	simm.s32 $0x2200  }
0x17: {  	[tilespmem:s19], [sflag:$0x2] =	stream.indirect.gather [hbm4b:s1+s15], $0x80, s15, s15, $0xb8;
	[tilespmem:$0x10200] =	vst v63  }
0x18: {  	s21 =	simm.s32 $0x80;
	s19 =	simm.s32 $0x4200  }
0x19: {  	[tilespmem:s19], [sflag:$0x3] =	stream.indirect.gather [hbm4b:s1+s15], $0x80, s21, s15, $0xb8;
	[tilespmem:$0x10200] =	vst v63  }
0x1a: {  	s19 =	simm.s32 $0xC0;
	s21 =	simm.s32 $0x6200  }
0x1b: {  	[tilespmem:s21], [sflag:$0x4] =	stream.indirect.gather [hbm4b:s1+s15], $0x80, s19, s15, $0xb8;
	[tilespmem:$0x10200] =	vst v63  }
0x1c: {  	s19 =	simm.s32 $0x100  }
0x1d: {  	[tilespmem:s23], [sflag:$0x5] =	stream.indirect.gather [hbm4b:s1+s15], $0x80, s19, s15, $0xb8;
	[tilespmem:$0x10200] =	vst v63  }
0x1e: {  	s21 =	simm.s32 $0x140  }
0x1f: {  	[tilespmem:s25], [sflag:$0x6] =	stream.indirect.gather [hbm4b:s1+s15], $0x80, s21, s15, $0xb8;
	[tilespmem:$0x10200] =	vst v63  }
0x20: {  	s19 =	simm.s32 $0x180  }
0x21: {  	[tilespmem:s28], [sflag:$0x7] =	stream.indirect.gather [hbm4b:s1+s15], $0x80, s19, s15, $0xb8;
	[tilespmem:$0x10200] =	vst v63  }
0x22: {  	s21 =	simm.s32 $0x1C0  }
0x23: {  	[tilespmem:s30], [sflag:$0x8] =	stream.indirect.gather [hbm4b:s1+s15], $0x80, s21, s15, $0xb8;
	[tilespmem:$0x10200] =	vst v63  }
0x24: {  	_ =	swait.ge [sflag:s31], $0x2000  }
0x25: {  	[sflag:s31] =	ssyncset.done $0x0  }
0x26: {  	s17 =	simm.s32 $0x0;
	[sflag:s31] =	ssyncadd.s32 $0xFFFFE000  }
0x27: {  	v0 =	vld [tilespmem:s17+$0x200]  }
0x28: {  	v1 =	vld [tilespmem:s17+$0x210]  }
0x29: {  	v2 =	vld [tilespmem:s17+$0x220]  }
0x2a: {  	v3 =	vld [tilespmem:s17+$0x230]  }
0x2b: {  	v4 =	vld [tilespmem:s17+$0x240]  }
0x2c: {  	v5 =	vld [tilespmem:s17+$0x250];
	v0 =	vmul.f32 $2.000000030e-01, v0  }
0x2d: {  	v6 =	vld [tilespmem:s17+$0x260];
	v1 =	vmul.f32 $2.000000030e-01, v1  }
0x2e: {  	v7 =	vld [tilespmem:s17+$0x270];
	[tilespmem:s17+$0x200] =	vst v0;
	v0 =	vmul.f32 $2.000000030e-01, v2  }
0x2f: {  	v8 =	vld [tilespmem:s17+$0x280];
	[tilespmem:s17+$0x210] =	vst v1;
	v1 =	vmul.f32 $2.000000030e-01, v3  }
0x30: {  	v9 =	vld [tilespmem:s17+$0x290];
	[tilespmem:s17+$0x220] =	vst v0;
	v0 =	vmul.f32 $2.000000030e-01, v4  }
0x31: {  	v2 =	vmul.f32 $2.000000030e-01, v5;
	[tilespmem:s17+$0x230] =	vst v1;
	v1 =	vld [tilespmem:s17+$0x2A0]  }
0x32: {  	v3 =	vmul.f32 $2.000000030e-01, v6;
	[tilespmem:s17+$0x240] =	vst v0;
	v0 =	vld [tilespmem:s17+$0x2B0]  }
0x33: {  	[tilespmem:s17+$0x250] =	vst v2;
	v2 =	vld [tilespmem:s17+$0x2C0];
	v4 =	vmul.f32 $2.000000030e-01, v7  }
0x34: {  	v6 =	vmul.f32 $2.000000030e-01, v8;
	[tilespmem:s17+$0x260] =	vst v3;
	v3 =	vld [tilespmem:s17+$0x2D0]  }
0x35: {  	s19 =	simm.s32 $0x400;
	v5 =	vmul.f32 $2.000000030e-01, v9;
	[tilespmem:s17+$0x270] =	vst v4;
	v4 =	vld [tilespmem:s17+$0x2E0]  }
.LBB2_2:
0x36: {  	s21 =	sshra.s32 s19, $0x2;
	p0 =	sne.s32 s19, $0x7C00;
	[tilespmem:s17+$0x280] =	vst v6;
	v1 =	vmul.f32 $2.000000030e-01, v1;
	v6 =	vld [tilespmem:s17+$0x2F0]  }
0x37: {  	v7 =	vld [tilespmem:s21+$0x200];
	[tilespmem:s17+$0x290] =	vst v5;
	v0 =	vmul.f32 $2.000000030e-01, v0  }
0x38: {  	v5 =	vld [tilespmem:s21+$0x210];
	[tilespmem:s17+$0x2A0] =	vst v1;
	v1 =	vmul.f32 $2.000000030e-01, v2  }
0x39: {  	v2 =	vld [tilespmem:s21+$0x220];
	[tilespmem:s17+$0x2B0] =	vst v0;
	v0 =	vmul.f32 $2.000000030e-01, v3  }
0x3a: {  	v3 =	vld [tilespmem:s21+$0x230];
	[tilespmem:s17+$0x2C0] =	vst v1;
	v1 =	vmul.f32 $2.000000030e-01, v4  }
0x3b: {  	v4 =	vld [tilespmem:s21+$0x240];
	[tilespmem:s17+$0x2D0] =	vst v0;
	v0 =	vmul.f32 $2.000000030e-01, v6  }
0x3c: {  	v6 =	vmul.f32 $2.000000030e-01, v7;
	v7 =	vld [tilespmem:s21+$0x250];
	[tilespmem:s17+$0x2E0] =	vst v1  }
0x3d: {  	v1 =	vmul.f32 $2.000000030e-01, v5;
	v5 =	vld [tilespmem:s21+$0x260];
	[tilespmem:s17+$0x2F0] =	vst v0;
	s17 =	smov.u32 s21  }
0x3e: {  	[tilespmem:s17+$0x200] =	vst v6;
	v0 =	vmul.f32 $2.000000030e-01, v2;
	v2 =	vld [tilespmem:s17+$0x270]  }
0x3f: {  	[tilespmem:s17+$0x210] =	vst v1;
	v1 =	vmul.f32 $2.000000030e-01, v3;
	v3 =	vld [tilespmem:s17+$0x280]  }
0x40: {  	[tilespmem:s17+$0x220] =	vst v0;
	v0 =	vmul.f32 $2.000000030e-01, v4;
	v4 =	vld [tilespmem:s17+$0x290]  }
.Ltmp0:
0x41: {  	[tilespmem:s17+$0x230] =	vst v1;
	v6 =	vmul.f32 $2.000000030e-01, v7;
	v1 =	vld [tilespmem:s17+$0x2A0];
	(pc) =	sbr.rel @p0 .LBB2_2-.Ltmp0, $4  }
0x42: {  	[tilespmem:s17+$0x240] =	vst v0;
	v5 =	vmul.f32 $2.000000030e-01, v5;
	v0 =	vld [tilespmem:s17+$0x2B0]  }
0x43: {  	[tilespmem:s17+$0x250] =	vst v6;
	v7 =	vmul.f32 $2.000000030e-01, v2;
	v2 =	vld [tilespmem:s17+$0x2C0]  }
0x44: {  	[tilespmem:s17+$0x260] =	vst v5;
	v6 =	vmul.f32 $2.000000030e-01, v3;
	v3 =	vld [tilespmem:s17+$0x2D0]  }
0x45: {  	s19 =	sadd.s32 $0x400, s19;
	[tilespmem:s17+$0x270] =	vst v7;
	v5 =	vmul.f32 $2.000000030e-01, v4;
	v4 =	vld [tilespmem:s17+$0x2E0]  }
0x46: {  	[tilespmem:s17+$0x280] =	vst v6;
	v1 =	vmul.f32 $2.000000030e-01, v1;
	v6 =	vld [tilespmem:s17+$0x2F0]  }
0x47: {  	[tilespmem:s17+$0x290] =	vst v5;
	v0 =	vmul.f32 $2.000000030e-01, v0  }
0x48: {  	[tilespmem:s17+$0x2A0] =	vst v1;
	v1 =	vmul.f32 $2.000000030e-01, v2  }
0x49: {  	[tilespmem:s17+$0x2B0] =	vst v0;
	v0 =	vmul.f32 $2.000000030e-01, v3  }
0x4a: {  	[tilespmem:s17+$0x2C0] =	vst v1;
	v1 =	vmul.f32 $2.000000030e-01, v4  }
0x4b: {  	[tilespmem:s17+$0x2D0] =	vst v0;
	v0 =	vmul.f32 $2.000000030e-01, v6  }
0x4c: {  	[tilespmem:s17+$0x2E0] =	vst v1  }
0x4d: {  	s21 =	simm.s32 $0x0;
	s19 =	simm.s32 $0x200;
	[tilespmem:s17+$0x2F0] =	vst v0  }
0x4e: {  	[hbm4b:s4+s21] =	stream.linear.scatter [tilespmem:s19], [sflag:$0x9], $0x2000, $0x38;
	[tilespmem:$0x10200] =	vst v63  }
0x4f: {  	_ =	swait.ge [sflag:s0], $0x2000  }
0x50: {  	[sflag:s0] =	ssyncset.done $0x0  }
0x51: {  	s17 =	simm.s32 $0x0;
	[sflag:s0] =	ssyncadd.s32 $0xFFFFE000  }
0x52: {  	v0 =	vld [tilespmem:s17+$0x2200]  }
0x53: {  	v1 =	vld [tilespmem:s17+$0x2210]  }
0x54: {  	v2 =	vld [tilespmem:s17+$0x2220]  }
0x55: {  	v3 =	vld [tilespmem:s17+$0x2230]  }
0x56: {  	v4 =	vld [tilespmem:s17+$0x2240]  }
0x57: {  	v5 =	vld [tilespmem:s17+$0x2250];
	v0 =	vmul.f32 $2.000000030e-01, v0  }
0x58: {  	v6 =	vld [tilespmem:s17+$0x2260];
	v1 =	vmul.f32 $2.000000030e-01, v1  }
0x59: {  	v7 =	vld [tilespmem:s17+$0x2270];
	[tilespmem:s17+$0x2200] =	vst v0;
	v0 =	vmul.f32 $2.000000030e-01, v2  }
0x5a: {  	v8 =	vld [tilespmem:s17+$0x2280];
	[tilespmem:s17+$0x2210] =	vst v1;
	v1 =	vmul.f32 $2.000000030e-01, v3  }
0x5b: {  	v9 =	vld [tilespmem:s17+$0x2290];
	[tilespmem:s17+$0x2220] =	vst v0;
	v0 =	vmul.f32 $2.000000030e-01, v4  }
0x5c: {  	v2 =	vmul.f32 $2.000000030e-01, v5;
	[tilespmem:s17+$0x2230] =	vst v1;
	v1 =	vld [tilespmem:s17+$0x22A0]  }
0x5d: {  	v3 =	vmul.f32 $2.000000030e-01, v6;
	[tilespmem:s17+$0x2240] =	vst v0;
	v0 =	vld [tilespmem:s17+$0x22B0]  }
0x5e: {  	[tilespmem:s17+$0x2250] =	vst v2;
	v2 =	vld [tilespmem:s17+$0x22C0];
	v4 =	vmul.f32 $2.000000030e-01, v7  }
0x5f: {  	v6 =	vmul.f32 $2.000000030e-01, v8;
	[tilespmem:s17+$0x2260] =	vst v3;
	v3 =	vld [tilespmem:s17+$0x22D0]  }
0x60: {  	s19 =	simm.s32 $0x400;
	v5 =	vmul.f32 $2.000000030e-01, v9;
	[tilespmem:s17+$0x2270] =	vst v4;
	v4 =	vld [tilespmem:s17+$0x22E0]  }
.LBB2_4:
0x61: {  	s21 =	sshra.s32 s19, $0x2;
	p0 =	sne.s32 s19, $0x7C00;
	[tilespmem:s17+$0x2280] =	vst v6;
	v1 =	vmul.f32 $2.000000030e-01, v1;
	v6 =	vld [tilespmem:s17+$0x22F0]  }
0x62: {  	v7 =	vld [tilespmem:s21+$0x2200];
	[tilespmem:s17+$0x2290] =	vst v5;
	v0 =	vmul.f32 $2.000000030e-01, v0  }
0x63: {  	v5 =	vld [tilespmem:s21+$0x2210];
	[tilespmem:s17+$0x22A0] =	vst v1;
	v1 =	vmul.f32 $2.000000030e-01, v2  }
0x64: {  	v2 =	vld [tilespmem:s21+$0x2220];
	[tilespmem:s17+$0x22B0] =	vst v0;
	v0 =	vmul.f32 $2.000000030e-01, v3  }
0x65: {  	v3 =	vld [tilespmem:s21+$0x2230];
	[tilespmem:s17+$0x22C0] =	vst v1;
	v1 =	vmul.f32 $2.000000030e-01, v4  }
0x66: {  	v4 =	vld [tilespmem:s21+$0x2240];
	[tilespmem:s17+$0x22D0] =	vst v0;
	v0 =	vmul.f32 $2.000000030e-01, v6  }
0x67: {  	v6 =	vmul.f32 $2.000000030e-01, v7;
	v7 =	vld [tilespmem:s21+$0x2250];
	[tilespmem:s17+$0x22E0] =	vst v1  }
0x68: {  	v1 =	vmul.f32 $2.000000030e-01, v5;
	v5 =	vld [tilespmem:s21+$0x2260];
	[tilespmem:s17+$0x22F0] =	vst v0;
	s17 =	smov.u32 s21  }
0x69: {  	[tilespmem:s17+$0x2200] =	vst v6;
	v0 =	vmul.f32 $2.000000030e-01, v2;
	v2 =	vld [tilespmem:s17+$0x2270]  }
0x6a: {  	[tilespmem:s17+$0x2210] =	vst v1;
	v1 =	vmul.f32 $2.000000030e-01, v3;
	v3 =	vld [tilespmem:s17+$0x2280]  }
0x6b: {  	[tilespmem:s17+$0x2220] =	vst v0;
	v0 =	vmul.f32 $2.000000030e-01, v4;
	v4 =	vld [tilespmem:s17+$0x2290]  }
.Ltmp1:
0x6c: {  	[tilespmem:s17+$0x2230] =	vst v1;
	v6 =	vmul.f32 $2.000000030e-01, v7;
	v1 =	vld [tilespmem:s17+$0x22A0];
	(pc) =	sbr.rel @p0 .LBB2_4-.Ltmp1, $4  }
0x6d: {  	[tilespmem:s17+$0x2240] =	vst v0;
	v5 =	vmul.f32 $2.000000030e-01, v5;
	v0 =	vld [tilespmem:s17+$0x22B0]  }
0x6e: {  	[tilespmem:s17+$0x2250] =	vst v6;
	v7 =	vmul.f32 $2.000000030e-01, v2;
	v2 =	vld [tilespmem:s17+$0x22C0]  }
0x6f: {  	[tilespmem:s17+$0x2260] =	vst v5;
	v6 =	vmul.f32 $2.000000030e-01, v3;
	v3 =	vld [tilespmem:s17+$0x22D0]  }
0x70: {  	s19 =	sadd.s32 $0x400, s19;
	[tilespmem:s17+$0x2270] =	vst v7;
	v5 =	vmul.f32 $2.000000030e-01, v4;
	v4 =	vld [tilespmem:s17+$0x22E0]  }
0x71: {  	[tilespmem:s17+$0x2280] =	vst v6;
	v1 =	vmul.f32 $2.000000030e-01, v1;
	v6 =	vld [tilespmem:s17+$0x22F0]  }
0x72: {  	[tilespmem:s17+$0x2290] =	vst v5;
	v0 =	vmul.f32 $2.000000030e-01, v0  }
0x73: {  	[tilespmem:s17+$0x22A0] =	vst v1;
	v1 =	vmul.f32 $2.000000030e-01, v2  }
0x74: {  	[tilespmem:s17+$0x22B0] =	vst v0;
	v0 =	vmul.f32 $2.000000030e-01, v3  }
0x75: {  	[tilespmem:s17+$0x22C0] =	vst v1;
	v1 =	vmul.f32 $2.000000030e-01, v4  }
0x76: {  	[tilespmem:s17+$0x22D0] =	vst v0;
	v0 =	vmul.f32 $2.000000030e-01, v6  }
0x77: {  	[tilespmem:s17+$0x22E0] =	vst v1  }
0x78: {  	s21 =	simm.s32 $0x0;
	s19 =	simm.s32 $0x2200;
	[tilespmem:s17+$0x22F0] =	vst v0  }
0x79: {  	[hbm4b:s6+s21] =	stream.linear.scatter [tilespmem:s19], [sflag:$0x9], $0x2000, $0x38;
	[tilespmem:$0x10200] =	vst v63  }
0x7a: {  	_ =	swait.ge [sflag:s2], $0x2000  }
0x7b: {  	[sflag:s2] =	ssyncset.done $0x0  }
0x7c: {  	s17 =	simm.s32 $0x0;
	[sflag:s2] =	ssyncadd.s32 $0xFFFFE000  }
0x7d: {  	v0 =	vld [tilespmem:s17+$0x4200]  }
0x7e: {  	v1 =	vld [tilespmem:s17+$0x4210]  }
0x7f: {  	v2 =	vld [tilespmem:s17+$0x4220]  }
0x80: {  	v3 =	vld [tilespmem:s17+$0x4230]  }
0x81: {  	v4 =	vld [tilespmem:s17+$0x4240]  }
0x82: {  	v5 =	vld [tilespmem:s17+$0x4250];
	v0 =	vmul.f32 $2.000000030e-01, v0  }
0x83: {  	v6 =	vld [tilespmem:s17+$0x4260];
	v1 =	vmul.f32 $2.000000030e-01, v1  }
0x84: {  	v7 =	vld [tilespmem:s17+$0x4270];
	[tilespmem:s17+$0x4200] =	vst v0;
	v0 =	vmul.f32 $2.000000030e-01, v2  }
0x85: {  	v8 =	vld [tilespmem:s17+$0x4280];
	[tilespmem:s17+$0x4210] =	vst v1;
	v1 =	vmul.f32 $2.000000030e-01, v3  }
0x86: {  	v9 =	vld [tilespmem:s17+$0x4290];
	[tilespmem:s17+$0x4220] =	vst v0;
	v0 =	vmul.f32 $2.000000030e-01, v4  }
0x87: {  	v2 =	vmul.f32 $2.000000030e-01, v5;
	[tilespmem:s17+$0x4230] =	vst v1;
	v1 =	vld [tilespmem:s17+$0x42A0]  }
0x88: {  	v3 =	vmul.f32 $2.000000030e-01, v6;
	[tilespmem:s17+$0x4240] =	vst v0;
	v0 =	vld [tilespmem:s17+$0x42B0]  }
0x89: {  	[tilespmem:s17+$0x4250] =	vst v2;
	v2 =	vld [tilespmem:s17+$0x42C0];
	v4 =	vmul.f32 $2.000000030e-01, v7  }
0x8a: {  	v6 =	vmul.f32 $2.000000030e-01, v8;
	[tilespmem:s17+$0x4260] =	vst v3;
	v3 =	vld [tilespmem:s17+$0x42D0]  }
0x8b: {  	s19 =	simm.s32 $0x400;
	v5 =	vmul.f32 $2.000000030e-01, v9;
	[tilespmem:s17+$0x4270] =	vst v4;
	v4 =	vld [tilespmem:s17+$0x42E0]  }
.LBB2_6:
0x8c: {  	s21 =	sshra.s32 s19, $0x2;
	p0 =	sne.s32 s19, $0x7C00;
	[tilespmem:s17+$0x4280] =	vst v6;
	v1 =	vmul.f32 $2.000000030e-01, v1;
	v6 =	vld [tilespmem:s17+$0x42F0]  }
0x8d: {  	v7 =	vld [tilespmem:s21+$0x4200];
	[tilespmem:s17+$0x4290] =	vst v5;
	v0 =	vmul.f32 $2.000000030e-01, v0  }
0x8e: {  	v5 =	vld [tilespmem:s21+$0x4210];
	[tilespmem:s17+$0x42A0] =	vst v1;
	v1 =	vmul.f32 $2.000000030e-01, v2  }
0x8f: {  	v2 =	vld [tilespmem:s21+$0x4220];
	[tilespmem:s17+$0x42B0] =	vst v0;
	v0 =	vmul.f32 $2.000000030e-01, v3  }
0x90: {  	v3 =	vld [tilespmem:s21+$0x4230];
	[tilespmem:s17+$0x42C0] =	vst v1;
	v1 =	vmul.f32 $2.000000030e-01, v4  }
0x91: {  	v4 =	vld [tilespmem:s21+$0x4240];
	[tilespmem:s17+$0x42D0] =	vst v0;
	v0 =	vmul.f32 $2.000000030e-01, v6  }
0x92: {  	v6 =	vmul.f32 $2.000000030e-01, v7;
	v7 =	vld [tilespmem:s21+$0x4250];
	[tilespmem:s17+$0x42E0] =	vst v1  }
0x93: {  	v1 =	vmul.f32 $2.000000030e-01, v5;
	v5 =	vld [tilespmem:s21+$0x4260];
	[tilespmem:s17+$0x42F0] =	vst v0;
	s17 =	smov.u32 s21  }
0x94: {  	[tilespmem:s17+$0x4200] =	vst v6;
	v0 =	vmul.f32 $2.000000030e-01, v2;
	v2 =	vld [tilespmem:s17+$0x4270]  }
0x95: {  	[tilespmem:s17+$0x4210] =	vst v1;
	v1 =	vmul.f32 $2.000000030e-01, v3;
	v3 =	vld [tilespmem:s17+$0x4280]  }
0x96: {  	[tilespmem:s17+$0x4220] =	vst v0;
	v0 =	vmul.f32 $2.000000030e-01, v4;
	v4 =	vld [tilespmem:s17+$0x4290]  }
.Ltmp2:
0x97: {  	[tilespmem:s17+$0x4230] =	vst v1;
	v6 =	vmul.f32 $2.000000030e-01, v7;
	v1 =	vld [tilespmem:s17+$0x42A0];
	(pc) =	sbr.rel @p0 .LBB2_6-.Ltmp2, $4  }
0x98: {  	[tilespmem:s17+$0x4240] =	vst v0;
	v5 =	vmul.f32 $2.000000030e-01, v5;
	v0 =	vld [tilespmem:s17+$0x42B0]  }
0x99: {  	[tilespmem:s17+$0x4250] =	vst v6;
	v7 =	vmul.f32 $2.000000030e-01, v2;
	v2 =	vld [tilespmem:s17+$0x42C0]  }
0x9a: {  	[tilespmem:s17+$0x4260] =	vst v5;
	v6 =	vmul.f32 $2.000000030e-01, v3;
	v3 =	vld [tilespmem:s17+$0x42D0]  }
0x9b: {  	s19 =	sadd.s32 $0x400, s19;
	[tilespmem:s17+$0x4270] =	vst v7;
	v5 =	vmul.f32 $2.000000030e-01, v4;
	v4 =	vld [tilespmem:s17+$0x42E0]  }
0x9c: {  	[tilespmem:s17+$0x4280] =	vst v6;
	v1 =	vmul.f32 $2.000000030e-01, v1;
	v6 =	vld [tilespmem:s17+$0x42F0]  }
0x9d: {  	[tilespmem:s17+$0x4290] =	vst v5;
	v0 =	vmul.f32 $2.000000030e-01, v0  }
0x9e: {  	[tilespmem:s17+$0x42A0] =	vst v1;
	v1 =	vmul.f32 $2.000000030e-01, v2  }
0x9f: {  	[tilespmem:s17+$0x42B0] =	vst v0;
	v0 =	vmul.f32 $2.000000030e-01, v3  }
0xa0: {  	[tilespmem:s17+$0x42C0] =	vst v1;
	v1 =	vmul.f32 $2.000000030e-01, v4  }
0xa1: {  	[tilespmem:s17+$0x42D0] =	vst v0;
	v0 =	vmul.f32 $2.000000030e-01, v6  }
0xa2: {  	[tilespmem:s17+$0x42E0] =	vst v1  }
0xa3: {  	s21 =	simm.s32 $0x0;
	s19 =	simm.s32 $0x4200;
	[tilespmem:s17+$0x42F0] =	vst v0  }
0xa4: {  	[hbm4b:s7+s21] =	stream.linear.scatter [tilespmem:s19], [sflag:$0x9], $0x2000, $0x38;
	[tilespmem:$0x10200] =	vst v63  }
0xa5: {  	_ =	swait.ge [sflag:s18], $0x2000  }
0xa6: {  	[sflag:s18] =	ssyncset.done $0x0  }
0xa7: {  	s17 =	simm.s32 $0x0;
	[sflag:s18] =	ssyncadd.s32 $0xFFFFE000  }
0xa8: {  	v0 =	vld [tilespmem:s17+$0x6200]  }
0xa9: {  	v1 =	vld [tilespmem:s17+$0x6210]  }
0xaa: {  	v2 =	vld [tilespmem:s17+$0x6220]  }
0xab: {  	v3 =	vld [tilespmem:s17+$0x6230]  }
0xac: {  	v4 =	vld [tilespmem:s17+$0x6240]  }
0xad: {  	v5 =	vld [tilespmem:s17+$0x6250];
	v0 =	vmul.f32 $2.000000030e-01, v0  }
0xae: {  	v6 =	vld [tilespmem:s17+$0x6260];
	v1 =	vmul.f32 $2.000000030e-01, v1  }
0xaf: {  	v7 =	vld [tilespmem:s17+$0x6270];
	[tilespmem:s17+$0x6200] =	vst v0;
	v0 =	vmul.f32 $2.000000030e-01, v2  }
0xb0: {  	v8 =	vld [tilespmem:s17+$0x6280];
	[tilespmem:s17+$0x6210] =	vst v1;
	v1 =	vmul.f32 $2.000000030e-01, v3  }
0xb1: {  	v9 =	vld [tilespmem:s17+$0x6290];
	[tilespmem:s17+$0x6220] =	vst v0;
	v0 =	vmul.f32 $2.000000030e-01, v4  }
0xb2: {  	v2 =	vmul.f32 $2.000000030e-01, v5;
	[tilespmem:s17+$0x6230] =	vst v1;
	v1 =	vld [tilespmem:s17+$0x62A0]  }
0xb3: {  	v3 =	vmul.f32 $2.000000030e-01, v6;
	[tilespmem:s17+$0x6240] =	vst v0;
	v0 =	vld [tilespmem:s17+$0x62B0]  }
0xb4: {  	[tilespmem:s17+$0x6250] =	vst v2;
	v2 =	vld [tilespmem:s17+$0x62C0];
	v4 =	vmul.f32 $2.000000030e-01, v7  }
0xb5: {  	v6 =	vmul.f32 $2.000000030e-01, v8;
	[tilespmem:s17+$0x6260] =	vst v3;
	v3 =	vld [tilespmem:s17+$0x62D0]  }
0xb6: {  	s19 =	simm.s32 $0x400;
	v5 =	vmul.f32 $2.000000030e-01, v9;
	[tilespmem:s17+$0x6270] =	vst v4;
	v4 =	vld [tilespmem:s17+$0x62E0]  }
.LBB2_8:
0xb7: {  	s21 =	sshra.s32 s19, $0x2;
	p0 =	sne.s32 s19, $0x7C00;
	[tilespmem:s17+$0x6280] =	vst v6;
	v1 =	vmul.f32 $2.000000030e-01, v1;
	v6 =	vld [tilespmem:s17+$0x62F0]  }
0xb8: {  	v7 =	vld [tilespmem:s21+$0x6200];
	[tilespmem:s17+$0x6290] =	vst v5;
	v0 =	vmul.f32 $2.000000030e-01, v0  }
0xb9: {  	v5 =	vld [tilespmem:s21+$0x6210];
	[tilespmem:s17+$0x62A0] =	vst v1;
	v1 =	vmul.f32 $2.000000030e-01, v2  }
0xba: {  	v2 =	vld [tilespmem:s21+$0x6220];
	[tilespmem:s17+$0x62B0] =	vst v0;
	v0 =	vmul.f32 $2.000000030e-01, v3  }
0xbb: {  	v3 =	vld [tilespmem:s21+$0x6230];
	[tilespmem:s17+$0x62C0] =	vst v1;
	v1 =	vmul.f32 $2.000000030e-01, v4  }
0xbc: {  	v4 =	vld [tilespmem:s21+$0x6240];
	[tilespmem:s17+$0x62D0] =	vst v0;
	v0 =	vmul.f32 $2.000000030e-01, v6  }
0xbd: {  	v6 =	vmul.f32 $2.000000030e-01, v7;
	v7 =	vld [tilespmem:s21+$0x6250];
	[tilespmem:s17+$0x62E0] =	vst v1  }
0xbe: {  	v1 =	vmul.f32 $2.000000030e-01, v5;
	v5 =	vld [tilespmem:s21+$0x6260];
	[tilespmem:s17+$0x62F0] =	vst v0;
	s17 =	smov.u32 s21  }
0xbf: {  	[tilespmem:s17+$0x6200] =	vst v6;
	v0 =	vmul.f32 $2.000000030e-01, v2;
	v2 =	vld [tilespmem:s17+$0x6270]  }
0xc0: {  	[tilespmem:s17+$0x6210] =	vst v1;
	v1 =	vmul.f32 $2.000000030e-01, v3;
	v3 =	vld [tilespmem:s17+$0x6280]  }
0xc1: {  	[tilespmem:s17+$0x6220] =	vst v0;
	v0 =	vmul.f32 $2.000000030e-01, v4;
	v4 =	vld [tilespmem:s17+$0x6290]  }
.Ltmp3:
0xc2: {  	[tilespmem:s17+$0x6230] =	vst v1;
	v6 =	vmul.f32 $2.000000030e-01, v7;
	v1 =	vld [tilespmem:s17+$0x62A0];
	(pc) =	sbr.rel @p0 .LBB2_8-.Ltmp3, $4  }
0xc3: {  	[tilespmem:s17+$0x6240] =	vst v0;
	v5 =	vmul.f32 $2.000000030e-01, v5;
	v0 =	vld [tilespmem:s17+$0x62B0]  }
0xc4: {  	[tilespmem:s17+$0x6250] =	vst v6;
	v7 =	vmul.f32 $2.000000030e-01, v2;
	v2 =	vld [tilespmem:s17+$0x62C0]  }
0xc5: {  	[tilespmem:s17+$0x6260] =	vst v5;
	v6 =	vmul.f32 $2.000000030e-01, v3;
	v3 =	vld [tilespmem:s17+$0x62D0]  }
0xc6: {  	s19 =	sadd.s32 $0x400, s19;
	[tilespmem:s17+$0x6270] =	vst v7;
	v5 =	vmul.f32 $2.000000030e-01, v4;
	v4 =	vld [tilespmem:s17+$0x62E0]  }
0xc7: {  	[tilespmem:s17+$0x6280] =	vst v6;
	v1 =	vmul.f32 $2.000000030e-01, v1;
	v6 =	vld [tilespmem:s17+$0x62F0]  }
0xc8: {  	[tilespmem:s17+$0x6290] =	vst v5;
	v0 =	vmul.f32 $2.000000030e-01, v0  }
0xc9: {  	[tilespmem:s17+$0x62A0] =	vst v1;
	v1 =	vmul.f32 $2.000000030e-01, v2  }
0xca: {  	[tilespmem:s17+$0x62B0] =	vst v0;
	v0 =	vmul.f32 $2.000000030e-01, v3  }
0xcb: {  	[tilespmem:s17+$0x62C0] =	vst v1;
	v1 =	vmul.f32 $2.000000030e-01, v4  }
0xcc: {  	[tilespmem:s17+$0x62D0] =	vst v0;
	v0 =	vmul.f32 $2.000000030e-01, v6  }
0xcd: {  	[tilespmem:s17+$0x62E0] =	vst v1  }
0xce: {  	s21 =	simm.s32 $0x0;
	s19 =	simm.s32 $0x6200;
	[tilespmem:s17+$0x62F0] =	vst v0  }
0xcf: {  	[hbm4b:s8+s21] =	stream.linear.scatter [tilespmem:s19], [sflag:$0x9], $0x2000, $0x38;
	[tilespmem:$0x10200] =	vst v63  }
0xd0: {  	_ =	swait.ge [sflag:s20], $0x2000  }
0xd1: {  	[sflag:s20] =	ssyncset.done $0x0  }
0xd2: {  	s17 =	simm.s32 $0x0;
	[sflag:s20] =	ssyncadd.s32 $0xFFFFE000  }
0xd3: {  	v0 =	vld [tilespmem:s17+$0x8200]  }
0xd4: {  	v1 =	vld [tilespmem:s17+$0x8210]  }
0xd5: {  	v2 =	vld [tilespmem:s17+$0x8220]  }
0xd6: {  	v3 =	vld [tilespmem:s17+$0x8230]  }
0xd7: {  	v4 =	vld [tilespmem:s17+$0x8240]  }
0xd8: {  	v5 =	vld [tilespmem:s17+$0x8250];
	v0 =	vmul.f32 $2.000000030e-01, v0  }
0xd9: {  	v6 =	vld [tilespmem:s17+$0x8260];
	v1 =	vmul.f32 $2.000000030e-01, v1  }
0xda: {  	v7 =	vld [tilespmem:s17+$0x8270];
	[tilespmem:s17+$0x8200] =	vst v0;
	v0 =	vmul.f32 $2.000000030e-01, v2  }
0xdb: {  	v8 =	vld [tilespmem:s17+$0x8280];
	[tilespmem:s17+$0x8210] =	vst v1;
	v1 =	vmul.f32 $2.000000030e-01, v3  }
0xdc: {  	v9 =	vld [tilespmem:s17+$0x8290];
	[tilespmem:s17+$0x8220] =	vst v0;
	v0 =	vmul.f32 $2.000000030e-01, v4  }
0xdd: {  	v2 =	vmul.f32 $2.000000030e-01, v5;
	[tilespmem:s17+$0x8230] =	vst v1;
	v1 =	vld [tilespmem:s17+$0x82A0]  }
0xde: {  	v3 =	vmul.f32 $2.000000030e-01, v6;
	[tilespmem:s17+$0x8240] =	vst v0;
	v0 =	vld [tilespmem:s17+$0x82B0]  }
0xdf: {  	[tilespmem:s17+$0x8250] =	vst v2;
	v2 =	vld [tilespmem:s17+$0x82C0];
	v4 =	vmul.f32 $2.000000030e-01, v7  }
0xe0: {  	v6 =	vmul.f32 $2.000000030e-01, v8;
	[tilespmem:s17+$0x8260] =	vst v3;
	v3 =	vld [tilespmem:s17+$0x82D0]  }
0xe1: {  	s19 =	simm.s32 $0x400;
	v5 =	vmul.f32 $2.000000030e-01, v9;
	[tilespmem:s17+$0x8270] =	vst v4;
	v4 =	vld [tilespmem:s17+$0x82E0]  }
.LBB2_10:
0xe2: {  	s21 =	sshra.s32 s19, $0x2;
	p0 =	sne.s32 s19, $0x7C00;
	[tilespmem:s17+$0x8280] =	vst v6;
	v1 =	vmul.f32 $2.000000030e-01, v1;
	v6 =	vld [tilespmem:s17+$0x82F0]  }
0xe3: {  	v7 =	vld [tilespmem:s21+$0x8200];
	[tilespmem:s17+$0x8290] =	vst v5;
	v0 =	vmul.f32 $2.000000030e-01, v0  }
0xe4: {  	v5 =	vld [tilespmem:s21+$0x8210];
	[tilespmem:s17+$0x82A0] =	vst v1;
	v1 =	vmul.f32 $2.000000030e-01, v2  }
0xe5: {  	v2 =	vld [tilespmem:s21+$0x8220];
	[tilespmem:s17+$0x82B0] =	vst v0;
	v0 =	vmul.f32 $2.000000030e-01, v3  }
0xe6: {  	v3 =	vld [tilespmem:s21+$0x8230];
	[tilespmem:s17+$0x82C0] =	vst v1;
	v1 =	vmul.f32 $2.000000030e-01, v4  }
0xe7: {  	v4 =	vld [tilespmem:s21+$0x8240];
	[tilespmem:s17+$0x82D0] =	vst v0;
	v0 =	vmul.f32 $2.000000030e-01, v6  }
0xe8: {  	v6 =	vmul.f32 $2.000000030e-01, v7;
	v7 =	vld [tilespmem:s21+$0x8250];
	[tilespmem:s17+$0x82E0] =	vst v1  }
0xe9: {  	v1 =	vmul.f32 $2.000000030e-01, v5;
	v5 =	vld [tilespmem:s21+$0x8260];
	[tilespmem:s17+$0x82F0] =	vst v0;
	s17 =	smov.u32 s21  }
0xea: {  	[tilespmem:s17+$0x8200] =	vst v6;
	v0 =	vmul.f32 $2.000000030e-01, v2;
	v2 =	vld [tilespmem:s17+$0x8270]  }
0xeb: {  	[tilespmem:s17+$0x8210] =	vst v1;
	v1 =	vmul.f32 $2.000000030e-01, v3;
	v3 =	vld [tilespmem:s17+$0x8280]  }
0xec: {  	[tilespmem:s17+$0x8220] =	vst v0;
	v0 =	vmul.f32 $2.000000030e-01, v4;
	v4 =	vld [tilespmem:s17+$0x8290]  }
.Ltmp4:
0xed: {  	[tilespmem:s17+$0x8230] =	vst v1;
	v6 =	vmul.f32 $2.000000030e-01, v7;
	v1 =	vld [tilespmem:s17+$0x82A0];
	(pc) =	sbr.rel @p0 .LBB2_10-.Ltmp4, $4  }
0xee: {  	[tilespmem:s17+$0x8240] =	vst v0;
	v5 =	vmul.f32 $2.000000030e-01, v5;
	v0 =	vld [tilespmem:s17+$0x82B0]  }
0xef: {  	[tilespmem:s17+$0x8250] =	vst v6;
	v7 =	vmul.f32 $2.000000030e-01, v2;
	v2 =	vld [tilespmem:s17+$0x82C0]  }
0xf0: {  	[tilespmem:s17+$0x8260] =	vst v5;
	v6 =	vmul.f32 $2.000000030e-01, v3;
	v3 =	vld [tilespmem:s17+$0x82D0]  }
0xf1: {  	s19 =	sadd.s32 $0x400, s19;
	[tilespmem:s17+$0x8270] =	vst v7;
	v5 =	vmul.f32 $2.000000030e-01, v4;
	v4 =	vld [tilespmem:s17+$0x82E0]  }
0xf2: {  	[tilespmem:s17+$0x8280] =	vst v6;
	v1 =	vmul.f32 $2.000000030e-01, v1;
	v6 =	vld [tilespmem:s17+$0x82F0]  }
0xf3: {  	[tilespmem:s17+$0x8290] =	vst v5;
	v0 =	vmul.f32 $2.000000030e-01, v0  }
0xf4: {  	[tilespmem:s17+$0x82A0] =	vst v1;
	v1 =	vmul.f32 $2.000000030e-01, v2  }
0xf5: {  	[tilespmem:s17+$0x82B0] =	vst v0;
	v0 =	vmul.f32 $2.000000030e-01, v3  }
0xf6: {  	[tilespmem:s17+$0x82C0] =	vst v1;
	v1 =	vmul.f32 $2.000000030e-01, v4  }
0xf7: {  	[tilespmem:s17+$0x82D0] =	vst v0;
	v0 =	vmul.f32 $2.000000030e-01, v6  }
0xf8: {  	[tilespmem:s17+$0x82E0] =	vst v1  }
0xf9: {  	s21 =	simm.s32 $0x0;
	[tilespmem:s17+$0x82F0] =	vst v0  }
0xfa: {  	[hbm4b:s9+s21] =	stream.linear.scatter [tilespmem:s23], [sflag:$0x9], $0x2000, $0x38;
	[tilespmem:$0x10200] =	vst v63  }
0xfb: {  	_ =	swait.ge [sflag:s22], $0x2000  }
0xfc: {  	[sflag:s22] =	ssyncset.done $0x0  }
0xfd: {  	s17 =	simm.s32 $0x0;
	[sflag:s22] =	ssyncadd.s32 $0xFFFFE000  }
0xfe: {  	v0 =	vld [tilespmem:s17+$0xA200]  }
0xff: {  	v1 =	vld [tilespmem:s17+$0xA210]  }
0x100: {  	v2 =	vld [tilespmem:s17+$0xA220]  }
0x101: {  	v3 =	vld [tilespmem:s17+$0xA230]  }
0x102: {  	v4 =	vld [tilespmem:s17+$0xA240]  }
0x103: {  	v5 =	vld [tilespmem:s17+$0xA250];
	v0 =	vmul.f32 $2.000000030e-01, v0  }
0x104: {  	v6 =	vld [tilespmem:s17+$0xA260];
	v1 =	vmul.f32 $2.000000030e-01, v1  }
0x105: {  	v7 =	vld [tilespmem:s17+$0xA270];
	[tilespmem:s17+$0xA200] =	vst v0;
	v0 =	vmul.f32 $2.000000030e-01, v2  }
0x106: {  	v8 =	vld [tilespmem:s17+$0xA280];
	[tilespmem:s17+$0xA210] =	vst v1;
	v1 =	vmul.f32 $2.000000030e-01, v3  }
0x107: {  	v9 =	vld [tilespmem:s17+$0xA290];
	[tilespmem:s17+$0xA220] =	vst v0;
	v0 =	vmul.f32 $2.000000030e-01, v4  }
0x108: {  	v2 =	vmul.f32 $2.000000030e-01, v5;
	[tilespmem:s17+$0xA230] =	vst v1;
	v1 =	vld [tilespmem:s17+$0xA2A0]  }
0x109: {  	v3 =	vmul.f32 $2.000000030e-01, v6;
	[tilespmem:s17+$0xA240] =	vst v0;
	v0 =	vld [tilespmem:s17+$0xA2B0]  }
0x10a: {  	[tilespmem:s17+$0xA250] =	vst v2;
	v2 =	vld [tilespmem:s17+$0xA2C0];
	v4 =	vmul.f32 $2.000000030e-01, v7  }
0x10b: {  	v6 =	vmul.f32 $2.000000030e-01, v8;
	[tilespmem:s17+$0xA260] =	vst v3;
	v3 =	vld [tilespmem:s17+$0xA2D0]  }
0x10c: {  	s19 =	simm.s32 $0x400;
	v5 =	vmul.f32 $2.000000030e-01, v9;
	[tilespmem:s17+$0xA270] =	vst v4;
	v4 =	vld [tilespmem:s17+$0xA2E0]  }
.LBB2_12:
0x10d: {  	s21 =	sshra.s32 s19, $0x2;
	p0 =	sne.s32 s19, $0x7C00;
	[tilespmem:s17+$0xA280] =	vst v6;
	v1 =	vmul.f32 $2.000000030e-01, v1;
	v6 =	vld [tilespmem:s17+$0xA2F0]  }
0x10e: {  	v7 =	vld [tilespmem:s21+$0xA200];
	[tilespmem:s17+$0xA290] =	vst v5;
	v0 =	vmul.f32 $2.000000030e-01, v0  }
0x10f: {  	v5 =	vld [tilespmem:s21+$0xA210];
	[tilespmem:s17+$0xA2A0] =	vst v1;
	v1 =	vmul.f32 $2.000000030e-01, v2  }
0x110: {  	v2 =	vld [tilespmem:s21+$0xA220];
	[tilespmem:s17+$0xA2B0] =	vst v0;
	v0 =	vmul.f32 $2.000000030e-01, v3  }
0x111: {  	v3 =	vld [tilespmem:s21+$0xA230];
	[tilespmem:s17+$0xA2C0] =	vst v1;
	v1 =	vmul.f32 $2.000000030e-01, v4  }
0x112: {  	v4 =	vld [tilespmem:s21+$0xA240];
	[tilespmem:s17+$0xA2D0] =	vst v0;
	v0 =	vmul.f32 $2.000000030e-01, v6  }
0x113: {  	v6 =	vmul.f32 $2.000000030e-01, v7;
	v7 =	vld [tilespmem:s21+$0xA250];
	[tilespmem:s17+$0xA2E0] =	vst v1  }
0x114: {  	v1 =	vmul.f32 $2.000000030e-01, v5;
	v5 =	vld [tilespmem:s21+$0xA260];
	[tilespmem:s17+$0xA2F0] =	vst v0;
	s17 =	smov.u32 s21  }
0x115: {  	[tilespmem:s17+$0xA200] =	vst v6;
	v0 =	vmul.f32 $2.000000030e-01, v2;
	v2 =	vld [tilespmem:s17+$0xA270]  }
0x116: {  	[tilespmem:s17+$0xA210] =	vst v1;
	v1 =	vmul.f32 $2.000000030e-01, v3;
	v3 =	vld [tilespmem:s17+$0xA280]  }
0x117: {  	[tilespmem:s17+$0xA220] =	vst v0;
	v0 =	vmul.f32 $2.000000030e-01, v4;
	v4 =	vld [tilespmem:s17+$0xA290]  }
.Ltmp5:
0x118: {  	[tilespmem:s17+$0xA230] =	vst v1;
	v6 =	vmul.f32 $2.000000030e-01, v7;
	v1 =	vld [tilespmem:s17+$0xA2A0];
	(pc) =	sbr.rel @p0 .LBB2_12-.Ltmp5, $4  }
0x119: {  	[tilespmem:s17+$0xA240] =	vst v0;
	v5 =	vmul.f32 $2.000000030e-01, v5;
	v0 =	vld [tilespmem:s17+$0xA2B0]  }
0x11a: {  	[tilespmem:s17+$0xA250] =	vst v6;
	v7 =	vmul.f32 $2.000000030e-01, v2;
	v2 =	vld [tilespmem:s17+$0xA2C0]  }
0x11b: {  	[tilespmem:s17+$0xA260] =	vst v5;
	v6 =	vmul.f32 $2.000000030e-01, v3;
	v3 =	vld [tilespmem:s17+$0xA2D0]  }
0x11c: {  	s19 =	sadd.s32 $0x400, s19;
	[tilespmem:s17+$0xA270] =	vst v7;
	v5 =	vmul.f32 $2.000000030e-01, v4;
	v4 =	vld [tilespmem:s17+$0xA2E0]  }
0x11d: {  	[tilespmem:s17+$0xA280] =	vst v6;
	v1 =	vmul.f32 $2.000000030e-01, v1;
	v6 =	vld [tilespmem:s17+$0xA2F0]  }
0x11e: {  	[tilespmem:s17+$0xA290] =	vst v5;
	v0 =	vmul.f32 $2.000000030e-01, v0  }
0x11f: {  	[tilespmem:s17+$0xA2A0] =	vst v1;
	v1 =	vmul.f32 $2.000000030e-01, v2  }
0x120: {  	[tilespmem:s17+$0xA2B0] =	vst v0;
	v0 =	vmul.f32 $2.000000030e-01, v3  }
0x121: {  	[tilespmem:s17+$0xA2C0] =	vst v1;
	v1 =	vmul.f32 $2.000000030e-01, v4  }
0x122: {  	[tilespmem:s17+$0xA2D0] =	vst v0;
	v0 =	vmul.f32 $2.000000030e-01, v6  }
0x123: {  	[tilespmem:s17+$0xA2E0] =	vst v1  }
0x124: {  	s21 =	simm.s32 $0x0;
	[tilespmem:s17+$0xA2F0] =	vst v0  }
0x125: {  	[hbm4b:s10+s21] =	stream.linear.scatter [tilespmem:s25], [sflag:$0x9], $0x2000, $0x38;
	[tilespmem:$0x10200] =	vst v63  }
0x126: {  	_ =	swait.ge [sflag:s24], $0x2000  }
0x127: {  	[sflag:s24] =	ssyncset.done $0x0  }
0x128: {  	s17 =	simm.s32 $0x0;
	[sflag:s24] =	ssyncadd.s32 $0xFFFFE000  }
0x129: {  	v0 =	vld [tilespmem:s17+$0xC200]  }
0x12a: {  	v1 =	vld [tilespmem:s17+$0xC210]  }
0x12b: {  	v2 =	vld [tilespmem:s17+$0xC220]  }
0x12c: {  	v3 =	vld [tilespmem:s17+$0xC230]  }
0x12d: {  	v4 =	vld [tilespmem:s17+$0xC240]  }
0x12e: {  	v5 =	vld [tilespmem:s17+$0xC250];
	v0 =	vmul.f32 $2.000000030e-01, v0  }
0x12f: {  	v6 =	vld [tilespmem:s17+$0xC260];
	v1 =	vmul.f32 $2.000000030e-01, v1  }
0x130: {  	v7 =	vld [tilespmem:s17+$0xC270];
	[tilespmem:s17+$0xC200] =	vst v0;
	v0 =	vmul.f32 $2.000000030e-01, v2  }
0x131: {  	v8 =	vld [tilespmem:s17+$0xC280];
	[tilespmem:s17+$0xC210] =	vst v1;
	v1 =	vmul.f32 $2.000000030e-01, v3  }
0x132: {  	v9 =	vld [tilespmem:s17+$0xC290];
	[tilespmem:s17+$0xC220] =	vst v0;
	v0 =	vmul.f32 $2.000000030e-01, v4  }
0x133: {  	v2 =	vmul.f32 $2.000000030e-01, v5;
	[tilespmem:s17+$0xC230] =	vst v1;
	v1 =	vld [tilespmem:s17+$0xC2A0]  }
0x134: {  	v3 =	vmul.f32 $2.000000030e-01, v6;
	[tilespmem:s17+$0xC240] =	vst v0;
	v0 =	vld [tilespmem:s17+$0xC2B0]  }
0x135: {  	[tilespmem:s17+$0xC250] =	vst v2;
	v2 =	vld [tilespmem:s17+$0xC2C0];
	v4 =	vmul.f32 $2.000000030e-01, v7  }
0x136: {  	v6 =	vmul.f32 $2.000000030e-01, v8;
	[tilespmem:s17+$0xC260] =	vst v3;
	v3 =	vld [tilespmem:s17+$0xC2D0]  }
0x137: {  	s19 =	simm.s32 $0x400;
	v5 =	vmul.f32 $2.000000030e-01, v9;
	[tilespmem:s17+$0xC270] =	vst v4;
	v4 =	vld [tilespmem:s17+$0xC2E0]  }
.LBB2_14:
0x138: {  	s21 =	sshra.s32 s19, $0x2;
	p0 =	sne.s32 s19, $0x7C00;
	[tilespmem:s17+$0xC280] =	vst v6;
	v1 =	vmul.f32 $2.000000030e-01, v1;
	v6 =	vld [tilespmem:s17+$0xC2F0]  }
0x139: {  	v7 =	vld [tilespmem:s21+$0xC200];
	[tilespmem:s17+$0xC290] =	vst v5;
	v0 =	vmul.f32 $2.000000030e-01, v0  }
0x13a: {  	v5 =	vld [tilespmem:s21+$0xC210];
	[tilespmem:s17+$0xC2A0] =	vst v1;
	v1 =	vmul.f32 $2.000000030e-01, v2  }
0x13b: {  	v2 =	vld [tilespmem:s21+$0xC220];
	[tilespmem:s17+$0xC2B0] =	vst v0;
	v0 =	vmul.f32 $2.000000030e-01, v3  }
0x13c: {  	v3 =	vld [tilespmem:s21+$0xC230];
	[tilespmem:s17+$0xC2C0] =	vst v1;
	v1 =	vmul.f32 $2.000000030e-01, v4  }
0x13d: {  	v4 =	vld [tilespmem:s21+$0xC240];
	[tilespmem:s17+$0xC2D0] =	vst v0;
	v0 =	vmul.f32 $2.000000030e-01, v6  }
0x13e: {  	v6 =	vmul.f32 $2.000000030e-01, v7;
	v7 =	vld [tilespmem:s21+$0xC250];
	[tilespmem:s17+$0xC2E0] =	vst v1  }
0x13f: {  	v1 =	vmul.f32 $2.000000030e-01, v5;
	v5 =	vld [tilespmem:s21+$0xC260];
	[tilespmem:s17+$0xC2F0] =	vst v0;
	s17 =	smov.u32 s21  }
0x140: {  	[tilespmem:s17+$0xC200] =	vst v6;
	v0 =	vmul.f32 $2.000000030e-01, v2;
	v2 =	vld [tilespmem:s17+$0xC270]  }
0x141: {  	[tilespmem:s17+$0xC210] =	vst v1;
	v1 =	vmul.f32 $2.000000030e-01, v3;
	v3 =	vld [tilespmem:s17+$0xC280]  }
0x142: {  	[tilespmem:s17+$0xC220] =	vst v0;
	v0 =	vmul.f32 $2.000000030e-01, v4;
	v4 =	vld [tilespmem:s17+$0xC290]  }
.Ltmp6:
0x143: {  	[tilespmem:s17+$0xC230] =	vst v1;
	v6 =	vmul.f32 $2.000000030e-01, v7;
	v1 =	vld [tilespmem:s17+$0xC2A0];
	(pc) =	sbr.rel @p0 .LBB2_14-.Ltmp6, $4  }
0x144: {  	[tilespmem:s17+$0xC240] =	vst v0;
	v5 =	vmul.f32 $2.000000030e-01, v5;
	v0 =	vld [tilespmem:s17+$0xC2B0]  }
0x145: {  	[tilespmem:s17+$0xC250] =	vst v6;
	v7 =	vmul.f32 $2.000000030e-01, v2;
	v2 =	vld [tilespmem:s17+$0xC2C0]  }
0x146: {  	[tilespmem:s17+$0xC260] =	vst v5;
	v6 =	vmul.f32 $2.000000030e-01, v3;
	v3 =	vld [tilespmem:s17+$0xC2D0]  }
0x147: {  	s19 =	sadd.s32 $0x400, s19;
	[tilespmem:s17+$0xC270] =	vst v7;
	v5 =	vmul.f32 $2.000000030e-01, v4;
	v4 =	vld [tilespmem:s17+$0xC2E0]  }
0x148: {  	[tilespmem:s17+$0xC280] =	vst v6;
	v1 =	vmul.f32 $2.000000030e-01, v1;
	v6 =	vld [tilespmem:s17+$0xC2F0]  }
0x149: {  	[tilespmem:s17+$0xC290] =	vst v5;
	v0 =	vmul.f32 $2.000000030e-01, v0  }
0x14a: {  	[tilespmem:s17+$0xC2A0] =	vst v1;
	v1 =	vmul.f32 $2.000000030e-01, v2  }
0x14b: {  	[tilespmem:s17+$0xC2B0] =	vst v0;
	v0 =	vmul.f32 $2.000000030e-01, v3  }
0x14c: {  	[tilespmem:s17+$0xC2C0] =	vst v1;
	v1 =	vmul.f32 $2.000000030e-01, v4  }
0x14d: {  	[tilespmem:s17+$0xC2D0] =	vst v0;
	v0 =	vmul.f32 $2.000000030e-01, v6  }
0x14e: {  	[tilespmem:s17+$0xC2E0] =	vst v1  }
0x14f: {  	s21 =	simm.s32 $0x0;
	[tilespmem:s17+$0xC2F0] =	vst v0  }
0x150: {  	[hbm4b:s11+s21] =	stream.linear.scatter [tilespmem:s28], [sflag:$0x9], $0x2000, $0x38;
	[tilespmem:$0x10200] =	vst v63  }
0x151: {  	_ =	swait.ge [sflag:s26], $0x2000  }
0x152: {  	[sflag:s26] =	ssyncset.done $0x0  }
0x153: {  	s17 =	simm.s32 $0x0;
	[sflag:s26] =	ssyncadd.s32 $0xFFFFE000  }
0x154: {  	v0 =	vld [tilespmem:s17+$0xE200]  }
0x155: {  	v1 =	vld [tilespmem:s17+$0xE210]  }
0x156: {  	v2 =	vld [tilespmem:s17+$0xE220]  }
0x157: {  	v3 =	vld [tilespmem:s17+$0xE230]  }
0x158: {  	v4 =	vld [tilespmem:s17+$0xE240]  }
0x159: {  	v5 =	vld [tilespmem:s17+$0xE250];
	v0 =	vmul.f32 $2.000000030e-01, v0  }
0x15a: {  	v6 =	vld [tilespmem:s17+$0xE260];
	v1 =	vmul.f32 $2.000000030e-01, v1  }
0x15b: {  	v7 =	vld [tilespmem:s17+$0xE270];
	[tilespmem:s17+$0xE200] =	vst v0;
	v0 =	vmul.f32 $2.000000030e-01, v2  }
0x15c: {  	v8 =	vld [tilespmem:s17+$0xE280];
	[tilespmem:s17+$0xE210] =	vst v1;
	v1 =	vmul.f32 $2.000000030e-01, v3  }
0x15d: {  	v9 =	vld [tilespmem:s17+$0xE290];
	[tilespmem:s17+$0xE220] =	vst v0;
	v0 =	vmul.f32 $2.000000030e-01, v4  }
0x15e: {  	v2 =	vmul.f32 $2.000000030e-01, v5;
	[tilespmem:s17+$0xE230] =	vst v1;
	v1 =	vld [tilespmem:s17+$0xE2A0]  }
0x15f: {  	v3 =	vmul.f32 $2.000000030e-01, v6;
	[tilespmem:s17+$0xE240] =	vst v0;
	v0 =	vld [tilespmem:s17+$0xE2B0]  }
0x160: {  	[tilespmem:s17+$0xE250] =	vst v2;
	v2 =	vld [tilespmem:s17+$0xE2C0];
	v4 =	vmul.f32 $2.000000030e-01, v7  }
0x161: {  	v6 =	vmul.f32 $2.000000030e-01, v8;
	[tilespmem:s17+$0xE260] =	vst v3;
	v3 =	vld [tilespmem:s17+$0xE2D0]  }
0x162: {  	s19 =	simm.s32 $0x400;
	v5 =	vmul.f32 $2.000000030e-01, v9;
	[tilespmem:s17+$0xE270] =	vst v4;
	v4 =	vld [tilespmem:s17+$0xE2E0]  }
.LBB2_16:
0x163: {  	s21 =	sshra.s32 s19, $0x2;
	p0 =	sne.s32 s19, $0x7C00;
	[tilespmem:s17+$0xE280] =	vst v6;
	v1 =	vmul.f32 $2.000000030e-01, v1;
	v6 =	vld [tilespmem:s17+$0xE2F0]  }
0x164: {  	v7 =	vld [tilespmem:s21+$0xE200];
	[tilespmem:s17+$0xE290] =	vst v5;
	v0 =	vmul.f32 $2.000000030e-01, v0  }
0x165: {  	v5 =	vld [tilespmem:s21+$0xE210];
	[tilespmem:s17+$0xE2A0] =	vst v1;
	v1 =	vmul.f32 $2.000000030e-01, v2  }
0x166: {  	v2 =	vld [tilespmem:s21+$0xE220];
	[tilespmem:s17+$0xE2B0] =	vst v0;
	v0 =	vmul.f32 $2.000000030e-01, v3  }
0x167: {  	v3 =	vld [tilespmem:s21+$0xE230];
	[tilespmem:s17+$0xE2C0] =	vst v1;
	v1 =	vmul.f32 $2.000000030e-01, v4  }
0x168: {  	v4 =	vld [tilespmem:s21+$0xE240];
	[tilespmem:s17+$0xE2D0] =	vst v0;
	v0 =	vmul.f32 $2.000000030e-01, v6  }
0x169: {  	v6 =	vmul.f32 $2.000000030e-01, v7;
	v7 =	vld [tilespmem:s21+$0xE250];
	[tilespmem:s17+$0xE2E0] =	vst v1  }
0x16a: {  	v1 =	vmul.f32 $2.000000030e-01, v5;
	v5 =	vld [tilespmem:s21+$0xE260];
	[tilespmem:s17+$0xE2F0] =	vst v0;
	s17 =	smov.u32 s21  }
0x16b: {  	[tilespmem:s17+$0xE200] =	vst v6;
	v0 =	vmul.f32 $2.000000030e-01, v2;
	v2 =	vld [tilespmem:s17+$0xE270]  }
0x16c: {  	[tilespmem:s17+$0xE210] =	vst v1;
	v1 =	vmul.f32 $2.000000030e-01, v3;
	v3 =	vld [tilespmem:s17+$0xE280]  }
0x16d: {  	[tilespmem:s17+$0xE220] =	vst v0;
	v0 =	vmul.f32 $2.000000030e-01, v4;
	v4 =	vld [tilespmem:s17+$0xE290]  }
.Ltmp7:
0x16e: {  	[tilespmem:s17+$0xE230] =	vst v1;
	v6 =	vmul.f32 $2.000000030e-01, v7;
	v1 =	vld [tilespmem:s17+$0xE2A0];
	(pc) =	sbr.rel @p0 .LBB2_16-.Ltmp7, $4  }
0x16f: {  	[tilespmem:s17+$0xE240] =	vst v0;
	v5 =	vmul.f32 $2.000000030e-01, v5;
	v0 =	vld [tilespmem:s17+$0xE2B0]  }
0x170: {  	[tilespmem:s17+$0xE250] =	vst v6;
	v7 =	vmul.f32 $2.000000030e-01, v2;
	v2 =	vld [tilespmem:s17+$0xE2C0]  }
0x171: {  	[tilespmem:s17+$0xE260] =	vst v5;
	v6 =	vmul.f32 $2.000000030e-01, v3;
	v3 =	vld [tilespmem:s17+$0xE2D0]  }
0x172: {  	s19 =	sadd.s32 $0x400, s19;
	[tilespmem:s17+$0xE270] =	vst v7;
	v5 =	vmul.f32 $2.000000030e-01, v4;
	v4 =	vld [tilespmem:s17+$0xE2E0]  }
0x173: {  	[tilespmem:s17+$0xE280] =	vst v6;
	v1 =	vmul.f32 $2.000000030e-01, v1;
	v59 =	vld [tilespmem:s17+$0xE2F0]  }
0x174: {  	[tilespmem:s17+$0xE290] =	vst v5;
	v0 =	vmul.f32 $2.000000030e-01, v0  }
0x175: {  	[tilespmem:s17+$0xE2A0] =	vst v1;
	v60 =	vmul.f32 $2.000000030e-01, v2  }
0x176: {  	[tilespmem:s17+$0xE2B0] =	vst v0;
	v61 =	vmul.f32 $2.000000030e-01, v3  }
0x177: {  	[tilespmem:s17+$0xE2C0] =	vst v60;
	v62 =	vmul.f32 $2.000000030e-01, v4  }
0x178: {  	[tilespmem:s17+$0xE2D0] =	vst v61;
	v63 =	vmul.f32 $2.000000030e-01, v59  }
0x179: {  	[tilespmem:s17+$0xE2E0] =	vst v62  }
0x17a: {  	[tilespmem:s17+$0xE2F0] =	vst v63  }
0x17b: {  	[hbm4b:s12+s3] =	stream.linear.scatter [tilespmem:s30], [sflag:$0x9], $0x2000, $0x38;
	[tilespmem:$0x10200] =	vst v63  }
0x17c: {  	_ =	swait.ge [sflag:s29], $0x2000  }
0x17d: {  	[sflag:s29] =	ssyncset.done $0x0  }
0x17e: {  	[sflag:s29] =	ssyncadd.s32 $0xFFFFE000  }
0x17f: {  	_ =	swait.ge [sflag:s29], $0x2000  }
0x180: {  	[sflag:s29] =	ssyncset.done $0x0  }
0x181: {  	[sflag:s29] =	ssyncadd.s32 $0xFFFFE000  }
0x182: {  	_ =	swait.ge [sflag:s29], $0x2000  }
0x183: {  	[sflag:s29] =	ssyncset.done $0x0  }
0x184: {  	[sflag:s29] =	ssyncadd.s32 $0xFFFFE000  }
0x185: {  	_ =	swait.ge [sflag:s29], $0x2000  }
0x186: {  	[sflag:s29] =	ssyncset.done $0x0  }
0x187: {  	[sflag:s29] =	ssyncadd.s32 $0xFFFFE000  }
0x188: {  	_ =	swait.ge [sflag:s29], $0x2000  }
0x189: {  	[sflag:s29] =	ssyncset.done $0x0  }
0x18a: {  	[sflag:s29] =	ssyncadd.s32 $0xFFFFE000  }
0x18b: {  	_ =	swait.ge [sflag:s29], $0x2000  }
0x18c: {  	[sflag:s29] =	ssyncset.done $0x0  }
0x18d: {  	s16 =	sadd.s32 $0x1, s16;
	[sflag:s29] =	ssyncadd.s32 $0xFFFFE000  }
0x18e: {  	p0 =	sne.s32 s16, s13;
	_ =	swait.ge [sflag:s29], $0x2000  }
.Ltmp8:
0x18f: {  	[sflag:s29] =	ssyncset.done $0x0;
	(pc) =	sbr.rel @p0 .LBB2_1-.Ltmp8, $4  }
0x190: {  	[sflag:s29] =	ssyncadd.s32 $0xFFFFE000  }
0x191: {  	_ =	swait.ge [sflag:s29], $0x2000  }
0x192: {  	[sflag:s29] =	ssyncset.done $0x0  }
0x193: {  	[sflag:s29] =	ssyncadd.s32 $0xFFFFE000  }
0x194: {  	_ =	sfence.sel $0x180000  }
0x195: {  	[bflag:$0x0] =	sbarrier.arrive $0xFFFF  }
0x196: {  	_ =	strace $0x90000047  }
0x197: {  	s0 =	stileid.u32;
	[bflag:$0x2] =	sbarrier.arrive $0xFFFF  }
0x198: {  	p0 =	sne.s32 s0, $0x0;
	s0 =	rddreg [dreg:$0x3]  }
0x199: {  	s0 =	sadd.s32 @!p0 $0x100000, s0  }
0x19a: {  	[sflag:s0] =	ssyncadd.tile.s32 @!p0 $0x1;
	_ =	shalt  }
.Lfunc_end2:
_tile_overlayer_lowered:
.L_overlay_start_2:
0x19b: {  	(tag) =	ssettag $0x2  }
0x19c: {  	s0 =	rddreg [dreg:$0x0];
	s2 =	stileid.u32  }
0x19d: {  	s1 =	rddreg [dreg:$0x1];
	p0 =	sne.s32 s2, $0x0  }
0x19e: {  	s3 =	rddreg [dreg:$0x2];
	[bflag:$0x3] =	sbarrier.arrive $0xFFFF;
	s2 =	simm.s32 @!p0 $0x1C0A  }
0x19f: {  	[timem:s3], [sflag:s2] =	dma.local @!p0 [hbm:s0], s1  }
0x1a0: {  	s0 =	simm.s32 @!p0 $0xA  }
0x1a1: {  	_ =	swait.ge @!p0 [sflag:s0], s1  }
0x1a2: {  	s1 =	ssub.s32 @!p0 $0x0, s1;
	[sflag:s0] =	ssyncset.done @!p0 $0x0  }
0x1a3: {  	[sflag:s0] =	ssyncadd.s32 @!p0 s1  }
0x1a4: {  	[bflag:$0x3] =	sbarrier.arrive $0xFFFF  }
0x1a5: {  	_ =	shalt  }

</sc_bundles>
